<compile_context>
chip_gen: v7x
topology: tpu7x:2x2x1
jax: 0.10.2.dev20260603
libtpu: 0.0.44.dev20260713+nightly
codegen_flags: <defaults>
</compile_context>

<pallas_src>
import functools

import jax
import jax.numpy as jnp
from jax import lax
from jax.experimental import pallas as pl
from jax.experimental.pallas import tpu as pltpu
from jax.experimental.pallas import tpu_sc as plsc

N_ATOMS = 50000
N_SPECIES = 4
MAX_RADIAL = 8
N_EDGES = 1600000
CUTOFF = 5.0
INNER = 4.5
PI = 3.14159265358979
C_SH = 0.4886025119029199

NC, NS, L = 2, 16, 16
NW = NC * NS
E_PER_W = N_EDGES // NW
B = 2000
NBLK = E_PER_W // B
NCHUNK = B // L
SCC = 80
NSC = B // SCC
N_PAD = 51200
RPT = N_PAD // NS
W_FLAT = N_SPECIES * MAX_RADIAL * N_SPECIES * 3


def _sin_poly(z):
    z2 = z * z
    return z * (1.0 + z2 * (-1.0 / 6.0 + z2 * (1.0 / 120.0
                + z2 * (-1.0 / 5040.0 + z2 * (1.0 / 362880.0)))))


def _cos_poly(z):
    z2 = z * z
    return 1.0 + z2 * (-0.5 + z2 * (1.0 / 24.0
                + z2 * (-1.0 / 720.0 + z2 * (1.0 / 40320.0))))


def _rsqrt(s):
    ib = lax.bitcast_convert_type(s, jnp.int32)
    y = lax.bitcast_convert_type(jnp.int32(0x5F3759DF) - (ib >> 1), jnp.float32)
    y = y * (1.5 - 0.5 * s * y * y)
    y = y * (1.5 - 0.5 * s * y * y)
    return y


def _edge_math(ex, ey, ez):
    s = ex * ex + ey * ey + ez * ez + 1e-12
    rinv = _rsqrt(s)
    r = s * rinv
    rc = jnp.minimum(r, CUTOFF)
    t = rc * (PI / CUTOFF)
    z = t - (PI / 2.0)
    s1 = _cos_poly(z)
    c1 = -_sin_poly(z)
    tc = 2.0 * c1
    S = [s1, tc * s1]
    for _ in range(MAX_RADIAL - 2):
        S.append(tc * S[-1] - S[-2])
    u = jnp.clip((rc - INNER) * (1.0 / (CUTOFF - INNER)), 0.0, 1.0)
    zv = u * PI - (PI / 2.0)
    fc = 0.5 * (1.0 - _sin_poly(zv))
    fc = jnp.where(r < CUTOFF, fc, 0.0)
    a = fc * C_SH * rinv
    return (ey * a, ez * a, ex * a), S


def _sc_body(v_hbm, c_hbm, n_hbm, sp_hbm, w_hbm, out_hbm,
             spec_v, w_v, vbuf0, cbuf0, nbuf0, vals0, cidx0, stage, zero16, acc):
    cid = lax.axis_index("c")
    sid = lax.axis_index("s")
    wid = sid * NC + cid
    lane = lax.iota(jnp.int32, L)

    pltpu.sync_copy(sp_hbm, spec_v)
    pltpu.sync_copy(w_hbm, w_v)

    @pl.loop(0, L)
    def _zv(i):
        zero16[i] = jnp.zeros((L,), jnp.float32)

    @pl.loop(0, RPT // L)
    def _zc(t):
        idxv = sid * RPT + t * L + lane
        pltpu.sync_copy(zero16, acc.at[idxv])

    plsc.subcore_barrier()

    @pl.loop(0, NBLK)
    def _blk(blk):
        e0 = wid * E_PER_W + blk * B
        pltpu.sync_copy(v_hbm.at[pl.ds(e0, B)], vbuf0)
        pltpu.sync_copy(c_hbm.at[pl.ds(e0, B)], cbuf0)
        pltpu.sync_copy(n_hbm.at[pl.ds(e0, B)], nbuf0)

        @pl.loop(0, NCHUNK, unroll=4)
        def _ck(i):
            li = lane + i * L
            c0 = jnp.full((L,), 0, jnp.int32)
            ex = plsc.load_gather(vbuf0, [li, c0])
            ey = plsc.load_gather(vbuf0, [li, c0 + 1])
            ez = plsc.load_gather(vbuf0, [li, c0 + 2])
            ctr = plsc.load_gather(cbuf0, [li])
            nbr = plsc.load_gather(nbuf0, [li])
            wc = plsc.load_gather(spec_v, [lax.shift_right_logical(ctr, 4)])
            wn = plsc.load_gather(spec_v, [lax.shift_right_logical(nbr, 4)])
            sc_ = lax.shift_right_logical(wc, (ctr & 15) * 2) & 3
            snb = lax.shift_right_logical(wn, (nbr & 15) * 2) & 3
            yp, S = _edge_math(ex, ey, ez)
            base = sc_ * 96 + snb * 3
            g = []
            for o in range(3):
                acc_o = None
                for n in range(MAX_RADIAL):
                    w_no = plsc.load_gather(w_v, [base + (n * 12 + o)])
                    term = S[n] * w_no
                    acc_o = term if acc_o is None else acc_o + term
                g.append(acc_o)
            for m in range(3):
                for o in range(3):
                    col = jnp.full((L,), m * 3 + o, jnp.int32)
                    plsc.store_scatter(vals0, [li, col], yp[m] * g[o])
            cpr = SCC // L
            row = jnp.full((L,), i // cpr, jnp.int32)
            colc = lane + (i % cpr) * L
            plsc.store_scatter(cidx0, [row, colc], ctr)

        for j in range(NSC):
            pltpu.sync_copy(vals0.at[pl.ds(j * SCC, SCC)],
                            acc.at[cidx0.at[j]], add=True)

    plsc.subcore_barrier()

    @pl.loop(0, RPT // L)
    def _wc(t):
        r0 = sid * RPT + t * L
        idxv = r0 + lane
        pltpu.sync_copy(acc.at[idxv], stage)
        pltpu.sync_copy(stage, out_hbm.at[cid].at[pl.ds(r0, L)])


@functools.cache
def _sc_expand():
    return pl.kernel(
        _sc_body,
        out_type=jax.ShapeDtypeStruct((NC, N_PAD, L), jnp.float32),
        mesh=plsc.VectorSubcoreMesh(core_axis_name="c", subcore_axis_name="s",
                                    num_cores=NC, num_subcores=NS),
        compiler_params=pltpu.CompilerParams(needs_layout_passes=False,
                                             use_tc_tiling_on_sc=False),
        scratch_types=[
            pltpu.VMEM((N_PAD // 16,), jnp.int32),
            pltpu.VMEM((W_FLAT,), jnp.float32),
            pltpu.VMEM((B, 3), jnp.float32),
            pltpu.VMEM((B,), jnp.int32),
            pltpu.VMEM((B,), jnp.int32),
            pltpu.VMEM((B, L), jnp.float32),
            pltpu.VMEM((NSC, SCC), jnp.int32),
            pltpu.VMEM((L, L), jnp.float32),
            pltpu.VMEM((L, L), jnp.float32),
            pltpu.VMEM_SHARED((N_PAD, L), jnp.float32),
        ],
    )


def _add_body(a_ref, o_ref):
    o_ref[...] = a_ref[0] + a_ref[1]


_TCB = 8192


def _tc_add(parts_flat):
    return pl.pallas_call(
        _add_body,
        out_shape=jax.ShapeDtypeStruct((N_PAD * L,), jnp.float32),
        grid=(N_PAD * L // _TCB,),
        in_specs=[pl.BlockSpec((NC, _TCB), lambda i: (0, i))],
        out_specs=pl.BlockSpec((_TCB,), lambda i: (i,)),
    )(parts_flat)


def kernel(interatomic_vectors, centers, neighbors, species, structures,
           atom_index_in_structure, W):
    del structures, atom_index_in_structure
    wflat = W.reshape(-1)
    sp_pad = jnp.zeros((N_PAD,), jnp.int32).at[:N_ATOMS].set(species)
    sp_packed = jnp.bitwise_or.reduce(
        sp_pad.reshape(N_PAD // 16, 16) << (2 * jnp.arange(16, dtype=jnp.int32)),
        axis=1)
    parts = _sc_expand()(interatomic_vectors, centers, neighbors, sp_packed, wflat)
    summed = _tc_add(parts.reshape(NC, N_PAD * L))
    return summed.reshape(N_PAD, L)[:N_ATOMS, :9].reshape(N_ATOMS, 3, 3)

# --- scband reference (transcript-rebuilt; emitter-appended) ---
"""Pipeline reference for scband-vector-basis-15599321219724 (READ-ONLY COPY).

The authoritative reference and input builder live on the scoring server;
editing this copy changes nothing except your own understanding.
"""

import jax, jax.numpy as jnp
import numpy as np

N_ATOMS = 50000
N_EDGES = 1600000
N_SPECIES = 4
MAX_RADIAL = 8
CUTOFF = 5.0
WIDTH = 0.5
N_STRUCT = 100


def setup_inputs(seed: int = 0) -> dict:
    key = jax.random.key(seed)
    k1, k2, k3, k4, k5, k6 = jax.random.split(key, 6)
    interatomic_vectors = jax.random.normal(k1, (N_EDGES, 3), dtype=jnp.float32) * 1.5
    centers = jax.random.randint(k2, (N_EDGES,), 0, N_ATOMS, dtype=jnp.int32)
    neighbors = jax.random.randint(k3, (N_EDGES,), 0, N_ATOMS, dtype=jnp.int32)
    species = jax.random.randint(k4, (N_ATOMS,), 0, N_SPECIES, dtype=jnp.int32)
    structures = jnp.sort(jax.random.randint(k5, (N_ATOMS,), 0, N_STRUCT, dtype=jnp.int32))
    sizes = jnp.bincount(structures, length=N_STRUCT)
    offsets = jnp.concatenate([jnp.zeros((1,), sizes.dtype), jnp.cumsum(sizes)[:-1]])
    atom_index_in_structure = jnp.arange(N_ATOMS, dtype=jnp.int32) - offsets[structures].astype(jnp.int32)
    # Per-center-species contraction weights (LinearMap, bias=False):
    # in_features = MAX_RADIAL * N_SPECIES, out_features = 3, one weight per center type.
    W = jax.random.normal(k6, (N_SPECIES, MAX_RADIAL * N_SPECIES, 3), dtype=jnp.float32) * 0.05
    return {
        'interatomic_vectors': interatomic_vectors,
        'centers': centers,
        'neighbors': neighbors,
        'species': species,
        'structures': structures,
        'atom_index_in_structure': atom_index_in_structure,
        'W': W,
    }


def _cutoff_fn(r):
    inner = CUTOFF - WIDTH
    t = (r - inner) / WIDTH
    smooth = 0.5 * (1.0 + jnp.cos(jnp.pi * jnp.clip(t, 0.0, 1.0)))
    return jnp.where(r < inner, jnp.ones_like(r), jnp.where(r < CUTOFF, smooth, jnp.zeros_like(r)))


def reference(interatomic_vectors, centers, neighbors, species, structures, atom_index_in_structure, W):
    # --- l=1 spherical expansion (SphericalExpansion with max_angular=1) ---
    r = jnp.sqrt(jnp.sum(interatomic_vectors ** 2, axis=1) + 1e-12)
    unit = interatomic_vectors / r[:, None]
    c = jnp.sqrt(3.0 / (4.0 * jnp.pi))
    # real l=1 spherical harmonics ordered m = -1, 0, 1 -> (y, z, x)
    Y = c * jnp.stack([unit[:, 1], unit[:, 2], unit[:, 0]], axis=1)  # (E, 3)
    n = jnp.arange(1, MAX_RADIAL + 1, dtype=jnp.float32)
    # Laplacian-eigenstate-like radial basis with ShiftedCosine cutoff
    R = jnp.sin(n[None, :] * jnp.pi * r[:, None] / CUTOFF)  # (E, MAX_RADIAL)
    fc = _cutoff_fn(r)
    edge_feat = fc[:, None, None] * Y[:, :, None] * R[:, None, :]  # (E, 3, MAX_RADIAL)
    # scatter-add over (center, neighbor_species) - Orthogonal species one-hot channels
    combined = centers * N_SPECIES + species[neighbors]
    acc = jnp.zeros((N_ATOMS * N_SPECIES, 3, MAX_RADIAL), jnp.float32).at[combined].add(edge_feat)
    expansion = acc.reshape(N_ATOMS, N_SPECIES, 3, MAX_RADIAL)
    # reshape (atoms, 3, MAX_RADIAL * N_SPECIES) as in forward()
    feat = jnp.transpose(expansion, (0, 2, 3, 1)).reshape(N_ATOMS, 3, MAX_RADIAL * N_SPECIES)
    # --- per-center-species linear contraction to 3 basis vectors ---
    W_per_atom = W[species]  # (N, in_features, 3)
    out = jnp.einsum('amf,afo->amo', feat, W_per_atom)  # (N, 3, 3)
    # --- reorder by overall atom index (bincount / cumsum / argsort as in forward) ---
    sizes = jnp.bincount(structures, length=N_STRUCT)
    offsets = jnp.concatenate([jnp.zeros((1,), sizes.dtype), jnp.cumsum(sizes)[:-1]])
    overall = offsets[structures] + atom_index_in_structure
    order = jnp.argsort(overall)
    return out[order]

if __name__ == "__main__":
    import jax
    _d = setup_inputs()
    print(jax.jit(kernel)(*tuple(_d.values())))

</pallas_src>

<mosaic_0001>
#map = affine_map<(d0, d1) -> (0, 0)>
#map1 = affine_map<(d0, d1) -> (0)>
#map2 = affine_map<(d0, d1) -> (0, 0, 0)>
module attributes {stable_mosaic.version = 14 : i64} {
  func.func @_sc_body(%arg0: i32, %arg1: i32, %arg2: memref<1600000x3xf32, #tpu.memory_space<hbm>>, %arg3: memref<1600000xi32, #tpu.memory_space<hbm>>, %arg4: memref<1600000xi32, #tpu.memory_space<hbm>>, %arg5: memref<3200xi32, #tpu.memory_space<hbm>>, %arg6: memref<384xf32, #tpu.memory_space<hbm>>, %arg7: memref<2x51200x16xf32, #tpu.memory_space<hbm>>, %arg8: memref<3200xi32, #tpu.memory_space<vmem>>, %arg9: memref<384xf32, #tpu.memory_space<vmem>>, %arg10: memref<2000x3xf32, #tpu.memory_space<vmem>>, %arg11: memref<2000xi32, #tpu.memory_space<vmem>>, %arg12: memref<2000xi32, #tpu.memory_space<vmem>>, %arg13: memref<2000x16xf32, #tpu.memory_space<vmem>>, %arg14: memref<25x80xi32, #tpu.memory_space<vmem>>, %arg15: memref<16x16xf32, #tpu.memory_space<vmem>>, %arg16: memref<16x16xf32, #tpu.memory_space<vmem>>, %arg17: memref<51200x16xf32, #tpu.memory_space<vmem_shared>>) attributes {dimension_semantics = [#tpu.dimension_semantics<core_parallel>, #tpu.dimension_semantics<subcore_parallel>], iteration_bounds = array<i64: 2, 16>, scalar_prefetch = 0 : i64, scratch_operands = 10 : i64, tpu.core_type = #tpu.core_type<sc_vector_subcore>, window_params = [{transform_indices = #map}, {transform_indices = #map1}, {transform_indices = #map1}, {transform_indices = #map1}, {transform_indices = #map1}, {transform_indices = #map2}]} {
    %mul3A = arith.constant 2 : i32
    %mul3A_0 = arith.muli %arg1, %mul3A : i32
    %add3A = arith.addi %mul3A_0, %arg0 : i32
    %iota3A = tpu.iota {dimensions = array<i32: 0>} : vector<16xi32>
    "tpu.region"() ({
      %run_scoped3A = tpu.sem_alloc : memref<!tpu.dma_semaphore, #tpu.memory_space<semaphore_mem>>
      tpu.enqueue_dma source(%arg5 : memref<3200xi32, #tpu.memory_space<hbm>>) target(%arg8 : memref<3200xi32, #tpu.memory_space<vmem>>) target_semaphore(%run_scoped3A : memref<!tpu.dma_semaphore, #tpu.memory_space<semaphore_mem>>)
      tpu.wait_dma2 semaphore(%run_scoped3A : memref<!tpu.dma_semaphore, #tpu.memory_space<semaphore_mem>>) src(%arg5 : memref<3200xi32, #tpu.memory_space<hbm>>) dst(%arg8 : memref<3200xi32, #tpu.memory_space<vmem>>)
      tpu.yield
    }) : () -> ()
    "tpu.region"() ({
      %run_scoped3A = tpu.sem_alloc : memref<!tpu.dma_semaphore, #tpu.memory_space<semaphore_mem>>
      tpu.enqueue_dma source(%arg6 : memref<384xf32, #tpu.memory_space<hbm>>) target(%arg9 : memref<384xf32, #tpu.memory_space<vmem>>) target_semaphore(%run_scoped3A : memref<!tpu.dma_semaphore, #tpu.memory_space<semaphore_mem>>)
      tpu.wait_dma2 semaphore(%run_scoped3A : memref<!tpu.dma_semaphore, #tpu.memory_space<semaphore_mem>>) src(%arg6 : memref<384xf32, #tpu.memory_space<hbm>>) dst(%arg9 : memref<384xf32, #tpu.memory_space<vmem>>)
      tpu.yield
    }) : () -> ()
    %scan3A = arith.constant 0 : i32
    %scan3A_1 = arith.constant 16 : i32
    %scan3A_2 = arith.addi %scan3A, %scan3A_1 : i32
    %scan3A_3 = arith.constant 1 : i32
    scf.for %scan3A_21 = %scan3A to %scan3A_2 step %scan3A_3  : i32 {
      %mul3A_22 = arith.constant 1 : i32
      %mul3A_23 = arith.muli %scan3A_21, %mul3A_22 : i32
      %add3A_24 = arith.constant 0 : i32
      %add3A_25 = arith.addi %add3A_24, %mul3A_23 : i32
      %broadcast_in_dim3A = arith.constant 0.000000e+00 : f32
      %broadcast_in_dim3A_26 = vector.broadcast %broadcast_in_dim3A : f32 to vector<16xf32>
      %swap3A = arith.index_cast %add3A_25 : i32 to index
      %swap3A_27 = arith.constant 0 : index
      %swap3A_28 = tpu.vector_load %arg16[%swap3A, %swap3A_27] {strides = array<i32>} : memref<16x16xf32, #tpu.memory_space<vmem>>, vector<16xf32>,
      tpu.vector_store %arg16[%swap3A, %swap3A_27], %broadcast_in_dim3A_26 {strides = array<i32>} : memref<16x16xf32, #tpu.memory_space<vmem>>, vector<16xf32>,
    }
    %scan3A_4 = arith.constant 16 : i32
    %scan3A_5 = arith.constant 0 : i32
    %scan3A_6 = arith.constant 200 : i32
    %scan3A_7 = arith.addi %scan3A_5, %scan3A_6 : i32
    %scan3A_8 = arith.constant 1 : i32
    scf.for %scan3A_21 = %scan3A_5 to %scan3A_7 step %scan3A_8  : i32 {
      %mul3A_22 = arith.constant 1 : i32
      %mul3A_23 = arith.muli %scan3A_21, %mul3A_22 : i32
      %add3A_24 = arith.constant 0 : i32
      %add3A_25 = arith.addi %add3A_24, %mul3A_23 : i32
      %mul3A_26 = arith.constant 3200 : i32
      %mul3A_27 = arith.muli %arg1, %mul3A_26 : i32
      %mul3A_28 = arith.constant 16 : i32
      %mul3A_29 = arith.muli %add3A_25, %mul3A_28 : i32
      %add3A_30 = arith.addi %mul3A_27, %mul3A_29 : i32
      %add3A_31 = vector.broadcast %add3A_30 : i32 to vector<16xi32>
      %add3A_32 = arith.addi %add3A_31, %iota3A : vector<16xi32>
      "tpu.region"() ({
        %run_scoped3A = tpu.sem_alloc : memref<!tpu.dma_semaphore, #tpu.memory_space<semaphore_mem>>
        %dma_start3A = arith.constant 0 : i32
        %dma_start3A_33 = arith.constant 0 : i32
        %dma_start3A_34 = tpu.memref_slice %arg17[%dma_start3A, %dma_start3A_33] : memref<51200x16xf32, #tpu.memory_space<vmem_shared>> -> memref<51200x16xf32, #tpu.memory_space<vmem_shared>>
        tpu.enqueue_indirect_dma source(%arg16 : memref<16x16xf32, #tpu.memory_space<vmem>>) target(%dma_start3A_34 : memref<51200x16xf32, #tpu.memory_space<vmem_shared>>) offsets(%add3A_32 : vector<16xi32>) semaphore(%run_scoped3A : memref<!tpu.dma_semaphore, #tpu.memory_space<semaphore_mem>>)
        %dma_wait3A = arith.constant 0 : i32
        %dma_wait3A_35 = arith.constant 0 : i32
        %dma_wait3A_36 = tpu.memref_slice %arg17[%dma_wait3A, %dma_wait3A_35] : memref<51200x16xf32, #tpu.memory_space<vmem_shared>> -> memref<51200x16xf32, #tpu.memory_space<vmem_shared>>
        tpu.wait_indirect_dma semaphore(%run_scoped3A : memref<!tpu.dma_semaphore, #tpu.memory_space<semaphore_mem>>) src(%arg16 : memref<16x16xf32, #tpu.memory_space<vmem>>) dst(%dma_wait3A_36 : memref<51200x16xf32, #tpu.memory_space<vmem_shared>>)
        tpu.yield
      }) : () -> ()
    }
    %scan3A_9 = arith.constant 200 : i32
    %barrier3A = arith.constant 0 : index
    tpu.barrier barrier_id(%barrier3A)
    %scan3A_10 = arith.constant 0 : i32
    %scan3A_11 = arith.constant 25 : i32
    %scan3A_12 = arith.addi %scan3A_10, %scan3A_11 : i32
    %scan3A_13 = arith.constant 1 : i32
    scf.for %scan3A_21 = %scan3A_10 to %scan3A_12 step %scan3A_13  : i32 {
      %mul3A_22 = arith.constant 1 : i32
      %mul3A_23 = arith.muli %scan3A_21, %mul3A_22 : i32
      %add3A_24 = arith.constant 0 : i32
      %add3A_25 = arith.addi %add3A_24, %mul3A_23 : i32
      %mul3A_26 = arith.constant 50000 : i32
      %mul3A_27 = arith.muli %add3A, %mul3A_26 : i32
      %mul3A_28 = arith.constant 2000 : i32
      %mul3A_29 = arith.muli %add3A_25, %mul3A_28 : i32
      %add3A_30 = arith.addi %mul3A_27, %mul3A_29 : i32
      "tpu.region"() ({
        %run_scoped3A_472 = tpu.sem_alloc : memref<!tpu.dma_semaphore, #tpu.memory_space<semaphore_mem>>
        %dma_start3A = arith.constant 0 : i32
        %dma_start3A_473 = tpu.memref_slice %arg2[%add3A_30, %dma_start3A] : memref<1600000x3xf32, #tpu.memory_space<hbm>> -> memref<2000x3xf32, #tpu.memory_space<hbm>>
        %dma_start3A_474 = arith.constant 0 : i32
        %dma_start3A_475 = tpu.memref_slice %arg2[%add3A_30, %dma_start3A_474] : memref<1600000x3xf32, #tpu.memory_space<hbm>> -> memref<2000x3xf32, #tpu.memory_space<hbm>>
        tpu.enqueue_dma source(%dma_start3A_475 : memref<2000x3xf32, #tpu.memory_space<hbm>>) target(%arg10 : memref<2000x3xf32, #tpu.memory_space<vmem>>) target_semaphore(%run_scoped3A_472 : memref<!tpu.dma_semaphore, #tpu.memory_space<semaphore_mem>>)
        %dma_wait3A = arith.constant 0 : i32
        %dma_wait3A_476 = tpu.memref_slice %arg2[%add3A_30, %dma_wait3A] : memref<1600000x3xf32, #tpu.memory_space<hbm>> -> memref<2000x3xf32, #tpu.memory_space<hbm>>
        %dma_wait3A_477 = arith.constant 0 : i32
        %dma_wait3A_478 = tpu.memref_slice %arg2[%add3A_30, %dma_wait3A_477] : memref<1600000x3xf32, #tpu.memory_space<hbm>> -> memref<2000x3xf32, #tpu.memory_space<hbm>>
        tpu.wait_dma2 semaphore(%run_scoped3A_472 : memref<!tpu.dma_semaphore, #tpu.memory_space<semaphore_mem>>) src(%dma_wait3A_478 : memref<2000x3xf32, #tpu.memory_space<hbm>>) dst(%arg10 : memref<2000x3xf32, #tpu.memory_space<vmem>>)
        tpu.yield
      }) : () -> ()
      "tpu.region"() ({
        %run_scoped3A_472 = tpu.sem_alloc : memref<!tpu.dma_semaphore, #tpu.memory_space<semaphore_mem>>
        %dma_start3A = tpu.memref_slice %arg3[%add3A_30] : memref<1600000xi32, #tpu.memory_space<hbm>> -> memref<2000xi32, #tpu.memory_space<hbm>>
        %dma_start3A_473 = tpu.memref_slice %arg3[%add3A_30] : memref<1600000xi32, #tpu.memory_space<hbm>> -> memref<2000xi32, #tpu.memory_space<hbm>>
        tpu.enqueue_dma source(%dma_start3A_473 : memref<2000xi32, #tpu.memory_space<hbm>>) target(%arg11 : memref<2000xi32, #tpu.memory_space<vmem>>) target_semaphore(%run_scoped3A_472 : memref<!tpu.dma_semaphore, #tpu.memory_space<semaphore_mem>>)
        %dma_wait3A = tpu.memref_slice %arg3[%add3A_30] : memref<1600000xi32, #tpu.memory_space<hbm>> -> memref<2000xi32, #tpu.memory_space<hbm>>
        %dma_wait3A_474 = tpu.memref_slice %arg3[%add3A_30] : memref<1600000xi32, #tpu.memory_space<hbm>> -> memref<2000xi32, #tpu.memory_space<hbm>>
        tpu.wait_dma2 semaphore(%run_scoped3A_472 : memref<!tpu.dma_semaphore, #tpu.memory_space<semaphore_mem>>) src(%dma_wait3A_474 : memref<2000xi32, #tpu.memory_space<hbm>>) dst(%arg11 : memref<2000xi32, #tpu.memory_space<vmem>>)
        tpu.yield
      }) : () -> ()
      "tpu.region"() ({
        %run_scoped3A_472 = tpu.sem_alloc : memref<!tpu.dma_semaphore, #tpu.memory_space<semaphore_mem>>
        %dma_start3A = tpu.memref_slice %arg4[%add3A_30] : memref<1600000xi32, #tpu.memory_space<hbm>> -> memref<2000xi32, #tpu.memory_space<hbm>>
        %dma_start3A_473 = tpu.memref_slice %arg4[%add3A_30] : memref<1600000xi32, #tpu.memory_space<hbm>> -> memref<2000xi32, #tpu.memory_space<hbm>>
        tpu.enqueue_dma source(%dma_start3A_473 : memref<2000xi32, #tpu.memory_space<hbm>>) target(%arg12 : memref<2000xi32, #tpu.memory_space<vmem>>) target_semaphore(%run_scoped3A_472 : memref<!tpu.dma_semaphore, #tpu.memory_space<semaphore_mem>>)
        %dma_wait3A = tpu.memref_slice %arg4[%add3A_30] : memref<1600000xi32, #tpu.memory_space<hbm>> -> memref<2000xi32, #tpu.memory_space<hbm>>
        %dma_wait3A_474 = tpu.memref_slice %arg4[%add3A_30] : memref<1600000xi32, #tpu.memory_space<hbm>> -> memref<2000xi32, #tpu.memory_space<hbm>>
        tpu.wait_dma2 semaphore(%run_scoped3A_472 : memref<!tpu.dma_semaphore, #tpu.memory_space<semaphore_mem>>) src(%dma_wait3A_474 : memref<2000xi32, #tpu.memory_space<hbm>>) dst(%arg12 : memref<2000xi32, #tpu.memory_space<vmem>>)
        tpu.yield
      }) : () -> ()
      %scan3A_31 = arith.constant 0 : i32
      %scan3A_32 = arith.constant 124 : i32
      %scan3A_33 = arith.addi %scan3A_31, %scan3A_32 : i32
      %scan3A_34 = arith.constant 4 : i32
      scf.for %scan3A_472 = %scan3A_31 to %scan3A_33 step %scan3A_34  : i32 {
        %mul3A_473 = arith.constant 1 : i32
        %mul3A_474 = arith.muli %scan3A_472, %mul3A_473 : i32
        %add3A_475 = arith.constant 0 : i32
        %add3A_476 = arith.addi %add3A_475, %mul3A_474 : i32
        %mul3A_477 = arith.constant 16 : i32
        %mul3A_478 = arith.muli %add3A_476, %mul3A_477 : i32
        %add3A_479 = vector.broadcast %mul3A_478 : i32 to vector<16xi32>
        %add3A_480 = arith.addi %iota3A, %add3A_479 : vector<16xi32>
        %broadcast_in_dim3A_481 = arith.constant 0 : i32
        %broadcast_in_dim3A_482 = vector.broadcast %broadcast_in_dim3A_481 : i32 to vector<16xi32>
        %gather3A_483 = tpu.vector_load_idx %arg10[%add3A_480, %broadcast_in_dim3A_482] : memref<2000x3xf32, #tpu.memory_space<vmem>>[vector<16xi32>, vector<16xi32>], vector<16xf32>,
        %add3A_484 = arith.constant 1 : i32
        %add3A_485 = vector.broadcast %add3A_484 : i32 to vector<16xi32>
        %add3A_486 = arith.addi %broadcast_in_dim3A_482, %add3A_485 : vector<16xi32>
        %gather3A_487 = tpu.vector_load_idx %arg10[%add3A_480, %add3A_486] : memref<2000x3xf32, #tpu.memory_space<vmem>>[vector<16xi32>, vector<16xi32>], vector<16xf32>,
        %add3A_488 = arith.constant 2 : i32
        %add3A_489 = vector.broadcast %add3A_488 : i32 to vector<16xi32>
        %add3A_490 = arith.addi %broadcast_in_dim3A_482, %add3A_489 : vector<16xi32>
        %gather3A_491 = tpu.vector_load_idx %arg10[%add3A_480, %add3A_490] : memref<2000x3xf32, #tpu.memory_space<vmem>>[vector<16xi32>, vector<16xi32>], vector<16xf32>,
        %gather3A_492 = tpu.vector_load_idx %arg11[%add3A_480] : memref<2000xi32, #tpu.memory_space<vmem>>[vector<16xi32>], vector<16xi32>,
        %gather3A_493 = tpu.vector_load_idx %arg12[%add3A_480] : memref<2000xi32, #tpu.memory_space<vmem>>[vector<16xi32>], vector<16xi32>,
        %shift_right_logical3A_494 = arith.constant 4 : i32
        %shift_right_logical3A_495 = vector.broadcast %shift_right_logical3A_494 : i32 to vector<16xi32>
        %shift_right_logical3A_496 = arith.shrui %gather3A_492, %shift_right_logical3A_495 : vector<16xi32>
        %gather3A_497 = tpu.vector_load_idx %arg8[%shift_right_logical3A_496] : memref<3200xi32, #tpu.memory_space<vmem>>[vector<16xi32>], vector<16xi32>,
        %shift_right_logical3A_498 = arith.constant 4 : i32
        %shift_right_logical3A_499 = vector.broadcast %shift_right_logical3A_498 : i32 to vector<16xi32>
        %shift_right_logical3A_500 = arith.shrui %gather3A_493, %shift_right_logical3A_499 : vector<16xi32>
        %gather3A_501 = tpu.vector_load_idx %arg8[%shift_right_logical3A_500] : memref<3200xi32, #tpu.memory_space<vmem>>[vector<16xi32>], vector<16xi32>,
        %and3A_502 = arith.constant 15 : i32
        %and3A_503 = vector.broadcast %and3A_502 : i32 to vector<16xi32>
        %and3A_504 = arith.andi %gather3A_492, %and3A_503 : vector<16xi32>
        %mul3A_505 = arith.constant 2 : i32
        %mul3A_506 = vector.broadcast %mul3A_505 : i32 to vector<16xi32>
        %mul3A_507 = arith.muli %and3A_504, %mul3A_506 : vector<16xi32>
        %shift_right_logical3A_508 = arith.shrui %gather3A_497, %mul3A_507 : vector<16xi32>
        %and3A_509 = arith.constant 3 : i32
        %and3A_510 = vector.broadcast %and3A_509 : i32 to vector<16xi32>
        %and3A_511 = arith.andi %shift_right_logical3A_508, %and3A_510 : vector<16xi32>
        %and3A_512 = arith.constant 15 : i32
        %and3A_513 = vector.broadcast %and3A_512 : i32 to vector<16xi32>
        %and3A_514 = arith.andi %gather3A_493, %and3A_513 : vector<16xi32>
        %mul3A_515 = arith.constant 2 : i32
        %mul3A_516 = vector.broadcast %mul3A_515 : i32 to vector<16xi32>
        %mul3A_517 = arith.muli %and3A_514, %mul3A_516 : vector<16xi32>
        %shift_right_logical3A_518 = arith.shrui %gather3A_501, %mul3A_517 : vector<16xi32>
        %and3A_519 = arith.constant 3 : i32
        %and3A_520 = vector.broadcast %and3A_519 : i32 to vector<16xi32>
        %and3A_521 = arith.andi %shift_right_logical3A_518, %and3A_520 : vector<16xi32>
        %mul3A_522 = arith.mulf %gather3A_483, %gather3A_483 : vector<16xf32>
        %mul3A_523 = arith.mulf %gather3A_487, %gather3A_487 : vector<16xf32>
        %add3A_524 = arith.addf %mul3A_522, %mul3A_523 : vector<16xf32>
        %mul3A_525 = arith.mulf %gather3A_491, %gather3A_491 : vector<16xf32>
        %add3A_526 = arith.addf %add3A_524, %mul3A_525 : vector<16xf32>
        %add3A_527 = arith.constant 9.99999996E-13 : f32
        %add3A_528 = vector.broadcast %add3A_527 : f32 to vector<16xf32>
        %add3A_529 = arith.addf %add3A_526, %add3A_528 : vector<16xf32>
        %bitcast_convert_type3A_530 = tpu.bitcast %add3A_529 : vector<16xf32> -> vector<16xi32>
        %shift_right_arithmetic3A_531 = arith.constant 1 : i32
        %shift_right_arithmetic3A_532 = vector.broadcast %shift_right_arithmetic3A_531 : i32 to vector<16xi32>
        %shift_right_arithmetic3A_533 = arith.shrsi %bitcast_convert_type3A_530, %shift_right_arithmetic3A_532 : vector<16xi32>
        %sub3A_534 = arith.constant 1597463007 : i32
        %sub3A_535 = vector.broadcast %sub3A_534 : i32 to vector<16xi32>
        %sub3A_536 = arith.subi %sub3A_535, %shift_right_arithmetic3A_533 : vector<16xi32>
        %bitcast_convert_type3A_537 = tpu.bitcast %sub3A_536 : vector<16xi32> -> vector<16xf32>
        %mul3A_538 = arith.constant 5.000000e-01 : f32
        %mul3A_539 = vector.broadcast %mul3A_538 : f32 to vector<16xf32>
        %mul3A_540 = arith.mulf %mul3A_539, %add3A_529 : vector<16xf32>
        %mul3A_541 = arith.mulf %mul3A_540, %bitcast_convert_type3A_537 : vector<16xf32>
        %mul3A_542 = arith.mulf %mul3A_541, %bitcast_convert_type3A_537 : vector<16xf32>
        %sub3A_543 = arith.constant 1.500000e+00 : f32
        %sub3A_544 = vector.broadcast %sub3A_543 : f32 to vector<16xf32>
        %sub3A_545 = arith.subf %sub3A_544, %mul3A_542 : vector<16xf32>
        %mul3A_546 = arith.mulf %bitcast_convert_type3A_537, %sub3A_545 : vector<16xf32>
        %mul3A_547 = arith.constant 5.000000e-01 : f32
        %mul3A_548 = vector.broadcast %mul3A_547 : f32 to vector<16xf32>
        %mul3A_549 = arith.mulf %mul3A_548, %add3A_529 : vector<16xf32>
        %mul3A_550 = arith.mulf %mul3A_549, %mul3A_546 : vector<16xf32>
        %mul3A_551 = arith.mulf %mul3A_550, %mul3A_546 : vector<16xf32>
        %sub3A_552 = arith.constant 1.500000e+00 : f32
        %sub3A_553 = vector.broadcast %sub3A_552 : f32 to vector<16xf32>
        %sub3A_554 = arith.subf %sub3A_553, %mul3A_551 : vector<16xf32>
        %mul3A_555 = arith.mulf %mul3A_546, %sub3A_554 : vector<16xf32>
        %mul3A_556 = arith.mulf %add3A_529, %mul3A_555 : vector<16xf32>
        %min3A_557 = arith.constant 5.000000e+00 : f32
        %min3A_558 = vector.broadcast %min3A_557 : f32 to vector<16xf32>
        %min3A_559 = arith.minimumf %mul3A_556, %min3A_558 : vector<16xf32>
        %mul3A_560 = arith.constant 0.628318548 : f32
        %mul3A_561 = vector.broadcast %mul3A_560 : f32 to vector<16xf32>
        %mul3A_562 = arith.mulf %min3A_559, %mul3A_561 : vector<16xf32>
        %sub3A_563 = arith.constant 1.57079637 : f32
        %sub3A_564 = vector.broadcast %sub3A_563 : f32 to vector<16xf32>
        %sub3A_565 = arith.subf %mul3A_562, %sub3A_564 : vector<16xf32>
        %mul3A_566 = arith.mulf %sub3A_565, %sub3A_565 : vector<16xf32>
        %mul3A_567 = arith.constant 2.48015876E-5 : f32
        %mul3A_568 = vector.broadcast %mul3A_567 : f32 to vector<16xf32>
        %mul3A_569 = arith.mulf %mul3A_566, %mul3A_568 : vector<16xf32>
        %add3A_570 = arith.constant -0.00138888892 : f32
        %add3A_571 = vector.broadcast %add3A_570 : f32 to vector<16xf32>
        %add3A_572 = arith.addf %add3A_571, %mul3A_569 : vector<16xf32>
        %mul3A_573 = arith.mulf %mul3A_566, %add3A_572 : vector<16xf32>
        %add3A_574 = arith.constant 0.0416666679 : f32
        %add3A_575 = vector.broadcast %add3A_574 : f32 to vector<16xf32>
        %add3A_576 = arith.addf %add3A_575, %mul3A_573 : vector<16xf32>
        %mul3A_577 = arith.mulf %mul3A_566, %add3A_576 : vector<16xf32>
        %add3A_578 = arith.constant -5.000000e-01 : f32
        %add3A_579 = vector.broadcast %add3A_578 : f32 to vector<16xf32>
        %add3A_580 = arith.addf %add3A_579, %mul3A_577 : vector<16xf32>
        %mul3A_581 = arith.mulf %mul3A_566, %add3A_580 : vector<16xf32>
        %add3A_582 = arith.constant 1.000000e+00 : f32
        %add3A_583 = vector.broadcast %add3A_582 : f32 to vector<16xf32>
        %add3A_584 = arith.addf %add3A_583, %mul3A_581 : vector<16xf32>
        %mul3A_585 = arith.mulf %sub3A_565, %sub3A_565 : vector<16xf32>
        %mul3A_586 = arith.constant 2.75573188E-6 : f32
        %mul3A_587 = vector.broadcast %mul3A_586 : f32 to vector<16xf32>
        %mul3A_588 = arith.mulf %mul3A_585, %mul3A_587 : vector<16xf32>
        %add3A_589 = arith.constant -1.98412701E-4 : f32
        %add3A_590 = vector.broadcast %add3A_589 : f32 to vector<16xf32>
        %add3A_591 = arith.addf %add3A_590, %mul3A_588 : vector<16xf32>
        %mul3A_592 = arith.mulf %mul3A_585, %add3A_591 : vector<16xf32>
        %add3A_593 = arith.constant 0.00833333377 : f32
        %add3A_594 = vector.broadcast %add3A_593 : f32 to vector<16xf32>
        %add3A_595 = arith.addf %add3A_594, %mul3A_592 : vector<16xf32>
        %mul3A_596 = arith.mulf %mul3A_585, %add3A_595 : vector<16xf32>
        %add3A_597 = arith.constant -0.166666672 : f32
        %add3A_598 = vector.broadcast %add3A_597 : f32 to vector<16xf32>
        %add3A_599 = arith.addf %add3A_598, %mul3A_596 : vector<16xf32>
        %mul3A_600 = arith.mulf %mul3A_585, %add3A_599 : vector<16xf32>
        %add3A_601 = arith.constant 1.000000e+00 : f32
        %add3A_602 = vector.broadcast %add3A_601 : f32 to vector<16xf32>
        %add3A_603 = arith.addf %add3A_602, %mul3A_600 : vector<16xf32>
        %mul3A_604 = arith.mulf %sub3A_565, %add3A_603 : vector<16xf32>
        %neg3A_605 = arith.constant 0.000000e+00 : f32
        %neg3A_606 = vector.broadcast %neg3A_605 : f32 to vector<16xf32>
        %neg3A_607 = arith.subf %neg3A_606, %mul3A_604 : vector<16xf32>
        %mul3A_608 = arith.constant 2.000000e+00 : f32
        %mul3A_609 = vector.broadcast %mul3A_608 : f32 to vector<16xf32>
        %mul3A_610 = arith.mulf %mul3A_609, %neg3A_607 : vector<16xf32>
        %mul3A_611 = arith.mulf %mul3A_610, %add3A_584 : vector<16xf32>
        %mul3A_612 = arith.mulf %mul3A_610, %mul3A_611 : vector<16xf32>
        %sub3A_613 = arith.subf %mul3A_612, %add3A_584 : vector<16xf32>
        %mul3A_614 = arith.mulf %mul3A_610, %sub3A_613 : vector<16xf32>
        %sub3A_615 = arith.subf %mul3A_614, %mul3A_611 : vector<16xf32>
        %mul3A_616 = arith.mulf %mul3A_610, %sub3A_615 : vector<16xf32>
        %sub3A_617 = arith.subf %mul3A_616, %sub3A_613 : vector<16xf32>
        %mul3A_618 = arith.mulf %mul3A_610, %sub3A_617 : vector<16xf32>
        %sub3A_619 = arith.subf %mul3A_618, %sub3A_615 : vector<16xf32>
        %mul3A_620 = arith.mulf %mul3A_610, %sub3A_619 : vector<16xf32>
        %sub3A_621 = arith.subf %mul3A_620, %sub3A_617 : vector<16xf32>
        %mul3A_622 = arith.mulf %mul3A_610, %sub3A_621 : vector<16xf32>
        %sub3A_623 = arith.subf %mul3A_622, %sub3A_619 : vector<16xf32>
        %sub3A_624 = arith.constant 4.500000e+00 : f32
        %sub3A_625 = vector.broadcast %sub3A_624 : f32 to vector<16xf32>
        %sub3A_626 = arith.subf %min3A_559, %sub3A_625 : vector<16xf32>
        %mul3A_627 = arith.constant 2.000000e+00 : f32
        %mul3A_628 = vector.broadcast %mul3A_627 : f32 to vector<16xf32>
        %mul3A_629 = arith.mulf %sub3A_626, %mul3A_628 : vector<16xf32>
        %jit3A_630 = arith.constant 0.000000e+00 : f32
        %jit3A_631 = arith.constant 1.000000e+00 : f32
        %max3A_632 = vector.broadcast %jit3A_630 : f32 to vector<16xf32>
        %max3A_633 = arith.maximumf %max3A_632, %mul3A_629 : vector<16xf32>
        %min3A_634 = vector.broadcast %jit3A_631 : f32 to vector<16xf32>
        %min3A_635 = arith.minimumf %min3A_634, %max3A_633 : vector<16xf32>
        %mul3A_636 = arith.constant 3.14159274 : f32
        %mul3A_637 = vector.broadcast %mul3A_636 : f32 to vector<16xf32>
        %mul3A_638 = arith.mulf %min3A_635, %mul3A_637 : vector<16xf32>
        %sub3A_639 = arith.constant 1.57079637 : f32
        %sub3A_640 = vector.broadcast %sub3A_639 : f32 to vector<16xf32>
        %sub3A_641 = arith.subf %mul3A_638, %sub3A_640 : vector<16xf32>
        %mul3A_642 = arith.mulf %sub3A_641, %sub3A_641 : vector<16xf32>
        %mul3A_643 = arith.constant 2.75573188E-6 : f32
        %mul3A_644 = vector.broadcast %mul3A_643 : f32 to vector<16xf32>
        %mul3A_645 = arith.mulf %mul3A_642, %mul3A_644 : vector<16xf32>
        %add3A_646 = arith.constant -1.98412701E-4 : f32
        %add3A_647 = vector.broadcast %add3A_646 : f32 to vector<16xf32>
        %add3A_648 = arith.addf %add3A_647, %mul3A_645 : vector<16xf32>
        %mul3A_649 = arith.mulf %mul3A_642, %add3A_648 : vector<16xf32>
        %add3A_650 = arith.constant 0.00833333377 : f32
        %add3A_651 = vector.broadcast %add3A_650 : f32 to vector<16xf32>
        %add3A_652 = arith.addf %add3A_651, %mul3A_649 : vector<16xf32>
        %mul3A_653 = arith.mulf %mul3A_642, %add3A_652 : vector<16xf32>
        %add3A_654 = arith.constant -0.166666672 : f32
        %add3A_655 = vector.broadcast %add3A_654 : f32 to vector<16xf32>
        %add3A_656 = arith.addf %add3A_655, %mul3A_653 : vector<16xf32>
        %mul3A_657 = arith.mulf %mul3A_642, %add3A_656 : vector<16xf32>
        %add3A_658 = arith.constant 1.000000e+00 : f32
        %add3A_659 = vector.broadcast %add3A_658 : f32 to vector<16xf32>
        %add3A_660 = arith.addf %add3A_659, %mul3A_657 : vector<16xf32>
        %mul3A_661 = arith.mulf %sub3A_641, %add3A_660 : vector<16xf32>
        %sub3A_662 = arith.constant 1.000000e+00 : f32
        %sub3A_663 = vector.broadcast %sub3A_662 : f32 to vector<16xf32>
        %sub3A_664 = arith.subf %sub3A_663, %mul3A_661 : vector<16xf32>
        %mul3A_665 = arith.constant 5.000000e-01 : f32
        %mul3A_666 = vector.broadcast %mul3A_665 : f32 to vector<16xf32>
        %mul3A_667 = arith.mulf %mul3A_666, %sub3A_664 : vector<16xf32>
        %lt3A_668 = arith.constant 5.000000e+00 : f32
        %lt3A_669 = vector.broadcast %lt3A_668 : f32 to vector<16xf32>
        %lt3A_670 = arith.cmpf olt, %mul3A_556, %lt3A_669 : vector<16xf32>
        %jit3A_671 = arith.constant 0.000000e+00 : f32
        %broadcast_in_dim3A_672 = vector.broadcast %jit3A_671 : f32 to vector<16xf32>
        %select_n3A_673 = arith.select %lt3A_670, %mul3A_667, %broadcast_in_dim3A_672 : vector<16xi1>, vector<16xf32>
        %mul3A_674 = arith.constant 0.488602519 : f32
        %mul3A_675 = vector.broadcast %mul3A_674 : f32 to vector<16xf32>
        %mul3A_676 = arith.mulf %select_n3A_673, %mul3A_675 : vector<16xf32>
        %mul3A_677 = arith.mulf %mul3A_676, %mul3A_555 : vector<16xf32>
        %mul3A_678 = arith.mulf %gather3A_487, %mul3A_677 : vector<16xf32>
        %mul3A_679 = arith.mulf %gather3A_491, %mul3A_677 : vector<16xf32>
        %mul3A_680 = arith.mulf %gather3A_483, %mul3A_677 : vector<16xf32>
        %mul3A_681 = arith.constant 96 : i32
        %mul3A_682 = vector.broadcast %mul3A_681 : i32 to vector<16xi32>
        %mul3A_683 = arith.muli %and3A_511, %mul3A_682 : vector<16xi32>
        %mul3A_684 = arith.constant 3 : i32
        %mul3A_685 = vector.broadcast %mul3A_684 : i32 to vector<16xi32>
        %mul3A_686 = arith.muli %and3A_521, %mul3A_685 : vector<16xi32>
        %add3A_687 = arith.addi %mul3A_683, %mul3A_686 : vector<16xi32>
        %add3A_688 = arith.constant 0 : i32
        %add3A_689 = vector.broadcast %add3A_688 : i32 to vector<16xi32>
        %add3A_690 = arith.addi %add3A_687, %add3A_689 : vector<16xi32>
        %gather3A_691 = tpu.vector_load_idx %arg9[%add3A_690] : memref<384xf32, #tpu.memory_space<vmem>>[vector<16xi32>], vector<16xf32>,
        %mul3A_692 = arith.mulf %add3A_584, %gather3A_691 : vector<16xf32>
        %add3A_693 = arith.constant 12 : i32
        %add3A_694 = vector.broadcast %add3A_693 : i32 to vector<16xi32>
        %add3A_695 = arith.addi %add3A_687, %add3A_694 : vector<16xi32>
        %gather3A_696 = tpu.vector_load_idx %arg9[%add3A_695] : memref<384xf32, #tpu.memory_space<vmem>>[vector<16xi32>], vector<16xf32>,
        %mul3A_697 = arith.mulf %mul3A_611, %gather3A_696 : vector<16xf32>
        %add3A_698 = arith.addf %mul3A_692, %mul3A_697 : vector<16xf32>
        %add3A_699 = arith.constant 24 : i32
        %add3A_700 = vector.broadcast %add3A_699 : i32 to vector<16xi32>
        %add3A_701 = arith.addi %add3A_687, %add3A_700 : vector<16xi32>
        %gather3A_702 = tpu.vector_load_idx %arg9[%add3A_701] : memref<384xf32, #tpu.memory_space<vmem>>[vector<16xi32>], vector<16xf32>,
        %mul3A_703 = arith.mulf %sub3A_613, %gather3A_702 : vector<16xf32>
        %add3A_704 = arith.addf %add3A_698, %mul3A_703 : vector<16xf32>
        %add3A_705 = arith.constant 36 : i32
        %add3A_706 = vector.broadcast %add3A_705 : i32 to vector<16xi32>
        %add3A_707 = arith.addi %add3A_687, %add3A_706 : vector<16xi32>
        %gather3A_708 = tpu.vector_load_idx %arg9[%add3A_707] : memref<384xf32, #tpu.memory_space<vmem>>[vector<16xi32>], vector<16xf32>,
        %mul3A_709 = arith.mulf %sub3A_615, %gather3A_708 : vector<16xf32>
        %add3A_710 = arith.addf %add3A_704, %mul3A_709 : vector<16xf32>
        %add3A_711 = arith.constant 48 : i32
        %add3A_712 = vector.broadcast %add3A_711 : i32 to vector<16xi32>
        %add3A_713 = arith.addi %add3A_687, %add3A_712 : vector<16xi32>
        %gather3A_714 = tpu.vector_load_idx %arg9[%add3A_713] : memref<384xf32, #tpu.memory_space<vmem>>[vector<16xi32>], vector<16xf32>,
        %mul3A_715 = arith.mulf %sub3A_617, %gather3A_714 : vector<16xf32>
        %add3A_716 = arith.addf %add3A_710, %mul3A_715 : vector<16xf32>
        %add3A_717 = arith.constant 60 : i32
        %add3A_718 = vector.broadcast %add3A_717 : i32 to vector<16xi32>
        %add3A_719 = arith.addi %add3A_687, %add3A_718 : vector<16xi32>
        %gather3A_720 = tpu.vector_load_idx %arg9[%add3A_719] : memref<384xf32, #tpu.memory_space<vmem>>[vector<16xi32>], vector<16xf32>,
        %mul3A_721 = arith.mulf %sub3A_619, %gather3A_720 : vector<16xf32>
        %add3A_722 = arith.addf %add3A_716, %mul3A_721 : vector<16xf32>
        %add3A_723 = arith.constant 72 : i32
        %add3A_724 = vector.broadcast %add3A_723 : i32 to vector<16xi32>
        %add3A_725 = arith.addi %add3A_687, %add3A_724 : vector<16xi32>
        %gather3A_726 = tpu.vector_load_idx %arg9[%add3A_725] : memref<384xf32, #tpu.memory_space<vmem>>[vector<16xi32>], vector<16xf32>,
        %mul3A_727 = arith.mulf %sub3A_621, %gather3A_726 : vector<16xf32>
        %add3A_728 = arith.addf %add3A_722, %mul3A_727 : vector<16xf32>
        %add3A_729 = arith.constant 84 : i32
        %add3A_730 = vector.broadcast %add3A_729 : i32 to vector<16xi32>
        %add3A_731 = arith.addi %add3A_687, %add3A_730 : vector<16xi32>
        %gather3A_732 = tpu.vector_load_idx %arg9[%add3A_731] : memref<384xf32, #tpu.memory_space<vmem>>[vector<16xi32>], vector<16xf32>,
        %mul3A_733 = arith.mulf %sub3A_623, %gather3A_732 : vector<16xf32>
        %add3A_734 = arith.addf %add3A_728, %mul3A_733 : vector<16xf32>
        %add3A_735 = arith.constant 1 : i32
        %add3A_736 = vector.broadcast %add3A_735 : i32 to vector<16xi32>
        %add3A_737 = arith.addi %add3A_687, %add3A_736 : vector<16xi32>
        %gather3A_738 = tpu.vector_load_idx %arg9[%add3A_737] : memref<384xf32, #tpu.memory_space<vmem>>[vector<16xi32>], vector<16xf32>,
        %mul3A_739 = arith.mulf %add3A_584, %gather3A_738 : vector<16xf32>
        %add3A_740 = arith.constant 13 : i32
        %add3A_741 = vector.broadcast %add3A_740 : i32 to vector<16xi32>
        %add3A_742 = arith.addi %add3A_687, %add3A_741 : vector<16xi32>
        %gather3A_743 = tpu.vector_load_idx %arg9[%add3A_742] : memref<384xf32, #tpu.memory_space<vmem>>[vector<16xi32>], vector<16xf32>,
        %mul3A_744 = arith.mulf %mul3A_611, %gather3A_743 : vector<16xf32>
        %add3A_745 = arith.addf %mul3A_739, %mul3A_744 : vector<16xf32>
        %add3A_746 = arith.constant 25 : i32
        %add3A_747 = vector.broadcast %add3A_746 : i32 to vector<16xi32>
        %add3A_748 = arith.addi %add3A_687, %add3A_747 : vector<16xi32>
        %gather3A_749 = tpu.vector_load_idx %arg9[%add3A_748] : memref<384xf32, #tpu.memory_space<vmem>>[vector<16xi32>], vector<16xf32>,
        %mul3A_750 = arith.mulf %sub3A_613, %gather3A_749 : vector<16xf32>
        %add3A_751 = arith.addf %add3A_745, %mul3A_750 : vector<16xf32>
        %add3A_752 = arith.constant 37 : i32
        %add3A_753 = vector.broadcast %add3A_752 : i32 to vector<16xi32>
        %add3A_754 = arith.addi %add3A_687, %add3A_753 : vector<16xi32>
        %gather3A_755 = tpu.vector_load_idx %arg9[%add3A_754] : memref<384xf32, #tpu.memory_space<vmem>>[vector<16xi32>], vector<16xf32>,
        %mul3A_756 = arith.mulf %sub3A_615, %gather3A_755 : vector<16xf32>
        %add3A_757 = arith.addf %add3A_751, %mul3A_756 : vector<16xf32>
        %add3A_758 = arith.constant 49 : i32
        %add3A_759 = vector.broadcast %add3A_758 : i32 to vector<16xi32>
        %add3A_760 = arith.addi %add3A_687, %add3A_759 : vector<16xi32>
        %gather3A_761 = tpu.vector_load_idx %arg9[%add3A_760] : memref<384xf32, #tpu.memory_space<vmem>>[vector<16xi32>], vector<16xf32>,
        %mul3A_762 = arith.mulf %sub3A_617, %gather3A_761 : vector<16xf32>
        %add3A_763 = arith.addf %add3A_757, %mul3A_762 : vector<16xf32>
        %add3A_764 = arith.constant 61 : i32
        %add3A_765 = vector.broadcast %add3A_764 : i32 to vector<16xi32>
        %add3A_766 = arith.addi %add3A_687, %add3A_765 : vector<16xi32>
        %gather3A_767 = tpu.vector_load_idx %arg9[%add3A_766] : memref<384xf32, #tpu.memory_space<vmem>>[vector<16xi32>], vector<16xf32>,
        %mul3A_768 = arith.mulf %sub3A_619, %gather3A_767 : vector<16xf32>
        %add3A_769 = arith.addf %add3A_763, %mul3A_768 : vector<16xf32>
        %add3A_770 = arith.constant 73 : i32
        %add3A_771 = vector.broadcast %add3A_770 : i32 to vector<16xi32>
        %add3A_772 = arith.addi %add3A_687, %add3A_771 : vector<16xi32>
        %gather3A_773 = tpu.vector_load_idx %arg9[%add3A_772] : memref<384xf32, #tpu.memory_space<vmem>>[vector<16xi32>], vector<16xf32>,
        %mul3A_774 = arith.mulf %sub3A_621, %gather3A_773 : vector<16xf32>
        %add3A_775 = arith.addf %add3A_769, %mul3A_774 : vector<16xf32>
        %add3A_776 = arith.constant 85 : i32
        %add3A_777 = vector.broadcast %add3A_776 : i32 to vector<16xi32>
        %add3A_778 = arith.addi %add3A_687, %add3A_777 : vector<16xi32>
        %gather3A_779 = tpu.vector_load_idx %arg9[%add3A_778] : memref<384xf32, #tpu.memory_space<vmem>>[vector<16xi32>], vector<16xf32>,
        %mul3A_780 = arith.mulf %sub3A_623, %gather3A_779 : vector<16xf32>
        %add3A_781 = arith.addf %add3A_775, %mul3A_780 : vector<16xf32>
        %add3A_782 = arith.constant 2 : i32
        %add3A_783 = vector.broadcast %add3A_782 : i32 to vector<16xi32>
        %add3A_784 = arith.addi %add3A_687, %add3A_783 : vector<16xi32>
        %gather3A_785 = tpu.vector_load_idx %arg9[%add3A_784] : memref<384xf32, #tpu.memory_space<vmem>>[vector<16xi32>], vector<16xf32>,
        %mul3A_786 = arith.mulf %add3A_584, %gather3A_785 : vector<16xf32>
        %add3A_787 = arith.constant 14 : i32
        %add3A_788 = vector.broadcast %add3A_787 : i32 to vector<16xi32>
        %add3A_789 = arith.addi %add3A_687, %add3A_788 : vector<16xi32>
        %gather3A_790 = tpu.vector_load_idx %arg9[%add3A_789] : memref<384xf32, #tpu.memory_space<vmem>>[vector<16xi32>], vector<16xf32>,
        %mul3A_791 = arith.mulf %mul3A_611, %gather3A_790 : vector<16xf32>
        %add3A_792 = arith.addf %mul3A_786, %mul3A_791 : vector<16xf32>
        %add3A_793 = arith.constant 26 : i32
        %add3A_794 = vector.broadcast %add3A_793 : i32 to vector<16xi32>
        %add3A_795 = arith.addi %add3A_687, %add3A_794 : vector<16xi32>
        %gather3A_796 = tpu.vector_load_idx %arg9[%add3A_795] : memref<384xf32, #tpu.memory_space<vmem>>[vector<16xi32>], vector<16xf32>,
        %mul3A_797 = arith.mulf %sub3A_613, %gather3A_796 : vector<16xf32>
        %add3A_798 = arith.addf %add3A_792, %mul3A_797 : vector<16xf32>
        %add3A_799 = arith.constant 38 : i32
        %add3A_800 = vector.broadcast %add3A_799 : i32 to vector<16xi32>
        %add3A_801 = arith.addi %add3A_687, %add3A_800 : vector<16xi32>
        %gather3A_802 = tpu.vector_load_idx %arg9[%add3A_801] : memref<384xf32, #tpu.memory_space<vmem>>[vector<16xi32>], vector<16xf32>,
        %mul3A_803 = arith.mulf %sub3A_615, %gather3A_802 : vector<16xf32>
        %add3A_804 = arith.addf %add3A_798, %mul3A_803 : vector<16xf32>
        %add3A_805 = arith.constant 50 : i32
        %add3A_806 = vector.broadcast %add3A_805 : i32 to vector<16xi32>
        %add3A_807 = arith.addi %add3A_687, %add3A_806 : vector<16xi32>
        %gather3A_808 = tpu.vector_load_idx %arg9[%add3A_807] : memref<384xf32, #tpu.memory_space<vmem>>[vector<16xi32>], vector<16xf32>,
        %mul3A_809 = arith.mulf %sub3A_617, %gather3A_808 : vector<16xf32>
        %add3A_810 = arith.addf %add3A_804, %mul3A_809 : vector<16xf32>
        %add3A_811 = arith.constant 62 : i32
        %add3A_812 = vector.broadcast %add3A_811 : i32 to vector<16xi32>
        %add3A_813 = arith.addi %add3A_687, %add3A_812 : vector<16xi32>
        %gather3A_814 = tpu.vector_load_idx %arg9[%add3A_813] : memref<384xf32, #tpu.memory_space<vmem>>[vector<16xi32>], vector<16xf32>,
        %mul3A_815 = arith.mulf %sub3A_619, %gather3A_814 : vector<16xf32>
        %add3A_816 = arith.addf %add3A_810, %mul3A_815 : vector<16xf32>
        %add3A_817 = arith.constant 74 : i32
        %add3A_818 = vector.broadcast %add3A_817 : i32 to vector<16xi32>
        %add3A_819 = arith.addi %add3A_687, %add3A_818 : vector<16xi32>
        %gather3A_820 = tpu.vector_load_idx %arg9[%add3A_819] : memref<384xf32, #tpu.memory_space<vmem>>[vector<16xi32>], vector<16xf32>,
        %mul3A_821 = arith.mulf %sub3A_621, %gather3A_820 : vector<16xf32>
        %add3A_822 = arith.addf %add3A_816, %mul3A_821 : vector<16xf32>
        %add3A_823 = arith.constant 86 : i32
        %add3A_824 = vector.broadcast %add3A_823 : i32 to vector<16xi32>
        %add3A_825 = arith.addi %add3A_687, %add3A_824 : vector<16xi32>
        %gather3A_826 = tpu.vector_load_idx %arg9[%add3A_825] : memref<384xf32, #tpu.memory_space<vmem>>[vector<16xi32>], vector<16xf32>,
        %mul3A_827 = arith.mulf %sub3A_623, %gather3A_826 : vector<16xf32>
        %add3A_828 = arith.addf %add3A_822, %mul3A_827 : vector<16xf32>
        %broadcast_in_dim3A_829 = arith.constant 0 : i32
        %broadcast_in_dim3A_830 = vector.broadcast %broadcast_in_dim3A_829 : i32 to vector<16xi32>
        %mul3A_831 = arith.mulf %mul3A_678, %add3A_734 : vector<16xf32>
        tpu.vector_store_idx %arg13[%add3A_480, %broadcast_in_dim3A_830], %mul3A_831 : memref<2000x16xf32, #tpu.memory_space<vmem>>[vector<16xi32>, vector<16xi32>], vector<16xf32>,
        %broadcast_in_dim3A_832 = arith.constant 1 : i32
        %broadcast_in_dim3A_833 = vector.broadcast %broadcast_in_dim3A_832 : i32 to vector<16xi32>
        %mul3A_834 = arith.mulf %mul3A_678, %add3A_781 : vector<16xf32>
        tpu.vector_store_idx %arg13[%add3A_480, %broadcast_in_dim3A_833], %mul3A_834 : memref<2000x16xf32, #tpu.memory_space<vmem>>[vector<16xi32>, vector<16xi32>], vector<16xf32>,
        %broadcast_in_dim3A_835 = arith.constant 2 : i32
        %broadcast_in_dim3A_836 = vector.broadcast %broadcast_in_dim3A_835 : i32 to vector<16xi32>
        %mul3A_837 = arith.mulf %mul3A_678, %add3A_828 : vector<16xf32>
        tpu.vector_store_idx %arg13[%add3A_480, %broadcast_in_dim3A_836], %mul3A_837 : memref<2000x16xf32, #tpu.memory_space<vmem>>[vector<16xi32>, vector<16xi32>], vector<16xf32>,
        %broadcast_in_dim3A_838 = arith.constant 3 : i32
        %broadcast_in_dim3A_839 = vector.broadcast %broadcast_in_dim3A_838 : i32 to vector<16xi32>
        %mul3A_840 = arith.mulf %mul3A_679, %add3A_734 : vector<16xf32>
        tpu.vector_store_idx %arg13[%add3A_480, %broadcast_in_dim3A_839], %mul3A_840 : memref<2000x16xf32, #tpu.memory_space<vmem>>[vector<16xi32>, vector<16xi32>], vector<16xf32>,
        %broadcast_in_dim3A_841 = arith.constant 4 : i32
        %broadcast_in_dim3A_842 = vector.broadcast %broadcast_in_dim3A_841 : i32 to vector<16xi32>
        %mul3A_843 = arith.mulf %mul3A_679, %add3A_781 : vector<16xf32>
        tpu.vector_store_idx %arg13[%add3A_480, %broadcast_in_dim3A_842], %mul3A_843 : memref<2000x16xf32, #tpu.memory_space<vmem>>[vector<16xi32>, vector<16xi32>], vector<16xf32>,
        %broadcast_in_dim3A_844 = arith.constant 5 : i32
        %broadcast_in_dim3A_845 = vector.broadcast %broadcast_in_dim3A_844 : i32 to vector<16xi32>
        %mul3A_846 = arith.mulf %mul3A_679, %add3A_828 : vector<16xf32>
        tpu.vector_store_idx %arg13[%add3A_480, %broadcast_in_dim3A_845], %mul3A_846 : memref<2000x16xf32, #tpu.memory_space<vmem>>[vector<16xi32>, vector<16xi32>], vector<16xf32>,
        %broadcast_in_dim3A_847 = arith.constant 6 : i32
        %broadcast_in_dim3A_848 = vector.broadcast %broadcast_in_dim3A_847 : i32 to vector<16xi32>
        %mul3A_849 = arith.mulf %mul3A_680, %add3A_734 : vector<16xf32>
        tpu.vector_store_idx %arg13[%add3A_480, %broadcast_in_dim3A_848], %mul3A_849 : memref<2000x16xf32, #tpu.memory_space<vmem>>[vector<16xi32>, vector<16xi32>], vector<16xf32>,
        %broadcast_in_dim3A_850 = arith.constant 7 : i32
        %broadcast_in_dim3A_851 = vector.broadcast %broadcast_in_dim3A_850 : i32 to vector<16xi32>
        %mul3A_852 = arith.mulf %mul3A_680, %add3A_781 : vector<16xf32>
        tpu.vector_store_idx %arg13[%add3A_480, %broadcast_in_dim3A_851], %mul3A_852 : memref<2000x16xf32, #tpu.memory_space<vmem>>[vector<16xi32>, vector<16xi32>], vector<16xf32>,
        %broadcast_in_dim3A_853 = arith.constant 8 : i32
        %broadcast_in_dim3A_854 = vector.broadcast %broadcast_in_dim3A_853 : i32 to vector<16xi32>
        %mul3A_855 = arith.mulf %mul3A_680, %add3A_828 : vector<16xf32>
        tpu.vector_store_idx %arg13[%add3A_480, %broadcast_in_dim3A_854], %mul3A_855 : memref<2000x16xf32, #tpu.memory_space<vmem>>[vector<16xi32>, vector<16xi32>], vector<16xf32>,
        %jit3A_856 = arith.constant 5 : i32
        %div3A_857 = arith.divsi %add3A_476, %jit3A_856 : i32
        %sign3A_858 = arith.constant 0 : i32
        %sign3A_859 = arith.cmpi sgt, %add3A_476, %sign3A_858 : i32
        %sign3A_860 = arith.extui %sign3A_859 : i1 to i32
        %sign3A_861 = arith.constant 0 : i32
        %sign3A_862 = arith.cmpi slt, %add3A_476, %sign3A_861 : i32
        %sign3A_863 = arith.extui %sign3A_862 : i1 to i32
        %sign3A_864 = arith.subi %sign3A_860, %sign3A_863 : i32
        %sign3A_865 = arith.constant 0 : i32
        %sign3A_866 = arith.cmpi sgt, %jit3A_856, %sign3A_865 : i32
        %sign3A_867 = arith.extui %sign3A_866 : i1 to i32
        %sign3A_868 = arith.constant 0 : i32
        %sign3A_869 = arith.cmpi slt, %jit3A_856, %sign3A_868 : i32
        %sign3A_870 = arith.extui %sign3A_869 : i1 to i32
        %sign3A_871 = arith.subi %sign3A_867, %sign3A_870 : i32
        %ne3A_872 = arith.cmpi ne, %sign3A_864, %sign3A_871 : i32
        %rem3A_873 = arith.remsi %add3A_476, %jit3A_856 : i32
        %ne3A_874 = arith.constant 0 : i32
        %ne3A_875 = arith.cmpi ne, %rem3A_873, %ne3A_874 : i32
        %and3A_876 = arith.andi %ne3A_872, %ne3A_875 : i1
        %sub3A_877 = arith.constant 1 : i32
        %sub3A_878 = arith.subi %div3A_857, %sub3A_877 : i32
        %select_n3A_879 = arith.select %and3A_876, %sub3A_878, %div3A_857 : i32
        %broadcast_in_dim3A_880 = vector.broadcast %select_n3A_879 : i32 to vector<16xi32>
        %jit3A_881 = arith.constant 5 : i32
        %eq3A_882 = arith.constant 0 : i32
        %eq3A_883 = arith.cmpi eq, %jit3A_881, %eq3A_882 : i32
        %jit3A_884 = arith.constant 1 : i32
        %select_n3A_885 = arith.select %eq3A_883, %jit3A_884, %jit3A_881 : i32
        %rem3A_886 = arith.remsi %add3A_476, %select_n3A_885 : i32
        %ne3A_887 = arith.constant 0 : i32
        %ne3A_888 = arith.cmpi ne, %rem3A_886, %ne3A_887 : i32
        %lt3A_889 = arith.constant 0 : i32
        %lt3A_890 = arith.cmpi slt, %rem3A_886, %lt3A_889 : i32
        %lt3A_891 = arith.constant 0 : i32
        %lt3A_892 = arith.cmpi slt, %select_n3A_885, %lt3A_891 : i32
        %ne3A_893 = arith.xori %lt3A_890, %lt3A_892 : i1
        %and3A_894 = arith.andi %ne3A_893, %ne3A_888 : i1
        %add3A_895 = arith.addi %rem3A_886, %select_n3A_885 : i32
        %select_n3A_896 = arith.select %and3A_894, %add3A_895, %rem3A_886 : i32
        %mul3A_897 = arith.constant 16 : i32
        %mul3A_898 = arith.muli %select_n3A_896, %mul3A_897 : i32
        %add3A_899 = vector.broadcast %mul3A_898 : i32 to vector<16xi32>
        %add3A_900 = arith.addi %iota3A, %add3A_899 : vector<16xi32>
        tpu.vector_store_idx %arg14[%broadcast_in_dim3A_880, %add3A_900], %gather3A_492 : memref<25x80xi32, #tpu.memory_space<vmem>>[vector<16xi32>, vector<16xi32>], vector<16xi32>,
        %scan3A_901 = arith.constant 1 : i32
        %scan3A_902 = arith.addi %scan3A_472, %scan3A_901 : i32
        %mul3A_903 = arith.constant 1 : i32
        %mul3A_904 = arith.muli %scan3A_902, %mul3A_903 : i32
        %add3A_905 = arith.constant 0 : i32
        %add3A_906 = arith.addi %add3A_905, %mul3A_904 : i32
        %mul3A_907 = arith.constant 16 : i32
        %mul3A_908 = arith.muli %add3A_906, %mul3A_907 : i32
        %add3A_909 = vector.broadcast %mul3A_908 : i32 to vector<16xi32>
        %add3A_910 = arith.addi %iota3A, %add3A_909 : vector<16xi32>
        %broadcast_in_dim3A_911 = arith.constant 0 : i32
        %broadcast_in_dim3A_912 = vector.broadcast %broadcast_in_dim3A_911 : i32 to vector<16xi32>
        %gather3A_913 = tpu.vector_load_idx %arg10[%add3A_910, %broadcast_in_dim3A_912] : memref<2000x3xf32, #tpu.memory_space<vmem>>[vector<16xi32>, vector<16xi32>], vector<16xf32>,
        %add3A_914 = arith.constant 1 : i32
        %add3A_915 = vector.broadcast %add3A_914 : i32 to vector<16xi32>
        %add3A_916 = arith.addi %broadcast_in_dim3A_912, %add3A_915 : vector<16xi32>
        %gather3A_917 = tpu.vector_load_idx %arg10[%add3A_910, %add3A_916] : memref<2000x3xf32, #tpu.memory_space<vmem>>[vector<16xi32>, vector<16xi32>], vector<16xf32>,
        %add3A_918 = arith.constant 2 : i32
        %add3A_919 = vector.broadcast %add3A_918 : i32 to vector<16xi32>
        %add3A_920 = arith.addi %broadcast_in_dim3A_912, %add3A_919 : vector<16xi32>
        %gather3A_921 = tpu.vector_load_idx %arg10[%add3A_910, %add3A_920] : memref<2000x3xf32, #tpu.memory_space<vmem>>[vector<16xi32>, vector<16xi32>], vector<16xf32>,
        %gather3A_922 = tpu.vector_load_idx %arg11[%add3A_910] : memref<2000xi32, #tpu.memory_space<vmem>>[vector<16xi32>], vector<16xi32>,
        %gather3A_923 = tpu.vector_load_idx %arg12[%add3A_910] : memref<2000xi32, #tpu.memory_space<vmem>>[vector<16xi32>], vector<16xi32>,
        %shift_right_logical3A_924 = arith.constant 4 : i32
        %shift_right_logical3A_925 = vector.broadcast %shift_right_logical3A_924 : i32 to vector<16xi32>
        %shift_right_logical3A_926 = arith.shrui %gather3A_922, %shift_right_logical3A_925 : vector<16xi32>
        %gather3A_927 = tpu.vector_load_idx %arg8[%shift_right_logical3A_926] : memref<3200xi32, #tpu.memory_space<vmem>>[vector<16xi32>], vector<16xi32>,
        %shift_right_logical3A_928 = arith.constant 4 : i32
        %shift_right_logical3A_929 = vector.broadcast %shift_right_logical3A_928 : i32 to vector<16xi32>
        %shift_right_logical3A_930 = arith.shrui %gather3A_923, %shift_right_logical3A_929 : vector<16xi32>
        %gather3A_931 = tpu.vector_load_idx %arg8[%shift_right_logical3A_930] : memref<3200xi32, #tpu.memory_space<vmem>>[vector<16xi32>], vector<16xi32>,
        %and3A_932 = arith.constant 15 : i32
        %and3A_933 = vector.broadcast %and3A_932 : i32 to vector<16xi32>
        %and3A_934 = arith.andi %gather3A_922, %and3A_933 : vector<16xi32>
        %mul3A_935 = arith.constant 2 : i32
        %mul3A_936 = vector.broadcast %mul3A_935 : i32 to vector<16xi32>
        %mul3A_937 = arith.muli %and3A_934, %mul3A_936 : vector<16xi32>
        %shift_right_logical3A_938 = arith.shrui %gather3A_927, %mul3A_937 : vector<16xi32>
        %and3A_939 = arith.constant 3 : i32
        %and3A_940 = vector.broadcast %and3A_939 : i32 to vector<16xi32>
        %and3A_941 = arith.andi %shift_right_logical3A_938, %and3A_940 : vector<16xi32>
        %and3A_942 = arith.constant 15 : i32
        %and3A_943 = vector.broadcast %and3A_942 : i32 to vector<16xi32>
        %and3A_944 = arith.andi %gather3A_923, %and3A_943 : vector<16xi32>
        %mul3A_945 = arith.constant 2 : i32
        %mul3A_946 = vector.broadcast %mul3A_945 : i32 to vector<16xi32>
        %mul3A_947 = arith.muli %and3A_944, %mul3A_946 : vector<16xi32>
        %shift_right_logical3A_948 = arith.shrui %gather3A_931, %mul3A_947 : vector<16xi32>
        %and3A_949 = arith.constant 3 : i32
        %and3A_950 = vector.broadcast %and3A_949 : i32 to vector<16xi32>
        %and3A_951 = arith.andi %shift_right_logical3A_948, %and3A_950 : vector<16xi32>
        %mul3A_952 = arith.mulf %gather3A_913, %gather3A_913 : vector<16xf32>
        %mul3A_953 = arith.mulf %gather3A_917, %gather3A_917 : vector<16xf32>
        %add3A_954 = arith.addf %mul3A_952, %mul3A_953 : vector<16xf32>
        %mul3A_955 = arith.mulf %gather3A_921, %gather3A_921 : vector<16xf32>
        %add3A_956 = arith.addf %add3A_954, %mul3A_955 : vector<16xf32>
        %add3A_957 = arith.constant 9.99999996E-13 : f32
        %add3A_958 = vector.broadcast %add3A_957 : f32 to vector<16xf32>
        %add3A_959 = arith.addf %add3A_956, %add3A_958 : vector<16xf32>
        %bitcast_convert_type3A_960 = tpu.bitcast %add3A_959 : vector<16xf32> -> vector<16xi32>
        %shift_right_arithmetic3A_961 = arith.constant 1 : i32
        %shift_right_arithmetic3A_962 = vector.broadcast %shift_right_arithmetic3A_961 : i32 to vector<16xi32>
        %shift_right_arithmetic3A_963 = arith.shrsi %bitcast_convert_type3A_960, %shift_right_arithmetic3A_962 : vector<16xi32>
        %sub3A_964 = arith.constant 1597463007 : i32
        %sub3A_965 = vector.broadcast %sub3A_964 : i32 to vector<16xi32>
        %sub3A_966 = arith.subi %sub3A_965, %shift_right_arithmetic3A_963 : vector<16xi32>
        %bitcast_convert_type3A_967 = tpu.bitcast %sub3A_966 : vector<16xi32> -> vector<16xf32>
        %mul3A_968 = arith.constant 5.000000e-01 : f32
        %mul3A_969 = vector.broadcast %mul3A_968 : f32 to vector<16xf32>
        %mul3A_970 = arith.mulf %mul3A_969, %add3A_959 : vector<16xf32>
        %mul3A_971 = arith.mulf %mul3A_970, %bitcast_convert_type3A_967 : vector<16xf32>
        %mul3A_972 = arith.mulf %mul3A_971, %bitcast_convert_type3A_967 : vector<16xf32>
        %sub3A_973 = arith.constant 1.500000e+00 : f32
        %sub3A_974 = vector.broadcast %sub3A_973 : f32 to vector<16xf32>
        %sub3A_975 = arith.subf %sub3A_974, %mul3A_972 : vector<16xf32>
        %mul3A_976 = arith.mulf %bitcast_convert_type3A_967, %sub3A_975 : vector<16xf32>
        %mul3A_977 = arith.constant 5.000000e-01 : f32
        %mul3A_978 = vector.broadcast %mul3A_977 : f32 to vector<16xf32>
        %mul3A_979 = arith.mulf %mul3A_978, %add3A_959 : vector<16xf32>
        %mul3A_980 = arith.mulf %mul3A_979, %mul3A_976 : vector<16xf32>
        %mul3A_981 = arith.mulf %mul3A_980, %mul3A_976 : vector<16xf32>
        %sub3A_982 = arith.constant 1.500000e+00 : f32
        %sub3A_983 = vector.broadcast %sub3A_982 : f32 to vector<16xf32>
        %sub3A_984 = arith.subf %sub3A_983, %mul3A_981 : vector<16xf32>
        %mul3A_985 = arith.mulf %mul3A_976, %sub3A_984 : vector<16xf32>
        %mul3A_986 = arith.mulf %add3A_959, %mul3A_985 : vector<16xf32>
        %min3A_987 = arith.constant 5.000000e+00 : f32
        %min3A_988 = vector.broadcast %min3A_987 : f32 to vector<16xf32>
        %min3A_989 = arith.minimumf %mul3A_986, %min3A_988 : vector<16xf32>
        %mul3A_990 = arith.constant 0.628318548 : f32
        %mul3A_991 = vector.broadcast %mul3A_990 : f32 to vector<16xf32>
        %mul3A_992 = arith.mulf %min3A_989, %mul3A_991 : vector<16xf32>
        %sub3A_993 = arith.constant 1.57079637 : f32
        %sub3A_994 = vector.broadcast %sub3A_993 : f32 to vector<16xf32>
        %sub3A_995 = arith.subf %mul3A_992, %sub3A_994 : vector<16xf32>
        %mul3A_996 = arith.mulf %sub3A_995, %sub3A_995 : vector<16xf32>
        %mul3A_997 = arith.constant 2.48015876E-5 : f32
        %mul3A_998 = vector.broadcast %mul3A_997 : f32 to vector<16xf32>
        %mul3A_999 = arith.mulf %mul3A_996, %mul3A_998 : vector<16xf32>
        %add3A_1000 = arith.constant -0.00138888892 : f32
        %add3A_1001 = vector.broadcast %add3A_1000 : f32 to vector<16xf32>
        %add3A_1002 = arith.addf %add3A_1001, %mul3A_999 : vector<16xf32>
        %mul3A_1003 = arith.mulf %mul3A_996, %add3A_1002 : vector<16xf32>
        %add3A_1004 = arith.constant 0.0416666679 : f32
        %add3A_1005 = vector.broadcast %add3A_1004 : f32 to vector<16xf32>
        %add3A_1006 = arith.addf %add3A_1005, %mul3A_1003 : vector<16xf32>
        %mul3A_1007 = arith.mulf %mul3A_996, %add3A_1006 : vector<16xf32>
        %add3A_1008 = arith.constant -5.000000e-01 : f32
        %add3A_1009 = vector.broadcast %add3A_1008 : f32 to vector<16xf32>
        %add3A_1010 = arith.addf %add3A_1009, %mul3A_1007 : vector<16xf32>
        %mul3A_1011 = arith.mulf %mul3A_996, %add3A_1010 : vector<16xf32>
        %add3A_1012 = arith.constant 1.000000e+00 : f32
        %add3A_1013 = vector.broadcast %add3A_1012 : f32 to vector<16xf32>
        %add3A_1014 = arith.addf %add3A_1013, %mul3A_1011 : vector<16xf32>
        %mul3A_1015 = arith.mulf %sub3A_995, %sub3A_995 : vector<16xf32>
        %mul3A_1016 = arith.constant 2.75573188E-6 : f32
        %mul3A_1017 = vector.broadcast %mul3A_1016 : f32 to vector<16xf32>
        %mul3A_1018 = arith.mulf %mul3A_1015, %mul3A_1017 : vector<16xf32>
        %add3A_1019 = arith.constant -1.98412701E-4 : f32
        %add3A_1020 = vector.broadcast %add3A_1019 : f32 to vector<16xf32>
        %add3A_1021 = arith.addf %add3A_1020, %mul3A_1018 : vector<16xf32>
        %mul3A_1022 = arith.mulf %mul3A_1015, %add3A_1021 : vector<16xf32>
        %add3A_1023 = arith.constant 0.00833333377 : f32
        %add3A_1024 = vector.broadcast %add3A_1023 : f32 to vector<16xf32>
        %add3A_1025 = arith.addf %add3A_1024, %mul3A_1022 : vector<16xf32>
        %mul3A_1026 = arith.mulf %mul3A_1015, %add3A_1025 : vector<16xf32>
        %add3A_1027 = arith.constant -0.166666672 : f32
        %add3A_1028 = vector.broadcast %add3A_1027 : f32 to vector<16xf32>
        %add3A_1029 = arith.addf %add3A_1028, %mul3A_1026 : vector<16xf32>
        %mul3A_1030 = arith.mulf %mul3A_1015, %add3A_1029 : vector<16xf32>
        %add3A_1031 = arith.constant 1.000000e+00 : f32
        %add3A_1032 = vector.broadcast %add3A_1031 : f32 to vector<16xf32>
        %add3A_1033 = arith.addf %add3A_1032, %mul3A_1030 : vector<16xf32>
        %mul3A_1034 = arith.mulf %sub3A_995, %add3A_1033 : vector<16xf32>
        %neg3A_1035 = arith.constant 0.000000e+00 : f32
        %neg3A_1036 = vector.broadcast %neg3A_1035 : f32 to vector<16xf32>
        %neg3A_1037 = arith.subf %neg3A_1036, %mul3A_1034 : vector<16xf32>
        %mul3A_1038 = arith.constant 2.000000e+00 : f32
        %mul3A_1039 = vector.broadcast %mul3A_1038 : f32 to vector<16xf32>
        %mul3A_1040 = arith.mulf %mul3A_1039, %neg3A_1037 : vector<16xf32>
        %mul3A_1041 = arith.mulf %mul3A_1040, %add3A_1014 : vector<16xf32>
        %mul3A_1042 = arith.mulf %mul3A_1040, %mul3A_1041 : vector<16xf32>
        %sub3A_1043 = arith.subf %mul3A_1042, %add3A_1014 : vector<16xf32>
        %mul3A_1044 = arith.mulf %mul3A_1040, %sub3A_1043 : vector<16xf32>
        %sub3A_1045 = arith.subf %mul3A_1044, %mul3A_1041 : vector<16xf32>
        %mul3A_1046 = arith.mulf %mul3A_1040, %sub3A_1045 : vector<16xf32>
        %sub3A_1047 = arith.subf %mul3A_1046, %sub3A_1043 : vector<16xf32>
        %mul3A_1048 = arith.mulf %mul3A_1040, %sub3A_1047 : vector<16xf32>
        %sub3A_1049 = arith.subf %mul3A_1048, %sub3A_1045 : vector<16xf32>
        %mul3A_1050 = arith.mulf %mul3A_1040, %sub3A_1049 : vector<16xf32>
        %sub3A_1051 = arith.subf %mul3A_1050, %sub3A_1047 : vector<16xf32>
        %mul3A_1052 = arith.mulf %mul3A_1040, %sub3A_1051 : vector<16xf32>
        %sub3A_1053 = arith.subf %mul3A_1052, %sub3A_1049 : vector<16xf32>
        %sub3A_1054 = arith.constant 4.500000e+00 : f32
        %sub3A_1055 = vector.broadcast %sub3A_1054 : f32 to vector<16xf32>
        %sub3A_1056 = arith.subf %min3A_989, %sub3A_1055 : vector<16xf32>
        %mul3A_1057 = arith.constant 2.000000e+00 : f32
        %mul3A_1058 = vector.broadcast %mul3A_1057 : f32 to vector<16xf32>
        %mul3A_1059 = arith.mulf %sub3A_1056, %mul3A_1058 : vector<16xf32>
        %jit3A_1060 = arith.constant 0.000000e+00 : f32
        %jit3A_1061 = arith.constant 1.000000e+00 : f32
        %max3A_1062 = vector.broadcast %jit3A_1060 : f32 to vector<16xf32>
        %max3A_1063 = arith.maximumf %max3A_1062, %mul3A_1059 : vector<16xf32>
        %min3A_1064 = vector.broadcast %jit3A_1061 : f32 to vector<16xf32>
        %min3A_1065 = arith.minimumf %min3A_1064, %max3A_1063 : vector<16xf32>
        %mul3A_1066 = arith.constant 3.14159274 : f32
        %mul3A_1067 = vector.broadcast %mul3A_1066 : f32 to vector<16xf32>
        %mul3A_1068 = arith.mulf %min3A_1065, %mul3A_1067 : vector<16xf32>
        %sub3A_1069 = arith.constant 1.57079637 : f32
        %sub3A_1070 = vector.broadcast %sub3A_1069 : f32 to vector<16xf32>
        %sub3A_1071 = arith.subf %mul3A_1068, %sub3A_1070 : vector<16xf32>
        %mul3A_1072 = arith.mulf %sub3A_1071, %sub3A_1071 : vector<16xf32>
        %mul3A_1073 = arith.constant 2.75573188E-6 : f32
        %mul3A_1074 = vector.broadcast %mul3A_1073 : f32 to vector<16xf32>
        %mul3A_1075 = arith.mulf %mul3A_1072, %mul3A_1074 : vector<16xf32>
        %add3A_1076 = arith.constant -1.98412701E-4 : f32
        %add3A_1077 = vector.broadcast %add3A_1076 : f32 to vector<16xf32>
        %add3A_1078 = arith.addf %add3A_1077, %mul3A_1075 : vector<16xf32>
        %mul3A_1079 = arith.mulf %mul3A_1072, %add3A_1078 : vector<16xf32>
        %add3A_1080 = arith.constant 0.00833333377 : f32
        %add3A_1081 = vector.broadcast %add3A_1080 : f32 to vector<16xf32>
        %add3A_1082 = arith.addf %add3A_1081, %mul3A_1079 : vector<16xf32>
        %mul3A_1083 = arith.mulf %mul3A_1072, %add3A_1082 : vector<16xf32>
        %add3A_1084 = arith.constant -0.166666672 : f32
        %add3A_1085 = vector.broadcast %add3A_1084 : f32 to vector<16xf32>
        %add3A_1086 = arith.addf %add3A_1085, %mul3A_1083 : vector<16xf32>
        %mul3A_1087 = arith.mulf %mul3A_1072, %add3A_1086 : vector<16xf32>
        %add3A_1088 = arith.constant 1.000000e+00 : f32
        %add3A_1089 = vector.broadcast %add3A_1088 : f32 to vector<16xf32>
        %add3A_1090 = arith.addf %add3A_1089, %mul3A_1087 : vector<16xf32>
        %mul3A_1091 = arith.mulf %sub3A_1071, %add3A_1090 : vector<16xf32>
        %sub3A_1092 = arith.constant 1.000000e+00 : f32
        %sub3A_1093 = vector.broadcast %sub3A_1092 : f32 to vector<16xf32>
        %sub3A_1094 = arith.subf %sub3A_1093, %mul3A_1091 : vector<16xf32>
        %mul3A_1095 = arith.constant 5.000000e-01 : f32
        %mul3A_1096 = vector.broadcast %mul3A_1095 : f32 to vector<16xf32>
        %mul3A_1097 = arith.mulf %mul3A_1096, %sub3A_1094 : vector<16xf32>
        %lt3A_1098 = arith.constant 5.000000e+00 : f32
        %lt3A_1099 = vector.broadcast %lt3A_1098 : f32 to vector<16xf32>
        %lt3A_1100 = arith.cmpf olt, %mul3A_986, %lt3A_1099 : vector<16xf32>
        %jit3A_1101 = arith.constant 0.000000e+00 : f32
        %broadcast_in_dim3A_1102 = vector.broadcast %jit3A_1101 : f32 to vector<16xf32>
        %select_n3A_1103 = arith.select %lt3A_1100, %mul3A_1097, %broadcast_in_dim3A_1102 : vector<16xi1>, vector<16xf32>
        %mul3A_1104 = arith.constant 0.488602519 : f32
        %mul3A_1105 = vector.broadcast %mul3A_1104 : f32 to vector<16xf32>
        %mul3A_1106 = arith.mulf %select_n3A_1103, %mul3A_1105 : vector<16xf32>
        %mul3A_1107 = arith.mulf %mul3A_1106, %mul3A_985 : vector<16xf32>
        %mul3A_1108 = arith.mulf %gather3A_917, %mul3A_1107 : vector<16xf32>
        %mul3A_1109 = arith.mulf %gather3A_921, %mul3A_1107 : vector<16xf32>
        %mul3A_1110 = arith.mulf %gather3A_913, %mul3A_1107 : vector<16xf32>
        %mul3A_1111 = arith.constant 96 : i32
        %mul3A_1112 = vector.broadcast %mul3A_1111 : i32 to vector<16xi32>
        %mul3A_1113 = arith.muli %and3A_941, %mul3A_1112 : vector<16xi32>
        %mul3A_1114 = arith.constant 3 : i32
        %mul3A_1115 = vector.broadcast %mul3A_1114 : i32 to vector<16xi32>
        %mul3A_1116 = arith.muli %and3A_951, %mul3A_1115 : vector<16xi32>
        %add3A_1117 = arith.addi %mul3A_1113, %mul3A_1116 : vector<16xi32>
        %add3A_1118 = arith.constant 0 : i32
        %add3A_1119 = vector.broadcast %add3A_1118 : i32 to vector<16xi32>
        %add3A_1120 = arith.addi %add3A_1117, %add3A_1119 : vector<16xi32>
        %gather3A_1121 = tpu.vector_load_idx %arg9[%add3A_1120] : memref<384xf32, #tpu.memory_space<vmem>>[vector<16xi32>], vector<16xf32>,
        %mul3A_1122 = arith.mulf %add3A_1014, %gather3A_1121 : vector<16xf32>
        %add3A_1123 = arith.constant 12 : i32
        %add3A_1124 = vector.broadcast %add3A_1123 : i32 to vector<16xi32>
        %add3A_1125 = arith.addi %add3A_1117, %add3A_1124 : vector<16xi32>
        %gather3A_1126 = tpu.vector_load_idx %arg9[%add3A_1125] : memref<384xf32, #tpu.memory_space<vmem>>[vector<16xi32>], vector<16xf32>,
        %mul3A_1127 = arith.mulf %mul3A_1041, %gather3A_1126 : vector<16xf32>
        %add3A_1128 = arith.addf %mul3A_1122, %mul3A_1127 : vector<16xf32>
        %add3A_1129 = arith.constant 24 : i32
        %add3A_1130 = vector.broadcast %add3A_1129 : i32 to vector<16xi32>
        %add3A_1131 = arith.addi %add3A_1117, %add3A_1130 : vector<16xi32>
        %gather3A_1132 = tpu.vector_load_idx %arg9[%add3A_1131] : memref<384xf32, #tpu.memory_space<vmem>>[vector<16xi32>], vector<16xf32>,
        %mul3A_1133 = arith.mulf %sub3A_1043, %gather3A_1132 : vector<16xf32>
        %add3A_1134 = arith.addf %add3A_1128, %mul3A_1133 : vector<16xf32>
        %add3A_1135 = arith.constant 36 : i32
        %add3A_1136 = vector.broadcast %add3A_1135 : i32 to vector<16xi32>
        %add3A_1137 = arith.addi %add3A_1117, %add3A_1136 : vector<16xi32>
        %gather3A_1138 = tpu.vector_load_idx %arg9[%add3A_1137] : memref<384xf32, #tpu.memory_space<vmem>>[vector<16xi32>], vector<16xf32>,
        %mul3A_1139 = arith.mulf %sub3A_1045, %gather3A_1138 : vector<16xf32>
        %add3A_1140 = arith.addf %add3A_1134, %mul3A_1139 : vector<16xf32>
        %add3A_1141 = arith.constant 48 : i32
        %add3A_1142 = vector.broadcast %add3A_1141 : i32 to vector<16xi32>
        %add3A_1143 = arith.addi %add3A_1117, %add3A_1142 : vector<16xi32>
        %gather3A_1144 = tpu.vector_load_idx %arg9[%add3A_1143] : memref<384xf32, #tpu.memory_space<vmem>>[vector<16xi32>], vector<16xf32>,
        %mul3A_1145 = arith.mulf %sub3A_1047, %gather3A_1144 : vector<16xf32>
        %add3A_1146 = arith.addf %add3A_1140, %mul3A_1145 : vector<16xf32>
        %add3A_1147 = arith.constant 60 : i32
        %add3A_1148 = vector.broadcast %add3A_1147 : i32 to vector<16xi32>
        %add3A_1149 = arith.addi %add3A_1117, %add3A_1148 : vector<16xi32>
        %gather3A_1150 = tpu.vector_load_idx %arg9[%add3A_1149] : memref<384xf32, #tpu.memory_space<vmem>>[vector<16xi32>], vector<16xf32>,
        %mul3A_1151 = arith.mulf %sub3A_1049, %gather3A_1150 : vector<16xf32>
        %add3A_1152 = arith.addf %add3A_1146, %mul3A_1151 : vector<16xf32>
        %add3A_1153 = arith.constant 72 : i32
        %add3A_1154 = vector.broadcast %add3A_1153 : i32 to vector<16xi32>
        %add3A_1155 = arith.addi %add3A_1117, %add3A_1154 : vector<16xi32>
        %gather3A_1156 = tpu.vector_load_idx %arg9[%add3A_1155] : memref<384xf32, #tpu.memory_space<vmem>>[vector<16xi32>], vector<16xf32>,
        %mul3A_1157 = arith.mulf %sub3A_1051, %gather3A_1156 : vector<16xf32>
        %add3A_1158 = arith.addf %add3A_1152, %mul3A_1157 : vector<16xf32>
        %add3A_1159 = arith.constant 84 : i32
        %add3A_1160 = vector.broadcast %add3A_1159 : i32 to vector<16xi32>
        %add3A_1161 = arith.addi %add3A_1117, %add3A_1160 : vector<16xi32>
        %gather3A_1162 = tpu.vector_load_idx %arg9[%add3A_1161] : memref<384xf32, #tpu.memory_space<vmem>>[vector<16xi32>], vector<16xf32>,
        %mul3A_1163 = arith.mulf %sub3A_1053, %gather3A_1162 : vector<16xf32>
        %add3A_1164 = arith.addf %add3A_1158, %mul3A_1163 : vector<16xf32>
        %add3A_1165 = arith.constant 1 : i32
        %add3A_1166 = vector.broadcast %add3A_1165 : i32 to vector<16xi32>
        %add3A_1167 = arith.addi %add3A_1117, %add3A_1166 : vector<16xi32>
        %gather3A_1168 = tpu.vector_load_idx %arg9[%add3A_1167] : memref<384xf32, #tpu.memory_space<vmem>>[vector<16xi32>], vector<16xf32>,
        %mul3A_1169 = arith.mulf %add3A_1014, %gather3A_1168 : vector<16xf32>
        %add3A_1170 = arith.constant 13 : i32
        %add3A_1171 = vector.broadcast %add3A_1170 : i32 to vector<16xi32>
        %add3A_1172 = arith.addi %add3A_1117, %add3A_1171 : vector<16xi32>
        %gather3A_1173 = tpu.vector_load_idx %arg9[%add3A_1172] : memref<384xf32, #tpu.memory_space<vmem>>[vector<16xi32>], vector<16xf32>,
        %mul3A_1174 = arith.mulf %mul3A_1041, %gather3A_1173 : vector<16xf32>
        %add3A_1175 = arith.addf %mul3A_1169, %mul3A_1174 : vector<16xf32>
        %add3A_1176 = arith.constant 25 : i32
        %add3A_1177 = vector.broadcast %add3A_1176 : i32 to vector<16xi32>
        %add3A_1178 = arith.addi %add3A_1117, %add3A_1177 : vector<16xi32>
        %gather3A_1179 = tpu.vector_load_idx %arg9[%add3A_1178] : memref<384xf32, #tpu.memory_space<vmem>>[vector<16xi32>], vector<16xf32>,
        %mul3A_1180 = arith.mulf %sub3A_1043, %gather3A_1179 : vector<16xf32>
        %add3A_1181 = arith.addf %add3A_1175, %mul3A_1180 : vector<16xf32>
        %add3A_1182 = arith.constant 37 : i32
        %add3A_1183 = vector.broadcast %add3A_1182 : i32 to vector<16xi32>
        %add3A_1184 = arith.addi %add3A_1117, %add3A_1183 : vector<16xi32>
        %gather3A_1185 = tpu.vector_load_idx %arg9[%add3A_1184] : memref<384xf32, #tpu.memory_space<vmem>>[vector<16xi32>], vector<16xf32>,
        %mul3A_1186 = arith.mulf %sub3A_1045, %gather3A_1185 : vector<16xf32>
        %add3A_1187 = arith.addf %add3A_1181, %mul3A_1186 : vector<16xf32>
        %add3A_1188 = arith.constant 49 : i32
        %add3A_1189 = vector.broadcast %add3A_1188 : i32 to vector<16xi32>
        %add3A_1190 = arith.addi %add3A_1117, %add3A_1189 : vector<16xi32>
        %gather3A_1191 = tpu.vector_load_idx %arg9[%add3A_1190] : memref<384xf32, #tpu.memory_space<vmem>>[vector<16xi32>], vector<16xf32>,
        %mul3A_1192 = arith.mulf %sub3A_1047, %gather3A_1191 : vector<16xf32>
        %add3A_1193 = arith.addf %add3A_1187, %mul3A_1192 : vector<16xf32>
        %add3A_1194 = arith.constant 61 : i32
        %add3A_1195 = vector.broadcast %add3A_1194 : i32 to vector<16xi32>
        %add3A_1196 = arith.addi %add3A_1117, %add3A_1195 : vector<16xi32>
        %gather3A_1197 = tpu.vector_load_idx %arg9[%add3A_1196] : memref<384xf32, #tpu.memory_space<vmem>>[vector<16xi32>], vector<16xf32>,
        %mul3A_1198 = arith.mulf %sub3A_1049, %gather3A_1197 : vector<16xf32>
        %add3A_1199 = arith.addf %add3A_1193, %mul3A_1198 : vector<16xf32>
        %add3A_1200 = arith.constant 73 : i32
        %add3A_1201 = vector.broadcast %add3A_1200 : i32 to vector<16xi32>
        %add3A_1202 = arith.addi %add3A_1117, %add3A_1201 : vector<16xi32>
        %gather3A_1203 = tpu.vector_load_idx %arg9[%add3A_1202] : memref<384xf32, #tpu.memory_space<vmem>>[vector<16xi32>], vector<16xf32>,
        %mul3A_1204 = arith.mulf %sub3A_1051, %gather3A_1203 : vector<16xf32>
        %add3A_1205 = arith.addf %add3A_1199, %mul3A_1204 : vector<16xf32>
        %add3A_1206 = arith.constant 85 : i32
        %add3A_1207 = vector.broadcast %add3A_1206 : i32 to vector<16xi32>
        %add3A_1208 = arith.addi %add3A_1117, %add3A_1207 : vector<16xi32>
        %gather3A_1209 = tpu.vector_load_idx %arg9[%add3A_1208] : memref<384xf32, #tpu.memory_space<vmem>>[vector<16xi32>], vector<16xf32>,
        %mul3A_1210 = arith.mulf %sub3A_1053, %gather3A_1209 : vector<16xf32>
        %add3A_1211 = arith.addf %add3A_1205, %mul3A_1210 : vector<16xf32>
        %add3A_1212 = arith.constant 2 : i32
        %add3A_1213 = vector.broadcast %add3A_1212 : i32 to vector<16xi32>
        %add3A_1214 = arith.addi %add3A_1117, %add3A_1213 : vector<16xi32>
        %gather3A_1215 = tpu.vector_load_idx %arg9[%add3A_1214] : memref<384xf32, #tpu.memory_space<vmem>>[vector<16xi32>], vector<16xf32>,
        %mul3A_1216 = arith.mulf %add3A_1014, %gather3A_1215 : vector<16xf32>
        %add3A_1217 = arith.constant 14 : i32
        %add3A_1218 = vector.broadcast %add3A_1217 : i32 to vector<16xi32>
        %add3A_1219 = arith.addi %add3A_1117, %add3A_1218 : vector<16xi32>
        %gather3A_1220 = tpu.vector_load_idx %arg9[%add3A_1219] : memref<384xf32, #tpu.memory_space<vmem>>[vector<16xi32>], vector<16xf32>,
        %mul3A_1221 = arith.mulf %mul3A_1041, %gather3A_1220 : vector<16xf32>
        %add3A_1222 = arith.addf %mul3A_1216, %mul3A_1221 : vector<16xf32>
        %add3A_1223 = arith.constant 26 : i32
        %add3A_1224 = vector.broadcast %add3A_1223 : i32 to vector<16xi32>
        %add3A_1225 = arith.addi %add3A_1117, %add3A_1224 : vector<16xi32>
        %gather3A_1226 = tpu.vector_load_idx %arg9[%add3A_1225] : memref<384xf32, #tpu.memory_space<vmem>>[vector<16xi32>], vector<16xf32>,
        %mul3A_1227 = arith.mulf %sub3A_1043, %gather3A_1226 : vector<16xf32>
        %add3A_1228 = arith.addf %add3A_1222, %mul3A_1227 : vector<16xf32>
        %add3A_1229 = arith.constant 38 : i32
        %add3A_1230 = vector.broadcast %add3A_1229 : i32 to vector<16xi32>
        %add3A_1231 = arith.addi %add3A_1117, %add3A_1230 : vector<16xi32>
        %gather3A_1232 = tpu.vector_load_idx %arg9[%add3A_1231] : memref<384xf32, #tpu.memory_space<vmem>>[vector<16xi32>], vector<16xf32>,
        %mul3A_1233 = arith.mulf %sub3A_1045, %gather3A_1232 : vector<16xf32>
        %add3A_1234 = arith.addf %add3A_1228, %mul3A_1233 : vector<16xf32>
        %add3A_1235 = arith.constant 50 : i32
        %add3A_1236 = vector.broadcast %add3A_1235 : i32 to vector<16xi32>
        %add3A_1237 = arith.addi %add3A_1117, %add3A_1236 : vector<16xi32>
        %gather3A_1238 = tpu.vector_load_idx %arg9[%add3A_1237] : memref<384xf32, #tpu.memory_space<vmem>>[vector<16xi32>], vector<16xf32>,
        %mul3A_1239 = arith.mulf %sub3A_1047, %gather3A_1238 : vector<16xf32>
        %add3A_1240 = arith.addf %add3A_1234, %mul3A_1239 : vector<16xf32>
        %add3A_1241 = arith.constant 62 : i32
        %add3A_1242 = vector.broadcast %add3A_1241 : i32 to vector<16xi32>
        %add3A_1243 = arith.addi %add3A_1117, %add3A_1242 : vector<16xi32>
        %gather3A_1244 = tpu.vector_load_idx %arg9[%add3A_1243] : memref<384xf32, #tpu.memory_space<vmem>>[vector<16xi32>], vector<16xf32>,
        %mul3A_1245 = arith.mulf %sub3A_1049, %gather3A_1244 : vector<16xf32>
        %add3A_1246 = arith.addf %add3A_1240, %mul3A_1245 : vector<16xf32>
        %add3A_1247 = arith.constant 74 : i32
        %add3A_1248 = vector.broadcast %add3A_1247 : i32 to vector<16xi32>
        %add3A_1249 = arith.addi %add3A_1117, %add3A_1248 : vector<16xi32>
        %gather3A_1250 = tpu.vector_load_idx %arg9[%add3A_1249] : memref<384xf32, #tpu.memory_space<vmem>>[vector<16xi32>], vector<16xf32>,
        %mul3A_1251 = arith.mulf %sub3A_1051, %gather3A_1250 : vector<16xf32>
        %add3A_1252 = arith.addf %add3A_1246, %mul3A_1251 : vector<16xf32>
        %add3A_1253 = arith.constant 86 : i32
        %add3A_1254 = vector.broadcast %add3A_1253 : i32 to vector<16xi32>
        %add3A_1255 = arith.addi %add3A_1117, %add3A_1254 : vector<16xi32>
        %gather3A_1256 = tpu.vector_load_idx %arg9[%add3A_1255] : memref<384xf32, #tpu.memory_space<vmem>>[vector<16xi32>], vector<16xf32>,
        %mul3A_1257 = arith.mulf %sub3A_1053, %gather3A_1256 : vector<16xf32>
        %add3A_1258 = arith.addf %add3A_1252, %mul3A_1257 : vector<16xf32>
        %broadcast_in_dim3A_1259 = arith.constant 0 : i32
        %broadcast_in_dim3A_1260 = vector.broadcast %broadcast_in_dim3A_1259 : i32 to vector<16xi32>
        %mul3A_1261 = arith.mulf %mul3A_1108, %add3A_1164 : vector<16xf32>
        tpu.vector_store_idx %arg13[%add3A_910, %broadcast_in_dim3A_1260], %mul3A_1261 : memref<2000x16xf32, #tpu.memory_space<vmem>>[vector<16xi32>, vector<16xi32>], vector<16xf32>,
        %broadcast_in_dim3A_1262 = arith.constant 1 : i32
        %broadcast_in_dim3A_1263 = vector.broadcast %broadcast_in_dim3A_1262 : i32 to vector<16xi32>
        %mul3A_1264 = arith.mulf %mul3A_1108, %add3A_1211 : vector<16xf32>
        tpu.vector_store_idx %arg13[%add3A_910, %broadcast_in_dim3A_1263], %mul3A_1264 : memref<2000x16xf32, #tpu.memory_space<vmem>>[vector<16xi32>, vector<16xi32>], vector<16xf32>,
        %broadcast_in_dim3A_1265 = arith.constant 2 : i32
        %broadcast_in_dim3A_1266 = vector.broadcast %broadcast_in_dim3A_1265 : i32 to vector<16xi32>
        %mul3A_1267 = arith.mulf %mul3A_1108, %add3A_1258 : vector<16xf32>
        tpu.vector_store_idx %arg13[%add3A_910, %broadcast_in_dim3A_1266], %mul3A_1267 : memref<2000x16xf32, #tpu.memory_space<vmem>>[vector<16xi32>, vector<16xi32>], vector<16xf32>,
        %broadcast_in_dim3A_1268 = arith.constant 3 : i32
        %broadcast_in_dim3A_1269 = vector.broadcast %broadcast_in_dim3A_1268 : i32 to vector<16xi32>
        %mul3A_1270 = arith.mulf %mul3A_1109, %add3A_1164 : vector<16xf32>
        tpu.vector_store_idx %arg13[%add3A_910, %broadcast_in_dim3A_1269], %mul3A_1270 : memref<2000x16xf32, #tpu.memory_space<vmem>>[vector<16xi32>, vector<16xi32>], vector<16xf32>,
        %broadcast_in_dim3A_1271 = arith.constant 4 : i32
        %broadcast_in_dim3A_1272 = vector.broadcast %broadcast_in_dim3A_1271 : i32 to vector<16xi32>
        %mul3A_1273 = arith.mulf %mul3A_1109, %add3A_1211 : vector<16xf32>
        tpu.vector_store_idx %arg13[%add3A_910, %broadcast_in_dim3A_1272], %mul3A_1273 : memref<2000x16xf32, #tpu.memory_space<vmem>>[vector<16xi32>, vector<16xi32>], vector<16xf32>,
        %broadcast_in_dim3A_1274 = arith.constant 5 : i32
        %broadcast_in_dim3A_1275 = vector.broadcast %broadcast_in_dim3A_1274 : i32 to vector<16xi32>
        %mul3A_1276 = arith.mulf %mul3A_1109, %add3A_1258 : vector<16xf32>
        tpu.vector_store_idx %arg13[%add3A_910, %broadcast_in_dim3A_1275], %mul3A_1276 : memref<2000x16xf32, #tpu.memory_space<vmem>>[vector<16xi32>, vector<16xi32>], vector<16xf32>,
        %broadcast_in_dim3A_1277 = arith.constant 6 : i32
        %broadcast_in_dim3A_1278 = vector.broadcast %broadcast_in_dim3A_1277 : i32 to vector<16xi32>
        %mul3A_1279 = arith.mulf %mul3A_1110, %add3A_1164 : vector<16xf32>
        tpu.vector_store_idx %arg13[%add3A_910, %broadcast_in_dim3A_1278], %mul3A_1279 : memref<2000x16xf32, #tpu.memory_space<vmem>>[vector<16xi32>, vector<16xi32>], vector<16xf32>,
        %broadcast_in_dim3A_1280 = arith.constant 7 : i32
        %broadcast_in_dim3A_1281 = vector.broadcast %broadcast_in_dim3A_1280 : i32 to vector<16xi32>
        %mul3A_1282 = arith.mulf %mul3A_1110, %add3A_1211 : vector<16xf32>
        tpu.vector_store_idx %arg13[%add3A_910, %broadcast_in_dim3A_1281], %mul3A_1282 : memref<2000x16xf32, #tpu.memory_space<vmem>>[vector<16xi32>, vector<16xi32>], vector<16xf32>,
        %broadcast_in_dim3A_1283 = arith.constant 8 : i32
        %broadcast_in_dim3A_1284 = vector.broadcast %broadcast_in_dim3A_1283 : i32 to vector<16xi32>
        %mul3A_1285 = arith.mulf %mul3A_1110, %add3A_1258 : vector<16xf32>
        tpu.vector_store_idx %arg13[%add3A_910, %broadcast_in_dim3A_1284], %mul3A_1285 : memref<2000x16xf32, #tpu.memory_space<vmem>>[vector<16xi32>, vector<16xi32>], vector<16xf32>,
        %jit3A_1286 = arith.constant 5 : i32
        %div3A_1287 = arith.divsi %add3A_906, %jit3A_1286 : i32
        %sign3A_1288 = arith.constant 0 : i32
        %sign3A_1289 = arith.cmpi sgt, %add3A_906, %sign3A_1288 : i32
        %sign3A_1290 = arith.extui %sign3A_1289 : i1 to i32
        %sign3A_1291 = arith.constant 0 : i32
        %sign3A_1292 = arith.cmpi slt, %add3A_906, %sign3A_1291 : i32
        %sign3A_1293 = arith.extui %sign3A_1292 : i1 to i32
        %sign3A_1294 = arith.subi %sign3A_1290, %sign3A_1293 : i32
        %sign3A_1295 = arith.constant 0 : i32
        %sign3A_1296 = arith.cmpi sgt, %jit3A_1286, %sign3A_1295 : i32
        %sign3A_1297 = arith.extui %sign3A_1296 : i1 to i32
        %sign3A_1298 = arith.constant 0 : i32
        %sign3A_1299 = arith.cmpi slt, %jit3A_1286, %sign3A_1298 : i32
        %sign3A_1300 = arith.extui %sign3A_1299 : i1 to i32
        %sign3A_1301 = arith.subi %sign3A_1297, %sign3A_1300 : i32
        %ne3A_1302 = arith.cmpi ne, %sign3A_1294, %sign3A_1301 : i32
        %rem3A_1303 = arith.remsi %add3A_906, %jit3A_1286 : i32
        %ne3A_1304 = arith.constant 0 : i32
        %ne3A_1305 = arith.cmpi ne, %rem3A_1303, %ne3A_1304 : i32
        %and3A_1306 = arith.andi %ne3A_1302, %ne3A_1305 : i1
        %sub3A_1307 = arith.constant 1 : i32
        %sub3A_1308 = arith.subi %div3A_1287, %sub3A_1307 : i32
        %select_n3A_1309 = arith.select %and3A_1306, %sub3A_1308, %div3A_1287 : i32
        %broadcast_in_dim3A_1310 = vector.broadcast %select_n3A_1309 : i32 to vector<16xi32>
        %jit3A_1311 = arith.constant 5 : i32
        %eq3A_1312 = arith.constant 0 : i32
        %eq3A_1313 = arith.cmpi eq, %jit3A_1311, %eq3A_1312 : i32
        %jit3A_1314 = arith.constant 1 : i32
        %select_n3A_1315 = arith.select %eq3A_1313, %jit3A_1314, %jit3A_1311 : i32
        %rem3A_1316 = arith.remsi %add3A_906, %select_n3A_1315 : i32
        %ne3A_1317 = arith.constant 0 : i32
        %ne3A_1318 = arith.cmpi ne, %rem3A_1316, %ne3A_1317 : i32
        %lt3A_1319 = arith.constant 0 : i32
        %lt3A_1320 = arith.cmpi slt, %rem3A_1316, %lt3A_1319 : i32
        %lt3A_1321 = arith.constant 0 : i32
        %lt3A_1322 = arith.cmpi slt, %select_n3A_1315, %lt3A_1321 : i32
        %ne3A_1323 = arith.xori %lt3A_1320, %lt3A_1322 : i1
        %and3A_1324 = arith.andi %ne3A_1323, %ne3A_1318 : i1
        %add3A_1325 = arith.addi %rem3A_1316, %select_n3A_1315 : i32
        %select_n3A_1326 = arith.select %and3A_1324, %add3A_1325, %rem3A_1316 : i32
        %mul3A_1327 = arith.constant 16 : i32
        %mul3A_1328 = arith.muli %select_n3A_1326, %mul3A_1327 : i32
        %add3A_1329 = vector.broadcast %mul3A_1328 : i32 to vector<16xi32>
        %add3A_1330 = arith.addi %iota3A, %add3A_1329 : vector<16xi32>
        tpu.vector_store_idx %arg14[%broadcast_in_dim3A_1310, %add3A_1330], %gather3A_922 : memref<25x80xi32, #tpu.memory_space<vmem>>[vector<16xi32>, vector<16xi32>], vector<16xi32>,
        %scan3A_1331 = arith.constant 2 : i32
        %scan3A_1332 = arith.addi %scan3A_472, %scan3A_1331 : i32
        %mul3A_1333 = arith.constant 1 : i32
        %mul3A_1334 = arith.muli %scan3A_1332, %mul3A_1333 : i32
        %add3A_1335 = arith.constant 0 : i32
        %add3A_1336 = arith.addi %add3A_1335, %mul3A_1334 : i32
        %mul3A_1337 = arith.constant 16 : i32
        %mul3A_1338 = arith.muli %add3A_1336, %mul3A_1337 : i32
        %add3A_1339 = vector.broadcast %mul3A_1338 : i32 to vector<16xi32>
        %add3A_1340 = arith.addi %iota3A, %add3A_1339 : vector<16xi32>
        %broadcast_in_dim3A_1341 = arith.constant 0 : i32
        %broadcast_in_dim3A_1342 = vector.broadcast %broadcast_in_dim3A_1341 : i32 to vector<16xi32>
        %gather3A_1343 = tpu.vector_load_idx %arg10[%add3A_1340, %broadcast_in_dim3A_1342] : memref<2000x3xf32, #tpu.memory_space<vmem>>[vector<16xi32>, vector<16xi32>], vector<16xf32>,
        %add3A_1344 = arith.constant 1 : i32
        %add3A_1345 = vector.broadcast %add3A_1344 : i32 to vector<16xi32>
        %add3A_1346 = arith.addi %broadcast_in_dim3A_1342, %add3A_1345 : vector<16xi32>
        %gather3A_1347 = tpu.vector_load_idx %arg10[%add3A_1340, %add3A_1346] : memref<2000x3xf32, #tpu.memory_space<vmem>>[vector<16xi32>, vector<16xi32>], vector<16xf32>,
        %add3A_1348 = arith.constant 2 : i32
        %add3A_1349 = vector.broadcast %add3A_1348 : i32 to vector<16xi32>
        %add3A_1350 = arith.addi %broadcast_in_dim3A_1342, %add3A_1349 : vector<16xi32>
        %gather3A_1351 = tpu.vector_load_idx %arg10[%add3A_1340, %add3A_1350] : memref<2000x3xf32, #tpu.memory_space<vmem>>[vector<16xi32>, vector<16xi32>], vector<16xf32>,
        %gather3A_1352 = tpu.vector_load_idx %arg11[%add3A_1340] : memref<2000xi32, #tpu.memory_space<vmem>>[vector<16xi32>], vector<16xi32>,
        %gather3A_1353 = tpu.vector_load_idx %arg12[%add3A_1340] : memref<2000xi32, #tpu.memory_space<vmem>>[vector<16xi32>], vector<16xi32>,
        %shift_right_logical3A_1354 = arith.constant 4 : i32
        %shift_right_logical3A_1355 = vector.broadcast %shift_right_logical3A_1354 : i32 to vector<16xi32>
        %shift_right_logical3A_1356 = arith.shrui %gather3A_1352, %shift_right_logical3A_1355 : vector<16xi32>
        %gather3A_1357 = tpu.vector_load_idx %arg8[%shift_right_logical3A_1356] : memref<3200xi32, #tpu.memory_space<vmem>>[vector<16xi32>], vector<16xi32>,
        %shift_right_logical3A_1358 = arith.constant 4 : i32
        %shift_right_logical3A_1359 = vector.broadcast %shift_right_logical3A_1358 : i32 to vector<16xi32>
        %shift_right_logical3A_1360 = arith.shrui %gather3A_1353, %shift_right_logical3A_1359 : vector<16xi32>
        %gather3A_1361 = tpu.vector_load_idx %arg8[%shift_right_logical3A_1360] : memref<3200xi32, #tpu.memory_space<vmem>>[vector<16xi32>], vector<16xi32>,
        %and3A_1362 = arith.constant 15 : i32
        %and3A_1363 = vector.broadcast %and3A_1362 : i32 to vector<16xi32>
        %and3A_1364 = arith.andi %gather3A_1352, %and3A_1363 : vector<16xi32>
        %mul3A_1365 = arith.constant 2 : i32
        %mul3A_1366 = vector.broadcast %mul3A_1365 : i32 to vector<16xi32>
        %mul3A_1367 = arith.muli %and3A_1364, %mul3A_1366 : vector<16xi32>
        %shift_right_logical3A_1368 = arith.shrui %gather3A_1357, %mul3A_1367 : vector<16xi32>
        %and3A_1369 = arith.constant 3 : i32
        %and3A_1370 = vector.broadcast %and3A_1369 : i32 to vector<16xi32>
        %and3A_1371 = arith.andi %shift_right_logical3A_1368, %and3A_1370 : vector<16xi32>
        %and3A_1372 = arith.constant 15 : i32
        %and3A_1373 = vector.broadcast %and3A_1372 : i32 to vector<16xi32>
        %and3A_1374 = arith.andi %gather3A_1353, %and3A_1373 : vector<16xi32>
        %mul3A_1375 = arith.constant 2 : i32
        %mul3A_1376 = vector.broadcast %mul3A_1375 : i32 to vector<16xi32>
        %mul3A_1377 = arith.muli %and3A_1374, %mul3A_1376 : vector<16xi32>
        %shift_right_logical3A_1378 = arith.shrui %gather3A_1361, %mul3A_1377 : vector<16xi32>
        %and3A_1379 = arith.constant 3 : i32
        %and3A_1380 = vector.broadcast %and3A_1379 : i32 to vector<16xi32>
        %and3A_1381 = arith.andi %shift_right_logical3A_1378, %and3A_1380 : vector<16xi32>
        %mul3A_1382 = arith.mulf %gather3A_1343, %gather3A_1343 : vector<16xf32>
        %mul3A_1383 = arith.mulf %gather3A_1347, %gather3A_1347 : vector<16xf32>
        %add3A_1384 = arith.addf %mul3A_1382, %mul3A_1383 : vector<16xf32>
        %mul3A_1385 = arith.mulf %gather3A_1351, %gather3A_1351 : vector<16xf32>
        %add3A_1386 = arith.addf %add3A_1384, %mul3A_1385 : vector<16xf32>
        %add3A_1387 = arith.constant 9.99999996E-13 : f32
        %add3A_1388 = vector.broadcast %add3A_1387 : f32 to vector<16xf32>
        %add3A_1389 = arith.addf %add3A_1386, %add3A_1388 : vector<16xf32>
        %bitcast_convert_type3A_1390 = tpu.bitcast %add3A_1389 : vector<16xf32> -> vector<16xi32>
        %shift_right_arithmetic3A_1391 = arith.constant 1 : i32
        %shift_right_arithmetic3A_1392 = vector.broadcast %shift_right_arithmetic3A_1391 : i32 to vector<16xi32>
        %shift_right_arithmetic3A_1393 = arith.shrsi %bitcast_convert_type3A_1390, %shift_right_arithmetic3A_1392 : vector<16xi32>
        %sub3A_1394 = arith.constant 1597463007 : i32
        %sub3A_1395 = vector.broadcast %sub3A_1394 : i32 to vector<16xi32>
        %sub3A_1396 = arith.subi %sub3A_1395, %shift_right_arithmetic3A_1393 : vector<16xi32>
        %bitcast_convert_type3A_1397 = tpu.bitcast %sub3A_1396 : vector<16xi32> -> vector<16xf32>
        %mul3A_1398 = arith.constant 5.000000e-01 : f32
        %mul3A_1399 = vector.broadcast %mul3A_1398 : f32 to vector<16xf32>
        %mul3A_1400 = arith.mulf %mul3A_1399, %add3A_1389 : vector<16xf32>
        %mul3A_1401 = arith.mulf %mul3A_1400, %bitcast_convert_type3A_1397 : vector<16xf32>
        %mul3A_1402 = arith.mulf %mul3A_1401, %bitcast_convert_type3A_1397 : vector<16xf32>
        %sub3A_1403 = arith.constant 1.500000e+00 : f32
        %sub3A_1404 = vector.broadcast %sub3A_1403 : f32 to vector<16xf32>
        %sub3A_1405 = arith.subf %sub3A_1404, %mul3A_1402 : vector<16xf32>
        %mul3A_1406 = arith.mulf %bitcast_convert_type3A_1397, %sub3A_1405 : vector<16xf32>
        %mul3A_1407 = arith.constant 5.000000e-01 : f32
        %mul3A_1408 = vector.broadcast %mul3A_1407 : f32 to vector<16xf32>
        %mul3A_1409 = arith.mulf %mul3A_1408, %add3A_1389 : vector<16xf32>
        %mul3A_1410 = arith.mulf %mul3A_1409, %mul3A_1406 : vector<16xf32>
        %mul3A_1411 = arith.mulf %mul3A_1410, %mul3A_1406 : vector<16xf32>
        %sub3A_1412 = arith.constant 1.500000e+00 : f32
        %sub3A_1413 = vector.broadcast %sub3A_1412 : f32 to vector<16xf32>
        %sub3A_1414 = arith.subf %sub3A_1413, %mul3A_1411 : vector<16xf32>
        %mul3A_1415 = arith.mulf %mul3A_1406, %sub3A_1414 : vector<16xf32>
        %mul3A_1416 = arith.mulf %add3A_1389, %mul3A_1415 : vector<16xf32>
        %min3A_1417 = arith.constant 5.000000e+00 : f32
        %min3A_1418 = vector.broadcast %min3A_1417 : f32 to vector<16xf32>
        %min3A_1419 = arith.minimumf %mul3A_1416, %min3A_1418 : vector<16xf32>
        %mul3A_1420 = arith.constant 0.628318548 : f32
        %mul3A_1421 = vector.broadcast %mul3A_1420 : f32 to vector<16xf32>
        %mul3A_1422 = arith.mulf %min3A_1419, %mul3A_1421 : vector<16xf32>
        %sub3A_1423 = arith.constant 1.57079637 : f32
        %sub3A_1424 = vector.broadcast %sub3A_1423 : f32 to vector<16xf32>
        %sub3A_1425 = arith.subf %mul3A_1422, %sub3A_1424 : vector<16xf32>
        %mul3A_1426 = arith.mulf %sub3A_1425, %sub3A_1425 : vector<16xf32>
        %mul3A_1427 = arith.constant 2.48015876E-5 : f32
        %mul3A_1428 = vector.broadcast %mul3A_1427 : f32 to vector<16xf32>
        %mul3A_1429 = arith.mulf %mul3A_1426, %mul3A_1428 : vector<16xf32>
        %add3A_1430 = arith.constant -0.00138888892 : f32
        %add3A_1431 = vector.broadcast %add3A_1430 : f32 to vector<16xf32>
        %add3A_1432 = arith.addf %add3A_1431, %mul3A_1429 : vector<16xf32>
        %mul3A_1433 = arith.mulf %mul3A_1426, %add3A_1432 : vector<16xf32>
        %add3A_1434 = arith.constant 0.0416666679 : f32
        %add3A_1435 = vector.broadcast %add3A_1434 : f32 to vector<16xf32>
        %add3A_1436 = arith.addf %add3A_1435, %mul3A_1433 : vector<16xf32>
        %mul3A_1437 = arith.mulf %mul3A_1426, %add3A_1436 : vector<16xf32>
        %add3A_1438 = arith.constant -5.000000e-01 : f32
        %add3A_1439 = vector.broadcast %add3A_1438 : f32 to vector<16xf32>
        %add3A_1440 = arith.addf %add3A_1439, %mul3A_1437 : vector<16xf32>
        %mul3A_1441 = arith.mulf %mul3A_1426, %add3A_1440 : vector<16xf32>
        %add3A_1442 = arith.constant 1.000000e+00 : f32
        %add3A_1443 = vector.broadcast %add3A_1442 : f32 to vector<16xf32>
        %add3A_1444 = arith.addf %add3A_1443, %mul3A_1441 : vector<16xf32>
        %mul3A_1445 = arith.mulf %sub3A_1425, %sub3A_1425 : vector<16xf32>
        %mul3A_1446 = arith.constant 2.75573188E-6 : f32
        %mul3A_1447 = vector.broadcast %mul3A_1446 : f32 to vector<16xf32>
        %mul3A_1448 = arith.mulf %mul3A_1445, %mul3A_1447 : vector<16xf32>
        %add3A_1449 = arith.constant -1.98412701E-4 : f32
        %add3A_1450 = vector.broadcast %add3A_1449 : f32 to vector<16xf32>
        %add3A_1451 = arith.addf %add3A_1450, %mul3A_1448 : vector<16xf32>
        %mul3A_1452 = arith.mulf %mul3A_1445, %add3A_1451 : vector<16xf32>
        %add3A_1453 = arith.constant 0.00833333377 : f32
        %add3A_1454 = vector.broadcast %add3A_1453 : f32 to vector<16xf32>
        %add3A_1455 = arith.addf %add3A_1454, %mul3A_1452 : vector<16xf32>
        %mul3A_1456 = arith.mulf %mul3A_1445, %add3A_1455 : vector<16xf32>
        %add3A_1457 = arith.constant -0.166666672 : f32
        %add3A_1458 = vector.broadcast %add3A_1457 : f32 to vector<16xf32>
        %add3A_1459 = arith.addf %add3A_1458, %mul3A_1456 : vector<16xf32>
        %mul3A_1460 = arith.mulf %mul3A_1445, %add3A_1459 : vector<16xf32>
        %add3A_1461 = arith.constant 1.000000e+00 : f32
        %add3A_1462 = vector.broadcast %add3A_1461 : f32 to vector<16xf32>
        %add3A_1463 = arith.addf %add3A_1462, %mul3A_1460 : vector<16xf32>
        %mul3A_1464 = arith.mulf %sub3A_1425, %add3A_1463 : vector<16xf32>
        %neg3A_1465 = arith.constant 0.000000e+00 : f32
        %neg3A_1466 = vector.broadcast %neg3A_1465 : f32 to vector<16xf32>
        %neg3A_1467 = arith.subf %neg3A_1466, %mul3A_1464 : vector<16xf32>
        %mul3A_1468 = arith.constant 2.000000e+00 : f32
        %mul3A_1469 = vector.broadcast %mul3A_1468 : f32 to vector<16xf32>
        %mul3A_1470 = arith.mulf %mul3A_1469, %neg3A_1467 : vector<16xf32>
        %mul3A_1471 = arith.mulf %mul3A_1470, %add3A_1444 : vector<16xf32>
        %mul3A_1472 = arith.mulf %mul3A_1470, %mul3A_1471 : vector<16xf32>
        %sub3A_1473 = arith.subf %mul3A_1472, %add3A_1444 : vector<16xf32>
        %mul3A_1474 = arith.mulf %mul3A_1470, %sub3A_1473 : vector<16xf32>
        %sub3A_1475 = arith.subf %mul3A_1474, %mul3A_1471 : vector<16xf32>
        %mul3A_1476 = arith.mulf %mul3A_1470, %sub3A_1475 : vector<16xf32>
        %sub3A_1477 = arith.subf %mul3A_1476, %sub3A_1473 : vector<16xf32>
        %mul3A_1478 = arith.mulf %mul3A_1470, %sub3A_1477 : vector<16xf32>
        %sub3A_1479 = arith.subf %mul3A_1478, %sub3A_1475 : vector<16xf32>
        %mul3A_1480 = arith.mulf %mul3A_1470, %sub3A_1479 : vector<16xf32>
        %sub3A_1481 = arith.subf %mul3A_1480, %sub3A_1477 : vector<16xf32>
        %mul3A_1482 = arith.mulf %mul3A_1470, %sub3A_1481 : vector<16xf32>
        %sub3A_1483 = arith.subf %mul3A_1482, %sub3A_1479 : vector<16xf32>
        %sub3A_1484 = arith.constant 4.500000e+00 : f32
        %sub3A_1485 = vector.broadcast %sub3A_1484 : f32 to vector<16xf32>
        %sub3A_1486 = arith.subf %min3A_1419, %sub3A_1485 : vector<16xf32>
        %mul3A_1487 = arith.constant 2.000000e+00 : f32
        %mul3A_1488 = vector.broadcast %mul3A_1487 : f32 to vector<16xf32>
        %mul3A_1489 = arith.mulf %sub3A_1486, %mul3A_1488 : vector<16xf32>
        %jit3A_1490 = arith.constant 0.000000e+00 : f32
        %jit3A_1491 = arith.constant 1.000000e+00 : f32
        %max3A_1492 = vector.broadcast %jit3A_1490 : f32 to vector<16xf32>
        %max3A_1493 = arith.maximumf %max3A_1492, %mul3A_1489 : vector<16xf32>
        %min3A_1494 = vector.broadcast %jit3A_1491 : f32 to vector<16xf32>
        %min3A_1495 = arith.minimumf %min3A_1494, %max3A_1493 : vector<16xf32>
        %mul3A_1496 = arith.constant 3.14159274 : f32
        %mul3A_1497 = vector.broadcast %mul3A_1496 : f32 to vector<16xf32>
        %mul3A_1498 = arith.mulf %min3A_1495, %mul3A_1497 : vector<16xf32>
        %sub3A_1499 = arith.constant 1.57079637 : f32
        %sub3A_1500 = vector.broadcast %sub3A_1499 : f32 to vector<16xf32>
        %sub3A_1501 = arith.subf %mul3A_1498, %sub3A_1500 : vector<16xf32>
        %mul3A_1502 = arith.mulf %sub3A_1501, %sub3A_1501 : vector<16xf32>
        %mul3A_1503 = arith.constant 2.75573188E-6 : f32
        %mul3A_1504 = vector.broadcast %mul3A_1503 : f32 to vector<16xf32>
        %mul3A_1505 = arith.mulf %mul3A_1502, %mul3A_1504 : vector<16xf32>
        %add3A_1506 = arith.constant -1.98412701E-4 : f32
        %add3A_1507 = vector.broadcast %add3A_1506 : f32 to vector<16xf32>
        %add3A_1508 = arith.addf %add3A_1507, %mul3A_1505 : vector<16xf32>
        %mul3A_1509 = arith.mulf %mul3A_1502, %add3A_1508 : vector<16xf32>
        %add3A_1510 = arith.constant 0.00833333377 : f32
        %add3A_1511 = vector.broadcast %add3A_1510 : f32 to vector<16xf32>
        %add3A_1512 = arith.addf %add3A_1511, %mul3A_1509 : vector<16xf32>
        %mul3A_1513 = arith.mulf %mul3A_1502, %add3A_1512 : vector<16xf32>
        %add3A_1514 = arith.constant -0.166666672 : f32
        %add3A_1515 = vector.broadcast %add3A_1514 : f32 to vector<16xf32>
        %add3A_1516 = arith.addf %add3A_1515, %mul3A_1513 : vector<16xf32>
        %mul3A_1517 = arith.mulf %mul3A_1502, %add3A_1516 : vector<16xf32>
        %add3A_1518 = arith.constant 1.000000e+00 : f32
        %add3A_1519 = vector.broadcast %add3A_1518 : f32 to vector<16xf32>
        %add3A_1520 = arith.addf %add3A_1519, %mul3A_1517 : vector<16xf32>
        %mul3A_1521 = arith.mulf %sub3A_1501, %add3A_1520 : vector<16xf32>
        %sub3A_1522 = arith.constant 1.000000e+00 : f32
        %sub3A_1523 = vector.broadcast %sub3A_1522 : f32 to vector<16xf32>
        %sub3A_1524 = arith.subf %sub3A_1523, %mul3A_1521 : vector<16xf32>
        %mul3A_1525 = arith.constant 5.000000e-01 : f32
        %mul3A_1526 = vector.broadcast %mul3A_1525 : f32 to vector<16xf32>
        %mul3A_1527 = arith.mulf %mul3A_1526, %sub3A_1524 : vector<16xf32>
        %lt3A_1528 = arith.constant 5.000000e+00 : f32
        %lt3A_1529 = vector.broadcast %lt3A_1528 : f32 to vector<16xf32>
        %lt3A_1530 = arith.cmpf olt, %mul3A_1416, %lt3A_1529 : vector<16xf32>
        %jit3A_1531 = arith.constant 0.000000e+00 : f32
        %broadcast_in_dim3A_1532 = vector.broadcast %jit3A_1531 : f32 to vector<16xf32>
        %select_n3A_1533 = arith.select %lt3A_1530, %mul3A_1527, %broadcast_in_dim3A_1532 : vector<16xi1>, vector<16xf32>
        %mul3A_1534 = arith.constant 0.488602519 : f32
        %mul3A_1535 = vector.broadcast %mul3A_1534 : f32 to vector<16xf32>
        %mul3A_1536 = arith.mulf %select_n3A_1533, %mul3A_1535 : vector<16xf32>
        %mul3A_1537 = arith.mulf %mul3A_1536, %mul3A_1415 : vector<16xf32>
        %mul3A_1538 = arith.mulf %gather3A_1347, %mul3A_1537 : vector<16xf32>
        %mul3A_1539 = arith.mulf %gather3A_1351, %mul3A_1537 : vector<16xf32>
        %mul3A_1540 = arith.mulf %gather3A_1343, %mul3A_1537 : vector<16xf32>
        %mul3A_1541 = arith.constant 96 : i32
        %mul3A_1542 = vector.broadcast %mul3A_1541 : i32 to vector<16xi32>
        %mul3A_1543 = arith.muli %and3A_1371, %mul3A_1542 : vector<16xi32>
        %mul3A_1544 = arith.constant 3 : i32
        %mul3A_1545 = vector.broadcast %mul3A_1544 : i32 to vector<16xi32>
        %mul3A_1546 = arith.muli %and3A_1381, %mul3A_1545 : vector<16xi32>
        %add3A_1547 = arith.addi %mul3A_1543, %mul3A_1546 : vector<16xi32>
        %add3A_1548 = arith.constant 0 : i32
        %add3A_1549 = vector.broadcast %add3A_1548 : i32 to vector<16xi32>
        %add3A_1550 = arith.addi %add3A_1547, %add3A_1549 : vector<16xi32>
        %gather3A_1551 = tpu.vector_load_idx %arg9[%add3A_1550] : memref<384xf32, #tpu.memory_space<vmem>>[vector<16xi32>], vector<16xf32>,
        %mul3A_1552 = arith.mulf %add3A_1444, %gather3A_1551 : vector<16xf32>
        %add3A_1553 = arith.constant 12 : i32
        %add3A_1554 = vector.broadcast %add3A_1553 : i32 to vector<16xi32>
        %add3A_1555 = arith.addi %add3A_1547, %add3A_1554 : vector<16xi32>
        %gather3A_1556 = tpu.vector_load_idx %arg9[%add3A_1555] : memref<384xf32, #tpu.memory_space<vmem>>[vector<16xi32>], vector<16xf32>,
        %mul3A_1557 = arith.mulf %mul3A_1471, %gather3A_1556 : vector<16xf32>
        %add3A_1558 = arith.addf %mul3A_1552, %mul3A_1557 : vector<16xf32>
        %add3A_1559 = arith.constant 24 : i32
        %add3A_1560 = vector.broadcast %add3A_1559 : i32 to vector<16xi32>
        %add3A_1561 = arith.addi %add3A_1547, %add3A_1560 : vector<16xi32>
        %gather3A_1562 = tpu.vector_load_idx %arg9[%add3A_1561] : memref<384xf32, #tpu.memory_space<vmem>>[vector<16xi32>], vector<16xf32>,
        %mul3A_1563 = arith.mulf %sub3A_1473, %gather3A_1562 : vector<16xf32>
        %add3A_1564 = arith.addf %add3A_1558, %mul3A_1563 : vector<16xf32>
        %add3A_1565 = arith.constant 36 : i32
        %add3A_1566 = vector.broadcast %add3A_1565 : i32 to vector<16xi32>
        %add3A_1567 = arith.addi %add3A_1547, %add3A_1566 : vector<16xi32>
        %gather3A_1568 = tpu.vector_load_idx %arg9[%add3A_1567] : memref<384xf32, #tpu.memory_space<vmem>>[vector<16xi32>], vector<16xf32>,
        %mul3A_1569 = arith.mulf %sub3A_1475, %gather3A_1568 : vector<16xf32>
        %add3A_1570 = arith.addf %add3A_1564, %mul3A_1569 : vector<16xf32>
        %add3A_1571 = arith.constant 48 : i32
        %add3A_1572 = vector.broadcast %add3A_1571 : i32 to vector<16xi32>
        %add3A_1573 = arith.addi %add3A_1547, %add3A_1572 : vector<16xi32>
        %gather3A_1574 = tpu.vector_load_idx %arg9[%add3A_1573] : memref<384xf32, #tpu.memory_space<vmem>>[vector<16xi32>], vector<16xf32>,
        %mul3A_1575 = arith.mulf %sub3A_1477, %gather3A_1574 : vector<16xf32>
        %add3A_1576 = arith.addf %add3A_1570, %mul3A_1575 : vector<16xf32>
        %add3A_1577 = arith.constant 60 : i32
        %add3A_1578 = vector.broadcast %add3A_1577 : i32 to vector<16xi32>
        %add3A_1579 = arith.addi %add3A_1547, %add3A_1578 : vector<16xi32>
        %gather3A_1580 = tpu.vector_load_idx %arg9[%add3A_1579] : memref<384xf32, #tpu.memory_space<vmem>>[vector<16xi32>], vector<16xf32>,
        %mul3A_1581 = arith.mulf %sub3A_1479, %gather3A_1580 : vector<16xf32>
        %add3A_1582 = arith.addf %add3A_1576, %mul3A_1581 : vector<16xf32>
        %add3A_1583 = arith.constant 72 : i32
        %add3A_1584 = vector.broadcast %add3A_1583 : i32 to vector<16xi32>
        %add3A_1585 = arith.addi %add3A_1547, %add3A_1584 : vector<16xi32>
        %gather3A_1586 = tpu.vector_load_idx %arg9[%add3A_1585] : memref<384xf32, #tpu.memory_space<vmem>>[vector<16xi32>], vector<16xf32>,
        %mul3A_1587 = arith.mulf %sub3A_1481, %gather3A_1586 : vector<16xf32>
        %add3A_1588 = arith.addf %add3A_1582, %mul3A_1587 : vector<16xf32>
        %add3A_1589 = arith.constant 84 : i32
        %add3A_1590 = vector.broadcast %add3A_1589 : i32 to vector<16xi32>
        %add3A_1591 = arith.addi %add3A_1547, %add3A_1590 : vector<16xi32>
        %gather3A_1592 = tpu.vector_load_idx %arg9[%add3A_1591] : memref<384xf32, #tpu.memory_space<vmem>>[vector<16xi32>], vector<16xf32>,
        %mul3A_1593 = arith.mulf %sub3A_1483, %gather3A_1592 : vector<16xf32>
        %add3A_1594 = arith.addf %add3A_1588, %mul3A_1593 : vector<16xf32>
        %add3A_1595 = arith.constant 1 : i32
        %add3A_1596 = vector.broadcast %add3A_1595 : i32 to vector<16xi32>
        %add3A_1597 = arith.addi %add3A_1547, %add3A_1596 : vector<16xi32>
        %gather3A_1598 = tpu.vector_load_idx %arg9[%add3A_1597] : memref<384xf32, #tpu.memory_space<vmem>>[vector<16xi32>], vector<16xf32>,
        %mul3A_1599 = arith.mulf %add3A_1444, %gather3A_1598 : vector<16xf32>
        %add3A_1600 = arith.constant 13 : i32
        %add3A_1601 = vector.broadcast %add3A_1600 : i32 to vector<16xi32>
        %add3A_1602 = arith.addi %add3A_1547, %add3A_1601 : vector<16xi32>
        %gather3A_1603 = tpu.vector_load_idx %arg9[%add3A_1602] : memref<384xf32, #tpu.memory_space<vmem>>[vector<16xi32>], vector<16xf32>,
        %mul3A_1604 = arith.mulf %mul3A_1471, %gather3A_1603 : vector<16xf32>
        %add3A_1605 = arith.addf %mul3A_1599, %mul3A_1604 : vector<16xf32>
        %add3A_1606 = arith.constant 25 : i32
        %add3A_1607 = vector.broadcast %add3A_1606 : i32 to vector<16xi32>
        %add3A_1608 = arith.addi %add3A_1547, %add3A_1607 : vector<16xi32>
        %gather3A_1609 = tpu.vector_load_idx %arg9[%add3A_1608] : memref<384xf32, #tpu.memory_space<vmem>>[vector<16xi32>], vector<16xf32>,
        %mul3A_1610 = arith.mulf %sub3A_1473, %gather3A_1609 : vector<16xf32>
        %add3A_1611 = arith.addf %add3A_1605, %mul3A_1610 : vector<16xf32>
        %add3A_1612 = arith.constant 37 : i32
        %add3A_1613 = vector.broadcast %add3A_1612 : i32 to vector<16xi32>
        %add3A_1614 = arith.addi %add3A_1547, %add3A_1613 : vector<16xi32>
        %gather3A_1615 = tpu.vector_load_idx %arg9[%add3A_1614] : memref<384xf32, #tpu.memory_space<vmem>>[vector<16xi32>], vector<16xf32>,
        %mul3A_1616 = arith.mulf %sub3A_1475, %gather3A_1615 : vector<16xf32>
        %add3A_1617 = arith.addf %add3A_1611, %mul3A_1616 : vector<16xf32>
        %add3A_1618 = arith.constant 49 : i32
        %add3A_1619 = vector.broadcast %add3A_1618 : i32 to vector<16xi32>
        %add3A_1620 = arith.addi %add3A_1547, %add3A_1619 : vector<16xi32>
        %gather3A_1621 = tpu.vector_load_idx %arg9[%add3A_1620] : memref<384xf32, #tpu.memory_space<vmem>>[vector<16xi32>], vector<16xf32>,
        %mul3A_1622 = arith.mulf %sub3A_1477, %gather3A_1621 : vector<16xf32>
        %add3A_1623 = arith.addf %add3A_1617, %mul3A_1622 : vector<16xf32>
        %add3A_1624 = arith.constant 61 : i32
        %add3A_1625 = vector.broadcast %add3A_1624 : i32 to vector<16xi32>
        %add3A_1626 = arith.addi %add3A_1547, %add3A_1625 : vector<16xi32>
        %gather3A_1627 = tpu.vector_load_idx %arg9[%add3A_1626] : memref<384xf32, #tpu.memory_space<vmem>>[vector<16xi32>], vector<16xf32>,
        %mul3A_1628 = arith.mulf %sub3A_1479, %gather3A_1627 : vector<16xf32>
        %add3A_1629 = arith.addf %add3A_1623, %mul3A_1628 : vector<16xf32>
        %add3A_1630 = arith.constant 73 : i32
        %add3A_1631 = vector.broadcast %add3A_1630 : i32 to vector<16xi32>
        %add3A_1632 = arith.addi %add3A_1547, %add3A_1631 : vector<16xi32>
        %gather3A_1633 = tpu.vector_load_idx %arg9[%add3A_1632] : memref<384xf32, #tpu.memory_space<vmem>>[vector<16xi32>], vector<16xf32>,
        %mul3A_1634 = arith.mulf %sub3A_1481, %gather3A_1633 : vector<16xf32>
        %add3A_1635 = arith.addf %add3A_1629, %mul3A_1634 : vector<16xf32>
        %add3A_1636 = arith.constant 85 : i32
        %add3A_1637 = vector.broadcast %add3A_1636 : i32 to vector<16xi32>
        %add3A_1638 = arith.addi %add3A_1547, %add3A_1637 : vector<16xi32>
        %gather3A_1639 = tpu.vector_load_idx %arg9[%add3A_1638] : memref<384xf32, #tpu.memory_space<vmem>>[vector<16xi32>], vector<16xf32>,
        %mul3A_1640 = arith.mulf %sub3A_1483, %gather3A_1639 : vector<16xf32>
        %add3A_1641 = arith.addf %add3A_1635, %mul3A_1640 : vector<16xf32>
        %add3A_1642 = arith.constant 2 : i32
        %add3A_1643 = vector.broadcast %add3A_1642 : i32 to vector<16xi32>
        %add3A_1644 = arith.addi %add3A_1547, %add3A_1643 : vector<16xi32>
        %gather3A_1645 = tpu.vector_load_idx %arg9[%add3A_1644] : memref<384xf32, #tpu.memory_space<vmem>>[vector<16xi32>], vector<16xf32>,
        %mul3A_1646 = arith.mulf %add3A_1444, %gather3A_1645 : vector<16xf32>
        %add3A_1647 = arith.constant 14 : i32
        %add3A_1648 = vector.broadcast %add3A_1647 : i32 to vector<16xi32>
        %add3A_1649 = arith.addi %add3A_1547, %add3A_1648 : vector<16xi32>
        %gather3A_1650 = tpu.vector_load_idx %arg9[%add3A_1649] : memref<384xf32, #tpu.memory_space<vmem>>[vector<16xi32>], vector<16xf32>,
        %mul3A_1651 = arith.mulf %mul3A_1471, %gather3A_1650 : vector<16xf32>
        %add3A_1652 = arith.addf %mul3A_1646, %mul3A_1651 : vector<16xf32>
        %add3A_1653 = arith.constant 26 : i32
        %add3A_1654 = vector.broadcast %add3A_1653 : i32 to vector<16xi32>
        %add3A_1655 = arith.addi %add3A_1547, %add3A_1654 : vector<16xi32>
        %gather3A_1656 = tpu.vector_load_idx %arg9[%add3A_1655] : memref<384xf32, #tpu.memory_space<vmem>>[vector<16xi32>], vector<16xf32>,
        %mul3A_1657 = arith.mulf %sub3A_1473, %gather3A_1656 : vector<16xf32>
        %add3A_1658 = arith.addf %add3A_1652, %mul3A_1657 : vector<16xf32>
        %add3A_1659 = arith.constant 38 : i32
        %add3A_1660 = vector.broadcast %add3A_1659 : i32 to vector<16xi32>
        %add3A_1661 = arith.addi %add3A_1547, %add3A_1660 : vector<16xi32>
        %gather3A_1662 = tpu.vector_load_idx %arg9[%add3A_1661] : memref<384xf32, #tpu.memory_space<vmem>>[vector<16xi32>], vector<16xf32>,
        %mul3A_1663 = arith.mulf %sub3A_1475, %gather3A_1662 : vector<16xf32>
        %add3A_1664 = arith.addf %add3A_1658, %mul3A_1663 : vector<16xf32>
        %add3A_1665 = arith.constant 50 : i32
        %add3A_1666 = vector.broadcast %add3A_1665 : i32 to vector<16xi32>
        %add3A_1667 = arith.addi %add3A_1547, %add3A_1666 : vector<16xi32>
        %gather3A_1668 = tpu.vector_load_idx %arg9[%add3A_1667] : memref<384xf32, #tpu.memory_space<vmem>>[vector<16xi32>], vector<16xf32>,
        %mul3A_1669 = arith.mulf %sub3A_1477, %gather3A_1668 : vector<16xf32>
        %add3A_1670 = arith.addf %add3A_1664, %mul3A_1669 : vector<16xf32>
        %add3A_1671 = arith.constant 62 : i32
        %add3A_1672 = vector.broadcast %add3A_1671 : i32 to vector<16xi32>
        %add3A_1673 = arith.addi %add3A_1547, %add3A_1672 : vector<16xi32>
        %gather3A_1674 = tpu.vector_load_idx %arg9[%add3A_1673] : memref<384xf32, #tpu.memory_space<vmem>>[vector<16xi32>], vector<16xf32>,
        %mul3A_1675 = arith.mulf %sub3A_1479, %gather3A_1674 : vector<16xf32>
        %add3A_1676 = arith.addf %add3A_1670, %mul3A_1675 : vector<16xf32>
        %add3A_1677 = arith.constant 74 : i32
        %add3A_1678 = vector.broadcast %add3A_1677 : i32 to vector<16xi32>
        %add3A_1679 = arith.addi %add3A_1547, %add3A_1678 : vector<16xi32>
        %gather3A_1680 = tpu.vector_load_idx %arg9[%add3A_1679] : memref<384xf32, #tpu.memory_space<vmem>>[vector<16xi32>], vector<16xf32>,
        %mul3A_1681 = arith.mulf %sub3A_1481, %gather3A_1680 : vector<16xf32>
        %add3A_1682 = arith.addf %add3A_1676, %mul3A_1681 : vector<16xf32>
        %add3A_1683 = arith.constant 86 : i32
        %add3A_1684 = vector.broadcast %add3A_1683 : i32 to vector<16xi32>
        %add3A_1685 = arith.addi %add3A_1547, %add3A_1684 : vector<16xi32>
        %gather3A_1686 = tpu.vector_load_idx %arg9[%add3A_1685] : memref<384xf32, #tpu.memory_space<vmem>>[vector<16xi32>], vector<16xf32>,
        %mul3A_1687 = arith.mulf %sub3A_1483, %gather3A_1686 : vector<16xf32>
        %add3A_1688 = arith.addf %add3A_1682, %mul3A_1687 : vector<16xf32>
        %broadcast_in_dim3A_1689 = arith.constant 0 : i32
        %broadcast_in_dim3A_1690 = vector.broadcast %broadcast_in_dim3A_1689 : i32 to vector<16xi32>
        %mul3A_1691 = arith.mulf %mul3A_1538, %add3A_1594 : vector<16xf32>
        tpu.vector_store_idx %arg13[%add3A_1340, %broadcast_in_dim3A_1690], %mul3A_1691 : memref<2000x16xf32, #tpu.memory_space<vmem>>[vector<16xi32>, vector<16xi32>], vector<16xf32>,
        %broadcast_in_dim3A_1692 = arith.constant 1 : i32
        %broadcast_in_dim3A_1693 = vector.broadcast %broadcast_in_dim3A_1692 : i32 to vector<16xi32>
        %mul3A_1694 = arith.mulf %mul3A_1538, %add3A_1641 : vector<16xf32>
        tpu.vector_store_idx %arg13[%add3A_1340, %broadcast_in_dim3A_1693], %mul3A_1694 : memref<2000x16xf32, #tpu.memory_space<vmem>>[vector<16xi32>, vector<16xi32>], vector<16xf32>,
        %broadcast_in_dim3A_1695 = arith.constant 2 : i32
        %broadcast_in_dim3A_1696 = vector.broadcast %broadcast_in_dim3A_1695 : i32 to vector<16xi32>
        %mul3A_1697 = arith.mulf %mul3A_1538, %add3A_1688 : vector<16xf32>
        tpu.vector_store_idx %arg13[%add3A_1340, %broadcast_in_dim3A_1696], %mul3A_1697 : memref<2000x16xf32, #tpu.memory_space<vmem>>[vector<16xi32>, vector<16xi32>], vector<16xf32>,
        %broadcast_in_dim3A_1698 = arith.constant 3 : i32
        %broadcast_in_dim3A_1699 = vector.broadcast %broadcast_in_dim3A_1698 : i32 to vector<16xi32>
        %mul3A_1700 = arith.mulf %mul3A_1539, %add3A_1594 : vector<16xf32>
        tpu.vector_store_idx %arg13[%add3A_1340, %broadcast_in_dim3A_1699], %mul3A_1700 : memref<2000x16xf32, #tpu.memory_space<vmem>>[vector<16xi32>, vector<16xi32>], vector<16xf32>,
        %broadcast_in_dim3A_1701 = arith.constant 4 : i32
        %broadcast_in_dim3A_1702 = vector.broadcast %broadcast_in_dim3A_1701 : i32 to vector<16xi32>
        %mul3A_1703 = arith.mulf %mul3A_1539, %add3A_1641 : vector<16xf32>
        tpu.vector_store_idx %arg13[%add3A_1340, %broadcast_in_dim3A_1702], %mul3A_1703 : memref<2000x16xf32, #tpu.memory_space<vmem>>[vector<16xi32>, vector<16xi32>], vector<16xf32>,
        %broadcast_in_dim3A_1704 = arith.constant 5 : i32
        %broadcast_in_dim3A_1705 = vector.broadcast %broadcast_in_dim3A_1704 : i32 to vector<16xi32>
        %mul3A_1706 = arith.mulf %mul3A_1539, %add3A_1688 : vector<16xf32>
        tpu.vector_store_idx %arg13[%add3A_1340, %broadcast_in_dim3A_1705], %mul3A_1706 : memref<2000x16xf32, #tpu.memory_space<vmem>>[vector<16xi32>, vector<16xi32>], vector<16xf32>,
        %broadcast_in_dim3A_1707 = arith.constant 6 : i32
        %broadcast_in_dim3A_1708 = vector.broadcast %broadcast_in_dim3A_1707 : i32 to vector<16xi32>
        %mul3A_1709 = arith.mulf %mul3A_1540, %add3A_1594 : vector<16xf32>
        tpu.vector_store_idx %arg13[%add3A_1340, %broadcast_in_dim3A_1708], %mul3A_1709 : memref<2000x16xf32, #tpu.memory_space<vmem>>[vector<16xi32>, vector<16xi32>], vector<16xf32>,
        %broadcast_in_dim3A_1710 = arith.constant 7 : i32
        %broadcast_in_dim3A_1711 = vector.broadcast %broadcast_in_dim3A_1710 : i32 to vector<16xi32>
        %mul3A_1712 = arith.mulf %mul3A_1540, %add3A_1641 : vector<16xf32>
        tpu.vector_store_idx %arg13[%add3A_1340, %broadcast_in_dim3A_1711], %mul3A_1712 : memref<2000x16xf32, #tpu.memory_space<vmem>>[vector<16xi32>, vector<16xi32>], vector<16xf32>,
        %broadcast_in_dim3A_1713 = arith.constant 8 : i32
        %broadcast_in_dim3A_1714 = vector.broadcast %broadcast_in_dim3A_1713 : i32 to vector<16xi32>
        %mul3A_1715 = arith.mulf %mul3A_1540, %add3A_1688 : vector<16xf32>
        tpu.vector_store_idx %arg13[%add3A_1340, %broadcast_in_dim3A_1714], %mul3A_1715 : memref<2000x16xf32, #tpu.memory_space<vmem>>[vector<16xi32>, vector<16xi32>], vector<16xf32>,
        %jit3A_1716 = arith.constant 5 : i32
        %div3A_1717 = arith.divsi %add3A_1336, %jit3A_1716 : i32
        %sign3A_1718 = arith.constant 0 : i32
        %sign3A_1719 = arith.cmpi sgt, %add3A_1336, %sign3A_1718 : i32
        %sign3A_1720 = arith.extui %sign3A_1719 : i1 to i32
        %sign3A_1721 = arith.constant 0 : i32
        %sign3A_1722 = arith.cmpi slt, %add3A_1336, %sign3A_1721 : i32
        %sign3A_1723 = arith.extui %sign3A_1722 : i1 to i32
        %sign3A_1724 = arith.subi %sign3A_1720, %sign3A_1723 : i32
        %sign3A_1725 = arith.constant 0 : i32
        %sign3A_1726 = arith.cmpi sgt, %jit3A_1716, %sign3A_1725 : i32
        %sign3A_1727 = arith.extui %sign3A_1726 : i1 to i32
        %sign3A_1728 = arith.constant 0 : i32
        %sign3A_1729 = arith.cmpi slt, %jit3A_1716, %sign3A_1728 : i32
        %sign3A_1730 = arith.extui %sign3A_1729 : i1 to i32
        %sign3A_1731 = arith.subi %sign3A_1727, %sign3A_1730 : i32
        %ne3A_1732 = arith.cmpi ne, %sign3A_1724, %sign3A_1731 : i32
        %rem3A_1733 = arith.remsi %add3A_1336, %jit3A_1716 : i32
        %ne3A_1734 = arith.constant 0 : i32
        %ne3A_1735 = arith.cmpi ne, %rem3A_1733, %ne3A_1734 : i32
        %and3A_1736 = arith.andi %ne3A_1732, %ne3A_1735 : i1
        %sub3A_1737 = arith.constant 1 : i32
        %sub3A_1738 = arith.subi %div3A_1717, %sub3A_1737 : i32
        %select_n3A_1739 = arith.select %and3A_1736, %sub3A_1738, %div3A_1717 : i32
        %broadcast_in_dim3A_1740 = vector.broadcast %select_n3A_1739 : i32 to vector<16xi32>
        %jit3A_1741 = arith.constant 5 : i32
        %eq3A_1742 = arith.constant 0 : i32
        %eq3A_1743 = arith.cmpi eq, %jit3A_1741, %eq3A_1742 : i32
        %jit3A_1744 = arith.constant 1 : i32
        %select_n3A_1745 = arith.select %eq3A_1743, %jit3A_1744, %jit3A_1741 : i32
        %rem3A_1746 = arith.remsi %add3A_1336, %select_n3A_1745 : i32
        %ne3A_1747 = arith.constant 0 : i32
        %ne3A_1748 = arith.cmpi ne, %rem3A_1746, %ne3A_1747 : i32
        %lt3A_1749 = arith.constant 0 : i32
        %lt3A_1750 = arith.cmpi slt, %rem3A_1746, %lt3A_1749 : i32
        %lt3A_1751 = arith.constant 0 : i32
        %lt3A_1752 = arith.cmpi slt, %select_n3A_1745, %lt3A_1751 : i32
        %ne3A_1753 = arith.xori %lt3A_1750, %lt3A_1752 : i1
        %and3A_1754 = arith.andi %ne3A_1753, %ne3A_1748 : i1
        %add3A_1755 = arith.addi %rem3A_1746, %select_n3A_1745 : i32
        %select_n3A_1756 = arith.select %and3A_1754, %add3A_1755, %rem3A_1746 : i32
        %mul3A_1757 = arith.constant 16 : i32
        %mul3A_1758 = arith.muli %select_n3A_1756, %mul3A_1757 : i32
        %add3A_1759 = vector.broadcast %mul3A_1758 : i32 to vector<16xi32>
        %add3A_1760 = arith.addi %iota3A, %add3A_1759 : vector<16xi32>
        tpu.vector_store_idx %arg14[%broadcast_in_dim3A_1740, %add3A_1760], %gather3A_1352 : memref<25x80xi32, #tpu.memory_space<vmem>>[vector<16xi32>, vector<16xi32>], vector<16xi32>,
        %scan3A_1761 = arith.constant 3 : i32
        %scan3A_1762 = arith.addi %scan3A_472, %scan3A_1761 : i32
        %mul3A_1763 = arith.constant 1 : i32
        %mul3A_1764 = arith.muli %scan3A_1762, %mul3A_1763 : i32
        %add3A_1765 = arith.constant 0 : i32
        %add3A_1766 = arith.addi %add3A_1765, %mul3A_1764 : i32
        %mul3A_1767 = arith.constant 16 : i32
        %mul3A_1768 = arith.muli %add3A_1766, %mul3A_1767 : i32
        %add3A_1769 = vector.broadcast %mul3A_1768 : i32 to vector<16xi32>
        %add3A_1770 = arith.addi %iota3A, %add3A_1769 : vector<16xi32>
        %broadcast_in_dim3A_1771 = arith.constant 0 : i32
        %broadcast_in_dim3A_1772 = vector.broadcast %broadcast_in_dim3A_1771 : i32 to vector<16xi32>
        %gather3A_1773 = tpu.vector_load_idx %arg10[%add3A_1770, %broadcast_in_dim3A_1772] : memref<2000x3xf32, #tpu.memory_space<vmem>>[vector<16xi32>, vector<16xi32>], vector<16xf32>,
        %add3A_1774 = arith.constant 1 : i32
        %add3A_1775 = vector.broadcast %add3A_1774 : i32 to vector<16xi32>
        %add3A_1776 = arith.addi %broadcast_in_dim3A_1772, %add3A_1775 : vector<16xi32>
        %gather3A_1777 = tpu.vector_load_idx %arg10[%add3A_1770, %add3A_1776] : memref<2000x3xf32, #tpu.memory_space<vmem>>[vector<16xi32>, vector<16xi32>], vector<16xf32>,
        %add3A_1778 = arith.constant 2 : i32
        %add3A_1779 = vector.broadcast %add3A_1778 : i32 to vector<16xi32>
        %add3A_1780 = arith.addi %broadcast_in_dim3A_1772, %add3A_1779 : vector<16xi32>
        %gather3A_1781 = tpu.vector_load_idx %arg10[%add3A_1770, %add3A_1780] : memref<2000x3xf32, #tpu.memory_space<vmem>>[vector<16xi32>, vector<16xi32>], vector<16xf32>,
        %gather3A_1782 = tpu.vector_load_idx %arg11[%add3A_1770] : memref<2000xi32, #tpu.memory_space<vmem>>[vector<16xi32>], vector<16xi32>,
        %gather3A_1783 = tpu.vector_load_idx %arg12[%add3A_1770] : memref<2000xi32, #tpu.memory_space<vmem>>[vector<16xi32>], vector<16xi32>,
        %shift_right_logical3A_1784 = arith.constant 4 : i32
        %shift_right_logical3A_1785 = vector.broadcast %shift_right_logical3A_1784 : i32 to vector<16xi32>
        %shift_right_logical3A_1786 = arith.shrui %gather3A_1782, %shift_right_logical3A_1785 : vector<16xi32>
        %gather3A_1787 = tpu.vector_load_idx %arg8[%shift_right_logical3A_1786] : memref<3200xi32, #tpu.memory_space<vmem>>[vector<16xi32>], vector<16xi32>,
        %shift_right_logical3A_1788 = arith.constant 4 : i32
        %shift_right_logical3A_1789 = vector.broadcast %shift_right_logical3A_1788 : i32 to vector<16xi32>
        %shift_right_logical3A_1790 = arith.shrui %gather3A_1783, %shift_right_logical3A_1789 : vector<16xi32>
        %gather3A_1791 = tpu.vector_load_idx %arg8[%shift_right_logical3A_1790] : memref<3200xi32, #tpu.memory_space<vmem>>[vector<16xi32>], vector<16xi32>,
        %and3A_1792 = arith.constant 15 : i32
        %and3A_1793 = vector.broadcast %and3A_1792 : i32 to vector<16xi32>
        %and3A_1794 = arith.andi %gather3A_1782, %and3A_1793 : vector<16xi32>
        %mul3A_1795 = arith.constant 2 : i32
        %mul3A_1796 = vector.broadcast %mul3A_1795 : i32 to vector<16xi32>
        %mul3A_1797 = arith.muli %and3A_1794, %mul3A_1796 : vector<16xi32>
        %shift_right_logical3A_1798 = arith.shrui %gather3A_1787, %mul3A_1797 : vector<16xi32>
        %and3A_1799 = arith.constant 3 : i32
        %and3A_1800 = vector.broadcast %and3A_1799 : i32 to vector<16xi32>
        %and3A_1801 = arith.andi %shift_right_logical3A_1798, %and3A_1800 : vector<16xi32>
        %and3A_1802 = arith.constant 15 : i32
        %and3A_1803 = vector.broadcast %and3A_1802 : i32 to vector<16xi32>
        %and3A_1804 = arith.andi %gather3A_1783, %and3A_1803 : vector<16xi32>
        %mul3A_1805 = arith.constant 2 : i32
        %mul3A_1806 = vector.broadcast %mul3A_1805 : i32 to vector<16xi32>
        %mul3A_1807 = arith.muli %and3A_1804, %mul3A_1806 : vector<16xi32>
        %shift_right_logical3A_1808 = arith.shrui %gather3A_1791, %mul3A_1807 : vector<16xi32>
        %and3A_1809 = arith.constant 3 : i32
        %and3A_1810 = vector.broadcast %and3A_1809 : i32 to vector<16xi32>
        %and3A_1811 = arith.andi %shift_right_logical3A_1808, %and3A_1810 : vector<16xi32>
        %mul3A_1812 = arith.mulf %gather3A_1773, %gather3A_1773 : vector<16xf32>
        %mul3A_1813 = arith.mulf %gather3A_1777, %gather3A_1777 : vector<16xf32>
        %add3A_1814 = arith.addf %mul3A_1812, %mul3A_1813 : vector<16xf32>
        %mul3A_1815 = arith.mulf %gather3A_1781, %gather3A_1781 : vector<16xf32>
        %add3A_1816 = arith.addf %add3A_1814, %mul3A_1815 : vector<16xf32>
        %add3A_1817 = arith.constant 9.99999996E-13 : f32
        %add3A_1818 = vector.broadcast %add3A_1817 : f32 to vector<16xf32>
        %add3A_1819 = arith.addf %add3A_1816, %add3A_1818 : vector<16xf32>
        %bitcast_convert_type3A_1820 = tpu.bitcast %add3A_1819 : vector<16xf32> -> vector<16xi32>
        %shift_right_arithmetic3A_1821 = arith.constant 1 : i32
        %shift_right_arithmetic3A_1822 = vector.broadcast %shift_right_arithmetic3A_1821 : i32 to vector<16xi32>
        %shift_right_arithmetic3A_1823 = arith.shrsi %bitcast_convert_type3A_1820, %shift_right_arithmetic3A_1822 : vector<16xi32>
        %sub3A_1824 = arith.constant 1597463007 : i32
        %sub3A_1825 = vector.broadcast %sub3A_1824 : i32 to vector<16xi32>
        %sub3A_1826 = arith.subi %sub3A_1825, %shift_right_arithmetic3A_1823 : vector<16xi32>
        %bitcast_convert_type3A_1827 = tpu.bitcast %sub3A_1826 : vector<16xi32> -> vector<16xf32>
        %mul3A_1828 = arith.constant 5.000000e-01 : f32
        %mul3A_1829 = vector.broadcast %mul3A_1828 : f32 to vector<16xf32>
        %mul3A_1830 = arith.mulf %mul3A_1829, %add3A_1819 : vector<16xf32>
        %mul3A_1831 = arith.mulf %mul3A_1830, %bitcast_convert_type3A_1827 : vector<16xf32>
        %mul3A_1832 = arith.mulf %mul3A_1831, %bitcast_convert_type3A_1827 : vector<16xf32>
        %sub3A_1833 = arith.constant 1.500000e+00 : f32
        %sub3A_1834 = vector.broadcast %sub3A_1833 : f32 to vector<16xf32>
        %sub3A_1835 = arith.subf %sub3A_1834, %mul3A_1832 : vector<16xf32>
        %mul3A_1836 = arith.mulf %bitcast_convert_type3A_1827, %sub3A_1835 : vector<16xf32>
        %mul3A_1837 = arith.constant 5.000000e-01 : f32
        %mul3A_1838 = vector.broadcast %mul3A_1837 : f32 to vector<16xf32>
        %mul3A_1839 = arith.mulf %mul3A_1838, %add3A_1819 : vector<16xf32>
        %mul3A_1840 = arith.mulf %mul3A_1839, %mul3A_1836 : vector<16xf32>
        %mul3A_1841 = arith.mulf %mul3A_1840, %mul3A_1836 : vector<16xf32>
        %sub3A_1842 = arith.constant 1.500000e+00 : f32
        %sub3A_1843 = vector.broadcast %sub3A_1842 : f32 to vector<16xf32>
        %sub3A_1844 = arith.subf %sub3A_1843, %mul3A_1841 : vector<16xf32>
        %mul3A_1845 = arith.mulf %mul3A_1836, %sub3A_1844 : vector<16xf32>
        %mul3A_1846 = arith.mulf %add3A_1819, %mul3A_1845 : vector<16xf32>
        %min3A_1847 = arith.constant 5.000000e+00 : f32
        %min3A_1848 = vector.broadcast %min3A_1847 : f32 to vector<16xf32>
        %min3A_1849 = arith.minimumf %mul3A_1846, %min3A_1848 : vector<16xf32>
        %mul3A_1850 = arith.constant 0.628318548 : f32
        %mul3A_1851 = vector.broadcast %mul3A_1850 : f32 to vector<16xf32>
        %mul3A_1852 = arith.mulf %min3A_1849, %mul3A_1851 : vector<16xf32>
        %sub3A_1853 = arith.constant 1.57079637 : f32
        %sub3A_1854 = vector.broadcast %sub3A_1853 : f32 to vector<16xf32>
        %sub3A_1855 = arith.subf %mul3A_1852, %sub3A_1854 : vector<16xf32>
        %mul3A_1856 = arith.mulf %sub3A_1855, %sub3A_1855 : vector<16xf32>
        %mul3A_1857 = arith.constant 2.48015876E-5 : f32
        %mul3A_1858 = vector.broadcast %mul3A_1857 : f32 to vector<16xf32>
        %mul3A_1859 = arith.mulf %mul3A_1856, %mul3A_1858 : vector<16xf32>
        %add3A_1860 = arith.constant -0.00138888892 : f32
        %add3A_1861 = vector.broadcast %add3A_1860 : f32 to vector<16xf32>
        %add3A_1862 = arith.addf %add3A_1861, %mul3A_1859 : vector<16xf32>
        %mul3A_1863 = arith.mulf %mul3A_1856, %add3A_1862 : vector<16xf32>
        %add3A_1864 = arith.constant 0.0416666679 : f32
        %add3A_1865 = vector.broadcast %add3A_1864 : f32 to vector<16xf32>
        %add3A_1866 = arith.addf %add3A_1865, %mul3A_1863 : vector<16xf32>
        %mul3A_1867 = arith.mulf %mul3A_1856, %add3A_1866 : vector<16xf32>
        %add3A_1868 = arith.constant -5.000000e-01 : f32
        %add3A_1869 = vector.broadcast %add3A_1868 : f32 to vector<16xf32>
        %add3A_1870 = arith.addf %add3A_1869, %mul3A_1867 : vector<16xf32>
        %mul3A_1871 = arith.mulf %mul3A_1856, %add3A_1870 : vector<16xf32>
        %add3A_1872 = arith.constant 1.000000e+00 : f32
        %add3A_1873 = vector.broadcast %add3A_1872 : f32 to vector<16xf32>
        %add3A_1874 = arith.addf %add3A_1873, %mul3A_1871 : vector<16xf32>
        %mul3A_1875 = arith.mulf %sub3A_1855, %sub3A_1855 : vector<16xf32>
        %mul3A_1876 = arith.constant 2.75573188E-6 : f32
        %mul3A_1877 = vector.broadcast %mul3A_1876 : f32 to vector<16xf32>
        %mul3A_1878 = arith.mulf %mul3A_1875, %mul3A_1877 : vector<16xf32>
        %add3A_1879 = arith.constant -1.98412701E-4 : f32
        %add3A_1880 = vector.broadcast %add3A_1879 : f32 to vector<16xf32>
        %add3A_1881 = arith.addf %add3A_1880, %mul3A_1878 : vector<16xf32>
        %mul3A_1882 = arith.mulf %mul3A_1875, %add3A_1881 : vector<16xf32>
        %add3A_1883 = arith.constant 0.00833333377 : f32
        %add3A_1884 = vector.broadcast %add3A_1883 : f32 to vector<16xf32>
        %add3A_1885 = arith.addf %add3A_1884, %mul3A_1882 : vector<16xf32>
        %mul3A_1886 = arith.mulf %mul3A_1875, %add3A_1885 : vector<16xf32>
        %add3A_1887 = arith.constant -0.166666672 : f32
        %add3A_1888 = vector.broadcast %add3A_1887 : f32 to vector<16xf32>
        %add3A_1889 = arith.addf %add3A_1888, %mul3A_1886 : vector<16xf32>
        %mul3A_1890 = arith.mulf %mul3A_1875, %add3A_1889 : vector<16xf32>
        %add3A_1891 = arith.constant 1.000000e+00 : f32
        %add3A_1892 = vector.broadcast %add3A_1891 : f32 to vector<16xf32>
        %add3A_1893 = arith.addf %add3A_1892, %mul3A_1890 : vector<16xf32>
        %mul3A_1894 = arith.mulf %sub3A_1855, %add3A_1893 : vector<16xf32>
        %neg3A_1895 = arith.constant 0.000000e+00 : f32
        %neg3A_1896 = vector.broadcast %neg3A_1895 : f32 to vector<16xf32>
        %neg3A_1897 = arith.subf %neg3A_1896, %mul3A_1894 : vector<16xf32>
        %mul3A_1898 = arith.constant 2.000000e+00 : f32
        %mul3A_1899 = vector.broadcast %mul3A_1898 : f32 to vector<16xf32>
        %mul3A_1900 = arith.mulf %mul3A_1899, %neg3A_1897 : vector<16xf32>
        %mul3A_1901 = arith.mulf %mul3A_1900, %add3A_1874 : vector<16xf32>
        %mul3A_1902 = arith.mulf %mul3A_1900, %mul3A_1901 : vector<16xf32>
        %sub3A_1903 = arith.subf %mul3A_1902, %add3A_1874 : vector<16xf32>
        %mul3A_1904 = arith.mulf %mul3A_1900, %sub3A_1903 : vector<16xf32>
        %sub3A_1905 = arith.subf %mul3A_1904, %mul3A_1901 : vector<16xf32>
        %mul3A_1906 = arith.mulf %mul3A_1900, %sub3A_1905 : vector<16xf32>
        %sub3A_1907 = arith.subf %mul3A_1906, %sub3A_1903 : vector<16xf32>
        %mul3A_1908 = arith.mulf %mul3A_1900, %sub3A_1907 : vector<16xf32>
        %sub3A_1909 = arith.subf %mul3A_1908, %sub3A_1905 : vector<16xf32>
        %mul3A_1910 = arith.mulf %mul3A_1900, %sub3A_1909 : vector<16xf32>
        %sub3A_1911 = arith.subf %mul3A_1910, %sub3A_1907 : vector<16xf32>
        %mul3A_1912 = arith.mulf %mul3A_1900, %sub3A_1911 : vector<16xf32>
        %sub3A_1913 = arith.subf %mul3A_1912, %sub3A_1909 : vector<16xf32>
        %sub3A_1914 = arith.constant 4.500000e+00 : f32
        %sub3A_1915 = vector.broadcast %sub3A_1914 : f32 to vector<16xf32>
        %sub3A_1916 = arith.subf %min3A_1849, %sub3A_1915 : vector<16xf32>
        %mul3A_1917 = arith.constant 2.000000e+00 : f32
        %mul3A_1918 = vector.broadcast %mul3A_1917 : f32 to vector<16xf32>
        %mul3A_1919 = arith.mulf %sub3A_1916, %mul3A_1918 : vector<16xf32>
        %jit3A_1920 = arith.constant 0.000000e+00 : f32
        %jit3A_1921 = arith.constant 1.000000e+00 : f32
        %max3A_1922 = vector.broadcast %jit3A_1920 : f32 to vector<16xf32>
        %max3A_1923 = arith.maximumf %max3A_1922, %mul3A_1919 : vector<16xf32>
        %min3A_1924 = vector.broadcast %jit3A_1921 : f32 to vector<16xf32>
        %min3A_1925 = arith.minimumf %min3A_1924, %max3A_1923 : vector<16xf32>
        %mul3A_1926 = arith.constant 3.14159274 : f32
        %mul3A_1927 = vector.broadcast %mul3A_1926 : f32 to vector<16xf32>
        %mul3A_1928 = arith.mulf %min3A_1925, %mul3A_1927 : vector<16xf32>
        %sub3A_1929 = arith.constant 1.57079637 : f32
        %sub3A_1930 = vector.broadcast %sub3A_1929 : f32 to vector<16xf32>
        %sub3A_1931 = arith.subf %mul3A_1928, %sub3A_1930 : vector<16xf32>
        %mul3A_1932 = arith.mulf %sub3A_1931, %sub3A_1931 : vector<16xf32>
        %mul3A_1933 = arith.constant 2.75573188E-6 : f32
        %mul3A_1934 = vector.broadcast %mul3A_1933 : f32 to vector<16xf32>
        %mul3A_1935 = arith.mulf %mul3A_1932, %mul3A_1934 : vector<16xf32>
        %add3A_1936 = arith.constant -1.98412701E-4 : f32
        %add3A_1937 = vector.broadcast %add3A_1936 : f32 to vector<16xf32>
        %add3A_1938 = arith.addf %add3A_1937, %mul3A_1935 : vector<16xf32>
        %mul3A_1939 = arith.mulf %mul3A_1932, %add3A_1938 : vector<16xf32>
        %add3A_1940 = arith.constant 0.00833333377 : f32
        %add3A_1941 = vector.broadcast %add3A_1940 : f32 to vector<16xf32>
        %add3A_1942 = arith.addf %add3A_1941, %mul3A_1939 : vector<16xf32>
        %mul3A_1943 = arith.mulf %mul3A_1932, %add3A_1942 : vector<16xf32>
        %add3A_1944 = arith.constant -0.166666672 : f32
        %add3A_1945 = vector.broadcast %add3A_1944 : f32 to vector<16xf32>
        %add3A_1946 = arith.addf %add3A_1945, %mul3A_1943 : vector<16xf32>
        %mul3A_1947 = arith.mulf %mul3A_1932, %add3A_1946 : vector<16xf32>
        %add3A_1948 = arith.constant 1.000000e+00 : f32
        %add3A_1949 = vector.broadcast %add3A_1948 : f32 to vector<16xf32>
        %add3A_1950 = arith.addf %add3A_1949, %mul3A_1947 : vector<16xf32>
        %mul3A_1951 = arith.mulf %sub3A_1931, %add3A_1950 : vector<16xf32>
        %sub3A_1952 = arith.constant 1.000000e+00 : f32
        %sub3A_1953 = vector.broadcast %sub3A_1952 : f32 to vector<16xf32>
        %sub3A_1954 = arith.subf %sub3A_1953, %mul3A_1951 : vector<16xf32>
        %mul3A_1955 = arith.constant 5.000000e-01 : f32
        %mul3A_1956 = vector.broadcast %mul3A_1955 : f32 to vector<16xf32>
        %mul3A_1957 = arith.mulf %mul3A_1956, %sub3A_1954 : vector<16xf32>
        %lt3A_1958 = arith.constant 5.000000e+00 : f32
        %lt3A_1959 = vector.broadcast %lt3A_1958 : f32 to vector<16xf32>
        %lt3A_1960 = arith.cmpf olt, %mul3A_1846, %lt3A_1959 : vector<16xf32>
        %jit3A_1961 = arith.constant 0.000000e+00 : f32
        %broadcast_in_dim3A_1962 = vector.broadcast %jit3A_1961 : f32 to vector<16xf32>
        %select_n3A_1963 = arith.select %lt3A_1960, %mul3A_1957, %broadcast_in_dim3A_1962 : vector<16xi1>, vector<16xf32>
        %mul3A_1964 = arith.constant 0.488602519 : f32
        %mul3A_1965 = vector.broadcast %mul3A_1964 : f32 to vector<16xf32>
        %mul3A_1966 = arith.mulf %select_n3A_1963, %mul3A_1965 : vector<16xf32>
        %mul3A_1967 = arith.mulf %mul3A_1966, %mul3A_1845 : vector<16xf32>
        %mul3A_1968 = arith.mulf %gather3A_1777, %mul3A_1967 : vector<16xf32>
        %mul3A_1969 = arith.mulf %gather3A_1781, %mul3A_1967 : vector<16xf32>
        %mul3A_1970 = arith.mulf %gather3A_1773, %mul3A_1967 : vector<16xf32>
        %mul3A_1971 = arith.constant 96 : i32
        %mul3A_1972 = vector.broadcast %mul3A_1971 : i32 to vector<16xi32>
        %mul3A_1973 = arith.muli %and3A_1801, %mul3A_1972 : vector<16xi32>
        %mul3A_1974 = arith.constant 3 : i32
        %mul3A_1975 = vector.broadcast %mul3A_1974 : i32 to vector<16xi32>
        %mul3A_1976 = arith.muli %and3A_1811, %mul3A_1975 : vector<16xi32>
        %add3A_1977 = arith.addi %mul3A_1973, %mul3A_1976 : vector<16xi32>
        %add3A_1978 = arith.constant 0 : i32
        %add3A_1979 = vector.broadcast %add3A_1978 : i32 to vector<16xi32>
        %add3A_1980 = arith.addi %add3A_1977, %add3A_1979 : vector<16xi32>
        %gather3A_1981 = tpu.vector_load_idx %arg9[%add3A_1980] : memref<384xf32, #tpu.memory_space<vmem>>[vector<16xi32>], vector<16xf32>,
        %mul3A_1982 = arith.mulf %add3A_1874, %gather3A_1981 : vector<16xf32>
        %add3A_1983 = arith.constant 12 : i32
        %add3A_1984 = vector.broadcast %add3A_1983 : i32 to vector<16xi32>
        %add3A_1985 = arith.addi %add3A_1977, %add3A_1984 : vector<16xi32>
        %gather3A_1986 = tpu.vector_load_idx %arg9[%add3A_1985] : memref<384xf32, #tpu.memory_space<vmem>>[vector<16xi32>], vector<16xf32>,
        %mul3A_1987 = arith.mulf %mul3A_1901, %gather3A_1986 : vector<16xf32>
        %add3A_1988 = arith.addf %mul3A_1982, %mul3A_1987 : vector<16xf32>
        %add3A_1989 = arith.constant 24 : i32
        %add3A_1990 = vector.broadcast %add3A_1989 : i32 to vector<16xi32>
        %add3A_1991 = arith.addi %add3A_1977, %add3A_1990 : vector<16xi32>
        %gather3A_1992 = tpu.vector_load_idx %arg9[%add3A_1991] : memref<384xf32, #tpu.memory_space<vmem>>[vector<16xi32>], vector<16xf32>,
        %mul3A_1993 = arith.mulf %sub3A_1903, %gather3A_1992 : vector<16xf32>
        %add3A_1994 = arith.addf %add3A_1988, %mul3A_1993 : vector<16xf32>
        %add3A_1995 = arith.constant 36 : i32
        %add3A_1996 = vector.broadcast %add3A_1995 : i32 to vector<16xi32>
        %add3A_1997 = arith.addi %add3A_1977, %add3A_1996 : vector<16xi32>
        %gather3A_1998 = tpu.vector_load_idx %arg9[%add3A_1997] : memref<384xf32, #tpu.memory_space<vmem>>[vector<16xi32>], vector<16xf32>,
        %mul3A_1999 = arith.mulf %sub3A_1905, %gather3A_1998 : vector<16xf32>
        %add3A_2000 = arith.addf %add3A_1994, %mul3A_1999 : vector<16xf32>
        %add3A_2001 = arith.constant 48 : i32
        %add3A_2002 = vector.broadcast %add3A_2001 : i32 to vector<16xi32>
        %add3A_2003 = arith.addi %add3A_1977, %add3A_2002 : vector<16xi32>
        %gather3A_2004 = tpu.vector_load_idx %arg9[%add3A_2003] : memref<384xf32, #tpu.memory_space<vmem>>[vector<16xi32>], vector<16xf32>,
        %mul3A_2005 = arith.mulf %sub3A_1907, %gather3A_2004 : vector<16xf32>
        %add3A_2006 = arith.addf %add3A_2000, %mul3A_2005 : vector<16xf32>
        %add3A_2007 = arith.constant 60 : i32
        %add3A_2008 = vector.broadcast %add3A_2007 : i32 to vector<16xi32>
        %add3A_2009 = arith.addi %add3A_1977, %add3A_2008 : vector<16xi32>
        %gather3A_2010 = tpu.vector_load_idx %arg9[%add3A_2009] : memref<384xf32, #tpu.memory_space<vmem>>[vector<16xi32>], vector<16xf32>,
        %mul3A_2011 = arith.mulf %sub3A_1909, %gather3A_2010 : vector<16xf32>
        %add3A_2012 = arith.addf %add3A_2006, %mul3A_2011 : vector<16xf32>
        %add3A_2013 = arith.constant 72 : i32
        %add3A_2014 = vector.broadcast %add3A_2013 : i32 to vector<16xi32>
        %add3A_2015 = arith.addi %add3A_1977, %add3A_2014 : vector<16xi32>
        %gather3A_2016 = tpu.vector_load_idx %arg9[%add3A_2015] : memref<384xf32, #tpu.memory_space<vmem>>[vector<16xi32>], vector<16xf32>,
        %mul3A_2017 = arith.mulf %sub3A_1911, %gather3A_2016 : vector<16xf32>
        %add3A_2018 = arith.addf %add3A_2012, %mul3A_2017 : vector<16xf32>
        %add3A_2019 = arith.constant 84 : i32
        %add3A_2020 = vector.broadcast %add3A_2019 : i32 to vector<16xi32>
        %add3A_2021 = arith.addi %add3A_1977, %add3A_2020 : vector<16xi32>
        %gather3A_2022 = tpu.vector_load_idx %arg9[%add3A_2021] : memref<384xf32, #tpu.memory_space<vmem>>[vector<16xi32>], vector<16xf32>,
        %mul3A_2023 = arith.mulf %sub3A_1913, %gather3A_2022 : vector<16xf32>
        %add3A_2024 = arith.addf %add3A_2018, %mul3A_2023 : vector<16xf32>
        %add3A_2025 = arith.constant 1 : i32
        %add3A_2026 = vector.broadcast %add3A_2025 : i32 to vector<16xi32>
        %add3A_2027 = arith.addi %add3A_1977, %add3A_2026 : vector<16xi32>
        %gather3A_2028 = tpu.vector_load_idx %arg9[%add3A_2027] : memref<384xf32, #tpu.memory_space<vmem>>[vector<16xi32>], vector<16xf32>,
        %mul3A_2029 = arith.mulf %add3A_1874, %gather3A_2028 : vector<16xf32>
        %add3A_2030 = arith.constant 13 : i32
        %add3A_2031 = vector.broadcast %add3A_2030 : i32 to vector<16xi32>
        %add3A_2032 = arith.addi %add3A_1977, %add3A_2031 : vector<16xi32>
        %gather3A_2033 = tpu.vector_load_idx %arg9[%add3A_2032] : memref<384xf32, #tpu.memory_space<vmem>>[vector<16xi32>], vector<16xf32>,
        %mul3A_2034 = arith.mulf %mul3A_1901, %gather3A_2033 : vector<16xf32>
        %add3A_2035 = arith.addf %mul3A_2029, %mul3A_2034 : vector<16xf32>
        %add3A_2036 = arith.constant 25 : i32
        %add3A_2037 = vector.broadcast %add3A_2036 : i32 to vector<16xi32>
        %add3A_2038 = arith.addi %add3A_1977, %add3A_2037 : vector<16xi32>
        %gather3A_2039 = tpu.vector_load_idx %arg9[%add3A_2038] : memref<384xf32, #tpu.memory_space<vmem>>[vector<16xi32>], vector<16xf32>,
        %mul3A_2040 = arith.mulf %sub3A_1903, %gather3A_2039 : vector<16xf32>
        %add3A_2041 = arith.addf %add3A_2035, %mul3A_2040 : vector<16xf32>
        %add3A_2042 = arith.constant 37 : i32
        %add3A_2043 = vector.broadcast %add3A_2042 : i32 to vector<16xi32>
        %add3A_2044 = arith.addi %add3A_1977, %add3A_2043 : vector<16xi32>
        %gather3A_2045 = tpu.vector_load_idx %arg9[%add3A_2044] : memref<384xf32, #tpu.memory_space<vmem>>[vector<16xi32>], vector<16xf32>,
        %mul3A_2046 = arith.mulf %sub3A_1905, %gather3A_2045 : vector<16xf32>
        %add3A_2047 = arith.addf %add3A_2041, %mul3A_2046 : vector<16xf32>
        %add3A_2048 = arith.constant 49 : i32
        %add3A_2049 = vector.broadcast %add3A_2048 : i32 to vector<16xi32>
        %add3A_2050 = arith.addi %add3A_1977, %add3A_2049 : vector<16xi32>
        %gather3A_2051 = tpu.vector_load_idx %arg9[%add3A_2050] : memref<384xf32, #tpu.memory_space<vmem>>[vector<16xi32>], vector<16xf32>,
        %mul3A_2052 = arith.mulf %sub3A_1907, %gather3A_2051 : vector<16xf32>
        %add3A_2053 = arith.addf %add3A_2047, %mul3A_2052 : vector<16xf32>
        %add3A_2054 = arith.constant 61 : i32
        %add3A_2055 = vector.broadcast %add3A_2054 : i32 to vector<16xi32>
        %add3A_2056 = arith.addi %add3A_1977, %add3A_2055 : vector<16xi32>
        %gather3A_2057 = tpu.vector_load_idx %arg9[%add3A_2056] : memref<384xf32, #tpu.memory_space<vmem>>[vector<16xi32>], vector<16xf32>,
        %mul3A_2058 = arith.mulf %sub3A_1909, %gather3A_2057 : vector<16xf32>
        %add3A_2059 = arith.addf %add3A_2053, %mul3A_2058 : vector<16xf32>
        %add3A_2060 = arith.constant 73 : i32
        %add3A_2061 = vector.broadcast %add3A_2060 : i32 to vector<16xi32>
        %add3A_2062 = arith.addi %add3A_1977, %add3A_2061 : vector<16xi32>
        %gather3A_2063 = tpu.vector_load_idx %arg9[%add3A_2062] : memref<384xf32, #tpu.memory_space<vmem>>[vector<16xi32>], vector<16xf32>,
        %mul3A_2064 = arith.mulf %sub3A_1911, %gather3A_2063 : vector<16xf32>
        %add3A_2065 = arith.addf %add3A_2059, %mul3A_2064 : vector<16xf32>
        %add3A_2066 = arith.constant 85 : i32
        %add3A_2067 = vector.broadcast %add3A_2066 : i32 to vector<16xi32>
        %add3A_2068 = arith.addi %add3A_1977, %add3A_2067 : vector<16xi32>
        %gather3A_2069 = tpu.vector_load_idx %arg9[%add3A_2068] : memref<384xf32, #tpu.memory_space<vmem>>[vector<16xi32>], vector<16xf32>,
        %mul3A_2070 = arith.mulf %sub3A_1913, %gather3A_2069 : vector<16xf32>
        %add3A_2071 = arith.addf %add3A_2065, %mul3A_2070 : vector<16xf32>
        %add3A_2072 = arith.constant 2 : i32
        %add3A_2073 = vector.broadcast %add3A_2072 : i32 to vector<16xi32>
        %add3A_2074 = arith.addi %add3A_1977, %add3A_2073 : vector<16xi32>
        %gather3A_2075 = tpu.vector_load_idx %arg9[%add3A_2074] : memref<384xf32, #tpu.memory_space<vmem>>[vector<16xi32>], vector<16xf32>,
        %mul3A_2076 = arith.mulf %add3A_1874, %gather3A_2075 : vector<16xf32>
        %add3A_2077 = arith.constant 14 : i32
        %add3A_2078 = vector.broadcast %add3A_2077 : i32 to vector<16xi32>
        %add3A_2079 = arith.addi %add3A_1977, %add3A_2078 : vector<16xi32>
        %gather3A_2080 = tpu.vector_load_idx %arg9[%add3A_2079] : memref<384xf32, #tpu.memory_space<vmem>>[vector<16xi32>], vector<16xf32>,
        %mul3A_2081 = arith.mulf %mul3A_1901, %gather3A_2080 : vector<16xf32>
        %add3A_2082 = arith.addf %mul3A_2076, %mul3A_2081 : vector<16xf32>
        %add3A_2083 = arith.constant 26 : i32
        %add3A_2084 = vector.broadcast %add3A_2083 : i32 to vector<16xi32>
        %add3A_2085 = arith.addi %add3A_1977, %add3A_2084 : vector<16xi32>
        %gather3A_2086 = tpu.vector_load_idx %arg9[%add3A_2085] : memref<384xf32, #tpu.memory_space<vmem>>[vector<16xi32>], vector<16xf32>,
        %mul3A_2087 = arith.mulf %sub3A_1903, %gather3A_2086 : vector<16xf32>
        %add3A_2088 = arith.addf %add3A_2082, %mul3A_2087 : vector<16xf32>
        %add3A_2089 = arith.constant 38 : i32
        %add3A_2090 = vector.broadcast %add3A_2089 : i32 to vector<16xi32>
        %add3A_2091 = arith.addi %add3A_1977, %add3A_2090 : vector<16xi32>
        %gather3A_2092 = tpu.vector_load_idx %arg9[%add3A_2091] : memref<384xf32, #tpu.memory_space<vmem>>[vector<16xi32>], vector<16xf32>,
        %mul3A_2093 = arith.mulf %sub3A_1905, %gather3A_2092 : vector<16xf32>
        %add3A_2094 = arith.addf %add3A_2088, %mul3A_2093 : vector<16xf32>
        %add3A_2095 = arith.constant 50 : i32
        %add3A_2096 = vector.broadcast %add3A_2095 : i32 to vector<16xi32>
        %add3A_2097 = arith.addi %add3A_1977, %add3A_2096 : vector<16xi32>
        %gather3A_2098 = tpu.vector_load_idx %arg9[%add3A_2097] : memref<384xf32, #tpu.memory_space<vmem>>[vector<16xi32>], vector<16xf32>,
        %mul3A_2099 = arith.mulf %sub3A_1907, %gather3A_2098 : vector<16xf32>
        %add3A_2100 = arith.addf %add3A_2094, %mul3A_2099 : vector<16xf32>
        %add3A_2101 = arith.constant 62 : i32
        %add3A_2102 = vector.broadcast %add3A_2101 : i32 to vector<16xi32>
        %add3A_2103 = arith.addi %add3A_1977, %add3A_2102 : vector<16xi32>
        %gather3A_2104 = tpu.vector_load_idx %arg9[%add3A_2103] : memref<384xf32, #tpu.memory_space<vmem>>[vector<16xi32>], vector<16xf32>,
        %mul3A_2105 = arith.mulf %sub3A_1909, %gather3A_2104 : vector<16xf32>
        %add3A_2106 = arith.addf %add3A_2100, %mul3A_2105 : vector<16xf32>
        %add3A_2107 = arith.constant 74 : i32
        %add3A_2108 = vector.broadcast %add3A_2107 : i32 to vector<16xi32>
        %add3A_2109 = arith.addi %add3A_1977, %add3A_2108 : vector<16xi32>
        %gather3A_2110 = tpu.vector_load_idx %arg9[%add3A_2109] : memref<384xf32, #tpu.memory_space<vmem>>[vector<16xi32>], vector<16xf32>,
        %mul3A_2111 = arith.mulf %sub3A_1911, %gather3A_2110 : vector<16xf32>
        %add3A_2112 = arith.addf %add3A_2106, %mul3A_2111 : vector<16xf32>
        %add3A_2113 = arith.constant 86 : i32
        %add3A_2114 = vector.broadcast %add3A_2113 : i32 to vector<16xi32>
        %add3A_2115 = arith.addi %add3A_1977, %add3A_2114 : vector<16xi32>
        %gather3A_2116 = tpu.vector_load_idx %arg9[%add3A_2115] : memref<384xf32, #tpu.memory_space<vmem>>[vector<16xi32>], vector<16xf32>,
        %mul3A_2117 = arith.mulf %sub3A_1913, %gather3A_2116 : vector<16xf32>
        %add3A_2118 = arith.addf %add3A_2112, %mul3A_2117 : vector<16xf32>
        %broadcast_in_dim3A_2119 = arith.constant 0 : i32
        %broadcast_in_dim3A_2120 = vector.broadcast %broadcast_in_dim3A_2119 : i32 to vector<16xi32>
        %mul3A_2121 = arith.mulf %mul3A_1968, %add3A_2024 : vector<16xf32>
        tpu.vector_store_idx %arg13[%add3A_1770, %broadcast_in_dim3A_2120], %mul3A_2121 : memref<2000x16xf32, #tpu.memory_space<vmem>>[vector<16xi32>, vector<16xi32>], vector<16xf32>,
        %broadcast_in_dim3A_2122 = arith.constant 1 : i32
        %broadcast_in_dim3A_2123 = vector.broadcast %broadcast_in_dim3A_2122 : i32 to vector<16xi32>
        %mul3A_2124 = arith.mulf %mul3A_1968, %add3A_2071 : vector<16xf32>
        tpu.vector_store_idx %arg13[%add3A_1770, %broadcast_in_dim3A_2123], %mul3A_2124 : memref<2000x16xf32, #tpu.memory_space<vmem>>[vector<16xi32>, vector<16xi32>], vector<16xf32>,
        %broadcast_in_dim3A_2125 = arith.constant 2 : i32
        %broadcast_in_dim3A_2126 = vector.broadcast %broadcast_in_dim3A_2125 : i32 to vector<16xi32>
        %mul3A_2127 = arith.mulf %mul3A_1968, %add3A_2118 : vector<16xf32>
        tpu.vector_store_idx %arg13[%add3A_1770, %broadcast_in_dim3A_2126], %mul3A_2127 : memref<2000x16xf32, #tpu.memory_space<vmem>>[vector<16xi32>, vector<16xi32>], vector<16xf32>,
        %broadcast_in_dim3A_2128 = arith.constant 3 : i32
        %broadcast_in_dim3A_2129 = vector.broadcast %broadcast_in_dim3A_2128 : i32 to vector<16xi32>
        %mul3A_2130 = arith.mulf %mul3A_1969, %add3A_2024 : vector<16xf32>
        tpu.vector_store_idx %arg13[%add3A_1770, %broadcast_in_dim3A_2129], %mul3A_2130 : memref<2000x16xf32, #tpu.memory_space<vmem>>[vector<16xi32>, vector<16xi32>], vector<16xf32>,
        %broadcast_in_dim3A_2131 = arith.constant 4 : i32
        %broadcast_in_dim3A_2132 = vector.broadcast %broadcast_in_dim3A_2131 : i32 to vector<16xi32>
        %mul3A_2133 = arith.mulf %mul3A_1969, %add3A_2071 : vector<16xf32>
        tpu.vector_store_idx %arg13[%add3A_1770, %broadcast_in_dim3A_2132], %mul3A_2133 : memref<2000x16xf32, #tpu.memory_space<vmem>>[vector<16xi32>, vector<16xi32>], vector<16xf32>,
        %broadcast_in_dim3A_2134 = arith.constant 5 : i32
        %broadcast_in_dim3A_2135 = vector.broadcast %broadcast_in_dim3A_2134 : i32 to vector<16xi32>
        %mul3A_2136 = arith.mulf %mul3A_1969, %add3A_2118 : vector<16xf32>
        tpu.vector_store_idx %arg13[%add3A_1770, %broadcast_in_dim3A_2135], %mul3A_2136 : memref<2000x16xf32, #tpu.memory_space<vmem>>[vector<16xi32>, vector<16xi32>], vector<16xf32>,
        %broadcast_in_dim3A_2137 = arith.constant 6 : i32
        %broadcast_in_dim3A_2138 = vector.broadcast %broadcast_in_dim3A_2137 : i32 to vector<16xi32>
        %mul3A_2139 = arith.mulf %mul3A_1970, %add3A_2024 : vector<16xf32>
        tpu.vector_store_idx %arg13[%add3A_1770, %broadcast_in_dim3A_2138], %mul3A_2139 : memref<2000x16xf32, #tpu.memory_space<vmem>>[vector<16xi32>, vector<16xi32>], vector<16xf32>,
        %broadcast_in_dim3A_2140 = arith.constant 7 : i32
        %broadcast_in_dim3A_2141 = vector.broadcast %broadcast_in_dim3A_2140 : i32 to vector<16xi32>
        %mul3A_2142 = arith.mulf %mul3A_1970, %add3A_2071 : vector<16xf32>
        tpu.vector_store_idx %arg13[%add3A_1770, %broadcast_in_dim3A_2141], %mul3A_2142 : memref<2000x16xf32, #tpu.memory_space<vmem>>[vector<16xi32>, vector<16xi32>], vector<16xf32>,
        %broadcast_in_dim3A_2143 = arith.constant 8 : i32
        %broadcast_in_dim3A_2144 = vector.broadcast %broadcast_in_dim3A_2143 : i32 to vector<16xi32>
        %mul3A_2145 = arith.mulf %mul3A_1970, %add3A_2118 : vector<16xf32>
        tpu.vector_store_idx %arg13[%add3A_1770, %broadcast_in_dim3A_2144], %mul3A_2145 : memref<2000x16xf32, #tpu.memory_space<vmem>>[vector<16xi32>, vector<16xi32>], vector<16xf32>,
        %jit3A_2146 = arith.constant 5 : i32
        %div3A_2147 = arith.divsi %add3A_1766, %jit3A_2146 : i32
        %sign3A_2148 = arith.constant 0 : i32
        %sign3A_2149 = arith.cmpi sgt, %add3A_1766, %sign3A_2148 : i32
        %sign3A_2150 = arith.extui %sign3A_2149 : i1 to i32
        %sign3A_2151 = arith.constant 0 : i32
        %sign3A_2152 = arith.cmpi slt, %add3A_1766, %sign3A_2151 : i32
        %sign3A_2153 = arith.extui %sign3A_2152 : i1 to i32
        %sign3A_2154 = arith.subi %sign3A_2150, %sign3A_2153 : i32
        %sign3A_2155 = arith.constant 0 : i32
        %sign3A_2156 = arith.cmpi sgt, %jit3A_2146, %sign3A_2155 : i32
        %sign3A_2157 = arith.extui %sign3A_2156 : i1 to i32
        %sign3A_2158 = arith.constant 0 : i32
        %sign3A_2159 = arith.cmpi slt, %jit3A_2146, %sign3A_2158 : i32
        %sign3A_2160 = arith.extui %sign3A_2159 : i1 to i32
        %sign3A_2161 = arith.subi %sign3A_2157, %sign3A_2160 : i32
        %ne3A_2162 = arith.cmpi ne, %sign3A_2154, %sign3A_2161 : i32
        %rem3A_2163 = arith.remsi %add3A_1766, %jit3A_2146 : i32
        %ne3A_2164 = arith.constant 0 : i32
        %ne3A_2165 = arith.cmpi ne, %rem3A_2163, %ne3A_2164 : i32
        %and3A_2166 = arith.andi %ne3A_2162, %ne3A_2165 : i1
        %sub3A_2167 = arith.constant 1 : i32
        %sub3A_2168 = arith.subi %div3A_2147, %sub3A_2167 : i32
        %select_n3A_2169 = arith.select %and3A_2166, %sub3A_2168, %div3A_2147 : i32
        %broadcast_in_dim3A_2170 = vector.broadcast %select_n3A_2169 : i32 to vector<16xi32>
        %jit3A_2171 = arith.constant 5 : i32
        %eq3A_2172 = arith.constant 0 : i32
        %eq3A_2173 = arith.cmpi eq, %jit3A_2171, %eq3A_2172 : i32
        %jit3A_2174 = arith.constant 1 : i32
        %select_n3A_2175 = arith.select %eq3A_2173, %jit3A_2174, %jit3A_2171 : i32
        %rem3A_2176 = arith.remsi %add3A_1766, %select_n3A_2175 : i32
        %ne3A_2177 = arith.constant 0 : i32
        %ne3A_2178 = arith.cmpi ne, %rem3A_2176, %ne3A_2177 : i32
        %lt3A_2179 = arith.constant 0 : i32
        %lt3A_2180 = arith.cmpi slt, %rem3A_2176, %lt3A_2179 : i32
        %lt3A_2181 = arith.constant 0 : i32
        %lt3A_2182 = arith.cmpi slt, %select_n3A_2175, %lt3A_2181 : i32
        %ne3A_2183 = arith.xori %lt3A_2180, %lt3A_2182 : i1
        %and3A_2184 = arith.andi %ne3A_2183, %ne3A_2178 : i1
        %add3A_2185 = arith.addi %rem3A_2176, %select_n3A_2175 : i32
        %select_n3A_2186 = arith.select %and3A_2184, %add3A_2185, %rem3A_2176 : i32
        %mul3A_2187 = arith.constant 16 : i32
        %mul3A_2188 = arith.muli %select_n3A_2186, %mul3A_2187 : i32
        %add3A_2189 = vector.broadcast %mul3A_2188 : i32 to vector<16xi32>
        %add3A_2190 = arith.addi %iota3A, %add3A_2189 : vector<16xi32>
        tpu.vector_store_idx %arg14[%broadcast_in_dim3A_2170, %add3A_2190], %gather3A_1782 : memref<25x80xi32, #tpu.memory_space<vmem>>[vector<16xi32>, vector<16xi32>], vector<16xi32>,
      }
      %scan3A_35 = arith.constant 124 : i32
      %scan3A_36 = arith.addi %scan3A_31, %scan3A_35 : i32
      %mul3A_37 = arith.constant 1 : i32
      %mul3A_38 = arith.muli %scan3A_36, %mul3A_37 : i32
      %add3A_39 = arith.constant 0 : i32
      %add3A_40 = arith.addi %add3A_39, %mul3A_38 : i32
      %mul3A_41 = arith.constant 16 : i32
      %mul3A_42 = arith.muli %add3A_40, %mul3A_41 : i32
      %add3A_43 = vector.broadcast %mul3A_42 : i32 to vector<16xi32>
      %add3A_44 = arith.addi %iota3A, %add3A_43 : vector<16xi32>
      %broadcast_in_dim3A = arith.constant 0 : i32
      %broadcast_in_dim3A_45 = vector.broadcast %broadcast_in_dim3A : i32 to vector<16xi32>
      %gather3A = tpu.vector_load_idx %arg10[%add3A_44, %broadcast_in_dim3A_45] : memref<2000x3xf32, #tpu.memory_space<vmem>>[vector<16xi32>, vector<16xi32>], vector<16xf32>,
      %add3A_46 = arith.constant 1 : i32
      %add3A_47 = vector.broadcast %add3A_46 : i32 to vector<16xi32>
      %add3A_48 = arith.addi %broadcast_in_dim3A_45, %add3A_47 : vector<16xi32>
      %gather3A_49 = tpu.vector_load_idx %arg10[%add3A_44, %add3A_48] : memref<2000x3xf32, #tpu.memory_space<vmem>>[vector<16xi32>, vector<16xi32>], vector<16xf32>,
      %add3A_50 = arith.constant 2 : i32
      %add3A_51 = vector.broadcast %add3A_50 : i32 to vector<16xi32>
      %add3A_52 = arith.addi %broadcast_in_dim3A_45, %add3A_51 : vector<16xi32>
      %gather3A_53 = tpu.vector_load_idx %arg10[%add3A_44, %add3A_52] : memref<2000x3xf32, #tpu.memory_space<vmem>>[vector<16xi32>, vector<16xi32>], vector<16xf32>,
      %gather3A_54 = tpu.vector_load_idx %arg11[%add3A_44] : memref<2000xi32, #tpu.memory_space<vmem>>[vector<16xi32>], vector<16xi32>,
      %gather3A_55 = tpu.vector_load_idx %arg12[%add3A_44] : memref<2000xi32, #tpu.memory_space<vmem>>[vector<16xi32>], vector<16xi32>,
      %shift_right_logical3A = arith.constant 4 : i32
      %shift_right_logical3A_56 = vector.broadcast %shift_right_logical3A : i32 to vector<16xi32>
      %shift_right_logical3A_57 = arith.shrui %gather3A_54, %shift_right_logical3A_56 : vector<16xi32>
      %gather3A_58 = tpu.vector_load_idx %arg8[%shift_right_logical3A_57] : memref<3200xi32, #tpu.memory_space<vmem>>[vector<16xi32>], vector<16xi32>,
      %shift_right_logical3A_59 = arith.constant 4 : i32
      %shift_right_logical3A_60 = vector.broadcast %shift_right_logical3A_59 : i32 to vector<16xi32>
      %shift_right_logical3A_61 = arith.shrui %gather3A_55, %shift_right_logical3A_60 : vector<16xi32>
      %gather3A_62 = tpu.vector_load_idx %arg8[%shift_right_logical3A_61] : memref<3200xi32, #tpu.memory_space<vmem>>[vector<16xi32>], vector<16xi32>,
      %and3A = arith.constant 15 : i32
      %and3A_63 = vector.broadcast %and3A : i32 to vector<16xi32>
      %and3A_64 = arith.andi %gather3A_54, %and3A_63 : vector<16xi32>
      %mul3A_65 = arith.constant 2 : i32
      %mul3A_66 = vector.broadcast %mul3A_65 : i32 to vector<16xi32>
      %mul3A_67 = arith.muli %and3A_64, %mul3A_66 : vector<16xi32>
      %shift_right_logical3A_68 = arith.shrui %gather3A_58, %mul3A_67 : vector<16xi32>
      %and3A_69 = arith.constant 3 : i32
      %and3A_70 = vector.broadcast %and3A_69 : i32 to vector<16xi32>
      %and3A_71 = arith.andi %shift_right_logical3A_68, %and3A_70 : vector<16xi32>
      %and3A_72 = arith.constant 15 : i32
      %and3A_73 = vector.broadcast %and3A_72 : i32 to vector<16xi32>
      %and3A_74 = arith.andi %gather3A_55, %and3A_73 : vector<16xi32>
      %mul3A_75 = arith.constant 2 : i32
      %mul3A_76 = vector.broadcast %mul3A_75 : i32 to vector<16xi32>
      %mul3A_77 = arith.muli %and3A_74, %mul3A_76 : vector<16xi32>
      %shift_right_logical3A_78 = arith.shrui %gather3A_62, %mul3A_77 : vector<16xi32>
      %and3A_79 = arith.constant 3 : i32
      %and3A_80 = vector.broadcast %and3A_79 : i32 to vector<16xi32>
      %and3A_81 = arith.andi %shift_right_logical3A_78, %and3A_80 : vector<16xi32>
      %mul3A_82 = arith.mulf %gather3A, %gather3A : vector<16xf32>
      %mul3A_83 = arith.mulf %gather3A_49, %gather3A_49 : vector<16xf32>
      %add3A_84 = arith.addf %mul3A_82, %mul3A_83 : vector<16xf32>
      %mul3A_85 = arith.mulf %gather3A_53, %gather3A_53 : vector<16xf32>
      %add3A_86 = arith.addf %add3A_84, %mul3A_85 : vector<16xf32>
      %add3A_87 = arith.constant 9.99999996E-13 : f32
      %add3A_88 = vector.broadcast %add3A_87 : f32 to vector<16xf32>
      %add3A_89 = arith.addf %add3A_86, %add3A_88 : vector<16xf32>
      %bitcast_convert_type3A = tpu.bitcast %add3A_89 : vector<16xf32> -> vector<16xi32>
      %shift_right_arithmetic3A = arith.constant 1 : i32
      %shift_right_arithmetic3A_90 = vector.broadcast %shift_right_arithmetic3A : i32 to vector<16xi32>
      %shift_right_arithmetic3A_91 = arith.shrsi %bitcast_convert_type3A, %shift_right_arithmetic3A_90 : vector<16xi32>
      %sub3A = arith.constant 1597463007 : i32
      %sub3A_92 = vector.broadcast %sub3A : i32 to vector<16xi32>
      %sub3A_93 = arith.subi %sub3A_92, %shift_right_arithmetic3A_91 : vector<16xi32>
      %bitcast_convert_type3A_94 = tpu.bitcast %sub3A_93 : vector<16xi32> -> vector<16xf32>
      %mul3A_95 = arith.constant 5.000000e-01 : f32
      %mul3A_96 = vector.broadcast %mul3A_95 : f32 to vector<16xf32>
      %mul3A_97 = arith.mulf %mul3A_96, %add3A_89 : vector<16xf32>
      %mul3A_98 = arith.mulf %mul3A_97, %bitcast_convert_type3A_94 : vector<16xf32>
      %mul3A_99 = arith.mulf %mul3A_98, %bitcast_convert_type3A_94 : vector<16xf32>
      %sub3A_100 = arith.constant 1.500000e+00 : f32
      %sub3A_101 = vector.broadcast %sub3A_100 : f32 to vector<16xf32>
      %sub3A_102 = arith.subf %sub3A_101, %mul3A_99 : vector<16xf32>
      %mul3A_103 = arith.mulf %bitcast_convert_type3A_94, %sub3A_102 : vector<16xf32>
      %mul3A_104 = arith.constant 5.000000e-01 : f32
      %mul3A_105 = vector.broadcast %mul3A_104 : f32 to vector<16xf32>
      %mul3A_106 = arith.mulf %mul3A_105, %add3A_89 : vector<16xf32>
      %mul3A_107 = arith.mulf %mul3A_106, %mul3A_103 : vector<16xf32>
      %mul3A_108 = arith.mulf %mul3A_107, %mul3A_103 : vector<16xf32>
      %sub3A_109 = arith.constant 1.500000e+00 : f32
      %sub3A_110 = vector.broadcast %sub3A_109 : f32 to vector<16xf32>
      %sub3A_111 = arith.subf %sub3A_110, %mul3A_108 : vector<16xf32>
      %mul3A_112 = arith.mulf %mul3A_103, %sub3A_111 : vector<16xf32>
      %mul3A_113 = arith.mulf %add3A_89, %mul3A_112 : vector<16xf32>
      %min3A = arith.constant 5.000000e+00 : f32
      %min3A_114 = vector.broadcast %min3A : f32 to vector<16xf32>
      %min3A_115 = arith.minimumf %mul3A_113, %min3A_114 : vector<16xf32>
      %mul3A_116 = arith.constant 0.628318548 : f32
      %mul3A_117 = vector.broadcast %mul3A_116 : f32 to vector<16xf32>
      %mul3A_118 = arith.mulf %min3A_115, %mul3A_117 : vector<16xf32>
      %sub3A_119 = arith.constant 1.57079637 : f32
      %sub3A_120 = vector.broadcast %sub3A_119 : f32 to vector<16xf32>
      %sub3A_121 = arith.subf %mul3A_118, %sub3A_120 : vector<16xf32>
      %mul3A_122 = arith.mulf %sub3A_121, %sub3A_121 : vector<16xf32>
      %mul3A_123 = arith.constant 2.48015876E-5 : f32
      %mul3A_124 = vector.broadcast %mul3A_123 : f32 to vector<16xf32>
      %mul3A_125 = arith.mulf %mul3A_122, %mul3A_124 : vector<16xf32>
      %add3A_126 = arith.constant -0.00138888892 : f32
      %add3A_127 = vector.broadcast %add3A_126 : f32 to vector<16xf32>
      %add3A_128 = arith.addf %add3A_127, %mul3A_125 : vector<16xf32>
      %mul3A_129 = arith.mulf %mul3A_122, %add3A_128 : vector<16xf32>
      %add3A_130 = arith.constant 0.0416666679 : f32
      %add3A_131 = vector.broadcast %add3A_130 : f32 to vector<16xf32>
      %add3A_132 = arith.addf %add3A_131, %mul3A_129 : vector<16xf32>
      %mul3A_133 = arith.mulf %mul3A_122, %add3A_132 : vector<16xf32>
      %add3A_134 = arith.constant -5.000000e-01 : f32
      %add3A_135 = vector.broadcast %add3A_134 : f32 to vector<16xf32>
      %add3A_136 = arith.addf %add3A_135, %mul3A_133 : vector<16xf32>
      %mul3A_137 = arith.mulf %mul3A_122, %add3A_136 : vector<16xf32>
      %add3A_138 = arith.constant 1.000000e+00 : f32
      %add3A_139 = vector.broadcast %add3A_138 : f32 to vector<16xf32>
      %add3A_140 = arith.addf %add3A_139, %mul3A_137 : vector<16xf32>
      %mul3A_141 = arith.mulf %sub3A_121, %sub3A_121 : vector<16xf32>
      %mul3A_142 = arith.constant 2.75573188E-6 : f32
      %mul3A_143 = vector.broadcast %mul3A_142 : f32 to vector<16xf32>
      %mul3A_144 = arith.mulf %mul3A_141, %mul3A_143 : vector<16xf32>
      %add3A_145 = arith.constant -1.98412701E-4 : f32
      %add3A_146 = vector.broadcast %add3A_145 : f32 to vector<16xf32>
      %add3A_147 = arith.addf %add3A_146, %mul3A_144 : vector<16xf32>
      %mul3A_148 = arith.mulf %mul3A_141, %add3A_147 : vector<16xf32>
      %add3A_149 = arith.constant 0.00833333377 : f32
      %add3A_150 = vector.broadcast %add3A_149 : f32 to vector<16xf32>
      %add3A_151 = arith.addf %add3A_150, %mul3A_148 : vector<16xf32>
      %mul3A_152 = arith.mulf %mul3A_141, %add3A_151 : vector<16xf32>
      %add3A_153 = arith.constant -0.166666672 : f32
      %add3A_154 = vector.broadcast %add3A_153 : f32 to vector<16xf32>
      %add3A_155 = arith.addf %add3A_154, %mul3A_152 : vector<16xf32>
      %mul3A_156 = arith.mulf %mul3A_141, %add3A_155 : vector<16xf32>
      %add3A_157 = arith.constant 1.000000e+00 : f32
      %add3A_158 = vector.broadcast %add3A_157 : f32 to vector<16xf32>
      %add3A_159 = arith.addf %add3A_158, %mul3A_156 : vector<16xf32>
      %mul3A_160 = arith.mulf %sub3A_121, %add3A_159 : vector<16xf32>
      %neg3A = arith.constant 0.000000e+00 : f32
      %neg3A_161 = vector.broadcast %neg3A : f32 to vector<16xf32>
      %neg3A_162 = arith.subf %neg3A_161, %mul3A_160 : vector<16xf32>
      %mul3A_163 = arith.constant 2.000000e+00 : f32
      %mul3A_164 = vector.broadcast %mul3A_163 : f32 to vector<16xf32>
      %mul3A_165 = arith.mulf %mul3A_164, %neg3A_162 : vector<16xf32>
      %mul3A_166 = arith.mulf %mul3A_165, %add3A_140 : vector<16xf32>
      %mul3A_167 = arith.mulf %mul3A_165, %mul3A_166 : vector<16xf32>
      %sub3A_168 = arith.subf %mul3A_167, %add3A_140 : vector<16xf32>
      %mul3A_169 = arith.mulf %mul3A_165, %sub3A_168 : vector<16xf32>
      %sub3A_170 = arith.subf %mul3A_169, %mul3A_166 : vector<16xf32>
      %mul3A_171 = arith.mulf %mul3A_165, %sub3A_170 : vector<16xf32>
      %sub3A_172 = arith.subf %mul3A_171, %sub3A_168 : vector<16xf32>
      %mul3A_173 = arith.mulf %mul3A_165, %sub3A_172 : vector<16xf32>
      %sub3A_174 = arith.subf %mul3A_173, %sub3A_170 : vector<16xf32>
      %mul3A_175 = arith.mulf %mul3A_165, %sub3A_174 : vector<16xf32>
      %sub3A_176 = arith.subf %mul3A_175, %sub3A_172 : vector<16xf32>
      %mul3A_177 = arith.mulf %mul3A_165, %sub3A_176 : vector<16xf32>
      %sub3A_178 = arith.subf %mul3A_177, %sub3A_174 : vector<16xf32>
      %sub3A_179 = arith.constant 4.500000e+00 : f32
      %sub3A_180 = vector.broadcast %sub3A_179 : f32 to vector<16xf32>
      %sub3A_181 = arith.subf %min3A_115, %sub3A_180 : vector<16xf32>
      %mul3A_182 = arith.constant 2.000000e+00 : f32
      %mul3A_183 = vector.broadcast %mul3A_182 : f32 to vector<16xf32>
      %mul3A_184 = arith.mulf %sub3A_181, %mul3A_183 : vector<16xf32>
      %jit3A = arith.constant 0.000000e+00 : f32
      %jit3A_185 = arith.constant 1.000000e+00 : f32
      %max3A = vector.broadcast %jit3A : f32 to vector<16xf32>
      %max3A_186 = arith.maximumf %max3A, %mul3A_184 : vector<16xf32>
      %min3A_187 = vector.broadcast %jit3A_185 : f32 to vector<16xf32>
      %min3A_188 = arith.minimumf %min3A_187, %max3A_186 : vector<16xf32>
      %mul3A_189 = arith.constant 3.14159274 : f32
      %mul3A_190 = vector.broadcast %mul3A_189 : f32 to vector<16xf32>
      %mul3A_191 = arith.mulf %min3A_188, %mul3A_190 : vector<16xf32>
      %sub3A_192 = arith.constant 1.57079637 : f32
      %sub3A_193 = vector.broadcast %sub3A_192 : f32 to vector<16xf32>
      %sub3A_194 = arith.subf %mul3A_191, %sub3A_193 : vector<16xf32>
      %mul3A_195 = arith.mulf %sub3A_194, %sub3A_194 : vector<16xf32>
      %mul3A_196 = arith.constant 2.75573188E-6 : f32
      %mul3A_197 = vector.broadcast %mul3A_196 : f32 to vector<16xf32>
      %mul3A_198 = arith.mulf %mul3A_195, %mul3A_197 : vector<16xf32>
      %add3A_199 = arith.constant -1.98412701E-4 : f32
      %add3A_200 = vector.broadcast %add3A_199 : f32 to vector<16xf32>
      %add3A_201 = arith.addf %add3A_200, %mul3A_198 : vector<16xf32>
      %mul3A_202 = arith.mulf %mul3A_195, %add3A_201 : vector<16xf32>
      %add3A_203 = arith.constant 0.00833333377 : f32
      %add3A_204 = vector.broadcast %add3A_203 : f32 to vector<16xf32>
      %add3A_205 = arith.addf %add3A_204, %mul3A_202 : vector<16xf32>
      %mul3A_206 = arith.mulf %mul3A_195, %add3A_205 : vector<16xf32>
      %add3A_207 = arith.constant -0.166666672 : f32
      %add3A_208 = vector.broadcast %add3A_207 : f32 to vector<16xf32>
      %add3A_209 = arith.addf %add3A_208, %mul3A_206 : vector<16xf32>
      %mul3A_210 = arith.mulf %mul3A_195, %add3A_209 : vector<16xf32>
      %add3A_211 = arith.constant 1.000000e+00 : f32
      %add3A_212 = vector.broadcast %add3A_211 : f32 to vector<16xf32>
      %add3A_213 = arith.addf %add3A_212, %mul3A_210 : vector<16xf32>
      %mul3A_214 = arith.mulf %sub3A_194, %add3A_213 : vector<16xf32>
      %sub3A_215 = arith.constant 1.000000e+00 : f32
      %sub3A_216 = vector.broadcast %sub3A_215 : f32 to vector<16xf32>
      %sub3A_217 = arith.subf %sub3A_216, %mul3A_214 : vector<16xf32>
      %mul3A_218 = arith.constant 5.000000e-01 : f32
      %mul3A_219 = vector.broadcast %mul3A_218 : f32 to vector<16xf32>
      %mul3A_220 = arith.mulf %mul3A_219, %sub3A_217 : vector<16xf32>
      %lt3A = arith.constant 5.000000e+00 : f32
      %lt3A_221 = vector.broadcast %lt3A : f32 to vector<16xf32>
      %lt3A_222 = arith.cmpf olt, %mul3A_113, %lt3A_221 : vector<16xf32>
      %jit3A_223 = arith.constant 0.000000e+00 : f32
      %broadcast_in_dim3A_224 = vector.broadcast %jit3A_223 : f32 to vector<16xf32>
      %select_n3A = arith.select %lt3A_222, %mul3A_220, %broadcast_in_dim3A_224 : vector<16xi1>, vector<16xf32>
      %mul3A_225 = arith.constant 0.488602519 : f32
      %mul3A_226 = vector.broadcast %mul3A_225 : f32 to vector<16xf32>
      %mul3A_227 = arith.mulf %select_n3A, %mul3A_226 : vector<16xf32>
      %mul3A_228 = arith.mulf %mul3A_227, %mul3A_112 : vector<16xf32>
      %mul3A_229 = arith.mulf %gather3A_49, %mul3A_228 : vector<16xf32>
      %mul3A_230 = arith.mulf %gather3A_53, %mul3A_228 : vector<16xf32>
      %mul3A_231 = arith.mulf %gather3A, %mul3A_228 : vector<16xf32>
      %mul3A_232 = arith.constant 96 : i32
      %mul3A_233 = vector.broadcast %mul3A_232 : i32 to vector<16xi32>
      %mul3A_234 = arith.muli %and3A_71, %mul3A_233 : vector<16xi32>
      %mul3A_235 = arith.constant 3 : i32
      %mul3A_236 = vector.broadcast %mul3A_235 : i32 to vector<16xi32>
      %mul3A_237 = arith.muli %and3A_81, %mul3A_236 : vector<16xi32>
      %add3A_238 = arith.addi %mul3A_234, %mul3A_237 : vector<16xi32>
      %add3A_239 = arith.constant 0 : i32
      %add3A_240 = vector.broadcast %add3A_239 : i32 to vector<16xi32>
      %add3A_241 = arith.addi %add3A_238, %add3A_240 : vector<16xi32>
      %gather3A_242 = tpu.vector_load_idx %arg9[%add3A_241] : memref<384xf32, #tpu.memory_space<vmem>>[vector<16xi32>], vector<16xf32>,
      %mul3A_243 = arith.mulf %add3A_140, %gather3A_242 : vector<16xf32>
      %add3A_244 = arith.constant 12 : i32
      %add3A_245 = vector.broadcast %add3A_244 : i32 to vector<16xi32>
      %add3A_246 = arith.addi %add3A_238, %add3A_245 : vector<16xi32>
      %gather3A_247 = tpu.vector_load_idx %arg9[%add3A_246] : memref<384xf32, #tpu.memory_space<vmem>>[vector<16xi32>], vector<16xf32>,
      %mul3A_248 = arith.mulf %mul3A_166, %gather3A_247 : vector<16xf32>
      %add3A_249 = arith.addf %mul3A_243, %mul3A_248 : vector<16xf32>
      %add3A_250 = arith.constant 24 : i32
      %add3A_251 = vector.broadcast %add3A_250 : i32 to vector<16xi32>
      %add3A_252 = arith.addi %add3A_238, %add3A_251 : vector<16xi32>
      %gather3A_253 = tpu.vector_load_idx %arg9[%add3A_252] : memref<384xf32, #tpu.memory_space<vmem>>[vector<16xi32>], vector<16xf32>,
      %mul3A_254 = arith.mulf %sub3A_168, %gather3A_253 : vector<16xf32>
      %add3A_255 = arith.addf %add3A_249, %mul3A_254 : vector<16xf32>
      %add3A_256 = arith.constant 36 : i32
      %add3A_257 = vector.broadcast %add3A_256 : i32 to vector<16xi32>
      %add3A_258 = arith.addi %add3A_238, %add3A_257 : vector<16xi32>
      %gather3A_259 = tpu.vector_load_idx %arg9[%add3A_258] : memref<384xf32, #tpu.memory_space<vmem>>[vector<16xi32>], vector<16xf32>,
      %mul3A_260 = arith.mulf %sub3A_170, %gather3A_259 : vector<16xf32>
      %add3A_261 = arith.addf %add3A_255, %mul3A_260 : vector<16xf32>
      %add3A_262 = arith.constant 48 : i32
      %add3A_263 = vector.broadcast %add3A_262 : i32 to vector<16xi32>
      %add3A_264 = arith.addi %add3A_238, %add3A_263 : vector<16xi32>
      %gather3A_265 = tpu.vector_load_idx %arg9[%add3A_264] : memref<384xf32, #tpu.memory_space<vmem>>[vector<16xi32>], vector<16xf32>,
      %mul3A_266 = arith.mulf %sub3A_172, %gather3A_265 : vector<16xf32>
      %add3A_267 = arith.addf %add3A_261, %mul3A_266 : vector<16xf32>
      %add3A_268 = arith.constant 60 : i32
      %add3A_269 = vector.broadcast %add3A_268 : i32 to vector<16xi32>
      %add3A_270 = arith.addi %add3A_238, %add3A_269 : vector<16xi32>
      %gather3A_271 = tpu.vector_load_idx %arg9[%add3A_270] : memref<384xf32, #tpu.memory_space<vmem>>[vector<16xi32>], vector<16xf32>,
      %mul3A_272 = arith.mulf %sub3A_174, %gather3A_271 : vector<16xf32>
      %add3A_273 = arith.addf %add3A_267, %mul3A_272 : vector<16xf32>
      %add3A_274 = arith.constant 72 : i32
      %add3A_275 = vector.broadcast %add3A_274 : i32 to vector<16xi32>
      %add3A_276 = arith.addi %add3A_238, %add3A_275 : vector<16xi32>
      %gather3A_277 = tpu.vector_load_idx %arg9[%add3A_276] : memref<384xf32, #tpu.memory_space<vmem>>[vector<16xi32>], vector<16xf32>,
      %mul3A_278 = arith.mulf %sub3A_176, %gather3A_277 : vector<16xf32>
      %add3A_279 = arith.addf %add3A_273, %mul3A_278 : vector<16xf32>
      %add3A_280 = arith.constant 84 : i32
      %add3A_281 = vector.broadcast %add3A_280 : i32 to vector<16xi32>
      %add3A_282 = arith.addi %add3A_238, %add3A_281 : vector<16xi32>
      %gather3A_283 = tpu.vector_load_idx %arg9[%add3A_282] : memref<384xf32, #tpu.memory_space<vmem>>[vector<16xi32>], vector<16xf32>,
      %mul3A_284 = arith.mulf %sub3A_178, %gather3A_283 : vector<16xf32>
      %add3A_285 = arith.addf %add3A_279, %mul3A_284 : vector<16xf32>
      %add3A_286 = arith.constant 1 : i32
      %add3A_287 = vector.broadcast %add3A_286 : i32 to vector<16xi32>
      %add3A_288 = arith.addi %add3A_238, %add3A_287 : vector<16xi32>
      %gather3A_289 = tpu.vector_load_idx %arg9[%add3A_288] : memref<384xf32, #tpu.memory_space<vmem>>[vector<16xi32>], vector<16xf32>,
      %mul3A_290 = arith.mulf %add3A_140, %gather3A_289 : vector<16xf32>
      %add3A_291 = arith.constant 13 : i32
      %add3A_292 = vector.broadcast %add3A_291 : i32 to vector<16xi32>
      %add3A_293 = arith.addi %add3A_238, %add3A_292 : vector<16xi32>
      %gather3A_294 = tpu.vector_load_idx %arg9[%add3A_293] : memref<384xf32, #tpu.memory_space<vmem>>[vector<16xi32>], vector<16xf32>,
      %mul3A_295 = arith.mulf %mul3A_166, %gather3A_294 : vector<16xf32>
      %add3A_296 = arith.addf %mul3A_290, %mul3A_295 : vector<16xf32>
      %add3A_297 = arith.constant 25 : i32
      %add3A_298 = vector.broadcast %add3A_297 : i32 to vector<16xi32>
      %add3A_299 = arith.addi %add3A_238, %add3A_298 : vector<16xi32>
      %gather3A_300 = tpu.vector_load_idx %arg9[%add3A_299] : memref<384xf32, #tpu.memory_space<vmem>>[vector<16xi32>], vector<16xf32>,
      %mul3A_301 = arith.mulf %sub3A_168, %gather3A_300 : vector<16xf32>
      %add3A_302 = arith.addf %add3A_296, %mul3A_301 : vector<16xf32>
      %add3A_303 = arith.constant 37 : i32
      %add3A_304 = vector.broadcast %add3A_303 : i32 to vector<16xi32>
      %add3A_305 = arith.addi %add3A_238, %add3A_304 : vector<16xi32>
      %gather3A_306 = tpu.vector_load_idx %arg9[%add3A_305] : memref<384xf32, #tpu.memory_space<vmem>>[vector<16xi32>], vector<16xf32>,
      %mul3A_307 = arith.mulf %sub3A_170, %gather3A_306 : vector<16xf32>
      %add3A_308 = arith.addf %add3A_302, %mul3A_307 : vector<16xf32>
      %add3A_309 = arith.constant 49 : i32
      %add3A_310 = vector.broadcast %add3A_309 : i32 to vector<16xi32>
      %add3A_311 = arith.addi %add3A_238, %add3A_310 : vector<16xi32>
      %gather3A_312 = tpu.vector_load_idx %arg9[%add3A_311] : memref<384xf32, #tpu.memory_space<vmem>>[vector<16xi32>], vector<16xf32>,
      %mul3A_313 = arith.mulf %sub3A_172, %gather3A_312 : vector<16xf32>
      %add3A_314 = arith.addf %add3A_308, %mul3A_313 : vector<16xf32>
      %add3A_315 = arith.constant 61 : i32
      %add3A_316 = vector.broadcast %add3A_315 : i32 to vector<16xi32>
      %add3A_317 = arith.addi %add3A_238, %add3A_316 : vector<16xi32>
      %gather3A_318 = tpu.vector_load_idx %arg9[%add3A_317] : memref<384xf32, #tpu.memory_space<vmem>>[vector<16xi32>], vector<16xf32>,
      %mul3A_319 = arith.mulf %sub3A_174, %gather3A_318 : vector<16xf32>
      %add3A_320 = arith.addf %add3A_314, %mul3A_319 : vector<16xf32>
      %add3A_321 = arith.constant 73 : i32
      %add3A_322 = vector.broadcast %add3A_321 : i32 to vector<16xi32>
      %add3A_323 = arith.addi %add3A_238, %add3A_322 : vector<16xi32>
      %gather3A_324 = tpu.vector_load_idx %arg9[%add3A_323] : memref<384xf32, #tpu.memory_space<vmem>>[vector<16xi32>], vector<16xf32>,
      %mul3A_325 = arith.mulf %sub3A_176, %gather3A_324 : vector<16xf32>
      %add3A_326 = arith.addf %add3A_320, %mul3A_325 : vector<16xf32>
      %add3A_327 = arith.constant 85 : i32
      %add3A_328 = vector.broadcast %add3A_327 : i32 to vector<16xi32>
      %add3A_329 = arith.addi %add3A_238, %add3A_328 : vector<16xi32>
      %gather3A_330 = tpu.vector_load_idx %arg9[%add3A_329] : memref<384xf32, #tpu.memory_space<vmem>>[vector<16xi32>], vector<16xf32>,
      %mul3A_331 = arith.mulf %sub3A_178, %gather3A_330 : vector<16xf32>
      %add3A_332 = arith.addf %add3A_326, %mul3A_331 : vector<16xf32>
      %add3A_333 = arith.constant 2 : i32
      %add3A_334 = vector.broadcast %add3A_333 : i32 to vector<16xi32>
      %add3A_335 = arith.addi %add3A_238, %add3A_334 : vector<16xi32>
      %gather3A_336 = tpu.vector_load_idx %arg9[%add3A_335] : memref<384xf32, #tpu.memory_space<vmem>>[vector<16xi32>], vector<16xf32>,
      %mul3A_337 = arith.mulf %add3A_140, %gather3A_336 : vector<16xf32>
      %add3A_338 = arith.constant 14 : i32
      %add3A_339 = vector.broadcast %add3A_338 : i32 to vector<16xi32>
      %add3A_340 = arith.addi %add3A_238, %add3A_339 : vector<16xi32>
      %gather3A_341 = tpu.vector_load_idx %arg9[%add3A_340] : memref<384xf32, #tpu.memory_space<vmem>>[vector<16xi32>], vector<16xf32>,
      %mul3A_342 = arith.mulf %mul3A_166, %gather3A_341 : vector<16xf32>
      %add3A_343 = arith.addf %mul3A_337, %mul3A_342 : vector<16xf32>
      %add3A_344 = arith.constant 26 : i32
      %add3A_345 = vector.broadcast %add3A_344 : i32 to vector<16xi32>
      %add3A_346 = arith.addi %add3A_238, %add3A_345 : vector<16xi32>
      %gather3A_347 = tpu.vector_load_idx %arg9[%add3A_346] : memref<384xf32, #tpu.memory_space<vmem>>[vector<16xi32>], vector<16xf32>,
      %mul3A_348 = arith.mulf %sub3A_168, %gather3A_347 : vector<16xf32>
      %add3A_349 = arith.addf %add3A_343, %mul3A_348 : vector<16xf32>
      %add3A_350 = arith.constant 38 : i32
      %add3A_351 = vector.broadcast %add3A_350 : i32 to vector<16xi32>
      %add3A_352 = arith.addi %add3A_238, %add3A_351 : vector<16xi32>
      %gather3A_353 = tpu.vector_load_idx %arg9[%add3A_352] : memref<384xf32, #tpu.memory_space<vmem>>[vector<16xi32>], vector<16xf32>,
      %mul3A_354 = arith.mulf %sub3A_170, %gather3A_353 : vector<16xf32>
      %add3A_355 = arith.addf %add3A_349, %mul3A_354 : vector<16xf32>
      %add3A_356 = arith.constant 50 : i32
      %add3A_357 = vector.broadcast %add3A_356 : i32 to vector<16xi32>
      %add3A_358 = arith.addi %add3A_238, %add3A_357 : vector<16xi32>
      %gather3A_359 = tpu.vector_load_idx %arg9[%add3A_358] : memref<384xf32, #tpu.memory_space<vmem>>[vector<16xi32>], vector<16xf32>,
      %mul3A_360 = arith.mulf %sub3A_172, %gather3A_359 : vector<16xf32>
      %add3A_361 = arith.addf %add3A_355, %mul3A_360 : vector<16xf32>
      %add3A_362 = arith.constant 62 : i32
      %add3A_363 = vector.broadcast %add3A_362 : i32 to vector<16xi32>
      %add3A_364 = arith.addi %add3A_238, %add3A_363 : vector<16xi32>
      %gather3A_365 = tpu.vector_load_idx %arg9[%add3A_364] : memref<384xf32, #tpu.memory_space<vmem>>[vector<16xi32>], vector<16xf32>,
      %mul3A_366 = arith.mulf %sub3A_174, %gather3A_365 : vector<16xf32>
      %add3A_367 = arith.addf %add3A_361, %mul3A_366 : vector<16xf32>
      %add3A_368 = arith.constant 74 : i32
      %add3A_369 = vector.broadcast %add3A_368 : i32 to vector<16xi32>
      %add3A_370 = arith.addi %add3A_238, %add3A_369 : vector<16xi32>
      %gather3A_371 = tpu.vector_load_idx %arg9[%add3A_370] : memref<384xf32, #tpu.memory_space<vmem>>[vector<16xi32>], vector<16xf32>,
      %mul3A_372 = arith.mulf %sub3A_176, %gather3A_371 : vector<16xf32>
      %add3A_373 = arith.addf %add3A_367, %mul3A_372 : vector<16xf32>
      %add3A_374 = arith.constant 86 : i32
      %add3A_375 = vector.broadcast %add3A_374 : i32 to vector<16xi32>
      %add3A_376 = arith.addi %add3A_238, %add3A_375 : vector<16xi32>
      %gather3A_377 = tpu.vector_load_idx %arg9[%add3A_376] : memref<384xf32, #tpu.memory_space<vmem>>[vector<16xi32>], vector<16xf32>,
      %mul3A_378 = arith.mulf %sub3A_178, %gather3A_377 : vector<16xf32>
      %add3A_379 = arith.addf %add3A_373, %mul3A_378 : vector<16xf32>
      %broadcast_in_dim3A_380 = arith.constant 0 : i32
      %broadcast_in_dim3A_381 = vector.broadcast %broadcast_in_dim3A_380 : i32 to vector<16xi32>
      %mul3A_382 = arith.mulf %mul3A_229, %add3A_285 : vector<16xf32>
      tpu.vector_store_idx %arg13[%add3A_44, %broadcast_in_dim3A_381], %mul3A_382 : memref<2000x16xf32, #tpu.memory_space<vmem>>[vector<16xi32>, vector<16xi32>], vector<16xf32>,
      %broadcast_in_dim3A_383 = arith.constant 1 : i32
      %broadcast_in_dim3A_384 = vector.broadcast %broadcast_in_dim3A_383 : i32 to vector<16xi32>
      %mul3A_385 = arith.mulf %mul3A_229, %add3A_332 : vector<16xf32>
      tpu.vector_store_idx %arg13[%add3A_44, %broadcast_in_dim3A_384], %mul3A_385 : memref<2000x16xf32, #tpu.memory_space<vmem>>[vector<16xi32>, vector<16xi32>], vector<16xf32>,
      %broadcast_in_dim3A_386 = arith.constant 2 : i32
      %broadcast_in_dim3A_387 = vector.broadcast %broadcast_in_dim3A_386 : i32 to vector<16xi32>
      %mul3A_388 = arith.mulf %mul3A_229, %add3A_379 : vector<16xf32>
      tpu.vector_store_idx %arg13[%add3A_44, %broadcast_in_dim3A_387], %mul3A_388 : memref<2000x16xf32, #tpu.memory_space<vmem>>[vector<16xi32>, vector<16xi32>], vector<16xf32>,
      %broadcast_in_dim3A_389 = arith.constant 3 : i32
      %broadcast_in_dim3A_390 = vector.broadcast %broadcast_in_dim3A_389 : i32 to vector<16xi32>
      %mul3A_391 = arith.mulf %mul3A_230, %add3A_285 : vector<16xf32>
      tpu.vector_store_idx %arg13[%add3A_44, %broadcast_in_dim3A_390], %mul3A_391 : memref<2000x16xf32, #tpu.memory_space<vmem>>[vector<16xi32>, vector<16xi32>], vector<16xf32>,
      %broadcast_in_dim3A_392 = arith.constant 4 : i32
      %broadcast_in_dim3A_393 = vector.broadcast %broadcast_in_dim3A_392 : i32 to vector<16xi32>
      %mul3A_394 = arith.mulf %mul3A_230, %add3A_332 : vector<16xf32>
      tpu.vector_store_idx %arg13[%add3A_44, %broadcast_in_dim3A_393], %mul3A_394 : memref<2000x16xf32, #tpu.memory_space<vmem>>[vector<16xi32>, vector<16xi32>], vector<16xf32>,
      %broadcast_in_dim3A_395 = arith.constant 5 : i32
      %broadcast_in_dim3A_396 = vector.broadcast %broadcast_in_dim3A_395 : i32 to vector<16xi32>
      %mul3A_397 = arith.mulf %mul3A_230, %add3A_379 : vector<16xf32>
      tpu.vector_store_idx %arg13[%add3A_44, %broadcast_in_dim3A_396], %mul3A_397 : memref<2000x16xf32, #tpu.memory_space<vmem>>[vector<16xi32>, vector<16xi32>], vector<16xf32>,
      %broadcast_in_dim3A_398 = arith.constant 6 : i32
      %broadcast_in_dim3A_399 = vector.broadcast %broadcast_in_dim3A_398 : i32 to vector<16xi32>
      %mul3A_400 = arith.mulf %mul3A_231, %add3A_285 : vector<16xf32>
      tpu.vector_store_idx %arg13[%add3A_44, %broadcast_in_dim3A_399], %mul3A_400 : memref<2000x16xf32, #tpu.memory_space<vmem>>[vector<16xi32>, vector<16xi32>], vector<16xf32>,
      %broadcast_in_dim3A_401 = arith.constant 7 : i32
      %broadcast_in_dim3A_402 = vector.broadcast %broadcast_in_dim3A_401 : i32 to vector<16xi32>
      %mul3A_403 = arith.mulf %mul3A_231, %add3A_332 : vector<16xf32>
      tpu.vector_store_idx %arg13[%add3A_44, %broadcast_in_dim3A_402], %mul3A_403 : memref<2000x16xf32, #tpu.memory_space<vmem>>[vector<16xi32>, vector<16xi32>], vector<16xf32>,
      %broadcast_in_dim3A_404 = arith.constant 8 : i32
      %broadcast_in_dim3A_405 = vector.broadcast %broadcast_in_dim3A_404 : i32 to vector<16xi32>
      %mul3A_406 = arith.mulf %mul3A_231, %add3A_379 : vector<16xf32>
      tpu.vector_store_idx %arg13[%add3A_44, %broadcast_in_dim3A_405], %mul3A_406 : memref<2000x16xf32, #tpu.memory_space<vmem>>[vector<16xi32>, vector<16xi32>], vector<16xf32>,
      %jit3A_407 = arith.constant 5 : i32
      %div3A = arith.divsi %add3A_40, %jit3A_407 : i32
      %sign3A = arith.constant 0 : i32
      %sign3A_408 = arith.cmpi sgt, %add3A_40, %sign3A : i32
      %sign3A_409 = arith.extui %sign3A_408 : i1 to i32
      %sign3A_410 = arith.constant 0 : i32
      %sign3A_411 = arith.cmpi slt, %add3A_40, %sign3A_410 : i32
      %sign3A_412 = arith.extui %sign3A_411 : i1 to i32
      %sign3A_413 = arith.subi %sign3A_409, %sign3A_412 : i32
      %sign3A_414 = arith.constant 0 : i32
      %sign3A_415 = arith.cmpi sgt, %jit3A_407, %sign3A_414 : i32
      %sign3A_416 = arith.extui %sign3A_415 : i1 to i32
      %sign3A_417 = arith.constant 0 : i32
      %sign3A_418 = arith.cmpi slt, %jit3A_407, %sign3A_417 : i32
      %sign3A_419 = arith.extui %sign3A_418 : i1 to i32
      %sign3A_420 = arith.subi %sign3A_416, %sign3A_419 : i32
      %ne3A = arith.cmpi ne, %sign3A_413, %sign3A_420 : i32
      %rem3A = arith.remsi %add3A_40, %jit3A_407 : i32
      %ne3A_421 = arith.constant 0 : i32
      %ne3A_422 = arith.cmpi ne, %rem3A, %ne3A_421 : i32
      %and3A_423 = arith.andi %ne3A, %ne3A_422 : i1
      %sub3A_424 = arith.constant 1 : i32
      %sub3A_425 = arith.subi %div3A, %sub3A_424 : i32
      %select_n3A_426 = arith.select %and3A_423, %sub3A_425, %div3A : i32
      %broadcast_in_dim3A_427 = vector.broadcast %select_n3A_426 : i32 to vector<16xi32>
      %jit3A_428 = arith.constant 5 : i32
      %eq3A = arith.constant 0 : i32
      %eq3A_429 = arith.cmpi eq, %jit3A_428, %eq3A : i32
      %jit3A_430 = arith.constant 1 : i32
      %select_n3A_431 = arith.select %eq3A_429, %jit3A_430, %jit3A_428 : i32
      %rem3A_432 = arith.remsi %add3A_40, %select_n3A_431 : i32
      %ne3A_433 = arith.constant 0 : i32
      %ne3A_434 = arith.cmpi ne, %rem3A_432, %ne3A_433 : i32
      %lt3A_435 = arith.constant 0 : i32
      %lt3A_436 = arith.cmpi slt, %rem3A_432, %lt3A_435 : i32
      %lt3A_437 = arith.constant 0 : i32
      %lt3A_438 = arith.cmpi slt, %select_n3A_431, %lt3A_437 : i32
      %ne3A_439 = arith.xori %lt3A_436, %lt3A_438 : i1
      %and3A_440 = arith.andi %ne3A_439, %ne3A_434 : i1
      %add3A_441 = arith.addi %rem3A_432, %select_n3A_431 : i32
      %select_n3A_442 = arith.select %and3A_440, %add3A_441, %rem3A_432 : i32
      %mul3A_443 = arith.constant 16 : i32
      %mul3A_444 = arith.muli %select_n3A_442, %mul3A_443 : i32
      %add3A_445 = vector.broadcast %mul3A_444 : i32 to vector<16xi32>
      %add3A_446 = arith.addi %iota3A, %add3A_445 : vector<16xi32>
      tpu.vector_store_idx %arg14[%broadcast_in_dim3A_427, %add3A_446], %gather3A_54 : memref<25x80xi32, #tpu.memory_space<vmem>>[vector<16xi32>, vector<16xi32>], vector<16xi32>,
      %scan3A_447 = arith.constant 125 : i32
      %run_scoped3A = arith.constant 0 : i32
      "tpu.region"() ({
        %run_scoped3A_472 = tpu.sem_alloc : memref<!tpu.dma_semaphore, #tpu.memory_space<semaphore_mem>>
        %dma_start3A = arith.constant 0 : i32
        %dma_start3A_473 = arith.constant 0 : i32
        %dma_start3A_474 = tpu.memref_slice %arg13[%dma_start3A, %dma_start3A_473] : memref<2000x16xf32, #tpu.memory_space<vmem>> -> memref<80x16xf32, #tpu.memory_space<vmem>>
        %dma_start3A_475 = arith.constant 0 : i32
        %dma_start3A_476 = tpu.memref_slice %arg14[%run_scoped3A, %dma_start3A_475] : memref<25x80xi32, #tpu.memory_space<vmem>> -> memref<1x80xi32, #tpu.memory_space<vmem>>
        %dma_start3A_477 = tpu.memref_squeeze %dma_start3A_476 : memref<1x80xi32, #tpu.memory_space<vmem>> -> memref<80xi32, #tpu.memory_space<vmem>>
        %dma_start3A_478 = arith.constant 0 : i32
        %dma_start3A_479 = arith.constant 0 : i32
        %dma_start3A_480 = tpu.memref_slice %arg17[%dma_start3A_478, %dma_start3A_479] : memref<51200x16xf32, #tpu.memory_space<vmem_shared>> -> memref<51200x16xf32, #tpu.memory_space<vmem_shared>>
        tpu.enqueue_indirect_dma source(%dma_start3A_474 : memref<80x16xf32, #tpu.memory_space<vmem>>) target(%dma_start3A_480 : memref<51200x16xf32, #tpu.memory_space<vmem_shared>>) offsets(%dma_start3A_477 : memref<80xi32, #tpu.memory_space<vmem>>) semaphore(%run_scoped3A_472 : memref<!tpu.dma_semaphore, #tpu.memory_space<semaphore_mem>>) {add = true}
        %dma_wait3A = arith.constant 0 : i32
        %dma_wait3A_481 = arith.constant 0 : i32
        %dma_wait3A_482 = tpu.memref_slice %arg13[%dma_wait3A, %dma_wait3A_481] : memref<2000x16xf32, #tpu.memory_space<vmem>> -> memref<80x16xf32, #tpu.memory_space<vmem>>
        %dma_wait3A_483 = arith.constant 0 : i32
        %dma_wait3A_484 = tpu.memref_slice %arg14[%run_scoped3A, %dma_wait3A_483] : memref<25x80xi32, #tpu.memory_space<vmem>> -> memref<1x80xi32, #tpu.memory_space<vmem>>
        %dma_wait3A_485 = tpu.memref_squeeze %dma_wait3A_484 : memref<1x80xi32, #tpu.memory_space<vmem>> -> memref<80xi32, #tpu.memory_space<vmem>>
        %dma_wait3A_486 = arith.constant 0 : i32
        %dma_wait3A_487 = arith.constant 0 : i32
        %dma_wait3A_488 = tpu.memref_slice %arg17[%dma_wait3A_486, %dma_wait3A_487] : memref<51200x16xf32, #tpu.memory_space<vmem_shared>> -> memref<51200x16xf32, #tpu.memory_space<vmem_shared>>
        tpu.wait_indirect_dma semaphore(%run_scoped3A_472 : memref<!tpu.dma_semaphore, #tpu.memory_space<semaphore_mem>>) src(%dma_wait3A_482 : memref<80x16xf32, #tpu.memory_space<vmem>>) dst(%dma_wait3A_488 : memref<51200x16xf32, #tpu.memory_space<vmem_shared>>)
        tpu.yield
      }) : () -> ()
      %run_scoped3A_448 = arith.constant 1 : i32
      "tpu.region"() ({
        %run_scoped3A_472 = tpu.sem_alloc : memref<!tpu.dma_semaphore, #tpu.memory_space<semaphore_mem>>
        %dma_start3A = arith.constant 80 : i32
        %dma_start3A_473 = arith.constant 0 : i32
        %dma_start3A_474 = tpu.memref_slice %arg13[%dma_start3A, %dma_start3A_473] : memref<2000x16xf32, #tpu.memory_space<vmem>> -> memref<80x16xf32, #tpu.memory_space<vmem>>
        %dma_start3A_475 = arith.constant 0 : i32
        %dma_start3A_476 = tpu.memref_slice %arg14[%run_scoped3A_448, %dma_start3A_475] : memref<25x80xi32, #tpu.memory_space<vmem>> -> memref<1x80xi32, #tpu.memory_space<vmem>>
        %dma_start3A_477 = tpu.memref_squeeze %dma_start3A_476 : memref<1x80xi32, #tpu.memory_space<vmem>> -> memref<80xi32, #tpu.memory_space<vmem>>
        %dma_start3A_478 = arith.constant 0 : i32
        %dma_start3A_479 = arith.constant 0 : i32
        %dma_start3A_480 = tpu.memref_slice %arg17[%dma_start3A_478, %dma_start3A_479] : memref<51200x16xf32, #tpu.memory_space<vmem_shared>> -> memref<51200x16xf32, #tpu.memory_space<vmem_shared>>
        tpu.enqueue_indirect_dma source(%dma_start3A_474 : memref<80x16xf32, #tpu.memory_space<vmem>>) target(%dma_start3A_480 : memref<51200x16xf32, #tpu.memory_space<vmem_shared>>) offsets(%dma_start3A_477 : memref<80xi32, #tpu.memory_space<vmem>>) semaphore(%run_scoped3A_472 : memref<!tpu.dma_semaphore, #tpu.memory_space<semaphore_mem>>) {add = true}
        %dma_wait3A = arith.constant 80 : i32
        %dma_wait3A_481 = arith.constant 0 : i32
        %dma_wait3A_482 = tpu.memref_slice %arg13[%dma_wait3A, %dma_wait3A_481] : memref<2000x16xf32, #tpu.memory_space<vmem>> -> memref<80x16xf32, #tpu.memory_space<vmem>>
        %dma_wait3A_483 = arith.constant 0 : i32
        %dma_wait3A_484 = tpu.memref_slice %arg14[%run_scoped3A_448, %dma_wait3A_483] : memref<25x80xi32, #tpu.memory_space<vmem>> -> memref<1x80xi32, #tpu.memory_space<vmem>>
        %dma_wait3A_485 = tpu.memref_squeeze %dma_wait3A_484 : memref<1x80xi32, #tpu.memory_space<vmem>> -> memref<80xi32, #tpu.memory_space<vmem>>
        %dma_wait3A_486 = arith.constant 0 : i32
        %dma_wait3A_487 = arith.constant 0 : i32
        %dma_wait3A_488 = tpu.memref_slice %arg17[%dma_wait3A_486, %dma_wait3A_487] : memref<51200x16xf32, #tpu.memory_space<vmem_shared>> -> memref<51200x16xf32, #tpu.memory_space<vmem_shared>>
        tpu.wait_indirect_dma semaphore(%run_scoped3A_472 : memref<!tpu.dma_semaphore, #tpu.memory_space<semaphore_mem>>) src(%dma_wait3A_482 : memref<80x16xf32, #tpu.memory_space<vmem>>) dst(%dma_wait3A_488 : memref<51200x16xf32, #tpu.memory_space<vmem_shared>>)
        tpu.yield
      }) : () -> ()
      %run_scoped3A_449 = arith.constant 2 : i32
      "tpu.region"() ({
        %run_scoped3A_472 = tpu.sem_alloc : memref<!tpu.dma_semaphore, #tpu.memory_space<semaphore_mem>>
        %dma_start3A = arith.constant 160 : i32
        %dma_start3A_473 = arith.constant 0 : i32
        %dma_start3A_474 = tpu.memref_slice %arg13[%dma_start3A, %dma_start3A_473] : memref<2000x16xf32, #tpu.memory_space<vmem>> -> memref<80x16xf32, #tpu.memory_space<vmem>>
        %dma_start3A_475 = arith.constant 0 : i32
        %dma_start3A_476 = tpu.memref_slice %arg14[%run_scoped3A_449, %dma_start3A_475] : memref<25x80xi32, #tpu.memory_space<vmem>> -> memref<1x80xi32, #tpu.memory_space<vmem>>
        %dma_start3A_477 = tpu.memref_squeeze %dma_start3A_476 : memref<1x80xi32, #tpu.memory_space<vmem>> -> memref<80xi32, #tpu.memory_space<vmem>>
        %dma_start3A_478 = arith.constant 0 : i32
        %dma_start3A_479 = arith.constant 0 : i32
        %dma_start3A_480 = tpu.memref_slice %arg17[%dma_start3A_478, %dma_start3A_479] : memref<51200x16xf32, #tpu.memory_space<vmem_shared>> -> memref<51200x16xf32, #tpu.memory_space<vmem_shared>>
        tpu.enqueue_indirect_dma source(%dma_start3A_474 : memref<80x16xf32, #tpu.memory_space<vmem>>) target(%dma_start3A_480 : memref<51200x16xf32, #tpu.memory_space<vmem_shared>>) offsets(%dma_start3A_477 : memref<80xi32, #tpu.memory_space<vmem>>) semaphore(%run_scoped3A_472 : memref<!tpu.dma_semaphore, #tpu.memory_space<semaphore_mem>>) {add = true}
        %dma_wait3A = arith.constant 160 : i32
        %dma_wait3A_481 = arith.constant 0 : i32
        %dma_wait3A_482 = tpu.memref_slice %arg13[%dma_wait3A, %dma_wait3A_481] : memref<2000x16xf32, #tpu.memory_space<vmem>> -> memref<80x16xf32, #tpu.memory_space<vmem>>
        %dma_wait3A_483 = arith.constant 0 : i32
        %dma_wait3A_484 = tpu.memref_slice %arg14[%run_scoped3A_449, %dma_wait3A_483] : memref<25x80xi32, #tpu.memory_space<vmem>> -> memref<1x80xi32, #tpu.memory_space<vmem>>
        %dma_wait3A_485 = tpu.memref_squeeze %dma_wait3A_484 : memref<1x80xi32, #tpu.memory_space<vmem>> -> memref<80xi32, #tpu.memory_space<vmem>>
        %dma_wait3A_486 = arith.constant 0 : i32
        %dma_wait3A_487 = arith.constant 0 : i32
        %dma_wait3A_488 = tpu.memref_slice %arg17[%dma_wait3A_486, %dma_wait3A_487] : memref<51200x16xf32, #tpu.memory_space<vmem_shared>> -> memref<51200x16xf32, #tpu.memory_space<vmem_shared>>
        tpu.wait_indirect_dma semaphore(%run_scoped3A_472 : memref<!tpu.dma_semaphore, #tpu.memory_space<semaphore_mem>>) src(%dma_wait3A_482 : memref<80x16xf32, #tpu.memory_space<vmem>>) dst(%dma_wait3A_488 : memref<51200x16xf32, #tpu.memory_space<vmem_shared>>)
        tpu.yield
      }) : () -> ()
      %run_scoped3A_450 = arith.constant 3 : i32
      "tpu.region"() ({
        %run_scoped3A_472 = tpu.sem_alloc : memref<!tpu.dma_semaphore, #tpu.memory_space<semaphore_mem>>
        %dma_start3A = arith.constant 240 : i32
        %dma_start3A_473 = arith.constant 0 : i32
        %dma_start3A_474 = tpu.memref_slice %arg13[%dma_start3A, %dma_start3A_473] : memref<2000x16xf32, #tpu.memory_space<vmem>> -> memref<80x16xf32, #tpu.memory_space<vmem>>
        %dma_start3A_475 = arith.constant 0 : i32
        %dma_start3A_476 = tpu.memref_slice %arg14[%run_scoped3A_450, %dma_start3A_475] : memref<25x80xi32, #tpu.memory_space<vmem>> -> memref<1x80xi32, #tpu.memory_space<vmem>>
        %dma_start3A_477 = tpu.memref_squeeze %dma_start3A_476 : memref<1x80xi32, #tpu.memory_space<vmem>> -> memref<80xi32, #tpu.memory_space<vmem>>
        %dma_start3A_478 = arith.constant 0 : i32
        %dma_start3A_479 = arith.constant 0 : i32
        %dma_start3A_480 = tpu.memref_slice %arg17[%dma_start3A_478, %dma_start3A_479] : memref<51200x16xf32, #tpu.memory_space<vmem_shared>> -> memref<51200x16xf32, #tpu.memory_space<vmem_shared>>
        tpu.enqueue_indirect_dma source(%dma_start3A_474 : memref<80x16xf32, #tpu.memory_space<vmem>>) target(%dma_start3A_480 : memref<51200x16xf32, #tpu.memory_space<vmem_shared>>) offsets(%dma_start3A_477 : memref<80xi32, #tpu.memory_space<vmem>>) semaphore(%run_scoped3A_472 : memref<!tpu.dma_semaphore, #tpu.memory_space<semaphore_mem>>) {add = true}
        %dma_wait3A = arith.constant 240 : i32
        %dma_wait3A_481 = arith.constant 0 : i32
        %dma_wait3A_482 = tpu.memref_slice %arg13[%dma_wait3A, %dma_wait3A_481] : memref<2000x16xf32, #tpu.memory_space<vmem>> -> memref<80x16xf32, #tpu.memory_space<vmem>>
        %dma_wait3A_483 = arith.constant 0 : i32
        %dma_wait3A_484 = tpu.memref_slice %arg14[%run_scoped3A_450, %dma_wait3A_483] : memref<25x80xi32, #tpu.memory_space<vmem>> -> memref<1x80xi32, #tpu.memory_space<vmem>>
        %dma_wait3A_485 = tpu.memref_squeeze %dma_wait3A_484 : memref<1x80xi32, #tpu.memory_space<vmem>> -> memref<80xi32, #tpu.memory_space<vmem>>
        %dma_wait3A_486 = arith.constant 0 : i32
        %dma_wait3A_487 = arith.constant 0 : i32
        %dma_wait3A_488 = tpu.memref_slice %arg17[%dma_wait3A_486, %dma_wait3A_487] : memref<51200x16xf32, #tpu.memory_space<vmem_shared>> -> memref<51200x16xf32, #tpu.memory_space<vmem_shared>>
        tpu.wait_indirect_dma semaphore(%run_scoped3A_472 : memref<!tpu.dma_semaphore, #tpu.memory_space<semaphore_mem>>) src(%dma_wait3A_482 : memref<80x16xf32, #tpu.memory_space<vmem>>) dst(%dma_wait3A_488 : memref<51200x16xf32, #tpu.memory_space<vmem_shared>>)
        tpu.yield
      }) : () -> ()
      %run_scoped3A_451 = arith.constant 4 : i32
      "tpu.region"() ({
        %run_scoped3A_472 = tpu.sem_alloc : memref<!tpu.dma_semaphore, #tpu.memory_space<semaphore_mem>>
        %dma_start3A = arith.constant 320 : i32
        %dma_start3A_473 = arith.constant 0 : i32
        %dma_start3A_474 = tpu.memref_slice %arg13[%dma_start3A, %dma_start3A_473] : memref<2000x16xf32, #tpu.memory_space<vmem>> -> memref<80x16xf32, #tpu.memory_space<vmem>>
        %dma_start3A_475 = arith.constant 0 : i32
        %dma_start3A_476 = tpu.memref_slice %arg14[%run_scoped3A_451, %dma_start3A_475] : memref<25x80xi32, #tpu.memory_space<vmem>> -> memref<1x80xi32, #tpu.memory_space<vmem>>
        %dma_start3A_477 = tpu.memref_squeeze %dma_start3A_476 : memref<1x80xi32, #tpu.memory_space<vmem>> -> memref<80xi32, #tpu.memory_space<vmem>>
        %dma_start3A_478 = arith.constant 0 : i32
        %dma_start3A_479 = arith.constant 0 : i32
        %dma_start3A_480 = tpu.memref_slice %arg17[%dma_start3A_478, %dma_start3A_479] : memref<51200x16xf32, #tpu.memory_space<vmem_shared>> -> memref<51200x16xf32, #tpu.memory_space<vmem_shared>>
        tpu.enqueue_indirect_dma source(%dma_start3A_474 : memref<80x16xf32, #tpu.memory_space<vmem>>) target(%dma_start3A_480 : memref<51200x16xf32, #tpu.memory_space<vmem_shared>>) offsets(%dma_start3A_477 : memref<80xi32, #tpu.memory_space<vmem>>) semaphore(%run_scoped3A_472 : memref<!tpu.dma_semaphore, #tpu.memory_space<semaphore_mem>>) {add = true}
        %dma_wait3A = arith.constant 320 : i32
        %dma_wait3A_481 = arith.constant 0 : i32
        %dma_wait3A_482 = tpu.memref_slice %arg13[%dma_wait3A, %dma_wait3A_481] : memref<2000x16xf32, #tpu.memory_space<vmem>> -> memref<80x16xf32, #tpu.memory_space<vmem>>
        %dma_wait3A_483 = arith.constant 0 : i32
        %dma_wait3A_484 = tpu.memref_slice %arg14[%run_scoped3A_451, %dma_wait3A_483] : memref<25x80xi32, #tpu.memory_space<vmem>> -> memref<1x80xi32, #tpu.memory_space<vmem>>
        %dma_wait3A_485 = tpu.memref_squeeze %dma_wait3A_484 : memref<1x80xi32, #tpu.memory_space<vmem>> -> memref<80xi32, #tpu.memory_space<vmem>>
        %dma_wait3A_486 = arith.constant 0 : i32
        %dma_wait3A_487 = arith.constant 0 : i32
        %dma_wait3A_488 = tpu.memref_slice %arg17[%dma_wait3A_486, %dma_wait3A_487] : memref<51200x16xf32, #tpu.memory_space<vmem_shared>> -> memref<51200x16xf32, #tpu.memory_space<vmem_shared>>
        tpu.wait_indirect_dma semaphore(%run_scoped3A_472 : memref<!tpu.dma_semaphore, #tpu.memory_space<semaphore_mem>>) src(%dma_wait3A_482 : memref<80x16xf32, #tpu.memory_space<vmem>>) dst(%dma_wait3A_488 : memref<51200x16xf32, #tpu.memory_space<vmem_shared>>)
        tpu.yield
      }) : () -> ()
      %run_scoped3A_452 = arith.constant 5 : i32
      "tpu.region"() ({
        %run_scoped3A_472 = tpu.sem_alloc : memref<!tpu.dma_semaphore, #tpu.memory_space<semaphore_mem>>
        %dma_start3A = arith.constant 400 : i32
        %dma_start3A_473 = arith.constant 0 : i32
        %dma_start3A_474 = tpu.memref_slice %arg13[%dma_start3A, %dma_start3A_473] : memref<2000x16xf32, #tpu.memory_space<vmem>> -> memref<80x16xf32, #tpu.memory_space<vmem>>
        %dma_start3A_475 = arith.constant 0 : i32
        %dma_start3A_476 = tpu.memref_slice %arg14[%run_scoped3A_452, %dma_start3A_475] : memref<25x80xi32, #tpu.memory_space<vmem>> -> memref<1x80xi32, #tpu.memory_space<vmem>>
        %dma_start3A_477 = tpu.memref_squeeze %dma_start3A_476 : memref<1x80xi32, #tpu.memory_space<vmem>> -> memref<80xi32, #tpu.memory_space<vmem>>
        %dma_start3A_478 = arith.constant 0 : i32
        %dma_start3A_479 = arith.constant 0 : i32
        %dma_start3A_480 = tpu.memref_slice %arg17[%dma_start3A_478, %dma_start3A_479] : memref<51200x16xf32, #tpu.memory_space<vmem_shared>> -> memref<51200x16xf32, #tpu.memory_space<vmem_shared>>
        tpu.enqueue_indirect_dma source(%dma_start3A_474 : memref<80x16xf32, #tpu.memory_space<vmem>>) target(%dma_start3A_480 : memref<51200x16xf32, #tpu.memory_space<vmem_shared>>) offsets(%dma_start3A_477 : memref<80xi32, #tpu.memory_space<vmem>>) semaphore(%run_scoped3A_472 : memref<!tpu.dma_semaphore, #tpu.memory_space<semaphore_mem>>) {add = true}
        %dma_wait3A = arith.constant 400 : i32
        %dma_wait3A_481 = arith.constant 0 : i32
        %dma_wait3A_482 = tpu.memref_slice %arg13[%dma_wait3A, %dma_wait3A_481] : memref<2000x16xf32, #tpu.memory_space<vmem>> -> memref<80x16xf32, #tpu.memory_space<vmem>>
        %dma_wait3A_483 = arith.constant 0 : i32
        %dma_wait3A_484 = tpu.memref_slice %arg14[%run_scoped3A_452, %dma_wait3A_483] : memref<25x80xi32, #tpu.memory_space<vmem>> -> memref<1x80xi32, #tpu.memory_space<vmem>>
        %dma_wait3A_485 = tpu.memref_squeeze %dma_wait3A_484 : memref<1x80xi32, #tpu.memory_space<vmem>> -> memref<80xi32, #tpu.memory_space<vmem>>
        %dma_wait3A_486 = arith.constant 0 : i32
        %dma_wait3A_487 = arith.constant 0 : i32
        %dma_wait3A_488 = tpu.memref_slice %arg17[%dma_wait3A_486, %dma_wait3A_487] : memref<51200x16xf32, #tpu.memory_space<vmem_shared>> -> memref<51200x16xf32, #tpu.memory_space<vmem_shared>>
        tpu.wait_indirect_dma semaphore(%run_scoped3A_472 : memref<!tpu.dma_semaphore, #tpu.memory_space<semaphore_mem>>) src(%dma_wait3A_482 : memref<80x16xf32, #tpu.memory_space<vmem>>) dst(%dma_wait3A_488 : memref<51200x16xf32, #tpu.memory_space<vmem_shared>>)
        tpu.yield
      }) : () -> ()
      %run_scoped3A_453 = arith.constant 6 : i32
      "tpu.region"() ({
        %run_scoped3A_472 = tpu.sem_alloc : memref<!tpu.dma_semaphore, #tpu.memory_space<semaphore_mem>>
        %dma_start3A = arith.constant 480 : i32
        %dma_start3A_473 = arith.constant 0 : i32
        %dma_start3A_474 = tpu.memref_slice %arg13[%dma_start3A, %dma_start3A_473] : memref<2000x16xf32, #tpu.memory_space<vmem>> -> memref<80x16xf32, #tpu.memory_space<vmem>>
        %dma_start3A_475 = arith.constant 0 : i32
        %dma_start3A_476 = tpu.memref_slice %arg14[%run_scoped3A_453, %dma_start3A_475] : memref<25x80xi32, #tpu.memory_space<vmem>> -> memref<1x80xi32, #tpu.memory_space<vmem>>
        %dma_start3A_477 = tpu.memref_squeeze %dma_start3A_476 : memref<1x80xi32, #tpu.memory_space<vmem>> -> memref<80xi32, #tpu.memory_space<vmem>>
        %dma_start3A_478 = arith.constant 0 : i32
        %dma_start3A_479 = arith.constant 0 : i32
        %dma_start3A_480 = tpu.memref_slice %arg17[%dma_start3A_478, %dma_start3A_479] : memref<51200x16xf32, #tpu.memory_space<vmem_shared>> -> memref<51200x16xf32, #tpu.memory_space<vmem_shared>>
        tpu.enqueue_indirect_dma source(%dma_start3A_474 : memref<80x16xf32, #tpu.memory_space<vmem>>) target(%dma_start3A_480 : memref<51200x16xf32, #tpu.memory_space<vmem_shared>>) offsets(%dma_start3A_477 : memref<80xi32, #tpu.memory_space<vmem>>) semaphore(%run_scoped3A_472 : memref<!tpu.dma_semaphore, #tpu.memory_space<semaphore_mem>>) {add = true}
        %dma_wait3A = arith.constant 480 : i32
        %dma_wait3A_481 = arith.constant 0 : i32
        %dma_wait3A_482 = tpu.memref_slice %arg13[%dma_wait3A, %dma_wait3A_481] : memref<2000x16xf32, #tpu.memory_space<vmem>> -> memref<80x16xf32, #tpu.memory_space<vmem>>
        %dma_wait3A_483 = arith.constant 0 : i32
        %dma_wait3A_484 = tpu.memref_slice %arg14[%run_scoped3A_453, %dma_wait3A_483] : memref<25x80xi32, #tpu.memory_space<vmem>> -> memref<1x80xi32, #tpu.memory_space<vmem>>
        %dma_wait3A_485 = tpu.memref_squeeze %dma_wait3A_484 : memref<1x80xi32, #tpu.memory_space<vmem>> -> memref<80xi32, #tpu.memory_space<vmem>>
        %dma_wait3A_486 = arith.constant 0 : i32
        %dma_wait3A_487 = arith.constant 0 : i32
        %dma_wait3A_488 = tpu.memref_slice %arg17[%dma_wait3A_486, %dma_wait3A_487] : memref<51200x16xf32, #tpu.memory_space<vmem_shared>> -> memref<51200x16xf32, #tpu.memory_space<vmem_shared>>
        tpu.wait_indirect_dma semaphore(%run_scoped3A_472 : memref<!tpu.dma_semaphore, #tpu.memory_space<semaphore_mem>>) src(%dma_wait3A_482 : memref<80x16xf32, #tpu.memory_space<vmem>>) dst(%dma_wait3A_488 : memref<51200x16xf32, #tpu.memory_space<vmem_shared>>)
        tpu.yield
      }) : () -> ()
      %run_scoped3A_454 = arith.constant 7 : i32
      "tpu.region"() ({
        %run_scoped3A_472 = tpu.sem_alloc : memref<!tpu.dma_semaphore, #tpu.memory_space<semaphore_mem>>
        %dma_start3A = arith.constant 560 : i32
        %dma_start3A_473 = arith.constant 0 : i32
        %dma_start3A_474 = tpu.memref_slice %arg13[%dma_start3A, %dma_start3A_473] : memref<2000x16xf32, #tpu.memory_space<vmem>> -> memref<80x16xf32, #tpu.memory_space<vmem>>
        %dma_start3A_475 = arith.constant 0 : i32
        %dma_start3A_476 = tpu.memref_slice %arg14[%run_scoped3A_454, %dma_start3A_475] : memref<25x80xi32, #tpu.memory_space<vmem>> -> memref<1x80xi32, #tpu.memory_space<vmem>>
        %dma_start3A_477 = tpu.memref_squeeze %dma_start3A_476 : memref<1x80xi32, #tpu.memory_space<vmem>> -> memref<80xi32, #tpu.memory_space<vmem>>
        %dma_start3A_478 = arith.constant 0 : i32
        %dma_start3A_479 = arith.constant 0 : i32
        %dma_start3A_480 = tpu.memref_slice %arg17[%dma_start3A_478, %dma_start3A_479] : memref<51200x16xf32, #tpu.memory_space<vmem_shared>> -> memref<51200x16xf32, #tpu.memory_space<vmem_shared>>
        tpu.enqueue_indirect_dma source(%dma_start3A_474 : memref<80x16xf32, #tpu.memory_space<vmem>>) target(%dma_start3A_480 : memref<51200x16xf32, #tpu.memory_space<vmem_shared>>) offsets(%dma_start3A_477 : memref<80xi32, #tpu.memory_space<vmem>>) semaphore(%run_scoped3A_472 : memref<!tpu.dma_semaphore, #tpu.memory_space<semaphore_mem>>) {add = true}
        %dma_wait3A = arith.constant 560 : i32
        %dma_wait3A_481 = arith.constant 0 : i32
        %dma_wait3A_482 = tpu.memref_slice %arg13[%dma_wait3A, %dma_wait3A_481] : memref<2000x16xf32, #tpu.memory_space<vmem>> -> memref<80x16xf32, #tpu.memory_space<vmem>>
        %dma_wait3A_483 = arith.constant 0 : i32
        %dma_wait3A_484 = tpu.memref_slice %arg14[%run_scoped3A_454, %dma_wait3A_483] : memref<25x80xi32, #tpu.memory_space<vmem>> -> memref<1x80xi32, #tpu.memory_space<vmem>>
        %dma_wait3A_485 = tpu.memref_squeeze %dma_wait3A_484 : memref<1x80xi32, #tpu.memory_space<vmem>> -> memref<80xi32, #tpu.memory_space<vmem>>
        %dma_wait3A_486 = arith.constant 0 : i32
        %dma_wait3A_487 = arith.constant 0 : i32
        %dma_wait3A_488 = tpu.memref_slice %arg17[%dma_wait3A_486, %dma_wait3A_487] : memref<51200x16xf32, #tpu.memory_space<vmem_shared>> -> memref<51200x16xf32, #tpu.memory_space<vmem_shared>>
        tpu.wait_indirect_dma semaphore(%run_scoped3A_472 : memref<!tpu.dma_semaphore, #tpu.memory_space<semaphore_mem>>) src(%dma_wait3A_482 : memref<80x16xf32, #tpu.memory_space<vmem>>) dst(%dma_wait3A_488 : memref<51200x16xf32, #tpu.memory_space<vmem_shared>>)
        tpu.yield
      }) : () -> ()
      %run_scoped3A_455 = arith.constant 8 : i32
      "tpu.region"() ({
        %run_scoped3A_472 = tpu.sem_alloc : memref<!tpu.dma_semaphore, #tpu.memory_space<semaphore_mem>>
        %dma_start3A = arith.constant 640 : i32
        %dma_start3A_473 = arith.constant 0 : i32
        %dma_start3A_474 = tpu.memref_slice %arg13[%dma_start3A, %dma_start3A_473] : memref<2000x16xf32, #tpu.memory_space<vmem>> -> memref<80x16xf32, #tpu.memory_space<vmem>>
        %dma_start3A_475 = arith.constant 0 : i32
        %dma_start3A_476 = tpu.memref_slice %arg14[%run_scoped3A_455, %dma_start3A_475] : memref<25x80xi32, #tpu.memory_space<vmem>> -> memref<1x80xi32, #tpu.memory_space<vmem>>
        %dma_start3A_477 = tpu.memref_squeeze %dma_start3A_476 : memref<1x80xi32, #tpu.memory_space<vmem>> -> memref<80xi32, #tpu.memory_space<vmem>>
        %dma_start3A_478 = arith.constant 0 : i32
        %dma_start3A_479 = arith.constant 0 : i32
        %dma_start3A_480 = tpu.memref_slice %arg17[%dma_start3A_478, %dma_start3A_479] : memref<51200x16xf32, #tpu.memory_space<vmem_shared>> -> memref<51200x16xf32, #tpu.memory_space<vmem_shared>>
        tpu.enqueue_indirect_dma source(%dma_start3A_474 : memref<80x16xf32, #tpu.memory_space<vmem>>) target(%dma_start3A_480 : memref<51200x16xf32, #tpu.memory_space<vmem_shared>>) offsets(%dma_start3A_477 : memref<80xi32, #tpu.memory_space<vmem>>) semaphore(%run_scoped3A_472 : memref<!tpu.dma_semaphore, #tpu.memory_space<semaphore_mem>>) {add = true}
        %dma_wait3A = arith.constant 640 : i32
        %dma_wait3A_481 = arith.constant 0 : i32
        %dma_wait3A_482 = tpu.memref_slice %arg13[%dma_wait3A, %dma_wait3A_481] : memref<2000x16xf32, #tpu.memory_space<vmem>> -> memref<80x16xf32, #tpu.memory_space<vmem>>
        %dma_wait3A_483 = arith.constant 0 : i32
        %dma_wait3A_484 = tpu.memref_slice %arg14[%run_scoped3A_455, %dma_wait3A_483] : memref<25x80xi32, #tpu.memory_space<vmem>> -> memref<1x80xi32, #tpu.memory_space<vmem>>
        %dma_wait3A_485 = tpu.memref_squeeze %dma_wait3A_484 : memref<1x80xi32, #tpu.memory_space<vmem>> -> memref<80xi32, #tpu.memory_space<vmem>>
        %dma_wait3A_486 = arith.constant 0 : i32
        %dma_wait3A_487 = arith.constant 0 : i32
        %dma_wait3A_488 = tpu.memref_slice %arg17[%dma_wait3A_486, %dma_wait3A_487] : memref<51200x16xf32, #tpu.memory_space<vmem_shared>> -> memref<51200x16xf32, #tpu.memory_space<vmem_shared>>
        tpu.wait_indirect_dma semaphore(%run_scoped3A_472 : memref<!tpu.dma_semaphore, #tpu.memory_space<semaphore_mem>>) src(%dma_wait3A_482 : memref<80x16xf32, #tpu.memory_space<vmem>>) dst(%dma_wait3A_488 : memref<51200x16xf32, #tpu.memory_space<vmem_shared>>)
        tpu.yield
      }) : () -> ()
      %run_scoped3A_456 = arith.constant 9 : i32
      "tpu.region"() ({
        %run_scoped3A_472 = tpu.sem_alloc : memref<!tpu.dma_semaphore, #tpu.memory_space<semaphore_mem>>
        %dma_start3A = arith.constant 720 : i32
        %dma_start3A_473 = arith.constant 0 : i32
        %dma_start3A_474 = tpu.memref_slice %arg13[%dma_start3A, %dma_start3A_473] : memref<2000x16xf32, #tpu.memory_space<vmem>> -> memref<80x16xf32, #tpu.memory_space<vmem>>
        %dma_start3A_475 = arith.constant 0 : i32
        %dma_start3A_476 = tpu.memref_slice %arg14[%run_scoped3A_456, %dma_start3A_475] : memref<25x80xi32, #tpu.memory_space<vmem>> -> memref<1x80xi32, #tpu.memory_space<vmem>>
        %dma_start3A_477 = tpu.memref_squeeze %dma_start3A_476 : memref<1x80xi32, #tpu.memory_space<vmem>> -> memref<80xi32, #tpu.memory_space<vmem>>
        %dma_start3A_478 = arith.constant 0 : i32
        %dma_start3A_479 = arith.constant 0 : i32
        %dma_start3A_480 = tpu.memref_slice %arg17[%dma_start3A_478, %dma_start3A_479] : memref<51200x16xf32, #tpu.memory_space<vmem_shared>> -> memref<51200x16xf32, #tpu.memory_space<vmem_shared>>
        tpu.enqueue_indirect_dma source(%dma_start3A_474 : memref<80x16xf32, #tpu.memory_space<vmem>>) target(%dma_start3A_480 : memref<51200x16xf32, #tpu.memory_space<vmem_shared>>) offsets(%dma_start3A_477 : memref<80xi32, #tpu.memory_space<vmem>>) semaphore(%run_scoped3A_472 : memref<!tpu.dma_semaphore, #tpu.memory_space<semaphore_mem>>) {add = true}
        %dma_wait3A = arith.constant 720 : i32
        %dma_wait3A_481 = arith.constant 0 : i32
        %dma_wait3A_482 = tpu.memref_slice %arg13[%dma_wait3A, %dma_wait3A_481] : memref<2000x16xf32, #tpu.memory_space<vmem>> -> memref<80x16xf32, #tpu.memory_space<vmem>>
        %dma_wait3A_483 = arith.constant 0 : i32
        %dma_wait3A_484 = tpu.memref_slice %arg14[%run_scoped3A_456, %dma_wait3A_483] : memref<25x80xi32, #tpu.memory_space<vmem>> -> memref<1x80xi32, #tpu.memory_space<vmem>>
        %dma_wait3A_485 = tpu.memref_squeeze %dma_wait3A_484 : memref<1x80xi32, #tpu.memory_space<vmem>> -> memref<80xi32, #tpu.memory_space<vmem>>
        %dma_wait3A_486 = arith.constant 0 : i32
        %dma_wait3A_487 = arith.constant 0 : i32
        %dma_wait3A_488 = tpu.memref_slice %arg17[%dma_wait3A_486, %dma_wait3A_487] : memref<51200x16xf32, #tpu.memory_space<vmem_shared>> -> memref<51200x16xf32, #tpu.memory_space<vmem_shared>>
        tpu.wait_indirect_dma semaphore(%run_scoped3A_472 : memref<!tpu.dma_semaphore, #tpu.memory_space<semaphore_mem>>) src(%dma_wait3A_482 : memref<80x16xf32, #tpu.memory_space<vmem>>) dst(%dma_wait3A_488 : memref<51200x16xf32, #tpu.memory_space<vmem_shared>>)
        tpu.yield
      }) : () -> ()
      %run_scoped3A_457 = arith.constant 10 : i32
      "tpu.region"() ({
        %run_scoped3A_472 = tpu.sem_alloc : memref<!tpu.dma_semaphore, #tpu.memory_space<semaphore_mem>>
        %dma_start3A = arith.constant 800 : i32
        %dma_start3A_473 = arith.constant 0 : i32
        %dma_start3A_474 = tpu.memref_slice %arg13[%dma_start3A, %dma_start3A_473] : memref<2000x16xf32, #tpu.memory_space<vmem>> -> memref<80x16xf32, #tpu.memory_space<vmem>>
        %dma_start3A_475 = arith.constant 0 : i32
        %dma_start3A_476 = tpu.memref_slice %arg14[%run_scoped3A_457, %dma_start3A_475] : memref<25x80xi32, #tpu.memory_space<vmem>> -> memref<1x80xi32, #tpu.memory_space<vmem>>
        %dma_start3A_477 = tpu.memref_squeeze %dma_start3A_476 : memref<1x80xi32, #tpu.memory_space<vmem>> -> memref<80xi32, #tpu.memory_space<vmem>>
        %dma_start3A_478 = arith.constant 0 : i32
        %dma_start3A_479 = arith.constant 0 : i32
        %dma_start3A_480 = tpu.memref_slice %arg17[%dma_start3A_478, %dma_start3A_479] : memref<51200x16xf32, #tpu.memory_space<vmem_shared>> -> memref<51200x16xf32, #tpu.memory_space<vmem_shared>>
        tpu.enqueue_indirect_dma source(%dma_start3A_474 : memref<80x16xf32, #tpu.memory_space<vmem>>) target(%dma_start3A_480 : memref<51200x16xf32, #tpu.memory_space<vmem_shared>>) offsets(%dma_start3A_477 : memref<80xi32, #tpu.memory_space<vmem>>) semaphore(%run_scoped3A_472 : memref<!tpu.dma_semaphore, #tpu.memory_space<semaphore_mem>>) {add = true}
        %dma_wait3A = arith.constant 800 : i32
        %dma_wait3A_481 = arith.constant 0 : i32
        %dma_wait3A_482 = tpu.memref_slice %arg13[%dma_wait3A, %dma_wait3A_481] : memref<2000x16xf32, #tpu.memory_space<vmem>> -> memref<80x16xf32, #tpu.memory_space<vmem>>
        %dma_wait3A_483 = arith.constant 0 : i32
        %dma_wait3A_484 = tpu.memref_slice %arg14[%run_scoped3A_457, %dma_wait3A_483] : memref<25x80xi32, #tpu.memory_space<vmem>> -> memref<1x80xi32, #tpu.memory_space<vmem>>
        %dma_wait3A_485 = tpu.memref_squeeze %dma_wait3A_484 : memref<1x80xi32, #tpu.memory_space<vmem>> -> memref<80xi32, #tpu.memory_space<vmem>>
        %dma_wait3A_486 = arith.constant 0 : i32
        %dma_wait3A_487 = arith.constant 0 : i32
        %dma_wait3A_488 = tpu.memref_slice %arg17[%dma_wait3A_486, %dma_wait3A_487] : memref<51200x16xf32, #tpu.memory_space<vmem_shared>> -> memref<51200x16xf32, #tpu.memory_space<vmem_shared>>
        tpu.wait_indirect_dma semaphore(%run_scoped3A_472 : memref<!tpu.dma_semaphore, #tpu.memory_space<semaphore_mem>>) src(%dma_wait3A_482 : memref<80x16xf32, #tpu.memory_space<vmem>>) dst(%dma_wait3A_488 : memref<51200x16xf32, #tpu.memory_space<vmem_shared>>)
        tpu.yield
      }) : () -> ()
      %run_scoped3A_458 = arith.constant 11 : i32
      "tpu.region"() ({
        %run_scoped3A_472 = tpu.sem_alloc : memref<!tpu.dma_semaphore, #tpu.memory_space<semaphore_mem>>
        %dma_start3A = arith.constant 880 : i32
        %dma_start3A_473 = arith.constant 0 : i32
        %dma_start3A_474 = tpu.memref_slice %arg13[%dma_start3A, %dma_start3A_473] : memref<2000x16xf32, #tpu.memory_space<vmem>> -> memref<80x16xf32, #tpu.memory_space<vmem>>
        %dma_start3A_475 = arith.constant 0 : i32
        %dma_start3A_476 = tpu.memref_slice %arg14[%run_scoped3A_458, %dma_start3A_475] : memref<25x80xi32, #tpu.memory_space<vmem>> -> memref<1x80xi32, #tpu.memory_space<vmem>>
        %dma_start3A_477 = tpu.memref_squeeze %dma_start3A_476 : memref<1x80xi32, #tpu.memory_space<vmem>> -> memref<80xi32, #tpu.memory_space<vmem>>
        %dma_start3A_478 = arith.constant 0 : i32
        %dma_start3A_479 = arith.constant 0 : i32
        %dma_start3A_480 = tpu.memref_slice %arg17[%dma_start3A_478, %dma_start3A_479] : memref<51200x16xf32, #tpu.memory_space<vmem_shared>> -> memref<51200x16xf32, #tpu.memory_space<vmem_shared>>
        tpu.enqueue_indirect_dma source(%dma_start3A_474 : memref<80x16xf32, #tpu.memory_space<vmem>>) target(%dma_start3A_480 : memref<51200x16xf32, #tpu.memory_space<vmem_shared>>) offsets(%dma_start3A_477 : memref<80xi32, #tpu.memory_space<vmem>>) semaphore(%run_scoped3A_472 : memref<!tpu.dma_semaphore, #tpu.memory_space<semaphore_mem>>) {add = true}
        %dma_wait3A = arith.constant 880 : i32
        %dma_wait3A_481 = arith.constant 0 : i32
        %dma_wait3A_482 = tpu.memref_slice %arg13[%dma_wait3A, %dma_wait3A_481] : memref<2000x16xf32, #tpu.memory_space<vmem>> -> memref<80x16xf32, #tpu.memory_space<vmem>>
        %dma_wait3A_483 = arith.constant 0 : i32
        %dma_wait3A_484 = tpu.memref_slice %arg14[%run_scoped3A_458, %dma_wait3A_483] : memref<25x80xi32, #tpu.memory_space<vmem>> -> memref<1x80xi32, #tpu.memory_space<vmem>>
        %dma_wait3A_485 = tpu.memref_squeeze %dma_wait3A_484 : memref<1x80xi32, #tpu.memory_space<vmem>> -> memref<80xi32, #tpu.memory_space<vmem>>
        %dma_wait3A_486 = arith.constant 0 : i32
        %dma_wait3A_487 = arith.constant 0 : i32
        %dma_wait3A_488 = tpu.memref_slice %arg17[%dma_wait3A_486, %dma_wait3A_487] : memref<51200x16xf32, #tpu.memory_space<vmem_shared>> -> memref<51200x16xf32, #tpu.memory_space<vmem_shared>>
        tpu.wait_indirect_dma semaphore(%run_scoped3A_472 : memref<!tpu.dma_semaphore, #tpu.memory_space<semaphore_mem>>) src(%dma_wait3A_482 : memref<80x16xf32, #tpu.memory_space<vmem>>) dst(%dma_wait3A_488 : memref<51200x16xf32, #tpu.memory_space<vmem_shared>>)
        tpu.yield
      }) : () -> ()
      %run_scoped3A_459 = arith.constant 12 : i32
      "tpu.region"() ({
        %run_scoped3A_472 = tpu.sem_alloc : memref<!tpu.dma_semaphore, #tpu.memory_space<semaphore_mem>>
        %dma_start3A = arith.constant 960 : i32
        %dma_start3A_473 = arith.constant 0 : i32
        %dma_start3A_474 = tpu.memref_slice %arg13[%dma_start3A, %dma_start3A_473] : memref<2000x16xf32, #tpu.memory_space<vmem>> -> memref<80x16xf32, #tpu.memory_space<vmem>>
        %dma_start3A_475 = arith.constant 0 : i32
        %dma_start3A_476 = tpu.memref_slice %arg14[%run_scoped3A_459, %dma_start3A_475] : memref<25x80xi32, #tpu.memory_space<vmem>> -> memref<1x80xi32, #tpu.memory_space<vmem>>
        %dma_start3A_477 = tpu.memref_squeeze %dma_start3A_476 : memref<1x80xi32, #tpu.memory_space<vmem>> -> memref<80xi32, #tpu.memory_space<vmem>>
        %dma_start3A_478 = arith.constant 0 : i32
        %dma_start3A_479 = arith.constant 0 : i32
        %dma_start3A_480 = tpu.memref_slice %arg17[%dma_start3A_478, %dma_start3A_479] : memref<51200x16xf32, #tpu.memory_space<vmem_shared>> -> memref<51200x16xf32, #tpu.memory_space<vmem_shared>>
        tpu.enqueue_indirect_dma source(%dma_start3A_474 : memref<80x16xf32, #tpu.memory_space<vmem>>) target(%dma_start3A_480 : memref<51200x16xf32, #tpu.memory_space<vmem_shared>>) offsets(%dma_start3A_477 : memref<80xi32, #tpu.memory_space<vmem>>) semaphore(%run_scoped3A_472 : memref<!tpu.dma_semaphore, #tpu.memory_space<semaphore_mem>>) {add = true}
        %dma_wait3A = arith.constant 960 : i32
        %dma_wait3A_481 = arith.constant 0 : i32
        %dma_wait3A_482 = tpu.memref_slice %arg13[%dma_wait3A, %dma_wait3A_481] : memref<2000x16xf32, #tpu.memory_space<vmem>> -> memref<80x16xf32, #tpu.memory_space<vmem>>
        %dma_wait3A_483 = arith.constant 0 : i32
        %dma_wait3A_484 = tpu.memref_slice %arg14[%run_scoped3A_459, %dma_wait3A_483] : memref<25x80xi32, #tpu.memory_space<vmem>> -> memref<1x80xi32, #tpu.memory_space<vmem>>
        %dma_wait3A_485 = tpu.memref_squeeze %dma_wait3A_484 : memref<1x80xi32, #tpu.memory_space<vmem>> -> memref<80xi32, #tpu.memory_space<vmem>>
        %dma_wait3A_486 = arith.constant 0 : i32
        %dma_wait3A_487 = arith.constant 0 : i32
        %dma_wait3A_488 = tpu.memref_slice %arg17[%dma_wait3A_486, %dma_wait3A_487] : memref<51200x16xf32, #tpu.memory_space<vmem_shared>> -> memref<51200x16xf32, #tpu.memory_space<vmem_shared>>
        tpu.wait_indirect_dma semaphore(%run_scoped3A_472 : memref<!tpu.dma_semaphore, #tpu.memory_space<semaphore_mem>>) src(%dma_wait3A_482 : memref<80x16xf32, #tpu.memory_space<vmem>>) dst(%dma_wait3A_488 : memref<51200x16xf32, #tpu.memory_space<vmem_shared>>)
        tpu.yield
      }) : () -> ()
      %run_scoped3A_460 = arith.constant 13 : i32
      "tpu.region"() ({
        %run_scoped3A_472 = tpu.sem_alloc : memref<!tpu.dma_semaphore, #tpu.memory_space<semaphore_mem>>
        %dma_start3A = arith.constant 1040 : i32
        %dma_start3A_473 = arith.constant 0 : i32
        %dma_start3A_474 = tpu.memref_slice %arg13[%dma_start3A, %dma_start3A_473] : memref<2000x16xf32, #tpu.memory_space<vmem>> -> memref<80x16xf32, #tpu.memory_space<vmem>>
        %dma_start3A_475 = arith.constant 0 : i32
        %dma_start3A_476 = tpu.memref_slice %arg14[%run_scoped3A_460, %dma_start3A_475] : memref<25x80xi32, #tpu.memory_space<vmem>> -> memref<1x80xi32, #tpu.memory_space<vmem>>
        %dma_start3A_477 = tpu.memref_squeeze %dma_start3A_476 : memref<1x80xi32, #tpu.memory_space<vmem>> -> memref<80xi32, #tpu.memory_space<vmem>>
        %dma_start3A_478 = arith.constant 0 : i32
        %dma_start3A_479 = arith.constant 0 : i32
        %dma_start3A_480 = tpu.memref_slice %arg17[%dma_start3A_478, %dma_start3A_479] : memref<51200x16xf32, #tpu.memory_space<vmem_shared>> -> memref<51200x16xf32, #tpu.memory_space<vmem_shared>>
        tpu.enqueue_indirect_dma source(%dma_start3A_474 : memref<80x16xf32, #tpu.memory_space<vmem>>) target(%dma_start3A_480 : memref<51200x16xf32, #tpu.memory_space<vmem_shared>>) offsets(%dma_start3A_477 : memref<80xi32, #tpu.memory_space<vmem>>) semaphore(%run_scoped3A_472 : memref<!tpu.dma_semaphore, #tpu.memory_space<semaphore_mem>>) {add = true}
        %dma_wait3A = arith.constant 1040 : i32
        %dma_wait3A_481 = arith.constant 0 : i32
        %dma_wait3A_482 = tpu.memref_slice %arg13[%dma_wait3A, %dma_wait3A_481] : memref<2000x16xf32, #tpu.memory_space<vmem>> -> memref<80x16xf32, #tpu.memory_space<vmem>>
        %dma_wait3A_483 = arith.constant 0 : i32
        %dma_wait3A_484 = tpu.memref_slice %arg14[%run_scoped3A_460, %dma_wait3A_483] : memref<25x80xi32, #tpu.memory_space<vmem>> -> memref<1x80xi32, #tpu.memory_space<vmem>>
        %dma_wait3A_485 = tpu.memref_squeeze %dma_wait3A_484 : memref<1x80xi32, #tpu.memory_space<vmem>> -> memref<80xi32, #tpu.memory_space<vmem>>
        %dma_wait3A_486 = arith.constant 0 : i32
        %dma_wait3A_487 = arith.constant 0 : i32
        %dma_wait3A_488 = tpu.memref_slice %arg17[%dma_wait3A_486, %dma_wait3A_487] : memref<51200x16xf32, #tpu.memory_space<vmem_shared>> -> memref<51200x16xf32, #tpu.memory_space<vmem_shared>>
        tpu.wait_indirect_dma semaphore(%run_scoped3A_472 : memref<!tpu.dma_semaphore, #tpu.memory_space<semaphore_mem>>) src(%dma_wait3A_482 : memref<80x16xf32, #tpu.memory_space<vmem>>) dst(%dma_wait3A_488 : memref<51200x16xf32, #tpu.memory_space<vmem_shared>>)
        tpu.yield
      }) : () -> ()
      %run_scoped3A_461 = arith.constant 14 : i32
      "tpu.region"() ({
        %run_scoped3A_472 = tpu.sem_alloc : memref<!tpu.dma_semaphore, #tpu.memory_space<semaphore_mem>>
        %dma_start3A = arith.constant 1120 : i32
        %dma_start3A_473 = arith.constant 0 : i32
        %dma_start3A_474 = tpu.memref_slice %arg13[%dma_start3A, %dma_start3A_473] : memref<2000x16xf32, #tpu.memory_space<vmem>> -> memref<80x16xf32, #tpu.memory_space<vmem>>
        %dma_start3A_475 = arith.constant 0 : i32
        %dma_start3A_476 = tpu.memref_slice %arg14[%run_scoped3A_461, %dma_start3A_475] : memref<25x80xi32, #tpu.memory_space<vmem>> -> memref<1x80xi32, #tpu.memory_space<vmem>>
        %dma_start3A_477 = tpu.memref_squeeze %dma_start3A_476 : memref<1x80xi32, #tpu.memory_space<vmem>> -> memref<80xi32, #tpu.memory_space<vmem>>
        %dma_start3A_478 = arith.constant 0 : i32
        %dma_start3A_479 = arith.constant 0 : i32
        %dma_start3A_480 = tpu.memref_slice %arg17[%dma_start3A_478, %dma_start3A_479] : memref<51200x16xf32, #tpu.memory_space<vmem_shared>> -> memref<51200x16xf32, #tpu.memory_space<vmem_shared>>
        tpu.enqueue_indirect_dma source(%dma_start3A_474 : memref<80x16xf32, #tpu.memory_space<vmem>>) target(%dma_start3A_480 : memref<51200x16xf32, #tpu.memory_space<vmem_shared>>) offsets(%dma_start3A_477 : memref<80xi32, #tpu.memory_space<vmem>>) semaphore(%run_scoped3A_472 : memref<!tpu.dma_semaphore, #tpu.memory_space<semaphore_mem>>) {add = true}
        %dma_wait3A = arith.constant 1120 : i32
        %dma_wait3A_481 = arith.constant 0 : i32
        %dma_wait3A_482 = tpu.memref_slice %arg13[%dma_wait3A, %dma_wait3A_481] : memref<2000x16xf32, #tpu.memory_space<vmem>> -> memref<80x16xf32, #tpu.memory_space<vmem>>
        %dma_wait3A_483 = arith.constant 0 : i32
        %dma_wait3A_484 = tpu.memref_slice %arg14[%run_scoped3A_461, %dma_wait3A_483] : memref<25x80xi32, #tpu.memory_space<vmem>> -> memref<1x80xi32, #tpu.memory_space<vmem>>
        %dma_wait3A_485 = tpu.memref_squeeze %dma_wait3A_484 : memref<1x80xi32, #tpu.memory_space<vmem>> -> memref<80xi32, #tpu.memory_space<vmem>>
        %dma_wait3A_486 = arith.constant 0 : i32
        %dma_wait3A_487 = arith.constant 0 : i32
        %dma_wait3A_488 = tpu.memref_slice %arg17[%dma_wait3A_486, %dma_wait3A_487] : memref<51200x16xf32, #tpu.memory_space<vmem_shared>> -> memref<51200x16xf32, #tpu.memory_space<vmem_shared>>
        tpu.wait_indirect_dma semaphore(%run_scoped3A_472 : memref<!tpu.dma_semaphore, #tpu.memory_space<semaphore_mem>>) src(%dma_wait3A_482 : memref<80x16xf32, #tpu.memory_space<vmem>>) dst(%dma_wait3A_488 : memref<51200x16xf32, #tpu.memory_space<vmem_shared>>)
        tpu.yield
      }) : () -> ()
      %run_scoped3A_462 = arith.constant 15 : i32
      "tpu.region"() ({
        %run_scoped3A_472 = tpu.sem_alloc : memref<!tpu.dma_semaphore, #tpu.memory_space<semaphore_mem>>
        %dma_start3A = arith.constant 1200 : i32
        %dma_start3A_473 = arith.constant 0 : i32
        %dma_start3A_474 = tpu.memref_slice %arg13[%dma_start3A, %dma_start3A_473] : memref<2000x16xf32, #tpu.memory_space<vmem>> -> memref<80x16xf32, #tpu.memory_space<vmem>>
        %dma_start3A_475 = arith.constant 0 : i32
        %dma_start3A_476 = tpu.memref_slice %arg14[%run_scoped3A_462, %dma_start3A_475] : memref<25x80xi32, #tpu.memory_space<vmem>> -> memref<1x80xi32, #tpu.memory_space<vmem>>
        %dma_start3A_477 = tpu.memref_squeeze %dma_start3A_476 : memref<1x80xi32, #tpu.memory_space<vmem>> -> memref<80xi32, #tpu.memory_space<vmem>>
        %dma_start3A_478 = arith.constant 0 : i32
        %dma_start3A_479 = arith.constant 0 : i32
        %dma_start3A_480 = tpu.memref_slice %arg17[%dma_start3A_478, %dma_start3A_479] : memref<51200x16xf32, #tpu.memory_space<vmem_shared>> -> memref<51200x16xf32, #tpu.memory_space<vmem_shared>>
        tpu.enqueue_indirect_dma source(%dma_start3A_474 : memref<80x16xf32, #tpu.memory_space<vmem>>) target(%dma_start3A_480 : memref<51200x16xf32, #tpu.memory_space<vmem_shared>>) offsets(%dma_start3A_477 : memref<80xi32, #tpu.memory_space<vmem>>) semaphore(%run_scoped3A_472 : memref<!tpu.dma_semaphore, #tpu.memory_space<semaphore_mem>>) {add = true}
        %dma_wait3A = arith.constant 1200 : i32
        %dma_wait3A_481 = arith.constant 0 : i32
        %dma_wait3A_482 = tpu.memref_slice %arg13[%dma_wait3A, %dma_wait3A_481] : memref<2000x16xf32, #tpu.memory_space<vmem>> -> memref<80x16xf32, #tpu.memory_space<vmem>>
        %dma_wait3A_483 = arith.constant 0 : i32
        %dma_wait3A_484 = tpu.memref_slice %arg14[%run_scoped3A_462, %dma_wait3A_483] : memref<25x80xi32, #tpu.memory_space<vmem>> -> memref<1x80xi32, #tpu.memory_space<vmem>>
        %dma_wait3A_485 = tpu.memref_squeeze %dma_wait3A_484 : memref<1x80xi32, #tpu.memory_space<vmem>> -> memref<80xi32, #tpu.memory_space<vmem>>
        %dma_wait3A_486 = arith.constant 0 : i32
        %dma_wait3A_487 = arith.constant 0 : i32
        %dma_wait3A_488 = tpu.memref_slice %arg17[%dma_wait3A_486, %dma_wait3A_487] : memref<51200x16xf32, #tpu.memory_space<vmem_shared>> -> memref<51200x16xf32, #tpu.memory_space<vmem_shared>>
        tpu.wait_indirect_dma semaphore(%run_scoped3A_472 : memref<!tpu.dma_semaphore, #tpu.memory_space<semaphore_mem>>) src(%dma_wait3A_482 : memref<80x16xf32, #tpu.memory_space<vmem>>) dst(%dma_wait3A_488 : memref<51200x16xf32, #tpu.memory_space<vmem_shared>>)
        tpu.yield
      }) : () -> ()
      %run_scoped3A_463 = arith.constant 16 : i32
      "tpu.region"() ({
        %run_scoped3A_472 = tpu.sem_alloc : memref<!tpu.dma_semaphore, #tpu.memory_space<semaphore_mem>>
        %dma_start3A = arith.constant 1280 : i32
        %dma_start3A_473 = arith.constant 0 : i32
        %dma_start3A_474 = tpu.memref_slice %arg13[%dma_start3A, %dma_start3A_473] : memref<2000x16xf32, #tpu.memory_space<vmem>> -> memref<80x16xf32, #tpu.memory_space<vmem>>
        %dma_start3A_475 = arith.constant 0 : i32
        %dma_start3A_476 = tpu.memref_slice %arg14[%run_scoped3A_463, %dma_start3A_475] : memref<25x80xi32, #tpu.memory_space<vmem>> -> memref<1x80xi32, #tpu.memory_space<vmem>>
        %dma_start3A_477 = tpu.memref_squeeze %dma_start3A_476 : memref<1x80xi32, #tpu.memory_space<vmem>> -> memref<80xi32, #tpu.memory_space<vmem>>
        %dma_start3A_478 = arith.constant 0 : i32
        %dma_start3A_479 = arith.constant 0 : i32
        %dma_start3A_480 = tpu.memref_slice %arg17[%dma_start3A_478, %dma_start3A_479] : memref<51200x16xf32, #tpu.memory_space<vmem_shared>> -> memref<51200x16xf32, #tpu.memory_space<vmem_shared>>
        tpu.enqueue_indirect_dma source(%dma_start3A_474 : memref<80x16xf32, #tpu.memory_space<vmem>>) target(%dma_start3A_480 : memref<51200x16xf32, #tpu.memory_space<vmem_shared>>) offsets(%dma_start3A_477 : memref<80xi32, #tpu.memory_space<vmem>>) semaphore(%run_scoped3A_472 : memref<!tpu.dma_semaphore, #tpu.memory_space<semaphore_mem>>) {add = true}
        %dma_wait3A = arith.constant 1280 : i32
        %dma_wait3A_481 = arith.constant 0 : i32
        %dma_wait3A_482 = tpu.memref_slice %arg13[%dma_wait3A, %dma_wait3A_481] : memref<2000x16xf32, #tpu.memory_space<vmem>> -> memref<80x16xf32, #tpu.memory_space<vmem>>
        %dma_wait3A_483 = arith.constant 0 : i32
        %dma_wait3A_484 = tpu.memref_slice %arg14[%run_scoped3A_463, %dma_wait3A_483] : memref<25x80xi32, #tpu.memory_space<vmem>> -> memref<1x80xi32, #tpu.memory_space<vmem>>
        %dma_wait3A_485 = tpu.memref_squeeze %dma_wait3A_484 : memref<1x80xi32, #tpu.memory_space<vmem>> -> memref<80xi32, #tpu.memory_space<vmem>>
        %dma_wait3A_486 = arith.constant 0 : i32
        %dma_wait3A_487 = arith.constant 0 : i32
        %dma_wait3A_488 = tpu.memref_slice %arg17[%dma_wait3A_486, %dma_wait3A_487] : memref<51200x16xf32, #tpu.memory_space<vmem_shared>> -> memref<51200x16xf32, #tpu.memory_space<vmem_shared>>
        tpu.wait_indirect_dma semaphore(%run_scoped3A_472 : memref<!tpu.dma_semaphore, #tpu.memory_space<semaphore_mem>>) src(%dma_wait3A_482 : memref<80x16xf32, #tpu.memory_space<vmem>>) dst(%dma_wait3A_488 : memref<51200x16xf32, #tpu.memory_space<vmem_shared>>)
        tpu.yield
      }) : () -> ()
      %run_scoped3A_464 = arith.constant 17 : i32
      "tpu.region"() ({
        %run_scoped3A_472 = tpu.sem_alloc : memref<!tpu.dma_semaphore, #tpu.memory_space<semaphore_mem>>
        %dma_start3A = arith.constant 1360 : i32
        %dma_start3A_473 = arith.constant 0 : i32
        %dma_start3A_474 = tpu.memref_slice %arg13[%dma_start3A, %dma_start3A_473] : memref<2000x16xf32, #tpu.memory_space<vmem>> -> memref<80x16xf32, #tpu.memory_space<vmem>>
        %dma_start3A_475 = arith.constant 0 : i32
        %dma_start3A_476 = tpu.memref_slice %arg14[%run_scoped3A_464, %dma_start3A_475] : memref<25x80xi32, #tpu.memory_space<vmem>> -> memref<1x80xi32, #tpu.memory_space<vmem>>
        %dma_start3A_477 = tpu.memref_squeeze %dma_start3A_476 : memref<1x80xi32, #tpu.memory_space<vmem>> -> memref<80xi32, #tpu.memory_space<vmem>>
        %dma_start3A_478 = arith.constant 0 : i32
        %dma_start3A_479 = arith.constant 0 : i32
        %dma_start3A_480 = tpu.memref_slice %arg17[%dma_start3A_478, %dma_start3A_479] : memref<51200x16xf32, #tpu.memory_space<vmem_shared>> -> memref<51200x16xf32, #tpu.memory_space<vmem_shared>>
        tpu.enqueue_indirect_dma source(%dma_start3A_474 : memref<80x16xf32, #tpu.memory_space<vmem>>) target(%dma_start3A_480 : memref<51200x16xf32, #tpu.memory_space<vmem_shared>>) offsets(%dma_start3A_477 : memref<80xi32, #tpu.memory_space<vmem>>) semaphore(%run_scoped3A_472 : memref<!tpu.dma_semaphore, #tpu.memory_space<semaphore_mem>>) {add = true}
        %dma_wait3A = arith.constant 1360 : i32
        %dma_wait3A_481 = arith.constant 0 : i32
        %dma_wait3A_482 = tpu.memref_slice %arg13[%dma_wait3A, %dma_wait3A_481] : memref<2000x16xf32, #tpu.memory_space<vmem>> -> memref<80x16xf32, #tpu.memory_space<vmem>>
        %dma_wait3A_483 = arith.constant 0 : i32
        %dma_wait3A_484 = tpu.memref_slice %arg14[%run_scoped3A_464, %dma_wait3A_483] : memref<25x80xi32, #tpu.memory_space<vmem>> -> memref<1x80xi32, #tpu.memory_space<vmem>>
        %dma_wait3A_485 = tpu.memref_squeeze %dma_wait3A_484 : memref<1x80xi32, #tpu.memory_space<vmem>> -> memref<80xi32, #tpu.memory_space<vmem>>
        %dma_wait3A_486 = arith.constant 0 : i32
        %dma_wait3A_487 = arith.constant 0 : i32
        %dma_wait3A_488 = tpu.memref_slice %arg17[%dma_wait3A_486, %dma_wait3A_487] : memref<51200x16xf32, #tpu.memory_space<vmem_shared>> -> memref<51200x16xf32, #tpu.memory_space<vmem_shared>>
        tpu.wait_indirect_dma semaphore(%run_scoped3A_472 : memref<!tpu.dma_semaphore, #tpu.memory_space<semaphore_mem>>) src(%dma_wait3A_482 : memref<80x16xf32, #tpu.memory_space<vmem>>) dst(%dma_wait3A_488 : memref<51200x16xf32, #tpu.memory_space<vmem_shared>>)
        tpu.yield
      }) : () -> ()
      %run_scoped3A_465 = arith.constant 18 : i32
      "tpu.region"() ({
        %run_scoped3A_472 = tpu.sem_alloc : memref<!tpu.dma_semaphore, #tpu.memory_space<semaphore_mem>>
        %dma_start3A = arith.constant 1440 : i32
        %dma_start3A_473 = arith.constant 0 : i32
        %dma_start3A_474 = tpu.memref_slice %arg13[%dma_start3A, %dma_start3A_473] : memref<2000x16xf32, #tpu.memory_space<vmem>> -> memref<80x16xf32, #tpu.memory_space<vmem>>
        %dma_start3A_475 = arith.constant 0 : i32
        %dma_start3A_476 = tpu.memref_slice %arg14[%run_scoped3A_465, %dma_start3A_475] : memref<25x80xi32, #tpu.memory_space<vmem>> -> memref<1x80xi32, #tpu.memory_space<vmem>>
        %dma_start3A_477 = tpu.memref_squeeze %dma_start3A_476 : memref<1x80xi32, #tpu.memory_space<vmem>> -> memref<80xi32, #tpu.memory_space<vmem>>
        %dma_start3A_478 = arith.constant 0 : i32
        %dma_start3A_479 = arith.constant 0 : i32
        %dma_start3A_480 = tpu.memref_slice %arg17[%dma_start3A_478, %dma_start3A_479] : memref<51200x16xf32, #tpu.memory_space<vmem_shared>> -> memref<51200x16xf32, #tpu.memory_space<vmem_shared>>
        tpu.enqueue_indirect_dma source(%dma_start3A_474 : memref<80x16xf32, #tpu.memory_space<vmem>>) target(%dma_start3A_480 : memref<51200x16xf32, #tpu.memory_space<vmem_shared>>) offsets(%dma_start3A_477 : memref<80xi32, #tpu.memory_space<vmem>>) semaphore(%run_scoped3A_472 : memref<!tpu.dma_semaphore, #tpu.memory_space<semaphore_mem>>) {add = true}
        %dma_wait3A = arith.constant 1440 : i32
        %dma_wait3A_481 = arith.constant 0 : i32
        %dma_wait3A_482 = tpu.memref_slice %arg13[%dma_wait3A, %dma_wait3A_481] : memref<2000x16xf32, #tpu.memory_space<vmem>> -> memref<80x16xf32, #tpu.memory_space<vmem>>
        %dma_wait3A_483 = arith.constant 0 : i32
        %dma_wait3A_484 = tpu.memref_slice %arg14[%run_scoped3A_465, %dma_wait3A_483] : memref<25x80xi32, #tpu.memory_space<vmem>> -> memref<1x80xi32, #tpu.memory_space<vmem>>
        %dma_wait3A_485 = tpu.memref_squeeze %dma_wait3A_484 : memref<1x80xi32, #tpu.memory_space<vmem>> -> memref<80xi32, #tpu.memory_space<vmem>>
        %dma_wait3A_486 = arith.constant 0 : i32
        %dma_wait3A_487 = arith.constant 0 : i32
        %dma_wait3A_488 = tpu.memref_slice %arg17[%dma_wait3A_486, %dma_wait3A_487] : memref<51200x16xf32, #tpu.memory_space<vmem_shared>> -> memref<51200x16xf32, #tpu.memory_space<vmem_shared>>
        tpu.wait_indirect_dma semaphore(%run_scoped3A_472 : memref<!tpu.dma_semaphore, #tpu.memory_space<semaphore_mem>>) src(%dma_wait3A_482 : memref<80x16xf32, #tpu.memory_space<vmem>>) dst(%dma_wait3A_488 : memref<51200x16xf32, #tpu.memory_space<vmem_shared>>)
        tpu.yield
      }) : () -> ()
      %run_scoped3A_466 = arith.constant 19 : i32
      "tpu.region"() ({
        %run_scoped3A_472 = tpu.sem_alloc : memref<!tpu.dma_semaphore, #tpu.memory_space<semaphore_mem>>
        %dma_start3A = arith.constant 1520 : i32
        %dma_start3A_473 = arith.constant 0 : i32
        %dma_start3A_474 = tpu.memref_slice %arg13[%dma_start3A, %dma_start3A_473] : memref<2000x16xf32, #tpu.memory_space<vmem>> -> memref<80x16xf32, #tpu.memory_space<vmem>>
        %dma_start3A_475 = arith.constant 0 : i32
        %dma_start3A_476 = tpu.memref_slice %arg14[%run_scoped3A_466, %dma_start3A_475] : memref<25x80xi32, #tpu.memory_space<vmem>> -> memref<1x80xi32, #tpu.memory_space<vmem>>
        %dma_start3A_477 = tpu.memref_squeeze %dma_start3A_476 : memref<1x80xi32, #tpu.memory_space<vmem>> -> memref<80xi32, #tpu.memory_space<vmem>>
        %dma_start3A_478 = arith.constant 0 : i32
        %dma_start3A_479 = arith.constant 0 : i32
        %dma_start3A_480 = tpu.memref_slice %arg17[%dma_start3A_478, %dma_start3A_479] : memref<51200x16xf32, #tpu.memory_space<vmem_shared>> -> memref<51200x16xf32, #tpu.memory_space<vmem_shared>>
        tpu.enqueue_indirect_dma source(%dma_start3A_474 : memref<80x16xf32, #tpu.memory_space<vmem>>) target(%dma_start3A_480 : memref<51200x16xf32, #tpu.memory_space<vmem_shared>>) offsets(%dma_start3A_477 : memref<80xi32, #tpu.memory_space<vmem>>) semaphore(%run_scoped3A_472 : memref<!tpu.dma_semaphore, #tpu.memory_space<semaphore_mem>>) {add = true}
        %dma_wait3A = arith.constant 1520 : i32
        %dma_wait3A_481 = arith.constant 0 : i32
        %dma_wait3A_482 = tpu.memref_slice %arg13[%dma_wait3A, %dma_wait3A_481] : memref<2000x16xf32, #tpu.memory_space<vmem>> -> memref<80x16xf32, #tpu.memory_space<vmem>>
        %dma_wait3A_483 = arith.constant 0 : i32
        %dma_wait3A_484 = tpu.memref_slice %arg14[%run_scoped3A_466, %dma_wait3A_483] : memref<25x80xi32, #tpu.memory_space<vmem>> -> memref<1x80xi32, #tpu.memory_space<vmem>>
        %dma_wait3A_485 = tpu.memref_squeeze %dma_wait3A_484 : memref<1x80xi32, #tpu.memory_space<vmem>> -> memref<80xi32, #tpu.memory_space<vmem>>
        %dma_wait3A_486 = arith.constant 0 : i32
        %dma_wait3A_487 = arith.constant 0 : i32
        %dma_wait3A_488 = tpu.memref_slice %arg17[%dma_wait3A_486, %dma_wait3A_487] : memref<51200x16xf32, #tpu.memory_space<vmem_shared>> -> memref<51200x16xf32, #tpu.memory_space<vmem_shared>>
        tpu.wait_indirect_dma semaphore(%run_scoped3A_472 : memref<!tpu.dma_semaphore, #tpu.memory_space<semaphore_mem>>) src(%dma_wait3A_482 : memref<80x16xf32, #tpu.memory_space<vmem>>) dst(%dma_wait3A_488 : memref<51200x16xf32, #tpu.memory_space<vmem_shared>>)
        tpu.yield
      }) : () -> ()
      %run_scoped3A_467 = arith.constant 20 : i32
      "tpu.region"() ({
        %run_scoped3A_472 = tpu.sem_alloc : memref<!tpu.dma_semaphore, #tpu.memory_space<semaphore_mem>>
        %dma_start3A = arith.constant 1600 : i32
        %dma_start3A_473 = arith.constant 0 : i32
        %dma_start3A_474 = tpu.memref_slice %arg13[%dma_start3A, %dma_start3A_473] : memref<2000x16xf32, #tpu.memory_space<vmem>> -> memref<80x16xf32, #tpu.memory_space<vmem>>
        %dma_start3A_475 = arith.constant 0 : i32
        %dma_start3A_476 = tpu.memref_slice %arg14[%run_scoped3A_467, %dma_start3A_475] : memref<25x80xi32, #tpu.memory_space<vmem>> -> memref<1x80xi32, #tpu.memory_space<vmem>>
        %dma_start3A_477 = tpu.memref_squeeze %dma_start3A_476 : memref<1x80xi32, #tpu.memory_space<vmem>> -> memref<80xi32, #tpu.memory_space<vmem>>
        %dma_start3A_478 = arith.constant 0 : i32
        %dma_start3A_479 = arith.constant 0 : i32
        %dma_start3A_480 = tpu.memref_slice %arg17[%dma_start3A_478, %dma_start3A_479] : memref<51200x16xf32, #tpu.memory_space<vmem_shared>> -> memref<51200x16xf32, #tpu.memory_space<vmem_shared>>
        tpu.enqueue_indirect_dma source(%dma_start3A_474 : memref<80x16xf32, #tpu.memory_space<vmem>>) target(%dma_start3A_480 : memref<51200x16xf32, #tpu.memory_space<vmem_shared>>) offsets(%dma_start3A_477 : memref<80xi32, #tpu.memory_space<vmem>>) semaphore(%run_scoped3A_472 : memref<!tpu.dma_semaphore, #tpu.memory_space<semaphore_mem>>) {add = true}
        %dma_wait3A = arith.constant 1600 : i32
        %dma_wait3A_481 = arith.constant 0 : i32
        %dma_wait3A_482 = tpu.memref_slice %arg13[%dma_wait3A, %dma_wait3A_481] : memref<2000x16xf32, #tpu.memory_space<vmem>> -> memref<80x16xf32, #tpu.memory_space<vmem>>
        %dma_wait3A_483 = arith.constant 0 : i32
        %dma_wait3A_484 = tpu.memref_slice %arg14[%run_scoped3A_467, %dma_wait3A_483] : memref<25x80xi32, #tpu.memory_space<vmem>> -> memref<1x80xi32, #tpu.memory_space<vmem>>
        %dma_wait3A_485 = tpu.memref_squeeze %dma_wait3A_484 : memref<1x80xi32, #tpu.memory_space<vmem>> -> memref<80xi32, #tpu.memory_space<vmem>>
        %dma_wait3A_486 = arith.constant 0 : i32
        %dma_wait3A_487 = arith.constant 0 : i32
        %dma_wait3A_488 = tpu.memref_slice %arg17[%dma_wait3A_486, %dma_wait3A_487] : memref<51200x16xf32, #tpu.memory_space<vmem_shared>> -> memref<51200x16xf32, #tpu.memory_space<vmem_shared>>
        tpu.wait_indirect_dma semaphore(%run_scoped3A_472 : memref<!tpu.dma_semaphore, #tpu.memory_space<semaphore_mem>>) src(%dma_wait3A_482 : memref<80x16xf32, #tpu.memory_space<vmem>>) dst(%dma_wait3A_488 : memref<51200x16xf32, #tpu.memory_space<vmem_shared>>)
        tpu.yield
      }) : () -> ()
      %run_scoped3A_468 = arith.constant 21 : i32
      "tpu.region"() ({
        %run_scoped3A_472 = tpu.sem_alloc : memref<!tpu.dma_semaphore, #tpu.memory_space<semaphore_mem>>
        %dma_start3A = arith.constant 1680 : i32
        %dma_start3A_473 = arith.constant 0 : i32
        %dma_start3A_474 = tpu.memref_slice %arg13[%dma_start3A, %dma_start3A_473] : memref<2000x16xf32, #tpu.memory_space<vmem>> -> memref<80x16xf32, #tpu.memory_space<vmem>>
        %dma_start3A_475 = arith.constant 0 : i32
        %dma_start3A_476 = tpu.memref_slice %arg14[%run_scoped3A_468, %dma_start3A_475] : memref<25x80xi32, #tpu.memory_space<vmem>> -> memref<1x80xi32, #tpu.memory_space<vmem>>
        %dma_start3A_477 = tpu.memref_squeeze %dma_start3A_476 : memref<1x80xi32, #tpu.memory_space<vmem>> -> memref<80xi32, #tpu.memory_space<vmem>>
        %dma_start3A_478 = arith.constant 0 : i32
        %dma_start3A_479 = arith.constant 0 : i32
        %dma_start3A_480 = tpu.memref_slice %arg17[%dma_start3A_478, %dma_start3A_479] : memref<51200x16xf32, #tpu.memory_space<vmem_shared>> -> memref<51200x16xf32, #tpu.memory_space<vmem_shared>>
        tpu.enqueue_indirect_dma source(%dma_start3A_474 : memref<80x16xf32, #tpu.memory_space<vmem>>) target(%dma_start3A_480 : memref<51200x16xf32, #tpu.memory_space<vmem_shared>>) offsets(%dma_start3A_477 : memref<80xi32, #tpu.memory_space<vmem>>) semaphore(%run_scoped3A_472 : memref<!tpu.dma_semaphore, #tpu.memory_space<semaphore_mem>>) {add = true}
        %dma_wait3A = arith.constant 1680 : i32
        %dma_wait3A_481 = arith.constant 0 : i32
        %dma_wait3A_482 = tpu.memref_slice %arg13[%dma_wait3A, %dma_wait3A_481] : memref<2000x16xf32, #tpu.memory_space<vmem>> -> memref<80x16xf32, #tpu.memory_space<vmem>>
        %dma_wait3A_483 = arith.constant 0 : i32
        %dma_wait3A_484 = tpu.memref_slice %arg14[%run_scoped3A_468, %dma_wait3A_483] : memref<25x80xi32, #tpu.memory_space<vmem>> -> memref<1x80xi32, #tpu.memory_space<vmem>>
        %dma_wait3A_485 = tpu.memref_squeeze %dma_wait3A_484 : memref<1x80xi32, #tpu.memory_space<vmem>> -> memref<80xi32, #tpu.memory_space<vmem>>
        %dma_wait3A_486 = arith.constant 0 : i32
        %dma_wait3A_487 = arith.constant 0 : i32
        %dma_wait3A_488 = tpu.memref_slice %arg17[%dma_wait3A_486, %dma_wait3A_487] : memref<51200x16xf32, #tpu.memory_space<vmem_shared>> -> memref<51200x16xf32, #tpu.memory_space<vmem_shared>>
        tpu.wait_indirect_dma semaphore(%run_scoped3A_472 : memref<!tpu.dma_semaphore, #tpu.memory_space<semaphore_mem>>) src(%dma_wait3A_482 : memref<80x16xf32, #tpu.memory_space<vmem>>) dst(%dma_wait3A_488 : memref<51200x16xf32, #tpu.memory_space<vmem_shared>>)
        tpu.yield
      }) : () -> ()
      %run_scoped3A_469 = arith.constant 22 : i32
      "tpu.region"() ({
        %run_scoped3A_472 = tpu.sem_alloc : memref<!tpu.dma_semaphore, #tpu.memory_space<semaphore_mem>>
        %dma_start3A = arith.constant 1760 : i32
        %dma_start3A_473 = arith.constant 0 : i32
        %dma_start3A_474 = tpu.memref_slice %arg13[%dma_start3A, %dma_start3A_473] : memref<2000x16xf32, #tpu.memory_space<vmem>> -> memref<80x16xf32, #tpu.memory_space<vmem>>
        %dma_start3A_475 = arith.constant 0 : i32
        %dma_start3A_476 = tpu.memref_slice %arg14[%run_scoped3A_469, %dma_start3A_475] : memref<25x80xi32, #tpu.memory_space<vmem>> -> memref<1x80xi32, #tpu.memory_space<vmem>>
        %dma_start3A_477 = tpu.memref_squeeze %dma_start3A_476 : memref<1x80xi32, #tpu.memory_space<vmem>> -> memref<80xi32, #tpu.memory_space<vmem>>
        %dma_start3A_478 = arith.constant 0 : i32
        %dma_start3A_479 = arith.constant 0 : i32
        %dma_start3A_480 = tpu.memref_slice %arg17[%dma_start3A_478, %dma_start3A_479] : memref<51200x16xf32, #tpu.memory_space<vmem_shared>> -> memref<51200x16xf32, #tpu.memory_space<vmem_shared>>
        tpu.enqueue_indirect_dma source(%dma_start3A_474 : memref<80x16xf32, #tpu.memory_space<vmem>>) target(%dma_start3A_480 : memref<51200x16xf32, #tpu.memory_space<vmem_shared>>) offsets(%dma_start3A_477 : memref<80xi32, #tpu.memory_space<vmem>>) semaphore(%run_scoped3A_472 : memref<!tpu.dma_semaphore, #tpu.memory_space<semaphore_mem>>) {add = true}
        %dma_wait3A = arith.constant 1760 : i32
        %dma_wait3A_481 = arith.constant 0 : i32
        %dma_wait3A_482 = tpu.memref_slice %arg13[%dma_wait3A, %dma_wait3A_481] : memref<2000x16xf32, #tpu.memory_space<vmem>> -> memref<80x16xf32, #tpu.memory_space<vmem>>
        %dma_wait3A_483 = arith.constant 0 : i32
        %dma_wait3A_484 = tpu.memref_slice %arg14[%run_scoped3A_469, %dma_wait3A_483] : memref<25x80xi32, #tpu.memory_space<vmem>> -> memref<1x80xi32, #tpu.memory_space<vmem>>
        %dma_wait3A_485 = tpu.memref_squeeze %dma_wait3A_484 : memref<1x80xi32, #tpu.memory_space<vmem>> -> memref<80xi32, #tpu.memory_space<vmem>>
        %dma_wait3A_486 = arith.constant 0 : i32
        %dma_wait3A_487 = arith.constant 0 : i32
        %dma_wait3A_488 = tpu.memref_slice %arg17[%dma_wait3A_486, %dma_wait3A_487] : memref<51200x16xf32, #tpu.memory_space<vmem_shared>> -> memref<51200x16xf32, #tpu.memory_space<vmem_shared>>
        tpu.wait_indirect_dma semaphore(%run_scoped3A_472 : memref<!tpu.dma_semaphore, #tpu.memory_space<semaphore_mem>>) src(%dma_wait3A_482 : memref<80x16xf32, #tpu.memory_space<vmem>>) dst(%dma_wait3A_488 : memref<51200x16xf32, #tpu.memory_space<vmem_shared>>)
        tpu.yield
      }) : () -> ()
      %run_scoped3A_470 = arith.constant 23 : i32
      "tpu.region"() ({
        %run_scoped3A_472 = tpu.sem_alloc : memref<!tpu.dma_semaphore, #tpu.memory_space<semaphore_mem>>
        %dma_start3A = arith.constant 1840 : i32
        %dma_start3A_473 = arith.constant 0 : i32
        %dma_start3A_474 = tpu.memref_slice %arg13[%dma_start3A, %dma_start3A_473] : memref<2000x16xf32, #tpu.memory_space<vmem>> -> memref<80x16xf32, #tpu.memory_space<vmem>>
        %dma_start3A_475 = arith.constant 0 : i32
        %dma_start3A_476 = tpu.memref_slice %arg14[%run_scoped3A_470, %dma_start3A_475] : memref<25x80xi32, #tpu.memory_space<vmem>> -> memref<1x80xi32, #tpu.memory_space<vmem>>
        %dma_start3A_477 = tpu.memref_squeeze %dma_start3A_476 : memref<1x80xi32, #tpu.memory_space<vmem>> -> memref<80xi32, #tpu.memory_space<vmem>>
        %dma_start3A_478 = arith.constant 0 : i32
        %dma_start3A_479 = arith.constant 0 : i32
        %dma_start3A_480 = tpu.memref_slice %arg17[%dma_start3A_478, %dma_start3A_479] : memref<51200x16xf32, #tpu.memory_space<vmem_shared>> -> memref<51200x16xf32, #tpu.memory_space<vmem_shared>>
        tpu.enqueue_indirect_dma source(%dma_start3A_474 : memref<80x16xf32, #tpu.memory_space<vmem>>) target(%dma_start3A_480 : memref<51200x16xf32, #tpu.memory_space<vmem_shared>>) offsets(%dma_start3A_477 : memref<80xi32, #tpu.memory_space<vmem>>) semaphore(%run_scoped3A_472 : memref<!tpu.dma_semaphore, #tpu.memory_space<semaphore_mem>>) {add = true}
        %dma_wait3A = arith.constant 1840 : i32
        %dma_wait3A_481 = arith.constant 0 : i32
        %dma_wait3A_482 = tpu.memref_slice %arg13[%dma_wait3A, %dma_wait3A_481] : memref<2000x16xf32, #tpu.memory_space<vmem>> -> memref<80x16xf32, #tpu.memory_space<vmem>>
        %dma_wait3A_483 = arith.constant 0 : i32
        %dma_wait3A_484 = tpu.memref_slice %arg14[%run_scoped3A_470, %dma_wait3A_483] : memref<25x80xi32, #tpu.memory_space<vmem>> -> memref<1x80xi32, #tpu.memory_space<vmem>>
        %dma_wait3A_485 = tpu.memref_squeeze %dma_wait3A_484 : memref<1x80xi32, #tpu.memory_space<vmem>> -> memref<80xi32, #tpu.memory_space<vmem>>
        %dma_wait3A_486 = arith.constant 0 : i32
        %dma_wait3A_487 = arith.constant 0 : i32
        %dma_wait3A_488 = tpu.memref_slice %arg17[%dma_wait3A_486, %dma_wait3A_487] : memref<51200x16xf32, #tpu.memory_space<vmem_shared>> -> memref<51200x16xf32, #tpu.memory_space<vmem_shared>>
        tpu.wait_indirect_dma semaphore(%run_scoped3A_472 : memref<!tpu.dma_semaphore, #tpu.memory_space<semaphore_mem>>) src(%dma_wait3A_482 : memref<80x16xf32, #tpu.memory_space<vmem>>) dst(%dma_wait3A_488 : memref<51200x16xf32, #tpu.memory_space<vmem_shared>>)
        tpu.yield
      }) : () -> ()
      %run_scoped3A_471 = arith.constant 24 : i32
      "tpu.region"() ({
        %run_scoped3A_472 = tpu.sem_alloc : memref<!tpu.dma_semaphore, #tpu.memory_space<semaphore_mem>>
        %dma_start3A = arith.constant 1920 : i32
        %dma_start3A_473 = arith.constant 0 : i32
        %dma_start3A_474 = tpu.memref_slice %arg13[%dma_start3A, %dma_start3A_473] : memref<2000x16xf32, #tpu.memory_space<vmem>> -> memref<80x16xf32, #tpu.memory_space<vmem>>
        %dma_start3A_475 = arith.constant 0 : i32
        %dma_start3A_476 = tpu.memref_slice %arg14[%run_scoped3A_471, %dma_start3A_475] : memref<25x80xi32, #tpu.memory_space<vmem>> -> memref<1x80xi32, #tpu.memory_space<vmem>>
        %dma_start3A_477 = tpu.memref_squeeze %dma_start3A_476 : memref<1x80xi32, #tpu.memory_space<vmem>> -> memref<80xi32, #tpu.memory_space<vmem>>
        %dma_start3A_478 = arith.constant 0 : i32
        %dma_start3A_479 = arith.constant 0 : i32
        %dma_start3A_480 = tpu.memref_slice %arg17[%dma_start3A_478, %dma_start3A_479] : memref<51200x16xf32, #tpu.memory_space<vmem_shared>> -> memref<51200x16xf32, #tpu.memory_space<vmem_shared>>
        tpu.enqueue_indirect_dma source(%dma_start3A_474 : memref<80x16xf32, #tpu.memory_space<vmem>>) target(%dma_start3A_480 : memref<51200x16xf32, #tpu.memory_space<vmem_shared>>) offsets(%dma_start3A_477 : memref<80xi32, #tpu.memory_space<vmem>>) semaphore(%run_scoped3A_472 : memref<!tpu.dma_semaphore, #tpu.memory_space<semaphore_mem>>) {add = true}
        %dma_wait3A = arith.constant 1920 : i32
        %dma_wait3A_481 = arith.constant 0 : i32
        %dma_wait3A_482 = tpu.memref_slice %arg13[%dma_wait3A, %dma_wait3A_481] : memref<2000x16xf32, #tpu.memory_space<vmem>> -> memref<80x16xf32, #tpu.memory_space<vmem>>
        %dma_wait3A_483 = arith.constant 0 : i32
        %dma_wait3A_484 = tpu.memref_slice %arg14[%run_scoped3A_471, %dma_wait3A_483] : memref<25x80xi32, #tpu.memory_space<vmem>> -> memref<1x80xi32, #tpu.memory_space<vmem>>
        %dma_wait3A_485 = tpu.memref_squeeze %dma_wait3A_484 : memref<1x80xi32, #tpu.memory_space<vmem>> -> memref<80xi32, #tpu.memory_space<vmem>>
        %dma_wait3A_486 = arith.constant 0 : i32
        %dma_wait3A_487 = arith.constant 0 : i32
        %dma_wait3A_488 = tpu.memref_slice %arg17[%dma_wait3A_486, %dma_wait3A_487] : memref<51200x16xf32, #tpu.memory_space<vmem_shared>> -> memref<51200x16xf32, #tpu.memory_space<vmem_shared>>
        tpu.wait_indirect_dma semaphore(%run_scoped3A_472 : memref<!tpu.dma_semaphore, #tpu.memory_space<semaphore_mem>>) src(%dma_wait3A_482 : memref<80x16xf32, #tpu.memory_space<vmem>>) dst(%dma_wait3A_488 : memref<51200x16xf32, #tpu.memory_space<vmem_shared>>)
        tpu.yield
      }) : () -> ()
    }
    %scan3A_14 = arith.constant 25 : i32
    %barrier3A_15 = arith.constant 0 : index
    tpu.barrier barrier_id(%barrier3A_15)
    %scan3A_16 = arith.constant 0 : i32
    %scan3A_17 = arith.constant 200 : i32
    %scan3A_18 = arith.addi %scan3A_16, %scan3A_17 : i32
    %scan3A_19 = arith.constant 1 : i32
    scf.for %scan3A_21 = %scan3A_16 to %scan3A_18 step %scan3A_19  : i32 {
      %mul3A_22 = arith.constant 1 : i32
      %mul3A_23 = arith.muli %scan3A_21, %mul3A_22 : i32
      %add3A_24 = arith.constant 0 : i32
      %add3A_25 = arith.addi %add3A_24, %mul3A_23 : i32
      %mul3A_26 = arith.constant 3200 : i32
      %mul3A_27 = arith.muli %arg1, %mul3A_26 : i32
      %mul3A_28 = arith.constant 16 : i32
      %mul3A_29 = arith.muli %add3A_25, %mul3A_28 : i32
      %add3A_30 = arith.addi %mul3A_27, %mul3A_29 : i32
      %add3A_31 = vector.broadcast %add3A_30 : i32 to vector<16xi32>
      %add3A_32 = arith.addi %add3A_31, %iota3A : vector<16xi32>
      "tpu.region"() ({
        %run_scoped3A = tpu.sem_alloc : memref<!tpu.dma_semaphore, #tpu.memory_space<semaphore_mem>>
        %dma_start3A = arith.constant 0 : i32
        %dma_start3A_33 = arith.constant 0 : i32
        %dma_start3A_34 = tpu.memref_slice %arg17[%dma_start3A, %dma_start3A_33] : memref<51200x16xf32, #tpu.memory_space<vmem_shared>> -> memref<51200x16xf32, #tpu.memory_space<vmem_shared>>
        tpu.enqueue_indirect_dma source(%dma_start3A_34 : memref<51200x16xf32, #tpu.memory_space<vmem_shared>>) target(%arg15 : memref<16x16xf32, #tpu.memory_space<vmem>>) offsets(%add3A_32 : vector<16xi32>) semaphore(%run_scoped3A : memref<!tpu.dma_semaphore, #tpu.memory_space<semaphore_mem>>)
        %dma_wait3A = arith.constant 0 : i32
        %dma_wait3A_35 = arith.constant 0 : i32
        %dma_wait3A_36 = tpu.memref_slice %arg17[%dma_wait3A, %dma_wait3A_35] : memref<51200x16xf32, #tpu.memory_space<vmem_shared>> -> memref<51200x16xf32, #tpu.memory_space<vmem_shared>>
        tpu.wait_indirect_dma semaphore(%run_scoped3A : memref<!tpu.dma_semaphore, #tpu.memory_space<semaphore_mem>>) src(%dma_wait3A_36 : memref<51200x16xf32, #tpu.memory_space<vmem_shared>>) dst(%arg15 : memref<16x16xf32, #tpu.memory_space<vmem>>)
        tpu.yield
      }) : () -> ()
      "tpu.region"() ({
        %run_scoped3A = tpu.sem_alloc : memref<!tpu.dma_semaphore, #tpu.memory_space<semaphore_mem>>
        %dma_start3A = arith.constant 0 : i32
        %dma_start3A_33 = arith.constant 0 : i32
        %dma_start3A_34 = tpu.memref_slice %arg7[%arg0, %dma_start3A, %dma_start3A_33] : memref<2x51200x16xf32, #tpu.memory_space<hbm>> -> memref<1x51200x16xf32, #tpu.memory_space<hbm>>
        %dma_start3A_35 = tpu.memref_squeeze %dma_start3A_34 : memref<1x51200x16xf32, #tpu.memory_space<hbm>> -> memref<51200x16xf32, #tpu.memory_space<hbm>>
        %dma_start3A_36 = arith.constant 0 : i32
        %dma_start3A_37 = tpu.memref_slice %dma_start3A_35[%add3A_30, %dma_start3A_36] : memref<51200x16xf32, #tpu.memory_space<hbm>> -> memref<16x16xf32, #tpu.memory_space<hbm>>
        %dma_start3A_38 = arith.constant 0 : i32
        %dma_start3A_39 = arith.constant 0 : i32
        %dma_start3A_40 = tpu.memref_slice %arg7[%arg0, %dma_start3A_38, %dma_start3A_39] : memref<2x51200x16xf32, #tpu.memory_space<hbm>> -> memref<1x51200x16xf32, #tpu.memory_space<hbm>>
        %dma_start3A_41 = tpu.memref_squeeze %dma_start3A_40 : memref<1x51200x16xf32, #tpu.memory_space<hbm>> -> memref<51200x16xf32, #tpu.memory_space<hbm>>
        %dma_start3A_42 = arith.constant 0 : i32
        %dma_start3A_43 = tpu.memref_slice %dma_start3A_41[%add3A_30, %dma_start3A_42] : memref<51200x16xf32, #tpu.memory_space<hbm>> -> memref<16x16xf32, #tpu.memory_space<hbm>>
        tpu.enqueue_dma source(%arg15 : memref<16x16xf32, #tpu.memory_space<vmem>>) target(%dma_start3A_43 : memref<16x16xf32, #tpu.memory_space<hbm>>) target_semaphore(%run_scoped3A : memref<!tpu.dma_semaphore, #tpu.memory_space<semaphore_mem>>)
        %dma_wait3A = arith.constant 0 : i32
        %dma_wait3A_44 = arith.constant 0 : i32
        %dma_wait3A_45 = tpu.memref_slice %arg7[%arg0, %dma_wait3A, %dma_wait3A_44] : memref<2x51200x16xf32, #tpu.memory_space<hbm>> -> memref<1x51200x16xf32, #tpu.memory_space<hbm>>
        %dma_wait3A_46 = tpu.memref_squeeze %dma_wait3A_45 : memref<1x51200x16xf32, #tpu.memory_space<hbm>> -> memref<51200x16xf32, #tpu.memory_space<hbm>>
        %dma_wait3A_47 = arith.constant 0 : i32
        %dma_wait3A_48 = tpu.memref_slice %dma_wait3A_46[%add3A_30, %dma_wait3A_47] : memref<51200x16xf32, #tpu.memory_space<hbm>> -> memref<16x16xf32, #tpu.memory_space<hbm>>
        %dma_wait3A_49 = arith.constant 0 : i32
        %dma_wait3A_50 = arith.constant 0 : i32
        %dma_wait3A_51 = tpu.memref_slice %arg7[%arg0, %dma_wait3A_49, %dma_wait3A_50] : memref<2x51200x16xf32, #tpu.memory_space<hbm>> -> memref<1x51200x16xf32, #tpu.memory_space<hbm>>
        %dma_wait3A_52 = tpu.memref_squeeze %dma_wait3A_51 : memref<1x51200x16xf32, #tpu.memory_space<hbm>> -> memref<51200x16xf32, #tpu.memory_space<hbm>>
        %dma_wait3A_53 = arith.constant 0 : i32
        %dma_wait3A_54 = tpu.memref_slice %dma_wait3A_52[%add3A_30, %dma_wait3A_53] : memref<51200x16xf32, #tpu.memory_space<hbm>> -> memref<16x16xf32, #tpu.memory_space<hbm>>
        tpu.wait_dma2 semaphore(%run_scoped3A : memref<!tpu.dma_semaphore, #tpu.memory_space<semaphore_mem>>) src(%arg15 : memref<16x16xf32, #tpu.memory_space<vmem>>) dst(%dma_wait3A_54 : memref<16x16xf32, #tpu.memory_space<hbm>>)
        tpu.yield
      }) : () -> ()
    }
    %scan3A_20 = arith.constant 200 : i32
    return
  }
}

module attributes {stable_mosaic.version = 14 : i64} {
  func.func @_add_body(%arg0: i32, %arg1: memref<2x8192xf32, #tpu.memory_space<vmem>>, %arg2: memref<8192xf32, #tpu.memory_space<vmem>>) attributes {dimension_semantics = [#tpu.dimension_semantics<arbitrary>], iteration_bounds = array<i64: 100>, scalar_prefetch = 0 : i64, scratch_operands = 0 : i64, tpu.core_type = #tpu.core_type<tc>, window_params = [{transform_indices = @transform_0, window_bounds = array<i64: 2, 8192>}, {transform_indices = @transform_1, window_bounds = array<i64: 8192>}]} {
    %get3A = arith.constant 0 : index
    %get3A_0 = arith.constant 0 : index
    %get3A_1 = vector.load %arg1[%get3A, %get3A_0] : memref<2x8192xf32, #tpu.memory_space<vmem>>, vector<1x8192xf32>
    %get3A_2 = vector.shape_cast %get3A_1 : vector<1x8192xf32> to vector<8192xf32>
    %get3A_3 = arith.constant 1 : index
    %get3A_4 = arith.constant 0 : index
    %get3A_5 = vector.load %arg1[%get3A_3, %get3A_4] : memref<2x8192xf32, #tpu.memory_space<vmem>>, vector<1x8192xf32>
    %get3A_6 = vector.shape_cast %get3A_5 : vector<1x8192xf32> to vector<8192xf32>
    %add3A = arith.addf %get3A_2, %get3A_6 : vector<8192xf32>
    %swap3A = arith.constant 0 : index
    %swap3A_7 = vector.load %arg2[%swap3A] : memref<8192xf32, #tpu.memory_space<vmem>>, vector<8192xf32>
    tpu.vector_store %arg2[%swap3A], %add3A {strides = array<i32>} : memref<8192xf32, #tpu.memory_space<vmem>>, vector<8192xf32>,
    return
  }
  func.func @transform_0(%arg0: i32) -> (i32, i32) {
    %c0_i32 = arith.constant 0 : i32
    %c0_i32_0 = arith.constant 0 : i32
    return %c0_i32, %arg0 : i32, i32
  }
  func.func @transform_1(%arg0: i32) -> i32 {
    %c0_i32 = arith.constant 0 : i32
    return %arg0 : i32
  }
}

</mosaic_0001>

<sc_bundles>
// kernel: kernel.4.cloned.1.call-start
scs
__scs_entry_jumppad:
0x0: {  	(pc) =	sbr.rel $0x88, $3  }
0x1: {  	(tag) =	ssettag $0x0;
	lr =	simm.s32 $0x1  }
0x2: {  	[smem:$0x3F9C] =	sst lr;
	_ =	strace $0xD0000000  }
0x3: {  	_ = 	snop  }
0x4: {  	_ = 	snop  }
0x5: {  	_ = 	snop  }
0x6: {  	_ = 	snop  }
0x7: {  	_ = 	snop  }
__scs_overlays_trampoline_lowered:
0x8: {  	[smem:$0x3FAB] =	sst s0  }
0x9: {  	[smem:$0x3FAC] =	sst s1  }
0xa: {  	[smem:$0x3FAD] =	sst s2  }
0xb: {  	[smem:$0x3FAE] =	sst s3  }
0xc: {  	[smem:$0x3FAF] =	sst s4  }
0xd: {  	[smem:$0x3FB0] =	sst s5  }
0xe: {  	[smem:$0x3FB1] =	sst s6  }
0xf: {  	[smem:$0x3FB2] =	sst s7  }
0x10: {  	[smem:$0x3FB3] =	sst s8  }
0x11: {  	[smem:$0x3FB4] =	sst s9;
	s0 =	simm.s32 @!p0 $0x0  }
0x12: {  	s1 =	sld [smem:$0x3F9A];
	s0 =	simm.s32 @p0 $0x1  }
0x13: {  	[smem:$0x3FB5] =	sst s0;
	s0 =	simm.s32 @!p1 $0x0  }
0x14: {  	s2 =	sld [smem:$0x3F99];
	s0 =	simm.s32 @p1 $0x1  }
0x15: {  	[smem:$0x3FB6] =	sst s0;
	s0 =	simm.s32 @!p2 $0x0  }
0x16: {  	s3 =	sld [smem:$0x3FDB];
	s0 =	simm.s32 @p2 $0x1  }
0x17: {  	s4 =	simm.s32 $0x1BF5;
	[smem:$0x3FB8] =	sst s0  }
0x18: {  	s0 =	sld [smem:$0x3F9B];
	_ =	swait.ge [sflag:s4], $0x0  }
0x19: {  	s7 =	sld [smem:$0x3F9C]  }
0x1a: {  	s8 =	sadd.s32 $0xFFFFE003, lr  }
0x1b: {  	s9 =	sadd.s32 $0xFFFFFEF7, lr;
	s5 =	simm.s32 $0xFFFFFFFF;
	p2 =	slt.u32 s8, $0xFFFFF086  }
0x1c: {  	p1 =	slt.u32 s9, $0xF7A;
	s5 =	simm.s32 @!p2 $0x0  }
0x1d: {  	s5 =	simm.s32 @p1 $0x1;
	p0 =	seq.s32 s7, s2  }
0x1e: {  	s7 =	smul.u32 @!p0 $0xF7A, s2;
	p2 =	seq.s32 @!p0 s5, $0x0  }
0x1f: {  	s9 =	smul.u32 $0xF7A, s1;
	s8 =	simm.s32 @!p0 $0x1BF5;
	p2 =	por !p2, p0  }
0x20: {  	[sflag:s8] =	ssyncset.s32 @!p0 $0xFFFFF086;
	s6 =	sadd.s32 @!p0 s3, s7;
	s7 =	simm.s32 @!p0 $0x108  }
0x21: {  	s3 =	sadd.s32 s3, s9;
	s6 =	sadd.s32 @!p0 $0x88, s6;
	s7 =	simm.s32 @p2 $0x1082  }
0x22: {  	[simem:s7], [sflag:s8] =	dma.local @!p0 [hbm:s6], $0xF7A  }
0x23: {  	s9 =	sor.u32 $0xD0000000, s2;
	s6 =	simm.s32 $0x108;
	_ =	swait.ge @!p0 [sflag:s8], $0x0  }
0x24: {  	s3 =	sadd.s32 $0x88, s3;
	s6 =	simm.s32 @!p1 $0x1082;
	[sflag:s4] =	ssyncset.s32 $0xFFFFF086  }
0x25: {  	[simem:s6], [sflag:s4] =	dma.local [hbm:s3], $0xF7A  }
0x26: {  	[smem:$0x3F9C] =	sst s1;
	(tag) =	ssettag s2;
	_ =	strace s9  }
0x27: {  	s1 =	sld [smem:$0x3FAC]  }
0x28: {  	s2 =	sld [smem:$0x3FAD]  }
0x29: {  	s4 =	sld [smem:$0x3FAF]  }
0x2a: {  	p0 =	seq.s32 s5, $0x0;
	s5 =	sld [smem:$0x3FB0]  }
0x2b: {  	s6 =	sld [smem:$0x3FB1]  }
0x2c: {  	s7 =	sld [smem:$0x3FB2]  }
0x2d: {  	s3 =	simm.s32 $0x108;
	s8 =	sld [smem:$0x3FB3]  }
0x2e: {  	s3 =	simm.s32 @!p0 $0x1082;
	s9 =	sld [smem:$0x3FB4]  }
0x2f: {  	lr =	sadd.s32 s0, s3;
	s0 =	sld [smem:$0x3FAB]  }
0x30: {  	s3 =	sld [smem:$0x3FAE]  }
0x31: {  	[smem:$0x3FB7] =	sst s10  }
0x32: {  	s10 =	sld [smem:$0x3FB5];
	_ =	sdelay $0x3  }
0x33: {  	p0 =	seq.s32 s10, $0x1;
	s10 =	sld [smem:$0x3FB7];
	_ =	sdelay $0x3  }
0x34: {  	[smem:$0x3FB7] =	sst s10  }
0x35: {  	s10 =	sld [smem:$0x3FB6];
	_ =	sdelay $0x3  }
0x36: {  	p1 =	seq.s32 s10, $0x1;
	s10 =	sld [smem:$0x3FB7];
	_ =	sdelay $0x3  }
0x37: {  	[smem:$0x3FB7] =	sst s10  }
0x38: {  	s10 =	sld [smem:$0x3FB8]  }
0x39: {  	_ = 	snop;
	(pc) =	sbr.ind lr, $3  }
0x3a: {  	_ = 	snop  }
0x3b: {  	_ = 	snop  }
0x3c: {  	p2 =	seq.s32 s10, $0x1;
	s10 =	sld [smem:$0x3FB7]  }
0x3d: {  	_ =	shalt  }
0x3e: {  	_ =	shalt  }
0x3f: {  	_ =	shalt  }
0x40: {  	_ =	shalt  }
0x41: {  	_ =	shalt  }
0x42: {  	_ =	shalt  }
0x43: {  	_ =	shalt  }
0x44: {  	_ =	shalt  }
0x45: {  	_ =	shalt  }
0x46: {  	_ =	shalt  }
0x47: {  	_ =	shalt  }
0x48: {  	_ =	shalt  }
0x49: {  	_ =	shalt  }
0x4a: {  	_ =	shalt  }
0x4b: {  	_ =	shalt  }
0x4c: {  	_ =	shalt  }
0x4d: {  	_ =	shalt  }
0x4e: {  	_ =	shalt  }
0x4f: {  	_ =	shalt  }
0x50: {  	_ =	shalt  }
0x51: {  	_ =	shalt  }
0x52: {  	_ =	shalt  }
0x53: {  	_ =	shalt  }
0x54: {  	_ =	shalt  }
0x55: {  	_ =	shalt  }
0x56: {  	_ =	shalt  }
0x57: {  	_ =	shalt  }
0x58: {  	_ =	shalt  }
0x59: {  	_ =	shalt  }
0x5a: {  	_ =	shalt  }
0x5b: {  	_ =	shalt  }
0x5c: {  	_ =	shalt  }
0x5d: {  	_ =	shalt  }
0x5e: {  	_ =	shalt  }
0x5f: {  	_ =	shalt  }
0x60: {  	_ =	shalt  }
0x61: {  	_ =	shalt  }
0x62: {  	_ =	shalt  }
0x63: {  	_ =	shalt  }
0x64: {  	_ =	shalt  }
0x65: {  	_ =	shalt  }
0x66: {  	_ =	shalt  }
0x67: {  	_ =	shalt  }
0x68: {  	_ =	shalt  }
0x69: {  	_ =	shalt  }
0x6a: {  	_ =	shalt  }
0x6b: {  	_ =	shalt  }
0x6c: {  	_ =	shalt  }
0x6d: {  	_ =	shalt  }
0x6e: {  	_ =	shalt  }
0x6f: {  	_ =	shalt  }
0x70: {  	_ =	shalt  }
0x71: {  	_ =	shalt  }
0x72: {  	_ =	shalt  }
0x73: {  	_ =	shalt  }
0x74: {  	_ =	shalt  }
0x75: {  	_ =	shalt  }
0x76: {  	_ =	shalt  }
0x77: {  	_ =	shalt  }
0x78: {  	_ =	shalt  }
0x79: {  	_ =	shalt  }
0x7a: {  	_ =	shalt  }
0x7b: {  	_ =	shalt  }
0x7c: {  	_ =	shalt  }
0x7d: {  	_ =	shalt  }
0x7e: {  	_ =	shalt  }
0x7f: {  	_ =	shalt  }
0x80: {  	_ =	shalt  }
0x81: {  	_ =	shalt  }
0x82: {  	_ =	shalt  }
0x83: {  	_ =	shalt  }
0x84: {  	_ =	shalt  }
0x85: {  	_ =	shalt  }
0x86: {  	_ =	shalt  }
0x87: {  	_ =	shalt  }
.Lfunc_end0:
.L_simem_size_0:
called_computation_lowered:
.L_overlay_start_0:
0x88: {  	s2 =	sld [smem:$0x3FD9]  }
0x89: {  	s3 =	sld [smem:$0x3FFE];
	_ =	sdelay $0x1  }
0x8a: {  	s1 =	srdreg.scid  }
0x8b: {  	s0 =	sand.u32 $0x1, s1  }
0x8c: {  	s17 =	sshll.u32 s0, $0xA;
	s2 =	sadd.s32 s3, s2  }
0x8d: {  	s2 =	sadd.s32 s2, s17  }
0x8e: {  	[smem:$0x3FC3] =	sst s2  }
0x8f: {  	_ = 	snop  }
0x90: {  	s2 =	sld [smem:$0x3FC8]  }
0x91: {  	s18 =	sld [smem:$0x3FC7]  }
0x92: {  	s4 =	sld [smem:$0x3FD0];
	(tm) =	ssettm $0x1  }
0x93: {  	s5 =	sld [smem:$0x3FFB];
	_ =	sdelay $0x3  }
0x94: {  	_ =	strace s5  }
0x95: {  	s5 =	sld [smem:$0x3FFC];
	_ =	sdelay $0x3  }
0x96: {  	_ =	strace s5  }
0x97: {  	s5 =	sld [smem:$0x3FFD];
	_ =	sdelay $0x3  }
0x98: {  	_ =	strace s5  }
0x99: {  	_ =	strace $0x8FFFFFFF  }
0x9a: {  	s19 =	sld [smem:$0x3FDB];
	_ =	sdelay $0x1  }
0x9b: {  	s6 =	simm.s32 $_scs_section_size  }
0x9c: {  	s7 =	simm.s32 $_size__tile_overlayer_lowered;
	s8 =	simm.s32 $_tile_overlayer_lowered  }
0x9d: {  	s22 =	simm.s32 $0x1BFF;
	s21 =	sshll.u32 s8, $0x1;
	s5 =	sadd.s32 s6, s19  }
0x9e: {  	s9 =	simm.s32 $0x0;
	s20 =	sshll.u32 s7, $0x1;
	s7 =	sadd.s32 s21, s5  }
0x9f: {  	[timem:s9], [sflag:s22] =	dma.local [hbm:s7], s20  }
0xa0: {  	_ =	swait.ge [sflag:s22], s20  }
0xa1: {  	s6 =	ssub.s32 $0x0, s20;
	[sflag:s22] =	ssyncset.done $0x0  }
0xa2: {  	[sflag:s22] =	ssyncadd.s32 s6;
	_ =	sdelay $0x1  }
0xa3: {  	s23 =	simm.s32 $0x1B8B  }
0xa4: {  	_ =	swait.ge [sflag:s23], $0x1  }
0xa5: {  	[sflag:s23] =	ssyncset.done $0x0  }
0xa6: {  	s25 =	simm.s32 $0x1B8E;
	s24 =	sld [smem:$0x3FFE];
	[sflag:s23] =	ssyncadd.s32 $0xFFFFFFFF  }
0xa7: {  	s26 =	simm.s32 $execute0_lowered;
	[smem:$0x3FD2] =	sst s25  }
0xa8: {  	s7 =	sshll.u32 s26, $0x1;
	_ =	strace $0x80000046;
	[dreg:$0x1] =	wrdreg $0xFFFFFFFF  }
0xa9: {  	s28 =	simm.s32 $_size_execute0_lowered;
	s5 =	sadd.s32 s5, s7;
	[dreg:$0x0] =	wrdreg $0x0  }
0xaa: {  	s7 =	sshll.u32 s28, $0x1;
	[dreg:$0x2] =	wrdreg s5  }
0xab: {  	[dreg:$0x3] =	wrdreg s7  }
0xac: {  	[dreg:$0x4] =	wrdreg $0xC0  }
0xad: {  	_ =	task [dreg:s9], $0x5FFFF  }
0xae: {  	[dreg:$0x1] =	wrdreg $0xFFFFFFFF  }
0xaf: {  	[dreg:$0x0] =	wrdreg $0x60  }
0xb0: {  	[dreg:$0x2] =	wrdreg s24  }
0xb1: {  	[dreg:$0x3] =	wrdreg s2  }
0xb2: {  	[dreg:$0x4] =	wrdreg s18  }
0xb3: {  	[dreg:$0x5] =	wrdreg s4  }
0xb4: {  	[dreg:$0x6] =	wrdreg $0xE2F00  }
0xb5: {  	[dreg:$0x7] =	wrdreg $0x9  }
0xb6: {  	_ =	task.clear_ibuf [dreg:s9], $0x8FFFF;
	_ =	strace $0x90000046  }
0xb7: {  	s29 =	simm.s32 $0x9;
	_ =	strace $0x80000048  }
0xb8: {  	_ =	swait.ge [sflag:s29], $0x1  }
0xb9: {  	[sflag:s29] =	ssyncadd.s32 $0xFFFFFFFF  }
0xba: {  	_ =	strace $0x90000048  }
0xbb: {  	_ =	sfence  }
0xbc: {  	s30 =	sld [smem:$0x0];
	_ =	sdelay $0x2  }
0xbd: {  	s31 =	sshll.u32 s1, $0xD;
	s1 =	sshrl.u32 s1, $0x2  }
0xbe: {  	s3 =	sand.u32 $0x4000, s31;
	s1 =	sadd.s32 s1, s30  }
0xbf: {  	s0 =	sor.u32 s3, s0;
	s1 =	sshll.u32 s1, $0x11  }
0xc0: {  	s0 =	sor.u32 s1, s0  }
0xc1: {  	s0 =	sadd.s32 $0x8F2B, s0  }
0xc2: {  	[sflag:s0] =	ssyncadd.remote.s32 $0x1  }
0xc3: {  	_ =	sfence.sel $0xFFFF  }
0xc4: {  	[dreg:$0x0] =	wrdreg $0xFFFFFFFF;
	(pc) =	sbr.abs _section_cstart, $3  }
0xc5: {  	[dreg:$0x1] =	wrdreg $0xFFFFFFFF  }
0xc6: {  	_ =	task.clear_ibuf [dreg:s9], $0x2FFFF;
	_ =	strace $0x9FFFFFFF  }
0xc7: {  	(tm) =	ssettm $0x7FFFFFFF  }
tec
execute0_lowered:
.L_overlay_start_1:
0x0: {  	(tag) =	ssettag $0x1  }
0x1: {  	s0 =	rddreg [dreg:$0x0]  }
0x2: {  	s4 =	rddreg [dreg:$0x4]  }
0x3: {  	s5 =	simm.s32 $0x0;
	s1 =	srdreg.scid;
	s8 =	stileid.u32  }
0x4: {  	s14 =	simm.s32 $0x1;
	s15 =	simm.s32 $0xC80;
	s16 =	simm.s32 $0xE1F0  }
0x5: {  	s17 =	simm.s32 $0xE00;
	s18 =	simm.s32 $0x4C80;
	s19 =	simm.s32 $0x5450  }
0x6: {  	s20 =	simm.s32 $0x5C20;
	s21 =	simm.s32 $0xD920;
	s22 =	simm.s32 $0x50  }
0x7: {  	s12 =	simm.s32 $0xE050;
	s13 =	simm.s32 $0xCF20;
	s23 =	simm.s32 $0xE0F0  }
0x8: {  	s25 =	simm.s32 $0x0;
	[smem:$0x7FF] =	sst s5;
	s1 =	sand.u32 $0x1, s1  }
0x9: {  	s7 =	sadd.s32 $0x600, s0;
	s3 =	sadd.s32 $0x187000, s0;
	s9 =	smul.u32 $0xC80, s8  }
0xa: {  	s6 =	sshll.u32 s8, $0x1;
	s31 =	smul.u32 $0x1900, s8;
	s8 =	simm.s32 $0xCA20  }
0xb: {  	_ =	strace $0x80000047;
	s2 =	smul.u32 $0x19000, s1;
	[dreg:$0x6] =	wrdreg s3  }
0xc: {  	s28 =	ssub.s32 $0x2, s1;
	s1 =	sor.u32 s1, s6;
	s6 =	simm.s32 $0xC520  }
0xd: {  	s3 =	simm.s32 $0xE000;
	s29 =	sshrl.u32 s28, $0x1;
	s10 =	smul.u32 $0xC350, s1  }
0xe: {  	v0 =	vlaneseq.u32;
	[dreg:$0x8] =	wrdreg s31;
	s0 =	sadd.s32 s2, s0;
	s2 =	ssub.s32 s28, s29  }
0xf: {  	v1 =	vimm.f32 $0.0e+00;
	vm0 =	vmmov $0xffff;
	v2 =	vor.u32 $0xFFFFFFC8, v0;
	s1 =	simm.s32 $0xE0A0;
	s11 =	sadd.s32 $0x187200, s0;
	s30 =	smax.u32 s2, $0x1  }
0x10: {  	v3 =	vor.u32 $0xFFFFFFD8, v0;
	v4 =	vor.u32 $0xFFFFFFE8, v0;
	v5 =	vor.u32 $0xFFFFFFF8, v0;
	s0 =	simm.s32 $0xDFB0;
	s2 =	simm.s32 $0xD420;
	[dreg:$0x7] =	wrdreg s30  }
.LBB2_1:
0x11: {  	[dreg:$0x9] =	wrdreg s25  }
0x12: {  	s24 =	rddreg [dreg:$0x3]  }
0x13: {  	[tilespmem:s5], [sflag:$0x1] =	stream.linear.gather [hbm4b:s24+s5], $0xC80, $0x38;
	[tilespmem:$0x1AAF0] =	vst v63  }
0x14: {  	_ =	swait.ge [sflag:s14], $0xC80  }
0x15: {  	[sflag:s14] =	ssyncset.done $0x0  }
0x16: {  	s29 =	rddreg [dreg:$0x6];
	[sflag:s14] =	ssyncadd.s32 $0xFFFFF380  }
0x17: {  	[tilespmem:s15], [sflag:$0x1] =	stream.linear.gather [hbm4b:s29+s5], $0x180, $0x38;
	[tilespmem:$0x1AAF0] =	vst v63  }
0x18: {  	_ =	swait.ge [sflag:s14], $0x180  }
0x19: {  	[sflag:s14] =	ssyncset.done $0x0  }
0x1a: {  	[sflag:s14] =	ssyncadd.s32 $0xFFFFFE80  }
0x1b: {  	[tilespmem:$0xE1F0] =	vst v1  }
0x1c: {  	[tilespmem:$0xE200] =	vst v1  }
0x1d: {  	[tilespmem:$0xE210] =	vst v1  }
0x1e: {  	[tilespmem:$0xE220] =	vst v1  }
0x1f: {  	[tilespmem:$0xE230] =	vst v1  }
0x20: {  	[tilespmem:$0xE240] =	vst v1  }
0x21: {  	[tilespmem:$0xE250] =	vst v1  }
0x22: {  	[tilespmem:$0xE260] =	vst v1  }
0x23: {  	[tilespmem:$0xE270] =	vst v1  }
0x24: {  	[tilespmem:$0xE280] =	vst v1  }
0x25: {  	s30 =	sadd.s32 $0x0, s9;
	[tilespmem:$0xE290] =	vst v1  }
0x26: {  	v6 =	vor.u32 s30, v0;
	[tilespmem:$0xE2A0] =	vst v1  }
0x27: {  	[tilespmem:$0xE2B0] =	vst v1  }
0x28: {  	[tilespmem:$0xE2C0] =	vst v1  }
0x29: {  	[tilespmem:$0xE2D0] =	vst v1  }
0x2a: {  	s31 =	sadd.s32 $0x10, s9;
	[tilespmem:$0xE2E0] =	vst v1  }
0x2b: {  	[spmem:s4] =	stream.indirect_vreg.scatter [tilespmem:s16], [sflag:$0x1], $0x10, v6, vm0, $0xb8;
	v6 =	vor.u32 s31, v0;
	[tilespmem:$0x1AAF0] =	vst v63  }
0x2c: {  	_ = 	snop  }
0x2d: {  	_ =	swait.ge [sflag:s14], $0x100  }
0x2e: {  	s24 =	simm.s32 $0x20;
	[sflag:s14] =	ssyncset.done $0x0  }
.LBB2_2:
0x2f: {  	s25 =	sadd.s32 s24, s9;
	[sflag:s14] =	ssyncadd.s32 $0xFFFFFF00;
	p0 =	sne.s32 s24, $0xC70  }
0x30: {  	[spmem:s4] =	stream.indirect_vreg.scatter [tilespmem:s16], [sflag:$0x1], $0x10, v6, vm0, $0xb8;
	[tilespmem:$0x1AAF0] =	vst v63  }
.Ltmp0:
0x31: {  	_ = 	snop;
	(pc) =	sbr.rel @p0 .LBB2_2-.Ltmp0, $3  }
0x32: {  	v6 =	vor.u32 s25, v0;
	_ =	sdelay $0x1  }
0x33: {  	s24 =	sadd.s32 $0x10, s24;
	_ =	swait.ge [sflag:s14], $0x100  }
0x34: {  	[sflag:s14] =	ssyncset.done $0x0  }
0x35: {  	_ =	sdelay $0x2  }
0x36: {  	[sflag:s14] =	ssyncadd.s32 $0xFFFFFF00  }
0x37: {  	[spmem:s4] =	stream.indirect_vreg.scatter [tilespmem:s16], [sflag:$0x1], $0x10, v6, vm0, $0xb8;
	[tilespmem:$0x1AAF0] =	vst v63  }
0x38: {  	_ =	swait.ge [sflag:s14], $0x100  }
0x39: {  	[sflag:s14] =	ssyncset.done $0x0  }
0x3a: {  	[sflag:s14] =	ssyncadd.s32 $0xFFFFFF00  }
0x3b: {  	s24 =	simm.s32 $0x0;
	[bflag:$0x0] =	sbarrier.arrive $0xFFFF  }
.LBB2_4:
0x3c: {  	s25 =	smul.u32 $0x7D0, s24;
	_ =	sdelay $0x1  }
0x3d: {  	s25 =	sadd.s32 s10, s25  }
0x3e: {  	s26 =	sadd.s32 s7, s25  }
0x3f: {  	[tilespmem:s17], [sflag:$0x1] =	stream.linear.gather [hbm4b:s26+s5], $0x3E80, $0x38;
	[tilespmem:$0x1AAF0] =	vst v63  }
0x40: {  	_ =	swait.ge [sflag:s14], $0x3E80  }
0x41: {  	[sflag:s14] =	ssyncset.done $0x0  }
0x42: {  	[sflag:s14] =	ssyncadd.s32 $0xFFFFC180  }
0x43: {  	s25 =	sshrl.u32 s25, $0x3;
	s30 =	rddreg [dreg:$0x1]  }
0x44: {  	s26 =	sadd.s32 s30, s25  }
0x45: {  	[tilespmem:s18], [sflag:$0x1] =	stream.linear.gather [hbm4b:s26+s5], $0x7D0, $0x38;
	[tilespmem:$0x1AAF0] =	vst v63  }
0x46: {  	_ =	swait.ge [sflag:s14], $0x7D0  }
0x47: {  	[sflag:s14] =	ssyncset.done $0x0  }
0x48: {  	[sflag:s14] =	ssyncadd.s32 $0xFFFFF830  }
0x49: {  	s31 =	rddreg [dreg:$0x2]  }
0x4a: {  	s25 =	sadd.s32 s31, s25  }
0x4b: {  	[tilespmem:s19], [sflag:$0x1] =	stream.linear.gather [hbm4b:s25+s5], $0x7D0, $0x38;
	[tilespmem:$0x1AAF0] =	vst v63  }
0x4c: {  	_ =	swait.ge [sflag:s14], $0x7D0  }
0x4d: {  	[sflag:s14] =	ssyncset.done $0x0  }
0x4e: {  	s26 =	simm.s32 $0xFFFFFFFC;
	s25 =	simm.s32 $0x30;
	[sflag:s14] =	ssyncadd.s32 $0xFFFFF830  }
.LBB2_5:
0x4f: {  	s28 =	sadd.s32 $0xFFFFFFD0, s25  }
0x50: {  	v8 =	vor.u32 s28, v0  }
0x51: {  	v6 =	vshll.u32 v8, $0x3  }
0x52: {  	v7 =	vor.u32 $0x1, v6;
	_ =	sdelay $0x1  }
0x53: {  	v9 =	vor.u32 $0x2, v6;
	_ =	sdelay $0x1  }
0x54: {  	v6 =	vld.idx.msk [tilespmem:v6+s17+$0x0], $0xffff  }
0x55: {  	v10 =	vld.idx.msk [tilespmem:v7+s17+$0x0], $0xffff;
	_ =	sdelay $0x1  }
0x56: {  	v9 =	vld.idx.msk [tilespmem:v9+s17+$0x0], $0xffff;
	_ =	sdelay $0x2  }
0x57: {  	v7 =	vmul.f32 v6, v6;
	v11 =	vmul.f32 v10, v10;
	_ =	sdelay $0x1  }
0x58: {  	v36 =	vmul.f32 v9, v9;
	v7 =	vadd.f32 v11, v7;
	_ =	sdelay $0x1  }
0x59: {  	v7 =	vadd.f32 v36, v7;
	_ =	sdelay $0x1  }
0x5a: {  	v7 =	vadd.f32 $9.999999960e-13, v7;
	_ =	sdelay $0x1  }
0x5b: {  	v37 =	vshra.s32 v7, $0x1;
	v12 =	vmul.f32 $5.000000000e-01, v7  }
0x5c: {  	v11 =	vsub.s32 $0x5F3759DF, v37  }
0x5d: {  	v13 =	vmul.f32 v11, v12;
	_ =	sdelay $0x1  }
0x5e: {  	v13 =	vmul.f32 v11, v13;
	_ =	sdelay $0x1  }
0x5f: {  	v13 =	vsub.f32 $1.500000000e+00, v13;
	_ =	sdelay $0x1  }
0x60: {  	v11 =	vmul.f32 v11, v13;
	_ =	sdelay $0x1  }
0x61: {  	v12 =	vmul.f32 v11, v12;
	_ =	sdelay $0x1  }
0x62: {  	v12 =	vmul.f32 v12, v11;
	_ =	sdelay $0x1  }
0x63: {  	v12 =	vsub.f32 $1.500000000e+00, v12;
	_ =	sdelay $0x1  }
0x64: {  	v11 =	vmul.f32 v12, v11;
	_ =	sdelay $0x1  }
0x65: {  	v12 =	vmul.f32 v11, v7;
	_ =	sdelay $0x1  }
0x66: {  	v38 =	vmin.f32 v12, $5.000000000e+00  }
0x67: {  	v7 =	vmul.f32 $6.283185480e-01, v38;
	_ =	sdelay $0x1  }
0x68: {  	v14 =	vadd.f32 $-1.570796370e+00, v7;
	_ =	sdelay $0x1  }
0x69: {  	v15 =	vmul.f32 v14, v14;
	_ =	sdelay $0x1  }
0x6a: {  	v7 =	vmul.f32 $2.755731880e-06, v15  }
0x6b: {  	v16 =	vand.u32 v2, v8  }
0x6c: {  	v13 =	vadd.f32 $-4.500000000e+00, v38;
	v7 =	vadd.f32 $-1.984127010e-04, v7;
	_ =	sdelay $0x1  }
0x6d: {  	v13 =	vadd.f32 v13, v13;
	v7 =	vmul.f32 v7, v15;
	_ =	sdelay $0x1  }
0x6e: {  	v13 =	vmax.f32 v13, $0.0e+00;
	v18 =	vadd.f32 $8.333333770e-03, v7;
	v7 =	vld.idx.msk [tilespmem:v16+s18+$0x0], $0xffff  }
0x6f: {  	v13 =	vmin.f32 v13, $1.000000000e+00;
	v16 =	vld.idx.msk [tilespmem:v16+s19+$0x0], $0xffff  }
0x70: {  	v17 =	vmul.f32 $2.480158760e-05, v15;
	v13 =	vmul.f32 $3.141592740e+00, v13;
	_ =	sdelay $0x1  }
0x71: {  	v17 =	vadd.f32 $-1.388888920e-03, v17;
	v13 =	vadd.f32 $-1.570796370e+00, v13  }
0x72: {  	v19 =	vshrl.u32 v7, $0x4  }
0x73: {  	v17 =	vmul.f32 v17, v15;
	v45 =	vmul.f32 v13, v13;
	v20 =	vshrl.u32 v16, $0x4  }
0x74: {  	v18 =	vmul.f32 v18, v15  }
0x75: {  	v17 =	vadd.f32 $4.166666790e-02, v17;
	v22 =	vmul.f32 $2.755731880e-06, v45  }
0x76: {  	v18 =	vadd.f32 $-1.666666720e-01, v18  }
0x77: {  	v17 =	vmul.f32 v17, v15;
	v22 =	vadd.f32 $-1.984127010e-04, v22;
	v39 =	vld.idx.msk [tilespmem:v19+s5+$0x0], $0xffff  }
0x78: {  	v18 =	vmul.f32 v18, v15;
	v40 =	vld.idx.msk [tilespmem:v20+s5+$0x0], $0xffff  }
0x79: {  	v17 =	vadd.f32 $-5.000000000e-01, v17;
	v22 =	vmul.f32 v22, v45  }
0x7a: {  	v41 =	vshll.u32 v7, $0x1;
	v18 =	vadd.f32 $1.000000000e+00, v18  }
0x7b: {  	v16 =	vshll.u32 v16, $0x1;
	v15 =	vmul.f32 v17, v15;
	v22 =	vadd.f32 $8.333333770e-03, v22  }
0x7c: {  	v16 =	vand.u32 $0x1E, v16;
	v14 =	vmul.f32 v18, v14;
	v19 =	vand.u32 $0x1E, v41  }
0x7d: {  	v22 =	vmul.f32 v22, v45;
	v18 =	vshrl.u32 v39, v19;
	v16 =	vshrl.u32 v40, v16  }
0x7e: {  	v14 =	vsub.f32 $0.0e+00, v14;
	v18 =	vand.u32 $0x3, v18;
	v16 =	vand.u32 $0x3, v16  }
0x7f: {  	v22 =	vadd.f32 $-1.666666720e-01, v22;
	v18 =	vmul.u32 $0x60, v18;
	v16 =	vmul.u32 $0x3, v16  }
0x80: {  	v15 =	vadd.f32 $1.000000000e+00, v15;
	v14 =	vadd.f32 v14, v14  }
0x81: {  	v19 =	vmul.f32 v22, v45;
	v18 =	vor.u32 v18, v16  }
0x82: {  	v42 =	vmul.f32 v14, v15;
	v24 =	vadd.s32 $0xC, v18  }
0x83: {  	v8 =	vshll.u32 v8, $0x4;
	v19 =	vadd.f32 $1.000000000e+00, v19;
	v27 =	vadd.s32 $0x24, v18  }
0x84: {  	vm1 =	vlt.f32 v12, $5.000000000e+00;
	v43 =	vmul.f32 v42, v14;
	v29 =	vadd.s32 $0x3C, v18  }
0x85: {  	v16 =	vand.u32 $0x7, v16;
	v13 =	vmul.f32 v19, v13;
	v30 =	vadd.s32 $0x1, v18  }
0x86: {  	v44 =	vsub.f32 v43, v15;
	v23 =	vadd.s32 $0x18, v18;
	v32 =	vadd.s32 $0xD, v18;
	v28 =	vld.idx.msk [tilespmem:v18+s15+$0x0], $0xffff  }
0x87: {  	v25 =	vadd.s32 $0x30, v18;
	v33 =	vadd.s32 $0x48, v18;
	v34 =	vadd.s32 $0x2, v18;
	v24 =	vld.idx.msk [tilespmem:v24+s15+$0x0], $0xffff  }
0x88: {  	v35 =	vadd.s32 $0xE, v18;
	v48 =	vadd.s32 $0x19, v18;
	v36 =	vadd.s32 $0x1A, v18;
	v27 =	vld.idx.msk [tilespmem:v27+s15+$0x0], $0xffff  }
0x89: {  	v50 =	vadd.s32 $0x54, v18;
	v13 =	vsub.f32 $1.000000000e+00, v13;
	v21 =	vmul.f32 v44, v14;
	v46 =	vld.idx.msk [tilespmem:v29+s15+$0x0], $0xffff  }
0x8a: {  	v51 =	vadd.s32 $0x25, v18;
	v53 =	vadd.s32 $0x26, v18;
	v23 =	vand.u32 $0x3F8, v23;
	v47 =	vld.idx.msk [tilespmem:v30+s15+$0x0], $0xffff  }
0x8b: {  	v23 =	vor.u32 v16, v23;
	v13 =	vmul.f32 $5.000000000e-01, v13;
	v21 =	vsub.f32 v21, v42;
	v32 =	vld.idx.msk [tilespmem:v32+s15+$0x0], $0xffff  }
0x8c: {  	v55 =	vadd.s32 $0x31, v18;
	v58 =	vadd.s32 $0x32, v18;
	v59 =	vadd.s32 $0x3D, v18;
	v34 =	vld.idx.msk [tilespmem:v34+s15+$0x0], $0xffff  }
0x8d: {  	v60 =	vadd.s32 $0x3E, v18;
	v35 =	vld.idx.msk [tilespmem:v35+s15+$0x0], $0xffff;
	v13 =	vmul.f32 $4.886025190e-01, v13;
	v26 =	vmul.f32 v21, v14  }
0x8e: {  	v61 =	vadd.s32 $0x49, v18;
	v62 =	vadd.s32 $0x4A, v18;
	v63 =	vadd.s32 $0x55, v18;
	v54 =	vld.idx.msk [tilespmem:v48+s15+$0x0], $0xffff  }
0x8f: {  	v25 =	vand.u32 $0x3F8, v25;
	v57 =	vld.idx.msk [tilespmem:v36+s15+$0x0], $0xffff;
	v13 =	vnsel vm1, $0x0, v13;
	v26 =	vsub.f32 v26, v44  }
0x90: {  	v25 =	vor.u32 v16, v25;
	v23 =	vld.idx.msk [tilespmem:v23+s15+$0x0], $0xffff;
	v11 =	vmul.f32 v13, v11;
	v28 =	vmul.f32 v15, v28  }
0x91: {  	v33 =	vand.u32 $0x3F8, v33;
	v19 =	vld.idx.msk [tilespmem:v51+s15+$0x0], $0xffff;
	v31 =	vmul.f32 v26, v14;
	v24 =	vmul.f32 v42, v24  }
0x92: {  	v16 =	vor.u32 v16, v33;
	v30 =	vld.idx.msk [tilespmem:v55+s15+$0x0], $0xffff;
	v52 =	vmul.f32 v21, v27;
	v56 =	vmul.f32 v15, v47  }
0x93: {  	v18 =	vadd.s32 $0x56, v18;
	v36 =	vld.idx.msk [tilespmem:v58+s15+$0x0], $0xffff;
	v32 =	vmul.f32 v42, v32;
	v15 =	vmul.f32 v15, v34  }
0x94: {  	v51 =	vor.u32 $0x1, v8;
	v20 =	vmul.f32 v42, v35;
	v27 =	vld.idx.msk [tilespmem:v53+s15+$0x0], $0xffff;
	v12 =	vmul.f32 v44, v54  }
0x95: {  	v25 =	vld.idx.msk [tilespmem:v25+s15+$0x0], $0xffff;
	v17 =	vmul.f32 v44, v57;
	v24 =	vadd.f32 v24, v28;
	v23 =	vmul.f32 v44, v23  }
0x96: {  	v39 =	vld.idx.msk [tilespmem:v60+s15+$0x0], $0xffff;
	v19 =	vmul.f32 v21, v19;
	v31 =	vsub.f32 v31, v21;
	v15 =	vadd.f32 v20, v15  }
0x97: {  	v40 =	vld.idx.msk [tilespmem:v61+s15+$0x0], $0xffff;
	v43 =	vmul.f32 v26, v30;
	v23 =	vadd.f32 v23, v24;
	v24 =	vadd.f32 v32, v56  }
0x98: {  	v55 =	vor.u32 $0x3, v8;
	v34 =	vld.idx.msk [tilespmem:v59+s15+$0x0], $0xffff;
	v45 =	vmul.f32 v26, v36;
	v49 =	vmul.f32 v31, v14  }
0x99: {  	v16 =	vld.idx.msk [tilespmem:v16+s15+$0x0], $0xffff;
	v15 =	vadd.f32 v17, v15;
	v41 =	vmul.f32 v21, v27;
	v12 =	vadd.f32 v12, v24  }
0x9a: {  	v25 =	vmul.f32 v26, v25;
	v20 =	vld.idx.msk [tilespmem:v62+s15+$0x0], $0xffff;
	v33 =	vsub.f32 v49, v26;
	v23 =	vadd.f32 v52, v23  }
0x9b: {  	v28 =	vld.idx.msk [tilespmem:v50+s15+$0x0], $0xffff;
	v42 =	vmul.f32 v31, v46;
	v15 =	vadd.f32 v41, v15;
	v12 =	vadd.f32 v19, v12  }
0x9c: {  	v44 =	vld.idx.msk [tilespmem:v63+s15+$0x0], $0xffff;
	v47 =	vmul.f32 v31, v39;
	v14 =	vmul.f32 v33, v14;
	v23 =	vadd.f32 v25, v23  }
0x9d: {  	v18 =	vld.idx.msk [tilespmem:v18+s15+$0x0], $0xffff;
	v46 =	vmul.f32 v31, v34;
	v15 =	vadd.f32 v45, v15;
	v12 =	vadd.f32 v43, v12  }
0x9e: {  	s29 =	smul.u32 $0xCD, s26;
	v16 =	vmul.f32 v33, v16;
	v14 =	vsub.f32 v14, v31;
	v21 =	vadd.f32 v42, v23  }
0x9f: {  	v48 =	vmul.f32 v33, v40;
	v49 =	vmul.f32 v33, v20;
	v12 =	vadd.f32 v46, v12  }
0xa0: {  	s30 =	sadd.s32 $0x334, s29;
	v15 =	vadd.f32 v47, v15;
	v16 =	vadd.f32 v16, v21;
	v50 =	vmul.f32 v14, v28  }
0xa1: {  	s30 =	sshrl.u32 s30, $0xA;
	v10 =	vmul.f32 v11, v10;
	v13 =	vmul.f32 v14, v44;
	v12 =	vadd.f32 v48, v12  }
0xa2: {  	s31 =	smul.u32 $0x5, s30;
	v14 =	vmul.f32 v14, v18;
	v15 =	vadd.f32 v49, v15;
	v16 =	vadd.f32 v50, v16  }
0xa3: {  	s28 =	sadd.s32 $0x4, s26;
	s30 =	sand.u32 $0x3F, s30;
	v58 =	vor.u32 $0x4, v8;
	v53 =	vor.u32 $0x2, v8;
	v12 =	vadd.f32 v13, v12  }
0xa4: {  	s31 =	ssub.s32 s28, s31;
	v56 =	vmov s30;
	v52 =	vadd.f32 v14, v15;
	v54 =	vmul.f32 v16, v10  }
0xa5: {  	s31 =	sshll.u32 s31, $0x4;
	v9 =	vmul.f32 v11, v9;
	v19 =	vmul.u32 $0x50, v56;
	v57 =	vmul.f32 v12, v10  }
0xa6: {  	v61 =	vor.u32 $0x6, v8;
	v59 =	vor.u32 $0x5, v8;
	s30 =	sand.u32 $0xF0, s31;
	[tilespmem:v8+s20+$0x0] =	vst.idx.msk $0xffff, v54;
	v10 =	vmul.f32 v52, v10  }
0xa7: {  	v6 =	vmul.f32 v11, v6;
	v19 =	vadd.s32 s30, v19;
	v60 =	vmul.f32 v16, v9;
	[tilespmem:v51+s20+$0x0] =	vst.idx.msk $0xffff, v57  }
0xa8: {  	v63 =	vor.u32 $0x7, v8;
	v19 =	vbroadcast v19, $0x0;
	v62 =	vmul.f32 v12, v9;
	[tilespmem:v53+s20+$0x0] =	vst.idx.msk $0xffff, v10  }
0xa9: {  	v22 =	vor.u32 $0x8, v8;
	s31 =	sadd.s32 $0xFFFFFFE0, s25;
	v9 =	vmul.f32 v52, v9;
	[tilespmem:v55+s20+$0x0] =	vst.idx.msk $0xffff, v60  }
0xaa: {  	v24 =	vor.u32 v0, v19;
	v23 =	vmul.f32 v16, v6;
	v8 =	vor.u32 s31, v0;
	[tilespmem:v58+s20+$0x0] =	vst.idx.msk $0xffff, v62  }
0xab: {  	v25 =	vmul.f32 v12, v6;
	v26 =	vshll.u32 v8, $0x3;
	[tilespmem:v59+s20+$0x0] =	vst.idx.msk $0xffff, v9  }
0xac: {  	v6 =	vmul.f32 v52, v6;
	v27 =	vor.u32 $0x1, v26;
	[tilespmem:v61+s20+$0x0] =	vst.idx.msk $0xffff, v23  }
0xad: {  	[tilespmem:v63+s20+$0x0] =	vst.idx.msk $0xffff, v25  }
0xae: {  	v28 =	vor.u32 $0x2, v26;
	[tilespmem:v22+s20+$0x0] =	vst.idx.msk $0xffff, v6  }
0xaf: {  	[tilespmem:v24+s21+$0x0] =	vst.idx.msk $0xffff, v7  }
0xb0: {  	v6 =	vld.idx.msk [tilespmem:v26+s17+$0x0], $0xffff  }
0xb1: {  	v10 =	vld.idx.msk [tilespmem:v27+s17+$0x0], $0xffff;
	_ =	sdelay $0x1  }
0xb2: {  	v9 =	vld.idx.msk [tilespmem:v28+s17+$0x0], $0xffff;
	_ =	sdelay $0x2  }
0xb3: {  	v7 =	vmul.f32 v6, v6;
	v29 =	vmul.f32 v10, v10;
	_ =	sdelay $0x1  }
0xb4: {  	v30 =	vmul.f32 v9, v9;
	v7 =	vadd.f32 v29, v7;
	_ =	sdelay $0x1  }
0xb5: {  	v7 =	vadd.f32 v30, v7;
	_ =	sdelay $0x1  }
0xb6: {  	v7 =	vadd.f32 $9.999999960e-13, v7;
	_ =	sdelay $0x1  }
0xb7: {  	v31 =	vshra.s32 v7, $0x1;
	v32 =	vmul.f32 $5.000000000e-01, v7  }
0xb8: {  	v11 =	vsub.s32 $0x5F3759DF, v31  }
0xb9: {  	v33 =	vmul.f32 v11, v32;
	_ =	sdelay $0x1  }
0xba: {  	v13 =	vmul.f32 v11, v33;
	_ =	sdelay $0x1  }
0xbb: {  	v13 =	vsub.f32 $1.500000000e+00, v13;
	_ =	sdelay $0x1  }
0xbc: {  	v11 =	vmul.f32 v11, v13;
	_ =	sdelay $0x1  }
0xbd: {  	v12 =	vmul.f32 v11, v32;
	_ =	sdelay $0x1  }
0xbe: {  	v12 =	vmul.f32 v12, v11;
	_ =	sdelay $0x1  }
0xbf: {  	v12 =	vsub.f32 $1.500000000e+00, v12;
	_ =	sdelay $0x1  }
0xc0: {  	v11 =	vmul.f32 v12, v11;
	_ =	sdelay $0x1  }
0xc1: {  	v12 =	vmul.f32 v11, v7;
	_ =	sdelay $0x1  }
0xc2: {  	v34 =	vmin.f32 v12, $5.000000000e+00  }
0xc3: {  	v7 =	vmul.f32 $6.283185480e-01, v34;
	_ =	sdelay $0x1  }
0xc4: {  	v35 =	vadd.f32 $-1.570796370e+00, v7;
	_ =	sdelay $0x1  }
0xc5: {  	v36 =	vmul.f32 v35, v35  }
0xc6: {  	v37 =	vand.u32 v3, v8  }
0xc7: {  	v7 =	vmul.f32 $2.755731880e-06, v36;
	_ =	sdelay $0x1  }
0xc8: {  	v13 =	vadd.f32 $-4.500000000e+00, v34;
	v7 =	vadd.f32 $-1.984127010e-04, v7;
	_ =	sdelay $0x1  }
0xc9: {  	v16 =	vld.idx.msk [tilespmem:v37+s19+$0x0], $0xffff;
	v13 =	vadd.f32 v13, v13;
	v7 =	vmul.f32 v7, v36;
	_ =	sdelay $0x1  }
0xca: {  	v13 =	vmax.f32 v13, $0.0e+00;
	v39 =	vadd.f32 $8.333333770e-03, v7;
	v7 =	vld.idx.msk [tilespmem:v37+s18+$0x0], $0xffff  }
0xcb: {  	v13 =	vmin.f32 v13, $1.000000000e+00  }
0xcc: {  	v13 =	vmul.f32 $3.141592740e+00, v13  }
0xcd: {  	v41 =	vshrl.u32 v16, $0x4;
	v38 =	vmul.f32 $2.480158760e-05, v36  }
0xce: {  	v13 =	vadd.f32 $-1.570796370e+00, v13  }
0xcf: {  	v17 =	vadd.f32 $-1.388888920e-03, v38;
	v40 =	vshrl.u32 v7, $0x4  }
0xd0: {  	v46 =	vmul.f32 v13, v13;
	v18 =	vmul.f32 v39, v36  }
0xd1: {  	v17 =	vmul.f32 v17, v36  }
0xd2: {  	v43 =	vld.idx.msk [tilespmem:v41+s5+$0x0], $0xffff;
	v48 =	vmul.f32 $2.755731880e-06, v46;
	v18 =	vadd.f32 $-1.666666720e-01, v18  }
0xd3: {  	v17 =	vadd.f32 $4.166666790e-02, v17  }
0xd4: {  	v22 =	vadd.f32 $-1.984127010e-04, v48;
	v18 =	vmul.f32 v18, v36;
	v42 =	vld.idx.msk [tilespmem:v40+s5+$0x0], $0xffff  }
0xd5: {  	v16 =	vshll.u32 v16, $0x1;
	v17 =	vmul.f32 v17, v36  }
0xd6: {  	v16 =	vand.u32 $0x1E, v16;
	v22 =	vmul.f32 v22, v46;
	v18 =	vadd.f32 $1.000000000e+00, v18  }
0xd7: {  	v16 =	vshrl.u32 v43, v16;
	v17 =	vadd.f32 $-5.000000000e-01, v17;
	v44 =	vshll.u32 v7, $0x1  }
0xd8: {  	v19 =	vand.u32 $0x1E, v44;
	v22 =	vadd.f32 $8.333333770e-03, v22;
	v14 =	vmul.f32 v18, v35  }
0xd9: {  	v16 =	vand.u32 $0x3, v16;
	v15 =	vmul.f32 v17, v36;
	v18 =	vshrl.u32 v42, v19  }
0xda: {  	v22 =	vmul.f32 v22, v46;
	v14 =	vsub.f32 $0.0e+00, v14;
	v18 =	vand.u32 $0x3, v18  }
0xdb: {  	v16 =	vmul.u32 $0x3, v16;
	v15 =	vadd.f32 $1.000000000e+00, v15;
	v18 =	vmul.u32 $0x60, v18  }
0xdc: {  	v22 =	vadd.f32 $-1.666666720e-01, v22;
	v14 =	vadd.f32 v14, v14  }
0xdd: {  	v8 =	vshll.u32 v8, $0x4;
	v18 =	vor.u32 v18, v16  }
0xde: {  	v19 =	vmul.f32 v22, v46;
	v20 =	vmul.f32 v14, v15;
	v50 =	vadd.s32 $0xC, v18  }
0xdf: {  	v29 =	vor.u32 $0x1, v8;
	v53 =	vadd.s32 $0x24, v18  }
0xe0: {  	v19 =	vadd.f32 $1.000000000e+00, v19;
	v45 =	vmul.f32 v20, v14;
	v55 =	vadd.s32 $0x3C, v18  }
0xe1: {  	vm1 =	vlt.f32 v12, $5.000000000e+00;
	v16 =	vand.u32 $0x7, v16;
	v56 =	vadd.s32 $0x1, v18  }
0xe2: {  	v13 =	vmul.f32 v19, v13;
	v17 =	vsub.f32 v45, v15;
	v58 =	vadd.s32 $0xD, v18;
	v54 =	vld.idx.msk [tilespmem:v18+s15+$0x0], $0xffff  }
0xe3: {  	v49 =	vadd.s32 $0x18, v18;
	v51 =	vadd.s32 $0x30, v18;
	v60 =	vadd.s32 $0x2, v18;
	v24 =	vld.idx.msk [tilespmem:v50+s15+$0x0], $0xffff  }
0xe4: {  	v59 =	vadd.s32 $0x48, v18;
	v61 =	vadd.s32 $0xE, v18;
	v40 =	vadd.s32 $0x19, v18;
	v27 =	vld.idx.msk [tilespmem:v53+s15+$0x0], $0xffff  }
0xe5: {  	v42 =	vadd.s32 $0x1A, v18;
	v13 =	vsub.f32 $1.000000000e+00, v13;
	v47 =	vmul.f32 v17, v14;
	v62 =	vld.idx.msk [tilespmem:v55+s15+$0x0], $0xffff  }
0xe6: {  	v43 =	vadd.s32 $0x54, v18;
	v44 =	vadd.s32 $0x25, v18;
	v23 =	vand.u32 $0x3F8, v49;
	v63 =	vld.idx.msk [tilespmem:v56+s15+$0x0], $0xffff  }
0xe7: {  	v23 =	vor.u32 v16, v23;
	v13 =	vmul.f32 $5.000000000e-01, v13;
	v21 =	vsub.f32 v47, v20;
	v32 =	vld.idx.msk [tilespmem:v58+s15+$0x0], $0xffff  }
0xe8: {  	v48 =	vadd.s32 $0x31, v18;
	v25 =	vand.u32 $0x3F8, v51;
	v33 =	vand.u32 $0x3F8, v59;
	v34 =	vld.idx.msk [tilespmem:v60+s15+$0x0], $0xffff  }
0xe9: {  	v51 =	vadd.s32 $0x32, v18;
	v35 =	vld.idx.msk [tilespmem:v61+s15+$0x0], $0xffff;
	v13 =	vmul.f32 $4.886025190e-01, v13;
	v52 =	vmul.f32 v21, v14  }
0xea: {  	v46 =	vadd.s32 $0x26, v18;
	v25 =	vor.u32 v16, v25;
	v16 =	vor.u32 v16, v33;
	v47 =	vld.idx.msk [tilespmem:v40+s15+$0x0], $0xffff  }
0xeb: {  	v19 =	vld.idx.msk [tilespmem:v44+s15+$0x0], $0xffff;
	v53 =	vadd.s32 $0x3E, v18;
	v13 =	vnsel vm1, $0x0, v13;
	v26 =	vsub.f32 v52, v17  }
0xec: {  	v55 =	vadd.s32 $0x4A, v18;
	v23 =	vld.idx.msk [tilespmem:v23+s15+$0x0], $0xffff;
	v11 =	vmul.f32 v13, v11;
	v28 =	vmul.f32 v15, v54  }
0xed: {  	v30 =	vld.idx.msk [tilespmem:v48+s15+$0x0], $0xffff;
	v56 =	vadd.s32 $0x55, v18;
	v57 =	vmul.f32 v26, v14;
	v24 =	vmul.f32 v20, v24  }
0xee: {  	v36 =	vld.idx.msk [tilespmem:v51+s15+$0x0], $0xffff;
	v52 =	vadd.s32 $0x3D, v18;
	v45 =	vmul.f32 v21, v27;
	v49 =	vmul.f32 v15, v63  }
0xef: {  	v50 =	vld.idx.msk [tilespmem:v42+s15+$0x0], $0xffff;
	v54 =	vadd.s32 $0x49, v18;
	v32 =	vmul.f32 v20, v32;
	v15 =	vmul.f32 v15, v34  }
0xf0: {  	v25 =	vld.idx.msk [tilespmem:v25+s15+$0x0], $0xffff;
	v18 =	vadd.s32 $0x56, v18;
	v20 =	vmul.f32 v20, v35;
	v12 =	vmul.f32 v17, v47  }
0xf1: {  	v27 =	vld.idx.msk [tilespmem:v46+s15+$0x0], $0xffff;
	v19 =	vmul.f32 v21, v19;
	v24 =	vadd.f32 v24, v28;
	v23 =	vmul.f32 v17, v23  }
0xf2: {  	v16 =	vld.idx.msk [tilespmem:v16+s15+$0x0], $0xffff;
	v61 =	vmul.f32 v26, v30;
	v10 =	vmul.f32 v11, v10;
	v31 =	vsub.f32 v57, v21  }
0xf3: {  	v63 =	vmul.f32 v26, v36;
	v57 =	vld.idx.msk [tilespmem:v53+s15+$0x0], $0xffff;
	v23 =	vadd.f32 v23, v24;
	v24 =	vadd.f32 v32, v49  }
0xf4: {  	v15 =	vadd.f32 v20, v15;
	v17 =	vmul.f32 v17, v50;
	v34 =	vld.idx.msk [tilespmem:v52+s15+$0x0], $0xffff;
	v41 =	vmul.f32 v31, v14  }
0xf5: {  	v25 =	vmul.f32 v26, v25;
	v20 =	vld.idx.msk [tilespmem:v55+s15+$0x0], $0xffff;
	v23 =	vadd.f32 v45, v23;
	v12 =	vadd.f32 v12, v24  }
0xf6: {  	v58 =	vld.idx.msk [tilespmem:v54+s15+$0x0], $0xffff;
	v15 =	vadd.f32 v17, v15;
	v59 =	vmul.f32 v21, v27;
	v33 =	vsub.f32 v41, v26  }
0xf7: {  	v28 =	vld.idx.msk [tilespmem:v43+s15+$0x0], $0xffff;
	v60 =	vmul.f32 v31, v62;
	v23 =	vadd.f32 v25, v23;
	v12 =	vadd.f32 v19, v12  }
0xf8: {  	v62 =	vld.idx.msk [tilespmem:v56+s15+$0x0], $0xffff;
	v15 =	vadd.f32 v59, v15;
	v24 =	vmul.f32 v31, v57;
	v14 =	vmul.f32 v33, v14  }
0xf9: {  	v18 =	vld.idx.msk [tilespmem:v18+s15+$0x0], $0xffff;
	v21 =	vadd.f32 v60, v23;
	v12 =	vadd.f32 v61, v12;
	v23 =	vmul.f32 v31, v34  }
0xfa: {  	v16 =	vmul.f32 v33, v16;
	v15 =	vadd.f32 v63, v15;
	v14 =	vsub.f32 v14, v31  }
0xfb: {  	s31 =	sadd.s32 $0x401, s29;
	v27 =	vmul.f32 v33, v20;
	v26 =	vmul.f32 v33, v58;
	v12 =	vadd.f32 v23, v12  }
0xfc: {  	s30 =	sshrl.u32 s31, $0xA;
	v15 =	vadd.f32 v24, v15;
	v16 =	vadd.f32 v16, v21;
	v28 =	vmul.f32 v14, v28  }
0xfd: {  	s31 =	smul.u32 $0x5, s30;
	v9 =	vmul.f32 v11, v9;
	v13 =	vmul.f32 v14, v62;
	v12 =	vadd.f32 v26, v12  }
0xfe: {  	v14 =	vmul.f32 v14, v18;
	v15 =	vadd.f32 v27, v15;
	v16 =	vadd.f32 v28, v16  }
0xff: {  	s30 =	sand.u32 $0x3F, s30;
	s31 =	ssub.s32 s26, s31;
	v33 =	vor.u32 $0x3, v8;
	v31 =	vor.u32 $0x2, v8;
	v12 =	vadd.f32 v13, v12  }
0x100: {  	s31 =	sshll.u32 s31, $0x4;
	v34 =	vmov s30;
	v30 =	vadd.f32 v14, v15;
	v32 =	vmul.f32 v16, v10  }
0x101: {  	s31 =	sadd.s32 $0x50, s31;
	v36 =	vor.u32 $0x4, v8;
	v19 =	vmul.u32 $0x50, v34;
	v35 =	vmul.f32 v12, v10  }
0x102: {  	v37 =	vor.u32 $0x5, v8;
	v39 =	vor.u32 $0x6, v8;
	s30 =	sand.u32 $0xF0, s31;
	[tilespmem:v8+s20+$0x0] =	vst.idx.msk $0xffff, v32;
	v10 =	vmul.f32 v30, v10  }
0x103: {  	v6 =	vmul.f32 v11, v6;
	v19 =	vadd.s32 s30, v19;
	v38 =	vmul.f32 v16, v9;
	[tilespmem:v29+s20+$0x0] =	vst.idx.msk $0xffff, v35  }
0x104: {  	v41 =	vor.u32 $0x7, v8;
	v19 =	vbroadcast v19, $0x0;
	v40 =	vmul.f32 v12, v9;
	[tilespmem:v31+s20+$0x0] =	vst.idx.msk $0xffff, v10  }
0x105: {  	v42 =	vor.u32 $0x8, v8;
	s31 =	sadd.s32 $0xFFFFFFF0, s25;
	v9 =	vmul.f32 v30, v9;
	[tilespmem:v33+s20+$0x0] =	vst.idx.msk $0xffff, v38  }
0x106: {  	v43 =	vmul.f32 v16, v6;
	v44 =	vor.u32 v0, v19;
	v8 =	vor.u32 s31, v0;
	[tilespmem:v36+s20+$0x0] =	vst.idx.msk $0xffff, v40  }
0x107: {  	v45 =	vmul.f32 v12, v6;
	v46 =	vshll.u32 v8, $0x3;
	[tilespmem:v37+s20+$0x0] =	vst.idx.msk $0xffff, v9  }
0x108: {  	v6 =	vmul.f32 v30, v6;
	v47 =	vor.u32 $0x1, v46;
	[tilespmem:v39+s20+$0x0] =	vst.idx.msk $0xffff, v43  }
0x109: {  	[tilespmem:v41+s20+$0x0] =	vst.idx.msk $0xffff, v45  }
0x10a: {  	v48 =	vor.u32 $0x2, v46;
	[tilespmem:v42+s20+$0x0] =	vst.idx.msk $0xffff, v6  }
0x10b: {  	[tilespmem:v44+s21+$0x0] =	vst.idx.msk $0xffff, v7  }
0x10c: {  	v6 =	vld.idx.msk [tilespmem:v46+s17+$0x0], $0xffff  }
0x10d: {  	v10 =	vld.idx.msk [tilespmem:v47+s17+$0x0], $0xffff;
	_ =	sdelay $0x1  }
0x10e: {  	v9 =	vld.idx.msk [tilespmem:v48+s17+$0x0], $0xffff;
	_ =	sdelay $0x2  }
0x10f: {  	v7 =	vmul.f32 v6, v6;
	v49 =	vmul.f32 v10, v10;
	_ =	sdelay $0x1  }
0x110: {  	v50 =	vmul.f32 v9, v9;
	v7 =	vadd.f32 v49, v7;
	_ =	sdelay $0x1  }
0x111: {  	v7 =	vadd.f32 v50, v7;
	_ =	sdelay $0x1  }
0x112: {  	v7 =	vadd.f32 $9.999999960e-13, v7;
	_ =	sdelay $0x1  }
0x113: {  	v51 =	vshra.s32 v7, $0x1;
	v52 =	vmul.f32 $5.000000000e-01, v7  }
0x114: {  	v11 =	vsub.s32 $0x5F3759DF, v51  }
0x115: {  	v53 =	vmul.f32 v11, v52;
	_ =	sdelay $0x1  }
0x116: {  	v13 =	vmul.f32 v11, v53;
	_ =	sdelay $0x1  }
0x117: {  	v13 =	vsub.f32 $1.500000000e+00, v13;
	_ =	sdelay $0x1  }
0x118: {  	v11 =	vmul.f32 v11, v13;
	_ =	sdelay $0x1  }
0x119: {  	v12 =	vmul.f32 v11, v52;
	_ =	sdelay $0x1  }
0x11a: {  	v12 =	vmul.f32 v12, v11;
	_ =	sdelay $0x1  }
0x11b: {  	v12 =	vsub.f32 $1.500000000e+00, v12;
	_ =	sdelay $0x1  }
0x11c: {  	v11 =	vmul.f32 v12, v11;
	_ =	sdelay $0x1  }
0x11d: {  	v12 =	vmul.f32 v11, v7;
	_ =	sdelay $0x1  }
0x11e: {  	v54 =	vmin.f32 v12, $5.000000000e+00  }
0x11f: {  	v57 =	vand.u32 v4, v8;
	v7 =	vmul.f32 $6.283185480e-01, v54;
	_ =	sdelay $0x1  }
0x120: {  	v55 =	vadd.f32 $-1.570796370e+00, v7;
	_ =	sdelay $0x1  }
0x121: {  	v56 =	vmul.f32 v55, v55  }
0x122: {  	v16 =	vld.idx.msk [tilespmem:v57+s19+$0x0], $0xffff  }
0x123: {  	v13 =	vadd.f32 $-4.500000000e+00, v54;
	v7 =	vmul.f32 $2.755731880e-06, v56;
	_ =	sdelay $0x1  }
0x124: {  	v13 =	vadd.f32 v13, v13;
	v7 =	vadd.f32 $-1.984127010e-04, v7;
	_ =	sdelay $0x1  }
0x125: {  	v61 =	vshrl.u32 v16, $0x4;
	v13 =	vmax.f32 v13, $0.0e+00;
	v58 =	vmul.f32 v7, v56;
	v7 =	vld.idx.msk [tilespmem:v57+s18+$0x0], $0xffff  }
0x126: {  	v13 =	vmin.f32 v13, $1.000000000e+00  }
0x127: {  	v13 =	vmul.f32 $3.141592740e+00, v13;
	_ =	sdelay $0x1  }
0x128: {  	v13 =	vadd.f32 $-1.570796370e+00, v13;
	v17 =	vadd.f32 $8.333333770e-03, v58  }
0x129: {  	v20 =	vld.idx.msk [tilespmem:v61+s5+$0x0], $0xffff;
	v60 =	vshrl.u32 v7, $0x4  }
0x12a: {  	v63 =	vmul.f32 v13, v13;
	v17 =	vmul.f32 v17, v56  }
0x12b: {  	v59 =	vmul.f32 $2.480158760e-05, v56  }
0x12c: {  	v16 =	vshll.u32 v16, $0x1;
	v32 =	vmul.f32 $2.755731880e-06, v63;
	v17 =	vadd.f32 $-1.666666720e-01, v17  }
0x12d: {  	v16 =	vand.u32 $0x1E, v16;
	v18 =	vadd.f32 $-1.388888920e-03, v59  }
0x12e: {  	v16 =	vshrl.u32 v20, v16;
	v20 =	vadd.f32 $-1.984127010e-04, v32;
	v17 =	vmul.f32 v17, v56;
	v19 =	vld.idx.msk [tilespmem:v60+s5+$0x0], $0xffff  }
0x12f: {  	v18 =	vmul.f32 v18, v56  }
0x130: {  	v20 =	vmul.f32 v20, v63;
	v17 =	vadd.f32 $1.000000000e+00, v17  }
0x131: {  	v18 =	vadd.f32 $4.166666790e-02, v18;
	v62 =	vshll.u32 v7, $0x1  }
0x132: {  	v20 =	vadd.f32 $8.333333770e-03, v20;
	v14 =	vmul.f32 v17, v55;
	v17 =	vand.u32 $0x1E, v62  }
0x133: {  	v18 =	vmul.f32 v18, v56;
	v17 =	vshrl.u32 v19, v17  }
0x134: {  	v16 =	vand.u32 $0x3, v16;
	v20 =	vmul.f32 v20, v63;
	v17 =	vand.u32 $0x3, v17  }
0x135: {  	v16 =	vmul.u32 $0x3, v16;
	v18 =	vadd.f32 $-5.000000000e-01, v18;
	v17 =	vmul.u32 $0x60, v17  }
0x136: {  	v20 =	vadd.f32 $-1.666666720e-01, v20  }
0x137: {  	v15 =	vmul.f32 v18, v56;
	v14 =	vsub.f32 $0.0e+00, v14;
	v17 =	vor.u32 v17, v16  }
0x138: {  	v18 =	vmul.f32 v20, v63;
	v34 =	vadd.s32 $0xC, v17  }
0x139: {  	v15 =	vadd.f32 $1.000000000e+00, v15;
	v14 =	vadd.f32 v14, v14;
	v38 =	vadd.s32 $0x24, v17  }
0x13a: {  	v8 =	vshll.u32 v8, $0x4;
	v18 =	vadd.f32 $1.000000000e+00, v18;
	v41 =	vadd.s32 $0x3C, v17  }
0x13b: {  	vm1 =	vlt.f32 v12, $5.000000000e+00;
	v19 =	vmul.f32 v14, v15;
	v43 =	vadd.s32 $0x1, v17  }
0x13c: {  	v13 =	vmul.f32 v18, v13;
	v16 =	vand.u32 $0x7, v16;
	v44 =	vadd.s32 $0xD, v17;
	v39 =	vld.idx.msk [tilespmem:v17+s15+$0x0], $0xffff  }
0x13d: {  	v33 =	vmul.f32 v19, v14;
	v35 =	vadd.s32 $0x18, v17;
	v47 =	vadd.s32 $0xE, v17;
	v22 =	vld.idx.msk [tilespmem:v34+s15+$0x0], $0xffff  }
0x13e: {  	v37 =	vadd.s32 $0x30, v17;
	v51 =	vadd.s32 $0x19, v17;
	v13 =	vsub.f32 $1.000000000e+00, v13;
	v26 =	vld.idx.msk [tilespmem:v38+s15+$0x0], $0xffff  }
0x13f: {  	v57 =	vadd.s32 $0x26, v17;
	v23 =	vand.u32 $0x3F8, v35;
	v25 =	vand.u32 $0x3F8, v37;
	v29 =	vld.idx.msk [tilespmem:v41+s15+$0x0], $0xffff  }
0x140: {  	v21 =	vsub.f32 v33, v15;
	v23 =	vor.u32 v16, v23;
	v13 =	vmul.f32 $5.000000000e-01, v13;
	v50 =	vld.idx.msk [tilespmem:v43+s15+$0x0], $0xffff  }
0x141: {  	v40 =	vadd.s32 $0x48, v17;
	v46 =	vadd.s32 $0x2, v17;
	v25 =	vor.u32 v16, v25;
	v52 =	vld.idx.msk [tilespmem:v44+s15+$0x0], $0xffff  }
0x142: {  	v49 =	vadd.s32 $0x54, v17;
	v36 =	vmul.f32 v21, v14;
	v13 =	vmul.f32 $4.886025190e-01, v13;
	v32 =	vld.idx.msk [tilespmem:v47+s15+$0x0], $0xffff  }
0x143: {  	v53 =	vadd.s32 $0x1A, v17;
	v55 =	vadd.s32 $0x25, v17;
	v59 =	vadd.s32 $0x31, v17;
	v60 =	vld.idx.msk [tilespmem:v51+s15+$0x0], $0xffff  }
0x144: {  	v61 =	vadd.s32 $0x32, v17;
	v24 =	vsub.f32 v36, v19;
	v36 =	vld.idx.msk [tilespmem:v57+s15+$0x0], $0xffff;
	v13 =	vnsel vm1, $0x0, v13  }
0x145: {  	v63 =	vadd.s32 $0x3D, v17;
	v28 =	vand.u32 $0x3F8, v40;
	v23 =	vld.idx.msk [tilespmem:v23+s15+$0x0], $0xffff;
	v11 =	vmul.f32 v13, v11  }
0x146: {  	v40 =	vadd.s32 $0x3E, v17;
	v16 =	vor.u32 v16, v28;
	v45 =	vld.idx.msk [tilespmem:v25+s15+$0x0], $0xffff;
	v42 =	vmul.f32 v24, v14  }
0x147: {  	v41 =	vadd.s32 $0x49, v17;
	v25 =	vld.idx.msk [tilespmem:v46+s15+$0x0], $0xffff;
	v27 =	vmul.f32 v15, v39;
	v10 =	vmul.f32 v11, v10  }
0x148: {  	v58 =	vld.idx.msk [tilespmem:v49+s15+$0x0], $0xffff;
	v43 =	vadd.s32 $0x4A, v17;
	v22 =	vmul.f32 v19, v22;
	v54 =	vmul.f32 v24, v26  }
0x149: {  	v31 =	vld.idx.msk [tilespmem:v53+s15+$0x0], $0xffff;
	v28 =	vsub.f32 v42, v21;
	v62 =	vmul.f32 v15, v50;
	v18 =	vmul.f32 v19, v52  }
0x14a: {  	v44 =	vadd.s32 $0x55, v17;
	v26 =	vld.idx.msk [tilespmem:v55+s15+$0x0], $0xffff;
	v19 =	vmul.f32 v19, v32;
	v12 =	vmul.f32 v21, v60  }
0x14b: {  	v30 =	vld.idx.msk [tilespmem:v61+s15+$0x0], $0xffff;
	v17 =	vadd.s32 $0x56, v17;
	v47 =	vmul.f32 v24, v36;
	v48 =	vmul.f32 v28, v14  }
0x14c: {  	v42 =	vld.idx.msk [tilespmem:v59+s15+$0x0], $0xffff;
	v22 =	vadd.f32 v22, v27;
	v23 =	vmul.f32 v21, v23;
	v15 =	vmul.f32 v15, v25  }
0x14d: {  	v16 =	vld.idx.msk [tilespmem:v16+s15+$0x0], $0xffff;
	v20 =	vmul.f32 v28, v45;
	v18 =	vadd.f32 v18, v62;
	v33 =	vsub.f32 v48, v24  }
0x14e: {  	v21 =	vmul.f32 v21, v31;
	v27 =	vld.idx.msk [tilespmem:v63+s15+$0x0], $0xffff;
	v22 =	vadd.f32 v23, v22;
	v15 =	vadd.f32 v19, v15  }
0x14f: {  	v25 =	vld.idx.msk [tilespmem:v40+s15+$0x0], $0xffff;
	v12 =	vadd.f32 v12, v18;
	v45 =	vmul.f32 v24, v26;
	v56 =	vmul.f32 v33, v14  }
0x150: {  	v46 =	vld.idx.msk [tilespmem:v41+s15+$0x0], $0xffff;
	v52 =	vmul.f32 v28, v30;
	v22 =	vadd.f32 v54, v22;
	v15 =	vadd.f32 v21, v15  }
0x151: {  	v50 =	vld.idx.msk [tilespmem:v43+s15+$0x0], $0xffff;
	v49 =	vmul.f32 v28, v42;
	v12 =	vadd.f32 v45, v12;
	v35 =	vsub.f32 v56, v28  }
0x152: {  	v48 =	vmul.f32 v33, v29;
	v20 =	vadd.f32 v20, v22;
	v15 =	vadd.f32 v47, v15  }
0x153: {  	v51 =	vld.idx.msk [tilespmem:v44+s15+$0x0], $0xffff;
	v53 =	vmul.f32 v33, v27;
	v12 =	vadd.f32 v49, v12;
	v14 =	vmul.f32 v35, v14  }
0x154: {  	v17 =	vld.idx.msk [tilespmem:v17+s15+$0x0], $0xffff;
	v54 =	vmul.f32 v33, v25;
	v20 =	vadd.f32 v48, v20;
	v15 =	vadd.f32 v52, v15  }
0x155: {  	v16 =	vmul.f32 v35, v16;
	v55 =	vmul.f32 v35, v46;
	v14 =	vsub.f32 v14, v33  }
0x156: {  	s31 =	sadd.s32 $0x4CE, s29;
	v56 =	vmul.f32 v35, v50;
	v12 =	vadd.f32 v53, v12;
	v15 =	vadd.f32 v54, v15  }
0x157: {  	s30 =	sshrl.u32 s31, $0xA;
	v9 =	vmul.f32 v11, v9;
	v16 =	vadd.f32 v16, v20;
	v57 =	vmul.f32 v14, v58  }
0x158: {  	s31 =	smul.u32 $0x5, s30;
	v12 =	vadd.f32 v55, v12;
	v13 =	vmul.f32 v14, v51;
	v15 =	vadd.f32 v56, v15  }
0x159: {  	v14 =	vmul.f32 v14, v17;
	v58 =	vor.u32 $0x1, v8;
	v16 =	vadd.f32 v57, v16  }
0x15a: {  	s30 =	sand.u32 $0x3F, s30;
	s31 =	ssub.s32 s26, s31;
	v60 =	vor.u32 $0x2, v8;
	v62 =	vor.u32 $0x3, v8;
	v12 =	vadd.f32 v13, v12  }
0x15b: {  	s31 =	sshll.u32 s31, $0x4;
	v63 =	vmov s30;
	v59 =	vadd.f32 v14, v15;
	v61 =	vmul.f32 v16, v10  }
0x15c: {  	s31 =	sadd.s32 $0x60, s31;
	v19 =	vmul.u32 $0x50, v63;
	v25 =	vor.u32 $0x4, v8;
	v24 =	vmul.f32 v12, v10  }
0x15d: {  	v6 =	vmul.f32 v11, v6;
	s30 =	sand.u32 $0xF0, s31;
	v26 =	vor.u32 $0x5, v8;
	v10 =	vmul.f32 v59, v10;
	[tilespmem:v8+s20+$0x0] =	vst.idx.msk $0xffff, v61  }
0x15e: {  	v19 =	vadd.s32 s30, v19;
	v28 =	vor.u32 $0x6, v8;
	v27 =	vmul.f32 v16, v9;
	[tilespmem:v58+s20+$0x0] =	vst.idx.msk $0xffff, v24  }
0x15f: {  	v30 =	vor.u32 $0x7, v8;
	v19 =	vbroadcast v19, $0x0;
	v29 =	vmul.f32 v12, v9;
	[tilespmem:v60+s20+$0x0] =	vst.idx.msk $0xffff, v10  }
0x160: {  	v31 =	vor.u32 $0x8, v8;
	v9 =	vmul.f32 v59, v9;
	[tilespmem:v62+s20+$0x0] =	vst.idx.msk $0xffff, v27  }
0x161: {  	v33 =	vor.u32 v0, v19;
	v32 =	vmul.f32 v16, v6;
	v8 =	vor.u32 s25, v0;
	[tilespmem:v25+s20+$0x0] =	vst.idx.msk $0xffff, v29  }
0x162: {  	v34 =	vmul.f32 v12, v6;
	v35 =	vshll.u32 v8, $0x3;
	[tilespmem:v26+s20+$0x0] =	vst.idx.msk $0xffff, v9  }
0x163: {  	v6 =	vmul.f32 v59, v6;
	v36 =	vor.u32 $0x1, v35;
	[tilespmem:v28+s20+$0x0] =	vst.idx.msk $0xffff, v32  }
0x164: {  	[tilespmem:v30+s20+$0x0] =	vst.idx.msk $0xffff, v34  }
0x165: {  	v37 =	vor.u32 $0x2, v35;
	[tilespmem:v31+s20+$0x0] =	vst.idx.msk $0xffff, v6  }
0x166: {  	[tilespmem:v33+s21+$0x0] =	vst.idx.msk $0xffff, v7  }
0x167: {  	v6 =	vld.idx.msk [tilespmem:v35+s17+$0x0], $0xffff  }
0x168: {  	v10 =	vld.idx.msk [tilespmem:v36+s17+$0x0], $0xffff;
	_ =	sdelay $0x1  }
0x169: {  	v9 =	vld.idx.msk [tilespmem:v37+s17+$0x0], $0xffff;
	_ =	sdelay $0x2  }
0x16a: {  	v7 =	vmul.f32 v6, v6;
	v38 =	vmul.f32 v10, v10;
	_ =	sdelay $0x1  }
0x16b: {  	v39 =	vmul.f32 v9, v9;
	v7 =	vadd.f32 v38, v7;
	_ =	sdelay $0x1  }
0x16c: {  	v7 =	vadd.f32 v39, v7;
	_ =	sdelay $0x1  }
0x16d: {  	v7 =	vadd.f32 $9.999999960e-13, v7;
	_ =	sdelay $0x1  }
0x16e: {  	v40 =	vshra.s32 v7, $0x1;
	v41 =	vmul.f32 $5.000000000e-01, v7  }
0x16f: {  	v11 =	vsub.s32 $0x5F3759DF, v40  }
0x170: {  	v42 =	vmul.f32 v11, v41;
	_ =	sdelay $0x1  }
0x171: {  	v13 =	vmul.f32 v11, v42;
	_ =	sdelay $0x1  }
0x172: {  	v13 =	vsub.f32 $1.500000000e+00, v13;
	_ =	sdelay $0x1  }
0x173: {  	v11 =	vmul.f32 v11, v13;
	_ =	sdelay $0x1  }
0x174: {  	v12 =	vmul.f32 v11, v41;
	_ =	sdelay $0x1  }
0x175: {  	v12 =	vmul.f32 v12, v11;
	_ =	sdelay $0x1  }
0x176: {  	v12 =	vsub.f32 $1.500000000e+00, v12;
	_ =	sdelay $0x1  }
0x177: {  	v11 =	vmul.f32 v12, v11;
	_ =	sdelay $0x1  }
0x178: {  	v12 =	vmul.f32 v11, v7;
	_ =	sdelay $0x1  }
0x179: {  	v44 =	vand.u32 v5, v8;
	v43 =	vmin.f32 v12, $5.000000000e+00  }
0x17a: {  	v7 =	vmul.f32 $6.283185480e-01, v43;
	_ =	sdelay $0x1  }
0x17b: {  	v45 =	vadd.f32 $-1.570796370e+00, v7;
	_ =	sdelay $0x1  }
0x17c: {  	v14 =	vld.idx.msk [tilespmem:v44+s19+$0x0], $0xffff;
	v46 =	vmul.f32 v45, v45  }
0x17d: {  	v13 =	vadd.f32 $-4.500000000e+00, v43;
	v7 =	vld.idx.msk [tilespmem:v44+s18+$0x0], $0xffff  }
0x17e: {  	v47 =	vmul.f32 $2.755731880e-06, v46  }
0x17f: {  	v13 =	vadd.f32 v13, v13;
	v49 =	vmul.f32 $2.480158760e-05, v46  }
0x180: {  	v17 =	vadd.f32 $-1.984127010e-04, v47  }
0x181: {  	v50 =	vshrl.u32 v14, $0x4;
	v13 =	vmax.f32 v13, $0.0e+00;
	v19 =	vadd.f32 $-1.388888920e-03, v49  }
0x182: {  	v13 =	vmin.f32 v13, $1.000000000e+00;
	v48 =	vshrl.u32 v7, $0x4;
	v17 =	vmul.f32 v17, v46  }
0x183: {  	v13 =	vmul.f32 $3.141592740e+00, v13;
	v19 =	vmul.f32 v19, v46  }
0x184: {  	v17 =	vadd.f32 $8.333333770e-03, v17  }
0x185: {  	v13 =	vadd.f32 $-1.570796370e+00, v13;
	v19 =	vadd.f32 $4.166666790e-02, v19  }
0x186: {  	v20 =	vld.idx.msk [tilespmem:v50+s5+$0x0], $0xffff;
	v17 =	vmul.f32 v17, v46  }
0x187: {  	v53 =	vmul.f32 v13, v13;
	v18 =	vld.idx.msk [tilespmem:v48+s5+$0x0], $0xffff;
	v19 =	vmul.f32 v19, v46  }
0x188: {  	v8 =	vshll.u32 v8, $0x4;
	v17 =	vadd.f32 $-1.666666720e-01, v17  }
0x189: {  	v14 =	vshll.u32 v14, $0x1;
	v54 =	vmul.f32 $2.755731880e-06, v53;
	v19 =	vadd.f32 $-5.000000000e-01, v19  }
0x18a: {  	v14 =	vand.u32 $0x1E, v14;
	v51 =	vshll.u32 v7, $0x1;
	v17 =	vmul.f32 v17, v46  }
0x18b: {  	v21 =	vand.u32 $0x1E, v51;
	v16 =	vmul.f32 v19, v46;
	v19 =	vadd.f32 $-1.984127010e-04, v54  }
0x18c: {  	v14 =	vshrl.u32 v20, v14;
	v18 =	vshrl.u32 v18, v21;
	v17 =	vadd.f32 $1.000000000e+00, v17  }
0x18d: {  	v14 =	vand.u32 $0x3, v14;
	v52 =	vand.u32 $0x3, v18;
	v19 =	vmul.f32 v19, v53  }
0x18e: {  	v14 =	vmul.u32 $0x3, v14;
	v15 =	vmul.f32 v17, v45;
	v17 =	vmul.u32 $0x60, v52  }
0x18f: {  	vm1 =	vlt.f32 v12, $5.000000000e+00;
	v16 =	vadd.f32 $1.000000000e+00, v16;
	v19 =	vadd.f32 $8.333333770e-03, v19  }
0x190: {  	v15 =	vsub.f32 $0.0e+00, v15;
	v17 =	vor.u32 v17, v14;
	v14 =	vand.u32 $0x7, v14  }
0x191: {  	v19 =	vmul.f32 v19, v53;
	v56 =	vadd.s32 $0xC, v17;
	v57 =	vadd.s32 $0x18, v17  }
0x192: {  	v60 =	vadd.s32 $0x24, v17;
	v62 =	vadd.s32 $0x1, v17;
	v63 =	vadd.s32 $0xD, v17  }
0x193: {  	v36 =	vadd.s32 $0x30, v17;
	v37 =	vadd.s32 $0x2, v17;
	v15 =	vadd.f32 v15, v15  }
0x194: {  	v39 =	vadd.s32 $0xE, v17;
	v41 =	vadd.s32 $0x19, v17;
	v19 =	vadd.f32 $-1.666666720e-01, v19  }
0x195: {  	v43 =	vadd.s32 $0x1A, v17;
	v22 =	vand.u32 $0x3F8, v57;
	v55 =	vmul.f32 v15, v16;
	v59 =	vld.idx.msk [tilespmem:v17+s15+$0x0], $0xffff  }
0x196: {  	v44 =	vadd.s32 $0x3C, v17;
	v22 =	vor.u32 v14, v22;
	v18 =	vmul.f32 v19, v53;
	v21 =	vld.idx.msk [tilespmem:v56+s15+$0x0], $0xffff  }
0x197: {  	v45 =	vadd.s32 $0x48, v17;
	v46 =	vadd.s32 $0x25, v17;
	v58 =	vmul.f32 v55, v15;
	v27 =	vld.idx.msk [tilespmem:v62+s15+$0x0], $0xffff  }
0x198: {  	v47 =	vadd.s32 $0x26, v17;
	v52 =	vadd.s32 $0x31, v17;
	v18 =	vadd.f32 $1.000000000e+00, v18;
	v30 =	vld.idx.msk [tilespmem:v37+s15+$0x0], $0xffff  }
0x199: {  	v38 =	vand.u32 $0x3F8, v36;
	v53 =	vadd.s32 $0x32, v17;
	v29 =	vld.idx.msk [tilespmem:v39+s15+$0x0], $0xffff;
	v23 =	vsub.f32 v58, v16  }
0x19a: {  	v54 =	vadd.s32 $0x54, v17;
	v19 =	vor.u32 v14, v38;
	v25 =	vld.idx.msk [tilespmem:v60+s15+$0x0], $0xffff;
	v13 =	vmul.f32 v18, v13  }
0x19b: {  	s29 =	sadd.s32 $0x59B, s29;
	v56 =	vadd.s32 $0x3D, v17;
	v62 =	vadd.s32 $0x55, v17;
	v22 =	vld.idx.msk [tilespmem:v22+s15+$0x0], $0xffff;
	v61 =	vmul.f32 v23, v15  }
0x19c: {  	s29 =	sshrl.u32 s29, $0xA;
	v42 =	vld.idx.msk [tilespmem:v63+s15+$0x0], $0xffff;
	v58 =	vadd.s32 $0x3E, v17;
	v24 =	vmul.f32 v16, v59;
	v13 =	vsub.f32 $1.000000000e+00, v13  }
0x19d: {  	s31 =	smul.u32 $0x5, s29;
	s29 =	sand.u32 $0x3F, s29;
	v50 =	vld.idx.msk [tilespmem:v41+s15+$0x0], $0xffff;
	v21 =	vmul.f32 v55, v21;
	v51 =	vmul.f32 v16, v27;
	v26 =	vsub.f32 v61, v55  }
0x19e: {  	v60 =	vld.idx.msk [tilespmem:v53+s15+$0x0], $0xffff;
	v53 =	vmov s29;
	v16 =	vmul.f32 v16, v30;
	v20 =	vmul.f32 v55, v29  }
0x19f: {  	v28 =	vld.idx.msk [tilespmem:v43+s15+$0x0], $0xffff;
	v59 =	vadd.s32 $0x49, v17;
	v13 =	vmul.f32 $5.000000000e-01, v13;
	v40 =	vmul.f32 v26, v15  }
0x1a0: {  	v57 =	vld.idx.msk [tilespmem:v47+s15+$0x0], $0xffff;
	v61 =	vadd.s32 $0x4A, v17;
	v21 =	vadd.f32 v21, v24;
	v22 =	vmul.f32 v23, v22  }
0x1a1: {  	v19 =	vld.idx.msk [tilespmem:v19+s15+$0x0], $0xffff;
	v17 =	vadd.s32 $0x56, v17;
	v24 =	vmul.f32 v55, v42;
	v31 =	vsub.f32 v40, v23  }
0x1a2: {  	v55 =	vld.idx.msk [tilespmem:v46+s15+$0x0], $0xffff;
	v16 =	vadd.f32 v20, v16;
	v21 =	vadd.f32 v22, v21;
	v22 =	vand.u32 $0x3F8, v45  }
0x1a3: {  	v27 =	vld.idx.msk [tilespmem:v52+s15+$0x0], $0xffff;
	v13 =	vmul.f32 $4.886025190e-01, v13;
	v48 =	vor.u32 v14, v22;
	v49 =	vmul.f32 v31, v15  }
0x1a4: {  	v18 =	vld.idx.msk [tilespmem:v44+s15+$0x0], $0xffff;
	v25 =	vmul.f32 v26, v25;
	v24 =	vadd.f32 v24, v51;
	v22 =	vmul.f32 v23, v50  }
0x1a5: {  	v20 =	vld.idx.msk [tilespmem:v58+s15+$0x0], $0xffff;
	v23 =	vmul.f32 v23, v28;
	v13 =	vnsel vm1, $0x0, v13;
	v14 =	vsub.f32 v49, v26  }
0x1a6: {  	v37 =	vld.idx.msk [tilespmem:v59+s15+$0x0], $0xffff;
	v21 =	vadd.f32 v25, v21;
	v11 =	vmul.f32 v13, v11;
	v19 =	vmul.f32 v31, v19  }
0x1a7: {  	v25 =	vld.idx.msk [tilespmem:v56+s15+$0x0], $0xffff;
	v22 =	vadd.f32 v22, v24;
	v32 =	vmul.f32 v26, v55;
	v63 =	vmul.f32 v14, v15  }
0x1a8: {  	v16 =	vadd.f32 v23, v16;
	v27 =	vmul.f32 v31, v27;
	v26 =	vmul.f32 v26, v57;
	v12 =	vld.idx.msk [tilespmem:v48+s15+$0x0], $0xffff  }
0x1a9: {  	v38 =	vld.idx.msk [tilespmem:v61+s15+$0x0], $0xffff;
	v24 =	vmul.f32 v31, v60;
	v35 =	vadd.f32 v32, v22;
	v36 =	vsub.f32 v63, v31  }
0x1aa: {  	v29 =	vld.idx.msk [tilespmem:v54+s15+$0x0], $0xffff;
	v19 =	vadd.f32 v19, v21;
	v16 =	vadd.f32 v26, v16;
	v18 =	vmul.f32 v14, v18  }
0x1ab: {  	v40 =	vld.idx.msk [tilespmem:v62+s15+$0x0], $0xffff;
	v10 =	vmul.f32 v11, v10;
	v41 =	vadd.f32 v27, v35;
	v15 =	vmul.f32 v36, v15  }
0x1ac: {  	v17 =	vld.idx.msk [tilespmem:v17+s15+$0x0], $0xffff;
	v42 =	vmul.f32 v14, v25;
	v39 =	vadd.f32 v18, v19;
	v16 =	vadd.f32 v24, v16  }
0x1ad: {  	v12 =	vmul.f32 v36, v12;
	v15 =	vsub.f32 v15, v14;
	v14 =	vmul.f32 v14, v20  }
0x1ae: {  	v19 =	vadd.f32 v42, v41;
	v43 =	vmul.f32 v36, v37;
	v45 =	vmul.f32 v36, v38  }
0x1af: {  	v12 =	vadd.f32 v12, v39;
	v44 =	vadd.f32 v14, v16;
	v46 =	vmul.f32 v15, v29  }
0x1b0: {  	v48 =	vor.u32 $0x1, v8;
	v19 =	vadd.f32 v43, v19;
	v18 =	vmul.f32 v15, v40  }
0x1b1: {  	v47 =	vmul.f32 v15, v17;
	v13 =	vadd.f32 v45, v44;
	v12 =	vadd.f32 v46, v12  }
0x1b2: {  	s31 =	ssub.s32 s26, s31;
	v52 =	vor.u32 $0x3, v8;
	v50 =	vor.u32 $0x2, v8;
	v49 =	vadd.f32 v18, v19  }
0x1b3: {  	s26 =	sshll.u32 s31, $0x4;
	v55 =	vor.u32 $0x4, v8;
	v13 =	vadd.f32 v47, v13;
	v51 =	vmul.f32 v12, v10  }
0x1b4: {  	s26 =	sadd.s32 $0x70, s26;
	v9 =	vmul.f32 v11, v9;
	v19 =	vmul.u32 $0x50, v53;
	v54 =	vmul.f32 v49, v10  }
0x1b5: {  	s26 =	sand.u32 $0xF0, s26;
	v58 =	vor.u32 $0x6, v8;
	v56 =	vor.u32 $0x5, v8;
	[tilespmem:v8+s20+$0x0] =	vst.idx.msk $0xffff, v51;
	v10 =	vmul.f32 v13, v10  }
0x1b6: {  	v6 =	vmul.f32 v11, v6;
	v57 =	vmul.f32 v12, v9;
	v19 =	vadd.s32 s26, v19;
	[tilespmem:v48+s20+$0x0] =	vst.idx.msk $0xffff, v54  }
0x1b7: {  	v60 =	vor.u32 $0x7, v8;
	v59 =	vmul.f32 v49, v9;
	v19 =	vbroadcast v19, $0x0;
	[tilespmem:v50+s20+$0x0] =	vst.idx.msk $0xffff, v10  }
0x1b8: {  	v9 =	vmul.f32 v13, v9;
	v8 =	vor.u32 $0x8, v8;
	[tilespmem:v52+s20+$0x0] =	vst.idx.msk $0xffff, v57  }
0x1b9: {  	p0 =	slt.u32 s28, $0x78;
	v61 =	vmul.f32 v12, v6;
	v62 =	vor.u32 v0, v19;
	[tilespmem:v55+s20+$0x0] =	vst.idx.msk $0xffff, v59  }
.Ltmp1:
0x1ba: {  	v63 =	vmul.f32 v49, v6;
	[tilespmem:v56+s20+$0x0] =	vst.idx.msk $0xffff, v9;
	(pc) =	sbr.rel @p0 .LBB2_5-.Ltmp1, $4  }
0x1bb: {  	v6 =	vmul.f32 v13, v6;
	[tilespmem:v58+s20+$0x0] =	vst.idx.msk $0xffff, v61  }
0x1bc: {  	[tilespmem:v60+s20+$0x0] =	vst.idx.msk $0xffff, v63  }
0x1bd: {  	[tilespmem:v8+s20+$0x0] =	vst.idx.msk $0xffff, v6  }
0x1be: {  	s25 =	sadd.s32 $0x40, s25;
	s26 =	smov.u32 s28;
	[tilespmem:v62+s21+$0x0] =	vst.idx.msk $0xffff, v7  }
0x1bf: {  	v6 =	vmul.u32 $0x8, v0;
	_ =	sdelay $0x1  }
0x1c0: {  	v7 =	vor.u32 $0x3E00, v6  }
0x1c1: {  	v8 =	vor.u32 $0x3E01, v6;
	_ =	sdelay $0x1  }
0x1c2: {  	v9 =	vor.u32 $0x3E02, v6;
	_ =	sdelay $0x1  }
0x1c3: {  	v6 =	vld.idx.msk [tilespmem:v7+s17+$0x0], $0xffff  }
0x1c4: {  	v10 =	vld.idx.msk [tilespmem:v8+s17+$0x0], $0xffff;
	_ =	sdelay $0x1  }
0x1c5: {  	v8 =	vld.idx.msk [tilespmem:v9+s17+$0x0], $0xffff;
	_ =	sdelay $0x2  }
0x1c6: {  	v7 =	vmul.f32 v6, v6;
	v54 =	vmul.f32 v10, v10;
	_ =	sdelay $0x1  }
0x1c7: {  	v55 =	vmul.f32 v8, v8;
	v7 =	vadd.f32 v54, v7;
	_ =	sdelay $0x1  }
0x1c8: {  	v7 =	vadd.f32 v55, v7;
	_ =	sdelay $0x1  }
0x1c9: {  	v7 =	vadd.f32 $9.999999960e-13, v7;
	_ =	sdelay $0x1  }
0x1ca: {  	v56 =	vshra.s32 v7, $0x1;
	v11 =	vmul.f32 $5.000000000e-01, v7  }
0x1cb: {  	v9 =	vsub.s32 $0x5F3759DF, v56  }
0x1cc: {  	v12 =	vmul.f32 v9, v11;
	_ =	sdelay $0x1  }
0x1cd: {  	v12 =	vmul.f32 v9, v12;
	_ =	sdelay $0x1  }
0x1ce: {  	v12 =	vsub.f32 $1.500000000e+00, v12;
	_ =	sdelay $0x1  }
0x1cf: {  	v9 =	vmul.f32 v9, v12;
	_ =	sdelay $0x1  }
0x1d0: {  	v11 =	vmul.f32 v9, v11;
	_ =	sdelay $0x1  }
0x1d1: {  	v11 =	vmul.f32 v11, v9;
	_ =	sdelay $0x1  }
0x1d2: {  	v11 =	vsub.f32 $1.500000000e+00, v11;
	_ =	sdelay $0x1  }
0x1d3: {  	v11 =	vmul.f32 v11, v9;
	_ =	sdelay $0x1  }
0x1d4: {  	v57 =	vmul.f32 v11, v7;
	_ =	sdelay $0x1  }
0x1d5: {  	v13 =	vmin.f32 v57, $5.000000000e+00  }
0x1d6: {  	v7 =	vmul.f32 $6.283185480e-01, v13;
	_ =	sdelay $0x1  }
0x1d7: {  	v14 =	vadd.f32 $-1.570796370e+00, v7;
	_ =	sdelay $0x1  }
0x1d8: {  	v7 =	vor.u32 $0x7C0, v0;
	v15 =	vmul.f32 v14, v14;
	_ =	sdelay $0x1  }
0x1d9: {  	v58 =	vmul.f32 $2.755731880e-06, v15;
	_ =	sdelay $0x1  }
0x1da: {  	v9 =	vadd.f32 $-1.984127010e-04, v58  }
0x1db: {  	v17 =	vld.idx.msk [tilespmem:v7+s19+$0x0], $0xffff  }
0x1dc: {  	v16 =	vmul.f32 v9, v15;
	v9 =	vld.idx.msk [tilespmem:v7+s18+$0x0], $0xffff  }
0x1dd: {  	v13 =	vadd.f32 $-4.500000000e+00, v13;
	_ =	sdelay $0x1  }
0x1de: {  	v13 =	vadd.f32 v13, v13;
	v18 =	vmul.f32 $2.480158760e-05, v15  }
0x1df: {  	v20 =	vshrl.u32 v17, $0x4  }
0x1e0: {  	v13 =	vmax.f32 v13, $0.0e+00;
	v18 =	vadd.f32 $-1.388888920e-03, v18;
	v19 =	vshrl.u32 v9, $0x4  }
0x1e1: {  	v13 =	vmin.f32 v13, $1.000000000e+00;
	v16 =	vadd.f32 $8.333333770e-03, v16  }
0x1e2: {  	v13 =	vmul.f32 $3.141592740e+00, v13;
	v18 =	vmul.f32 v18, v15  }
0x1e3: {  	v16 =	vmul.f32 v16, v15  }
0x1e4: {  	v13 =	vadd.f32 $-1.570796370e+00, v13;
	v18 =	vadd.f32 $4.166666790e-02, v18;
	v20 =	vld.idx.msk [tilespmem:v20+s5+$0x0], $0xffff  }
0x1e5: {  	v16 =	vadd.f32 $-1.666666720e-01, v16;
	v19 =	vld.idx.msk [tilespmem:v19+s5+$0x0], $0xffff  }
0x1e6: {  	v59 =	vmul.f32 v13, v13;
	v18 =	vmul.f32 v18, v15  }
0x1e7: {  	v17 =	vshll.u32 v17, $0x1;
	v16 =	vmul.f32 v16, v15  }
0x1e8: {  	v61 =	vmul.f32 $2.755731880e-06, v59;
	v21 =	vshll.u32 v9, $0x1;
	v18 =	vadd.f32 $-5.000000000e-01, v18  }
0x1e9: {  	v17 =	vand.u32 $0x1E, v17;
	v60 =	vand.u32 $0x1E, v21;
	v16 =	vadd.f32 $1.000000000e+00, v16  }
0x1ea: {  	v15 =	vmul.f32 v18, v15;
	v17 =	vshrl.u32 v20, v17;
	v18 =	vshrl.u32 v19, v60  }
0x1eb: {  	v14 =	vmul.f32 v16, v14;
	v17 =	vand.u32 $0x3, v17;
	v18 =	vand.u32 $0x3, v18  }
0x1ec: {  	v62 =	vadd.f32 $-1.984127010e-04, v61;
	v17 =	vmul.u32 $0x3, v17;
	v18 =	vmul.u32 $0x60, v18  }
0x1ed: {  	v14 =	vsub.f32 $0.0e+00, v14  }
0x1ee: {  	v19 =	vmul.f32 v62, v59;
	v18 =	vor.u32 v18, v17  }
0x1ef: {  	v15 =	vadd.f32 $1.000000000e+00, v15;
	v14 =	vadd.f32 v14, v14;
	v22 =	vadd.s32 $0xC, v18  }
0x1f0: {  	v19 =	vadd.f32 $8.333333770e-03, v19;
	v27 =	vadd.s32 $0x24, v18  }
0x1f1: {  	vm1 =	vlt.f32 v57, $5.000000000e+00;
	v63 =	vmul.f32 v14, v15;
	v28 =	vadd.s32 $0x3C, v18  }
0x1f2: {  	v19 =	vmul.f32 v19, v59;
	v17 =	vand.u32 $0x7, v17;
	v42 =	vadd.s32 $0x1, v18  }
0x1f3: {  	v36 =	vmul.f32 v63, v14;
	v23 =	vadd.s32 $0x18, v18;
	v32 =	vadd.s32 $0x2, v18;
	v26 =	vld.idx.msk [tilespmem:v18+s15+$0x0], $0xffff  }
0x1f4: {  	v25 =	vadd.s32 $0x30, v18;
	v39 =	vadd.s32 $0x48, v18;
	v33 =	vadd.s32 $0x19, v18;
	v37 =	vld.idx.msk [tilespmem:v22+s15+$0x0], $0xffff  }
0x1f5: {  	v40 =	vadd.s32 $0x54, v18;
	v51 =	vadd.s32 $0x26, v18;
	v34 =	vadd.s32 $0x31, v18;
	v41 =	vld.idx.msk [tilespmem:v27+s15+$0x0], $0xffff  }
0x1f6: {  	v23 =	vand.u32 $0x3F8, v23;
	v19 =	vadd.f32 $-1.666666720e-01, v19;
	v21 =	vsub.f32 v36, v15;
	v28 =	vld.idx.msk [tilespmem:v28+s15+$0x0], $0xffff  }
0x1f7: {  	v30 =	vadd.s32 $0xD, v18;
	v25 =	vand.u32 $0x3F8, v25;
	v23 =	vor.u32 v17, v23;
	v44 =	vld.idx.msk [tilespmem:v42+s15+$0x0], $0xffff  }
0x1f8: {  	v38 =	vor.u32 v17, v25;
	v16 =	vmul.f32 v19, v59;
	v24 =	vmul.f32 v21, v14;
	v50 =	vld.idx.msk [tilespmem:v32+s15+$0x0], $0xffff  }
0x1f9: {  	v43 =	vadd.s32 $0xE, v18;
	v45 =	vadd.s32 $0x1A, v18;
	v48 =	vadd.s32 $0x25, v18;
	v53 =	vld.idx.msk [tilespmem:v33+s15+$0x0], $0xffff  }
0x1fa: {  	v54 =	vadd.s32 $0x32, v18;
	v16 =	vadd.f32 $1.000000000e+00, v16;
	v32 =	vld.idx.msk [tilespmem:v51+s15+$0x0], $0xffff;
	v24 =	vsub.f32 v24, v63  }
0x1fb: {  	v55 =	vadd.s32 $0x3D, v18;
	v58 =	vadd.s32 $0x3E, v18;
	v60 =	vadd.s32 $0x4A, v18;
	v34 =	vld.idx.msk [tilespmem:v34+s15+$0x0], $0xffff  }
0x1fc: {  	v62 =	vadd.s32 $0x55, v18;
	v23 =	vld.idx.msk [tilespmem:v23+s15+$0x0], $0xffff;
	v13 =	vmul.f32 v16, v13;
	v29 =	vmul.f32 v24, v14  }
0x1fd: {  	v25 =	vand.u32 $0x3F8, v39;
	v22 =	vld.idx.msk [tilespmem:v38+s15+$0x0], $0xffff;
	v26 =	vmul.f32 v15, v26;
	v19 =	vmul.f32 v63, v37  }
0x1fe: {  	v47 =	vld.idx.msk [tilespmem:v30+s15+$0x0], $0xffff;
	v13 =	vsub.f32 $1.000000000e+00, v13;
	v16 =	vmul.f32 v24, v41;
	v56 =	vmul.f32 v15, v44  }
0x1ff: {  	v33 =	vld.idx.msk [tilespmem:v54+s15+$0x0], $0xffff;
	v29 =	vsub.f32 v29, v21;
	v15 =	vmul.f32 v15, v50;
	v61 =	vmul.f32 v21, v53  }
0x200: {  	v37 =	vmul.f32 v24, v32;
	v13 =	vmul.f32 $5.000000000e-01, v13;
	v19 =	vadd.f32 v19, v26;
	v26 =	vld.idx.msk [tilespmem:v43+s15+$0x0], $0xffff  }
0x201: {  	v17 =	vor.u32 v17, v25;
	v25 =	vld.idx.msk [tilespmem:v40+s15+$0x0], $0xffff;
	v31 =	vmul.f32 v29, v14;
	v23 =	vmul.f32 v21, v23  }
0x202: {  	v59 =	vadd.s32 $0x49, v18;
	v27 =	vld.idx.msk [tilespmem:v45+s15+$0x0], $0xffff;
	v49 =	vmul.f32 v29, v22;
	v38 =	vmul.f32 v29, v34  }
0x203: {  	v18 =	vadd.s32 $0x56, v18;
	v57 =	vld.idx.msk [tilespmem:v48+s15+$0x0], $0xffff;
	v46 =	vmul.f32 $4.886025190e-01, v13;
	v13 =	vmul.f32 v63, v47  }
0x204: {  	v36 =	vld.idx.msk [tilespmem:v58+s15+$0x0], $0xffff;
	v40 =	vmul.f32 v29, v33;
	v31 =	vsub.f32 v31, v24;
	v19 =	vadd.f32 v23, v19  }
0x205: {  	v12 =	vnsel vm1, $0x0, v46;
	v13 =	vadd.f32 v13, v56;
	v20 =	vmul.f32 v63, v26  }
0x206: {  	v39 =	vld.idx.msk [tilespmem:v60+s15+$0x0], $0xffff;
	v46 =	vmul.u32 $0x10, v0;
	v16 =	vadd.f32 v16, v19;
	v35 =	vmul.f32 v31, v14  }
0x207: {  	v11 =	vmul.f32 v12, v11;
	v12 =	vld.idx.msk [tilespmem:v55+s15+$0x0], $0xffff;
	v63 =	vmul.f32 v21, v27;
	v15 =	vadd.f32 v20, v15  }
0x208: {  	v17 =	vld.idx.msk [tilespmem:v17+s15+$0x0], $0xffff;
	v52 =	vmul.f32 v31, v28;
	v13 =	vadd.f32 v61, v13;
	v27 =	vmul.f32 v24, v57  }
0x209: {  	v22 =	vld.idx.msk [tilespmem:v59+s15+$0x0], $0xffff;
	v44 =	vmul.f32 v31, v36;
	v35 =	vsub.f32 v35, v29;
	v15 =	vadd.f32 v63, v15  }
0x20a: {  	v50 =	vor.u32 $0x7C01, v46;
	v16 =	vadd.f32 v49, v16;
	v13 =	vadd.f32 v27, v13  }
0x20b: {  	v41 =	vld.idx.msk [tilespmem:v62+s15+$0x0], $0xffff;
	v10 =	vmul.f32 v11, v10;
	v14 =	vmul.f32 v35, v14;
	v15 =	vadd.f32 v37, v15  }
0x20c: {  	v42 =	vld.idx.msk [tilespmem:v18+s15+$0x0], $0xffff;
	v16 =	vadd.f32 v52, v16;
	v13 =	vadd.f32 v38, v13;
	v12 =	vmul.f32 v31, v12  }
0x20d: {  	v17 =	vmul.f32 v35, v17;
	v14 =	vsub.f32 v14, v31;
	v15 =	vadd.f32 v40, v15  }
0x20e: {  	v45 =	vmul.f32 v35, v22;
	v47 =	vmul.f32 v35, v39;
	v12 =	vadd.f32 v12, v13  }
0x20f: {  	v16 =	vadd.f32 v17, v16;
	v43 =	vmul.f32 v14, v25;
	v15 =	vadd.f32 v44, v15  }
0x210: {  	v49 =	vor.u32 $0x7C00, v46;
	v48 =	vmul.f32 v14, v41;
	v12 =	vadd.f32 v45, v12  }
0x211: {  	v14 =	vmul.f32 v14, v42;
	v16 =	vadd.f32 v43, v16;
	v15 =	vadd.f32 v47, v15  }
0x212: {  	v51 =	vor.u32 $0x7C02, v46;
	v12 =	vadd.f32 v48, v12  }
0x213: {  	v53 =	vor.u32 $0x7C03, v46;
	v52 =	vmul.f32 v16, v10;
	v14 =	vadd.f32 v14, v15  }
0x214: {  	v55 =	vor.u32 $0x7C04, v46;
	v8 =	vmul.f32 v11, v8;
	v54 =	vmul.f32 v12, v10  }
0x215: {  	v56 =	vor.u32 $0x7C05, v46;
	[tilespmem:v49+s20+$0x0] =	vst.idx.msk $0xffff, v52;
	v10 =	vmul.f32 v14, v10  }
0x216: {  	v58 =	vor.u32 $0x7C06, v46;
	v57 =	vmul.f32 v16, v8;
	[tilespmem:v50+s20+$0x0] =	vst.idx.msk $0xffff, v54  }
0x217: {  	v60 =	vor.u32 $0x7C07, v46;
	v6 =	vmul.f32 v11, v6;
	v59 =	vmul.f32 v12, v8;
	[tilespmem:v51+s20+$0x0] =	vst.idx.msk $0xffff, v10  }
0x218: {  	v61 =	vor.u32 $0x7C08, v46;
	v8 =	vmul.f32 v14, v8;
	[tilespmem:v53+s20+$0x0] =	vst.idx.msk $0xffff, v57  }
0x219: {  	v62 =	vmul.f32 v16, v6;
	[tilespmem:v55+s20+$0x0] =	vst.idx.msk $0xffff, v59  }
0x21a: {  	v63 =	vmul.f32 v12, v6;
	[tilespmem:v56+s20+$0x0] =	vst.idx.msk $0xffff, v8  }
0x21b: {  	v6 =	vmul.f32 v14, v6;
	[tilespmem:v58+s20+$0x0] =	vst.idx.msk $0xffff, v62  }
0x21c: {  	[tilespmem:v60+s20+$0x0] =	vst.idx.msk $0xffff, v63  }
0x21d: {  	[tilespmem:v61+s20+$0x0] =	vst.idx.msk $0xffff, v6  }
0x21e: {  	[tilespmem:v7+s21+$0x0] =	vst.idx.msk $0xffff, v9  }
0x21f: {  	[spmem:s4] =	stream.indirect.scatter.add.f32 [tilespmem:s20], [sflag:$0x1], $0x10, s21, s22, $0xb8;
	[tilespmem:$0x1AAF0] =	vst v63  }
0x220: {  	_ =	swait.ge [sflag:s14], $0x500  }
0x221: {  	[sflag:s14] =	ssyncset.done $0x0  }
0x222: {  	s25 =	simm.s32 $0xD970;
	s26 =	simm.s32 $0x6120;
	[sflag:s14] =	ssyncadd.s32 $0xFFFFFB00  }
0x223: {  	[spmem:s4] =	stream.indirect.scatter.add.f32 [tilespmem:s26], [sflag:$0x1], $0x10, s25, s22, $0xb8;
	[tilespmem:$0x1AAF0] =	vst v63  }
0x224: {  	_ =	swait.ge [sflag:s14], $0x500  }
0x225: {  	[sflag:s14] =	ssyncset.done $0x0  }
0x226: {  	s30 =	simm.s32 $0xD9C0;
	s31 =	simm.s32 $0x6620;
	[sflag:s14] =	ssyncadd.s32 $0xFFFFFB00  }
0x227: {  	[spmem:s4] =	stream.indirect.scatter.add.f32 [tilespmem:s31], [sflag:$0x1], $0x10, s30, s22, $0xb8;
	[tilespmem:$0x1AAF0] =	vst v63  }
0x228: {  	_ =	swait.ge [sflag:s14], $0x500  }
0x229: {  	[sflag:s14] =	ssyncset.done $0x0  }
0x22a: {  	s28 =	simm.s32 $0xDA10;
	s29 =	simm.s32 $0x6B20;
	[sflag:s14] =	ssyncadd.s32 $0xFFFFFB00  }
0x22b: {  	[spmem:s4] =	stream.indirect.scatter.add.f32 [tilespmem:s29], [sflag:$0x1], $0x10, s28, s22, $0xb8;
	[tilespmem:$0x1AAF0] =	vst v63  }
0x22c: {  	_ =	swait.ge [sflag:s14], $0x500  }
0x22d: {  	[sflag:s14] =	ssyncset.done $0x0  }
0x22e: {  	s30 =	simm.s32 $0xDA60;
	s31 =	simm.s32 $0x7020;
	[sflag:s14] =	ssyncadd.s32 $0xFFFFFB00  }
0x22f: {  	[spmem:s4] =	stream.indirect.scatter.add.f32 [tilespmem:s31], [sflag:$0x1], $0x10, s30, s22, $0xb8;
	[tilespmem:$0x1AAF0] =	vst v63  }
0x230: {  	_ =	swait.ge [sflag:s14], $0x500  }
0x231: {  	[sflag:s14] =	ssyncset.done $0x0  }
0x232: {  	s28 =	simm.s32 $0xDAB0;
	s29 =	simm.s32 $0x7520;
	[sflag:s14] =	ssyncadd.s32 $0xFFFFFB00  }
0x233: {  	[spmem:s4] =	stream.indirect.scatter.add.f32 [tilespmem:s29], [sflag:$0x1], $0x10, s28, s22, $0xb8;
	[tilespmem:$0x1AAF0] =	vst v63  }
0x234: {  	_ =	swait.ge [sflag:s14], $0x500  }
0x235: {  	[sflag:s14] =	ssyncset.done $0x0  }
0x236: {  	s30 =	simm.s32 $0xDB00;
	s31 =	simm.s32 $0x7A20;
	[sflag:s14] =	ssyncadd.s32 $0xFFFFFB00  }
0x237: {  	[spmem:s4] =	stream.indirect.scatter.add.f32 [tilespmem:s31], [sflag:$0x1], $0x10, s30, s22, $0xb8;
	[tilespmem:$0x1AAF0] =	vst v63  }
0x238: {  	_ =	swait.ge [sflag:s14], $0x500  }
0x239: {  	[sflag:s14] =	ssyncset.done $0x0  }
0x23a: {  	s28 =	simm.s32 $0xDB50;
	s29 =	simm.s32 $0x7F20;
	[sflag:s14] =	ssyncadd.s32 $0xFFFFFB00  }
0x23b: {  	[spmem:s4] =	stream.indirect.scatter.add.f32 [tilespmem:s29], [sflag:$0x1], $0x10, s28, s22, $0xb8;
	[tilespmem:$0x1AAF0] =	vst v63  }
0x23c: {  	_ =	swait.ge [sflag:s14], $0x500  }
0x23d: {  	[sflag:s14] =	ssyncset.done $0x0  }
0x23e: {  	s30 =	simm.s32 $0xDBA0;
	s31 =	simm.s32 $0x8420;
	[sflag:s14] =	ssyncadd.s32 $0xFFFFFB00  }
0x23f: {  	[spmem:s4] =	stream.indirect.scatter.add.f32 [tilespmem:s31], [sflag:$0x1], $0x10, s30, s22, $0xb8;
	[tilespmem:$0x1AAF0] =	vst v63  }
0x240: {  	_ =	swait.ge [sflag:s14], $0x500  }
0x241: {  	[sflag:s14] =	ssyncset.done $0x0  }
0x242: {  	s28 =	simm.s32 $0xDBF0;
	s29 =	simm.s32 $0x8920;
	[sflag:s14] =	ssyncadd.s32 $0xFFFFFB00  }
0x243: {  	[spmem:s4] =	stream.indirect.scatter.add.f32 [tilespmem:s29], [sflag:$0x1], $0x10, s28, s22, $0xb8;
	[tilespmem:$0x1AAF0] =	vst v63  }
0x244: {  	_ =	swait.ge [sflag:s14], $0x500  }
0x245: {  	[sflag:s14] =	ssyncset.done $0x0  }
0x246: {  	s30 =	simm.s32 $0xDC40;
	s31 =	simm.s32 $0x8E20;
	[sflag:s14] =	ssyncadd.s32 $0xFFFFFB00  }
0x247: {  	[spmem:s4] =	stream.indirect.scatter.add.f32 [tilespmem:s31], [sflag:$0x1], $0x10, s30, s22, $0xb8;
	[tilespmem:$0x1AAF0] =	vst v63  }
0x248: {  	_ =	swait.ge [sflag:s14], $0x500  }
0x249: {  	[sflag:s14] =	ssyncset.done $0x0  }
0x24a: {  	s28 =	simm.s32 $0xDC90;
	s29 =	simm.s32 $0x9320;
	[sflag:s14] =	ssyncadd.s32 $0xFFFFFB00  }
0x24b: {  	[spmem:s4] =	stream.indirect.scatter.add.f32 [tilespmem:s29], [sflag:$0x1], $0x10, s28, s22, $0xb8;
	[tilespmem:$0x1AAF0] =	vst v63  }
0x24c: {  	_ =	swait.ge [sflag:s14], $0x500  }
0x24d: {  	[sflag:s14] =	ssyncset.done $0x0  }
0x24e: {  	s30 =	simm.s32 $0xDCE0;
	s31 =	simm.s32 $0x9820;
	[sflag:s14] =	ssyncadd.s32 $0xFFFFFB00  }
0x24f: {  	[spmem:s4] =	stream.indirect.scatter.add.f32 [tilespmem:s31], [sflag:$0x1], $0x10, s30, s22, $0xb8;
	[tilespmem:$0x1AAF0] =	vst v63  }
0x250: {  	_ =	swait.ge [sflag:s14], $0x500  }
0x251: {  	[sflag:s14] =	ssyncset.done $0x0  }
0x252: {  	s28 =	simm.s32 $0xDD30;
	s29 =	simm.s32 $0x9D20;
	[sflag:s14] =	ssyncadd.s32 $0xFFFFFB00  }
0x253: {  	[spmem:s4] =	stream.indirect.scatter.add.f32 [tilespmem:s29], [sflag:$0x1], $0x10, s28, s22, $0xb8;
	[tilespmem:$0x1AAF0] =	vst v63  }
0x254: {  	_ =	swait.ge [sflag:s14], $0x500  }
0x255: {  	[sflag:s14] =	ssyncset.done $0x0  }
0x256: {  	s30 =	simm.s32 $0xDD80;
	s31 =	simm.s32 $0xA220;
	[sflag:s14] =	ssyncadd.s32 $0xFFFFFB00  }
0x257: {  	[spmem:s4] =	stream.indirect.scatter.add.f32 [tilespmem:s31], [sflag:$0x1], $0x10, s30, s22, $0xb8;
	[tilespmem:$0x1AAF0] =	vst v63  }
0x258: {  	_ =	swait.ge [sflag:s14], $0x500  }
0x259: {  	[sflag:s14] =	ssyncset.done $0x0  }
0x25a: {  	s28 =	simm.s32 $0xDDD0;
	s29 =	simm.s32 $0xA720;
	[sflag:s14] =	ssyncadd.s32 $0xFFFFFB00  }
0x25b: {  	[spmem:s4] =	stream.indirect.scatter.add.f32 [tilespmem:s29], [sflag:$0x1], $0x10, s28, s22, $0xb8;
	[tilespmem:$0x1AAF0] =	vst v63  }
0x25c: {  	_ =	swait.ge [sflag:s14], $0x500  }
0x25d: {  	[sflag:s14] =	ssyncset.done $0x0  }
0x25e: {  	s30 =	simm.s32 $0xDE20;
	s31 =	simm.s32 $0xAC20;
	[sflag:s14] =	ssyncadd.s32 $0xFFFFFB00  }
0x25f: {  	[spmem:s4] =	stream.indirect.scatter.add.f32 [tilespmem:s31], [sflag:$0x1], $0x10, s30, s22, $0xb8;
	[tilespmem:$0x1AAF0] =	vst v63  }
0x260: {  	_ =	swait.ge [sflag:s14], $0x500  }
0x261: {  	[sflag:s14] =	ssyncset.done $0x0  }
0x262: {  	s28 =	simm.s32 $0xDE70;
	s29 =	simm.s32 $0xB120;
	[sflag:s14] =	ssyncadd.s32 $0xFFFFFB00  }
0x263: {  	[spmem:s4] =	stream.indirect.scatter.add.f32 [tilespmem:s29], [sflag:$0x1], $0x10, s28, s22, $0xb8;
	[tilespmem:$0x1AAF0] =	vst v63  }
0x264: {  	_ =	swait.ge [sflag:s14], $0x500  }
0x265: {  	[sflag:s14] =	ssyncset.done $0x0  }
0x266: {  	s30 =	simm.s32 $0xDEC0;
	s31 =	simm.s32 $0xB620;
	[sflag:s14] =	ssyncadd.s32 $0xFFFFFB00  }
0x267: {  	[spmem:s4] =	stream.indirect.scatter.add.f32 [tilespmem:s31], [sflag:$0x1], $0x10, s30, s22, $0xb8;
	[tilespmem:$0x1AAF0] =	vst v63  }
0x268: {  	_ =	swait.ge [sflag:s14], $0x500  }
0x269: {  	[sflag:s14] =	ssyncset.done $0x0  }
0x26a: {  	s28 =	simm.s32 $0xDF10;
	s29 =	simm.s32 $0xBB20;
	[sflag:s14] =	ssyncadd.s32 $0xFFFFFB00  }
0x26b: {  	[spmem:s4] =	stream.indirect.scatter.add.f32 [tilespmem:s29], [sflag:$0x1], $0x10, s28, s22, $0xb8;
	[tilespmem:$0x1AAF0] =	vst v63  }
0x26c: {  	_ =	swait.ge [sflag:s14], $0x500  }
0x26d: {  	[sflag:s14] =	ssyncset.done $0x0  }
0x26e: {  	s30 =	simm.s32 $0xDF60;
	s31 =	simm.s32 $0xC020;
	[sflag:s14] =	ssyncadd.s32 $0xFFFFFB00  }
0x26f: {  	[spmem:s4] =	stream.indirect.scatter.add.f32 [tilespmem:s31], [sflag:$0x1], $0x10, s30, s22, $0xb8;
	[tilespmem:$0x1AAF0] =	vst v63  }
0x270: {  	_ =	swait.ge [sflag:s14], $0x500  }
0x271: {  	[sflag:s14] =	ssyncset.done $0x0  }
0x272: {  	[sflag:s14] =	ssyncadd.s32 $0xFFFFFB00  }
0x273: {  	[spmem:s4] =	stream.indirect.scatter.add.f32 [tilespmem:s6], [sflag:$0x1], $0x10, s0, s22, $0xb8;
	[tilespmem:$0x1AAF0] =	vst v63  }
0x274: {  	_ =	swait.ge [sflag:s14], $0x500  }
0x275: {  	[sflag:s14] =	ssyncset.done $0x0  }
0x276: {  	[sflag:s14] =	ssyncadd.s32 $0xFFFFFB00  }
0x277: {  	[spmem:s4] =	stream.indirect.scatter.add.f32 [tilespmem:s8], [sflag:$0x1], $0x10, s3, s22, $0xb8;
	[tilespmem:$0x1AAF0] =	vst v63  }
0x278: {  	_ =	swait.ge [sflag:s14], $0x500  }
0x279: {  	[sflag:s14] =	ssyncset.done $0x0  }
0x27a: {  	[sflag:s14] =	ssyncadd.s32 $0xFFFFFB00  }
0x27b: {  	[spmem:s4] =	stream.indirect.scatter.add.f32 [tilespmem:s13], [sflag:$0x1], $0x10, s12, s22, $0xb8;
	[tilespmem:$0x1AAF0] =	vst v63  }
0x27c: {  	s24 =	sadd.s32 $0x1, s24;
	_ =	swait.ge [sflag:s14], $0x500  }
0x27d: {  	p0 =	sne.s32 s24, $0x19;
	[sflag:s14] =	ssyncset.done $0x0  }
.Ltmp2:
0x27e: {  	[sflag:s14] =	ssyncadd.s32 $0xFFFFFB00;
	(pc) =	sbr.rel @p0 .LBB2_4-.Ltmp2, $4  }
0x27f: {  	[spmem:s4] =	stream.indirect.scatter.add.f32 [tilespmem:s2], [sflag:$0x1], $0x10, s1, s22, $0xb8;
	[tilespmem:$0x1AAF0] =	vst v63  }
0x280: {  	_ =	swait.ge [sflag:s14], $0x500  }
0x281: {  	[sflag:s14] =	ssyncset.done $0x0  }
0x282: {  	[sflag:s14] =	ssyncadd.s32 $0xFFFFFB00  }
0x283: {  	s24 =	sadd.s32 $0x0, s9  }
0x284: {  	v6 =	vor.u32 s24, v0;
	_ =	sdelay $0x3  }
0x285: {  	[bflag:$0x0] =	sbarrier.arrive $0xFFFF  }
0x286: {  	[tilespmem:s23], [sflag:$0x1] =	stream.indirect_vreg.gather [spmem:s4], $0x10, v6, vm0, $0xb8;
	[tilespmem:$0x1AAF0] =	vst v63  }
0x287: {  	_ =	swait.ge [sflag:s14], $0x100  }
0x288: {  	[sflag:s14] =	ssyncset.done $0x0;
	s26 =	rddreg [dreg:$0x8]  }
0x289: {  	s31 =	sadd.s32 $0x10, s9;
	[sflag:s14] =	ssyncadd.s32 $0xFFFFFF00;
	s30 =	sadd.s32 s26, s11  }
0x28a: {  	v6 =	vor.u32 s31, v0;
	[hbm4b:s30+s5] =	stream.linear.scatter [tilespmem:s23], [sflag:$0x1], $0x100, $0x38;
	[tilespmem:$0x1AAF0] =	vst v63  }
0x28b: {  	_ =	swait.ge [sflag:s14], $0x100  }
0x28c: {  	s25 =	simm.s32 $0x20;
	s24 =	smov.u32 s26;
	[sflag:s14] =	ssyncset.done $0x0  }
.LBB2_8:
0x28d: {  	[sflag:s14] =	ssyncadd.s32 $0xFFFFFF00  }
0x28e: {  	s24 =	sadd.s32 $0x20, s24;
	s26 =	smov.u32 s25;
	s28 =	sadd.s32 $0x10, s25  }
0x28f: {  	[tilespmem:s23], [sflag:$0x1] =	stream.indirect_vreg.gather [spmem:s4], $0x10, v6, vm0, $0xb8;
	[tilespmem:$0x1AAF0] =	vst v63  }
0x290: {  	p0 =	sne.s32 s25, $0xC70;
	_ =	swait.ge [sflag:s14], $0x100  }
.Ltmp3:
0x291: {  	s25 =	sadd.s32 s26, s9;
	[sflag:s14] =	ssyncset.done $0x0;
	(pc) =	sbr.rel @p0 .LBB2_8-.Ltmp3, $4  }
0x292: {  	v6 =	vor.u32 s25, v0;
	s25 =	sadd.s32 s24, s11;
	[sflag:s14] =	ssyncadd.s32 $0xFFFFFF00  }
0x293: {  	[hbm4b:s25+s5] =	stream.linear.scatter [tilespmem:s23], [sflag:$0x1], $0x100, $0x38;
	[tilespmem:$0x1AAF0] =	vst v63  }
0x294: {  	_ =	swait.ge [sflag:s14], $0x100  }
0x295: {  	s25 =	smov.u32 s28;
	[sflag:s14] =	ssyncset.done $0x0  }
0x296: {  	_ =	sdelay $0x2  }
0x297: {  	[sflag:s14] =	ssyncadd.s32 $0xFFFFFF00  }
0x298: {  	[tilespmem:s23], [sflag:$0x1] =	stream.indirect_vreg.gather [spmem:s4], $0x10, v6, vm0, $0xb8;
	[tilespmem:$0x1AAF0] =	vst v63  }
0x299: {  	_ =	swait.ge [sflag:s14], $0x100  }
0x29a: {  	s24 =	sadd.s32 $0x20, s24;
	[sflag:s14] =	ssyncset.done $0x0  }
0x29b: {  	s24 =	sadd.s32 s24, s11;
	[sflag:s14] =	ssyncadd.s32 $0xFFFFFF00  }
0x29c: {  	[hbm4b:s24+s5] =	stream.linear.scatter [tilespmem:s23], [sflag:$0x1], $0x100, $0x38;
	[tilespmem:$0x1AAF0] =	vst v63  }
0x29d: {  	_ =	swait.ge [sflag:s14], $0x100  }
0x29e: {  	s25 =	rddreg [dreg:$0x9]  }
0x29f: {  	s31 =	rddreg [dreg:$0x7];
	s25 =	sadd.s32 $0x1, s25  }
0x2a0: {  	p0 =	sne.s32 s25, s31  }
.Ltmp4:
0x2a1: {  	_ = 	snop;
	(pc) =	sbr.rel @p0 .LBB2_1-.Ltmp4, $3  }
0x2a2: {  	_ =	sdelay $0x1  }
0x2a3: {  	[sflag:s14] =	ssyncset.done $0x0  }
0x2a4: {  	[sflag:s14] =	ssyncadd.s32 $0xFFFFFF00  }
0x2a5: {  	_ =	sfence.sel $0x180000  }
0x2a6: {  	[bflag:$0x0] =	sbarrier.arrive $0xFFFF  }
0x2a7: {  	_ =	strace $0x90000047  }
0x2a8: {  	s0 =	stileid.u32;
	[bflag:$0x2] =	sbarrier.arrive $0xFFFF  }
0x2a9: {  	p0 =	sne.s32 s0, $0x0;
	s0 =	rddreg [dreg:$0x5]  }
0x2aa: {  	s0 =	sadd.s32 @!p0 $0x100000, s0  }
0x2ab: {  	[sflag:s0] =	ssyncadd.tile.s32 @!p0 $0x1;
	_ =	shalt  }
.Lfunc_end2:
_tile_overlayer_lowered:
.L_overlay_start_2:
0x2ac: {  	(tag) =	ssettag $0x2  }
0x2ad: {  	s0 =	rddreg [dreg:$0x0];
	s2 =	stileid.u32  }
0x2ae: {  	s1 =	rddreg [dreg:$0x1];
	p0 =	sne.s32 s2, $0x0  }
0x2af: {  	s3 =	rddreg [dreg:$0x2];
	[bflag:$0x3] =	sbarrier.arrive $0xFFFF;
	s2 =	simm.s32 @!p0 $0x1C01  }
0x2b0: {  	[timem:s3], [sflag:s2] =	dma.local @!p0 [hbm:s0], s1  }
0x2b1: {  	s0 =	simm.s32 @!p0 $0x1  }
0x2b2: {  	_ =	swait.ge @!p0 [sflag:s0], s1  }
0x2b3: {  	s1 =	ssub.s32 @!p0 $0x0, s1;
	[sflag:s0] =	ssyncset.done @!p0 $0x0  }
0x2b4: {  	[sflag:s0] =	ssyncadd.s32 @!p0 s1  }
0x2b5: {  	[bflag:$0x3] =	sbarrier.arrive $0xFFFF  }
0x2b6: {  	_ =	shalt  }

</sc_bundles>
